<compile_context>
chip_gen: v7x
topology: tpu7x:2x2x1
jax: 0.10.2.dev20260603
libtpu: 0.0.44.dev20260713+nightly
codegen_flags: <defaults>
</compile_context>

<pallas_src>
import functools
import numpy as np
import jax
import jax.numpy as jnp
from jax import lax
from jax.experimental import pallas as pl
from jax.experimental.pallas import tpu as pltpu
from jax.experimental.pallas import tpu_sc as plsc

NUM_USER = 20000
NUM_ITEM = 30000
N = NUM_USER + NUM_ITEM
E = 800000
E2 = 2 * E
DIM = 64

NC = 2
NS = 16
NP = 50176
NH = NP // 8
ROWS_PER_SUB = NH // NS
B = 256
KI = 2
E2P = 16 * B * 392
CHUNKS = (E2P // NS) // B
EROWS = E2P // 128
EROWS_PER_SUB = EROWS // NS




def _make_edge_kernel():
    out_type = (jax.ShapeDtypeStruct((NC * NH, 32), jnp.float32),
                jax.ShapeDtypeStruct((NC * NH,), jnp.float32))

    TROWS = NH // 128
    scratch = [
        pltpu.VMEM((NP,), jnp.float32),
        pltpu.VMEM((NP,), jnp.float32),
        pltpu.VMEM((16,), jnp.float32),
        pltpu.VMEM((16,), jnp.int32),
        pltpu.VMEM((KI, 128), jnp.int32),
        pltpu.VMEM((KI, 128), jnp.int32),
        pltpu.VMEM((KI, 128), jnp.int32),
        pltpu.VMEM((B,), jnp.float32),
        pltpu.VMEM((B, 32), jnp.float32),
        pltpu.VMEM((KI, 128), jnp.float32),
        pltpu.VMEM((128,), jnp.float32),
        pltpu.VMEM((128,), jnp.float32),
        pltpu.VMEM((1, 128), jnp.int32),
        pltpu.VMEM_SHARED((NH, 32), jnp.float32),
        pltpu.VMEM_SHARED((NH,), jnp.float32),
        pltpu.SemaphoreType.DMA,
    ]

    mesh = plsc.VectorSubcoreMesh(core_axis_name="c", subcore_axis_name="s")

    def body(src_h, dst_h, modef_h, offi_h, tabs_h, tabd_h, h2_h,
             num_o, den_o,
             tabs_v, tabd_v, modef_v, offi_v, srcv, dstv, gidxv, exf,
             rowsv, exd, z128, denv, iidxv, numsh, densh, sem):
        cid = lax.axis_index("c")
        sid = lax.axis_index("s")
        z16 = jnp.zeros((16,), jnp.float32)
        iota16 = lax.iota(jnp.int32, 16)

        def _fill_ident(base):
            for k in range(8):
                iidxv[0, pl.ds(16 * k, 16)] = base + 16 * k + iota16

        for k in range(8):
            z128[pl.ds(16 * k, 16)] = z16
        for r in range(128):
            rowsv[r, pl.ds(0, 16)] = z16
            rowsv[r, pl.ds(16, 16)] = z16

        nzc = (TROWS - sid + NS - 1) // NS

        def _zero(i, _):
            c = sid + i * NS
            _fill_ident(c * 128)
            pltpu.sync_copy(rowsv.at[pl.ds(0, 128)], numsh.at[iidxv.at[0]])
            pltpu.sync_copy(z128, densh.at[iidxv.at[0]])
            return 0

        lax.fori_loop(0, nzc, _zero, 0)

        pltpu.sync_copy(tabs_h, tabs_v)
        pltpu.sync_copy(tabd_h, tabd_v)
        pltpu.sync_copy(modef_h, modef_v)
        pltpu.sync_copy(offi_h, offi_v)

        plsc.subcore_barrier()

        ebase = sid * EROWS_PER_SUB

        def _chunk(c, _):
            r0 = ebase + c * KI
            pltpu.sync_copy(src_h.at[pl.ds(r0, KI)], srcv)
            pltpu.sync_copy(dst_h.at[pl.ds(r0, KI)], dstv)
            modev = modef_v[...]
            offv = offi_v[...]

            for j in range(KI):
                for k in range(8):
                    sl = pl.ds(16 * k, 16)
                    si = srcv[j, sl]
                    di = dstv[j, sl]
                    a = plsc.load_gather(tabs_v, [si])
                    b = plsc.load_gather(tabd_v, [di])
                    t = a + b
                    wg = jnp.where(si != di,
                                   jnp.exp(jnp.maximum(t, 0.2 * t)),
                                   jnp.zeros_like(t))
                    wc = a * b
                    w = wc + modev * (wg - wc)
                    dl = di - offv
                    inr = (dl >= 0) & (dl < NH)
                    w = jnp.where(inr, w, jnp.zeros_like(w))
                    dl = jnp.where(inr, dl, jnp.zeros_like(dl))
                    exf[pl.ds(j * 128 + 16 * k, 16)] = w
                    gidxv[j, sl] = si + cid * NP
                    exd[j, sl] = w
                    dstv[j, sl] = dl

            for j in range(KI):
                pltpu.async_copy(h2_h.at[gidxv.at[j]],
                                 rowsv.at[pl.ds(j * 128, 128)],
                                 sem).wait()

            def _scale(g, _):
                ex = exf[pl.ds(g * 16, 16)]
                for i in range(16):
                    r = g * 16 + i
                    w = ex[i]
                    rowsv[r, pl.ds(0, 16)] = rowsv[r, pl.ds(0, 16)] * w
                    rowsv[r, pl.ds(16, 16)] = rowsv[r, pl.ds(16, 16)] * w
                return 0

            lax.fori_loop(0, B // 16, _scale, 0)

            for j in range(KI):
                pltpu.sync_copy(rowsv.at[pl.ds(j * 128, 128)],
                                numsh.at[dstv.at[j]], add=True)
            for j in range(KI):
                pltpu.sync_copy(exd.at[j], densh.at[dstv.at[j]], add=True)
            return 0

        lax.fori_loop(0, CHUNKS, _chunk, 0)

        plsc.subcore_barrier()

        nbase = sid * ROWS_PER_SUB
        pltpu.sync_copy(numsh.at[pl.ds(nbase, ROWS_PER_SUB)],
                        num_o.at[pl.ds(cid * NH + nbase, ROWS_PER_SUB)])

        def _wden(i, _):
            c = sid + i * NS
            _fill_ident(cid * NH + c * 128)
            pltpu.sync_copy(densh.at[pl.ds(c * 128, 128)], denv)
            pltpu.sync_copy(denv, den_o.at[iidxv.at[0]])
            return 0

        lax.fori_loop(0, nzc, _wden, 0)

    return pl.kernel(body, out_type=out_type, mesh=mesh,
                     scratch_types=scratch, name="edge_pass",
                     compiler_params=pltpu.CompilerParams(
                         needs_layout_passes=False,
                         use_tc_tiling_on_sc=False))


_edge_pass = _make_edge_kernel()
_MODE_GAT = np.ones((16,), np.float32)
_MODE_PROD = np.zeros((16,), np.float32)

_OFF_LO = np.zeros((16,), np.int32)
_OFF_HI = np.full((16,), NH, np.int32)



_TM = 400


def _mm(x, w):
    M, K = x.shape

    def body(x_ref, w_ref, o_ref):
        o_ref[...] = jnp.dot(x_ref[...], w_ref[...],
                             preferred_element_type=jnp.float32)

    return pl.pallas_call(
        body,
        grid=(M // _TM,),
        in_specs=[pl.BlockSpec((_TM, K), lambda i: (i, 0)),
                  pl.BlockSpec((K, 128), lambda i: (0, 0))],
        out_specs=pl.BlockSpec((_TM, 128), lambda i: (i, 0)),
        out_shape=jax.ShapeDtypeStruct((M, 128), jnp.float32),
    )(x, w)


def _rownorm(x):
    n = jnp.sqrt(jnp.sum(x * x, axis=-1, keepdims=True))
    return x / jnp.maximum(n, 1e-12)


def _norm(x):
    M = x.shape[0]

    def body(x_ref, o_ref):
        o_ref[...] = _rownorm(x_ref[...])

    return pl.pallas_call(
        body,
        grid=(M // _TM,),
        in_specs=[pl.BlockSpec((_TM, DIM), lambda i: (i, 0))],
        out_specs=pl.BlockSpec((_TM, DIM), lambda i: (i, 0)),
        out_shape=jax.ShapeDtypeStruct((M, DIM), jnp.float32),
    )(x)


def _mlp_epilogue(xw, b8):
    M = xw.shape[0]

    def body(x_ref, b_ref, o_ref):
        v = x_ref[...] + b_ref[0:1, :]
        v = jnp.maximum(v, 0.01 * v)
        o_ref[...] = _rownorm(v)

    return pl.pallas_call(
        body,
        grid=(M // _TM,),
        in_specs=[pl.BlockSpec((_TM, DIM), lambda i: (i, 0)),
                  pl.BlockSpec((8, DIM), lambda i: (0, 0))],
        out_specs=pl.BlockSpec((_TM, DIM), lambda i: (i, 0)),
        out_shape=jax.ShapeDtypeStruct((M, DIM), jnp.float32),
    )(xw, b8)


def _divnorm(num, den):
    M = num.shape[0]

    def body(n_ref, d_ref, o_ref):
        v = n_ref[...] / (d_ref[...] + 1e-16)
        o_ref[...] = _rownorm(v)

    return pl.pallas_call(
        body,
        grid=(M // _TM,),
        in_specs=[pl.BlockSpec((_TM, DIM), lambda i: (i, 0)),
                  pl.BlockSpec((_TM, 1), lambda i: (i, 0))],
        out_specs=pl.BlockSpec((_TM, DIM), lambda i: (i, 0)),
        out_shape=jax.ShapeDtypeStruct((M, DIM), jnp.float32),
    )(num, den)


def _adddivnorm(x, num, den):
    M = num.shape[0]

    def body(x_ref, n_ref, d_ref, o_ref):
        v = x_ref[...] + n_ref[...] / (d_ref[...] + 1e-16)
        o_ref[...] = _rownorm(v)

    return pl.pallas_call(
        body,
        grid=(M // _TM,),
        in_specs=[pl.BlockSpec((_TM, DIM), lambda i: (i, 0)),
                  pl.BlockSpec((_TM, DIM), lambda i: (i, 0)),
                  pl.BlockSpec((_TM, 1), lambda i: (i, 0))],
        out_specs=pl.BlockSpec((_TM, DIM), lambda i: (i, 0)),
        out_shape=jax.ShapeDtypeStruct((M, DIM), jnp.float32),
    )(x, num, den)


def _lrelu(x):
    M = x.shape[0]

    def body(x_ref, o_ref):
        v = x_ref[...]
        o_ref[...] = jnp.maximum(v, 0.01 * v)

    return pl.pallas_call(
        body,
        grid=(M // _TM,),
        in_specs=[pl.BlockSpec((_TM, DIM), lambda i: (i, 0))],
        out_specs=pl.BlockSpec((_TM, DIM), lambda i: (i, 0)),
        out_shape=jax.ShapeDtypeStruct((M, DIM), jnp.float32),
    )(x)


def _final_combine(x0, x1, x2, x3, v, a, t):
    M = x0.shape[0]

    def body(r0, r1, r2, r3, rv, ra, rt, o_ref):
        o_ref[...] = (r0[...] + r1[...] + r2[...] + r3[...]
                      + rv[...] + ra[...] + rt[...]) * 0.25

    spec = pl.BlockSpec((_TM, DIM), lambda i: (i, 0))
    return pl.pallas_call(
        body,
        grid=(M // _TM,),
        in_specs=[spec] * 7,
        out_specs=spec,
        out_shape=jax.ShapeDtypeStruct((M, DIM), jnp.float32),
    )(x0, x1, x2, x3, v, a, t)




def _pad_w(w):
    return jnp.pad(w, ((0, 0), (0, 128 - w.shape[1])))


def _vec_col(v):
    return jnp.pad(v[:, None], ((0, 0), (0, 127)))


def _pad_nodes(s):
    return jnp.pad(s, (0, NP - N))


def _split_h(h):
    hp = jnp.pad(h, ((0, NP - N), (0, 0)))
    return jnp.concatenate([hp[:, :32], hp[:, 32:]], axis=0)


def kernel(prefv, prefa, preft, id_emb, MLPv_W, MLPv_b, MLPa_W, MLPa_b,
           MLPt_W, MLPt_b, v_pre_W, v_pre_ay, v_pre_az, v_ori_W, v_ori_as,
           v_ori_ad, a_pre_W, a_pre_ay, a_pre_az, a_ori_W, a_ori_as,
           a_ori_ad, t_pre_W, t_pre_ay, t_pre_az, t_ori_W, t_ori_as,
           t_ori_ad, gcn1_W, gcn2_W, gcn3_W, v_feat, a_feat, t_feat,
           edge_index):
    e0, e1 = edge_index[0], edge_index[1]
    src = jnp.concatenate([e0, e1])
    dst = jnp.concatenate([e1, e0])
    src = jnp.pad(src, (0, E2P - E2), constant_values=N)
    dst = jnp.pad(dst, (0, E2P - E2), constant_values=N)
    src2d = src.reshape(EROWS, 128)
    dst2d = dst.reshape(EROWS, 128)

    tf = jnp.pad(t_feat, ((0, 0), (0, 28)))
    tW = jnp.pad(MLPt_W, ((0, 0), (0, 28)))
    fv = _mlp_epilogue(_mm(v_feat, jnp.pad(MLPv_W.T, ((0, 0), (0, 64))))
                       [:, :DIM], jnp.tile(MLPv_b[None, :], (8, 1)))
    fa = _mlp_epilogue(_mm(a_feat, jnp.pad(MLPa_W.T, ((0, 0), (0, 64))))
                       [:, :DIM], jnp.tile(MLPa_b[None, :], (8, 1)))
    ft = _mlp_epilogue(_mm(tf, jnp.pad(tW.T, ((0, 0), (0, 64))))
                       [:, :DIM], jnp.tile(MLPt_b[None, :], (8, 1)))
    pv = _norm(prefv)
    pa = _norm(prefa)
    pt = _norm(preft)

    xv = jnp.concatenate([pv, fv], axis=0)
    xa = jnp.concatenate([pa, fa], axis=0)
    xt = jnp.concatenate([pt, ft], axis=0)

    def _vec0(y, v):
        return _mm(y, _vec_col(v))[:, 0]

    def _ori_wall(oW, oas, oad):
        w_all = jnp.concatenate(
            [oW, (oW @ oas)[:, None], (oW @ oad)[:, None]], axis=1)
        return jnp.pad(w_all, ((0, 0), (0, 128 - DIM - 2)))

    pre_v = (_pad_nodes(_vec0(xa, v_pre_ay)), _pad_nodes(_vec0(xt, v_pre_az)),
             _split_h(_mm(xv, _pad_w(v_pre_W))[:, :DIM]))
    pre_a = (_pad_nodes(_vec0(xv, a_pre_ay)), _pad_nodes(_vec0(xt, a_pre_az)),
             _split_h(_mm(xa, _pad_w(a_pre_W))[:, :DIM]))
    pre_t = (_pad_nodes(_vec0(xa, t_pre_ay)), _pad_nodes(_vec0(xv, t_pre_az)),
             _split_h(_mm(xt, _pad_w(t_pre_W))[:, :DIM]))
    wall_v = _ori_wall(v_ori_W, v_ori_as, v_ori_ad)
    wall_a = _ori_wall(a_ori_W, a_ori_as, a_ori_ad)
    wall_t = _ori_wall(t_ori_W, t_ori_as, t_ori_ad)

    x0n = _norm(id_emb)
    x0s = _split_h(x0n)
    ones_t = jnp.ones((NP,), jnp.float32)
    m_gat = jnp.ones((16,), jnp.float32)
    m_prod = jnp.zeros((16,), jnp.float32)
    zn64 = jnp.zeros((N, DIM), jnp.float32)

    def _ori_prep(x, wall):
        hh = _mm(x, wall)
        return (_pad_nodes(hh[:, DIM]), _pad_nodes(hh[:, DIM + 1]),
                _split_h(hh[:, :DIM]))

    def _set(st, **kw):
        st = dict(st)
        st.update(kw)
        return st

    def _to(st, prep, mode):
        return _set(st, tabs=prep[0], tabd=prep[1], h2=prep[2], mode=mode)

    def t0(num, den, st):
        x = _divnorm(num, den)
        return _to(_set(st, x=x), _ori_prep(x, wall_v), m_gat)

    def t1(num, den, st):
        x = _adddivnorm(st['x'], num, den)
        return _to(_set(st, x=x), _ori_prep(x, wall_v), m_gat)

    def t2(num, den, st):
        x = _adddivnorm(st['x'], num, den)
        return _to(_set(st, x=x, vrep=x), pre_a, m_gat)

    def t3(num, den, st):
        x = _divnorm(num, den)
        return _to(_set(st, x=x), _ori_prep(x, wall_a), m_gat)

    def t4(num, den, st):
        x = _adddivnorm(st['x'], num, den)
        return _to(_set(st, x=x), _ori_prep(x, wall_a), m_gat)

    def t5(num, den, st):
        x = _adddivnorm(st['x'], num, den)
        return _to(_set(st, x=x, arep=x), pre_t, m_gat)

    def t6(num, den, st):
        x = _divnorm(num, den)
        return _to(_set(st, x=x), _ori_prep(x, wall_t), m_gat)

    def t7(num, den, st):
        x = _adddivnorm(st['x'], num, den)
        return _to(_set(st, x=x), _ori_prep(x, wall_t), m_gat)

    def t8(num, den, st):
        x = _adddivnorm(st['x'], num, den)
        return _to(_set(st, x=x, trep=x),
                   (ones_t, ones_t, x0s), m_prod)

    def t9(num, den, st):
        dinv = _pad_nodes(1.0 / jnp.sqrt(jnp.maximum(den[:, 0], 1.0)))
        h2 = _split_h(_mm(x0n, _pad_w(gcn1_W))[:, :DIM])
        return _to(_set(st, dinv=dinv), (dinv, dinv, h2), m_prod)

    def t10(num, den, st):
        x1 = _lrelu(num)
        h2 = _split_h(_mm(x1, _pad_w(gcn2_W))[:, :DIM])
        return _to(_set(st, x1=x1), (st['dinv'], st['dinv'], h2), m_prod)

    def t11(num, den, st):
        x2 = _lrelu(num)
        h2 = _split_h(_mm(st['x1'], _pad_w(gcn3_W))[:, :DIM])
        return _to(_set(st, x2=x2), (st['dinv'], st['dinv'], h2), m_prod)

    def t12(num, den, st):
        return _set(st, x3=num)

    branches = [t0, t1, t2, t3, t4, t5, t6, t7, t8, t9, t10, t11, t12]

    state0 = dict(
        tabs=pre_v[0], tabd=pre_v[1], h2=pre_v[2], mode=m_gat,
        x=zn64, vrep=zn64, arep=zn64, trep=zn64,
        x1=zn64, x2=zn64, x3=zn64,
        dinv=jnp.zeros((NP,), jnp.float32),
        numq=jnp.zeros((7, NC * NH, 32), jnp.float32),
        denq=jnp.zeros((7, NC * NH), jnp.float32),
    )

    def loop_body(step, st):
        layer = step // 8
        q = step % 8
        offi = jnp.full((16,), q * NH, jnp.int32)
        num2, den2 = _edge_pass(src2d, dst2d, st['mode'], offi,
                                st['tabs'], st['tabd'], st['h2'])

        def stash(s):
            return _set(
                s,
                numq=lax.dynamic_update_slice(s['numq'], num2[None],
                                              (q, 0, 0)),
                denq=lax.dynamic_update_slice(s['denq'], den2[None], (q, 0)))

        def process(s):
            def merge(nq, dq):
                return (jnp.concatenate([nq[:NH], nq[NH:]], axis=1), dq[:NH])
            parts = [merge(s['numq'][i], s['denq'][i]) for i in range(7)]
            parts.append(merge(num2, den2))
            num = jnp.concatenate([p[0] for p in parts], axis=0)[:N]
            den = jnp.concatenate([p[1] for p in parts])[:N][:, None]
            return lax.switch(layer, branches, num, den, s)

        return lax.cond(q < 7, stash, process, st)

    st = lax.fori_loop(0, 104, loop_body, state0)

    return _final_combine(x0n, st['x1'], st['x2'], st['x3'],
                          st['vrep'], st['arep'], st['trep'])

# --- scband reference (transcript-rebuilt; emitter-appended) ---
"""Pipeline reference for scband-net-75282186764765 (READ-ONLY COPY).

The authoritative reference and input builder live on the scoring server;
editing this copy changes nothing except your own understanding.
"""

import jax, jax.numpy as jnp
import numpy as np

NUM_USER = 20000
NUM_ITEM = 30000
N = NUM_USER + NUM_ITEM
E = 800000
DIM = 64
V_DIM = 128
A_DIM = 128
T_DIM = 100
NUM_ROUTING = 2


def _normalize(x, eps=1e-12):
    n = jnp.linalg.norm(x, axis=-1, keepdims=True)
    return x / jnp.maximum(n, eps)


def _seg_softmax(e, dst, mask, n):
    e = jnp.where(mask, e, -1e9)
    m = jax.ops.segment_max(e, dst, num_segments=n)
    m = jnp.where(m > -1e30, m, 0.0)
    ex = jnp.exp(e - m[dst]) * mask.astype(e.dtype)
    den = jax.ops.segment_sum(ex, dst, num_segments=n)
    return ex / (den[dst] + 1e-16)


def _gat_pre(x, y, z, W, ay, az, src, dst, mask, n):
    h = x @ W
    e = jax.nn.leaky_relu((y @ ay)[src] + (z @ az)[dst], 0.2)
    alpha = _seg_softmax(e, dst, mask, n)
    return jax.ops.segment_sum(h[src] * alpha[:, None], dst, num_segments=n)


def _gat_ori(x, W, a_s, a_d, src, dst, mask, n):
    h = x @ W
    e = jax.nn.leaky_relu((h @ a_s)[src] + (h @ a_d)[dst], 0.2)
    alpha = _seg_softmax(e, dst, mask, n)
    return jax.ops.segment_sum(h[src] * alpha[:, None], dst, num_segments=n)


def _gcn(x, W, src, dst, n):
    h = x @ W
    deg = jax.ops.segment_sum(jnp.ones(src.shape[0], dtype=h.dtype), dst, num_segments=n)
    dinv = 1.0 / jnp.sqrt(jnp.maximum(deg, 1.0))
    msg = h[src] * (dinv[src] * dinv[dst])[:, None]
    return jax.ops.segment_sum(msg, dst, num_segments=n)


def _cgcn(pref, feat, pref2, feat2, pref3, feat3, pW, pay, paz, oW, oas, oad, src, dst, mask, n):
    x = jnp.concatenate([pref, feat], axis=0)
    y = jnp.concatenate([pref2, feat2], axis=0)
    z = jnp.concatenate([pref3, feat3], axis=0)
    x = _gat_pre(x, y, z, pW, pay, paz, src, dst, mask, n)
    x = _normalize(x)
    for _ in range(NUM_ROUTING):
        xh = _gat_ori(x, oW, oas, oad, src, dst, mask, n)
        x = _normalize(x + xh)
    return x


def _forward(prefv, prefa, preft, id_emb, MLPv_W, MLPv_b, MLPa_W, MLPa_b, MLPt_W, MLPt_b,
             v_pre_W, v_pre_ay, v_pre_az, v_ori_W, v_ori_as, v_ori_ad,
             a_pre_W, a_pre_ay, a_pre_az, a_ori_W, a_ori_as, a_ori_ad,
             t_pre_W, t_pre_ay, t_pre_az, t_ori_W, t_ori_as, t_ori_ad,
             gcn1_W, gcn2_W, gcn3_W, v_feat, a_feat, t_feat, edge_index):
    ei2 = jnp.concatenate([edge_index, edge_index[::-1]], axis=1)
    src, dst = ei2[0], ei2[1]
    mask = src != dst  # remove_self_loops (as a contribution mask, static shape)
    fv = jax.nn.leaky_relu(v_feat @ MLPv_W.T + MLPv_b, 0.01)
    fa = jax.nn.leaky_relu(a_feat @ MLPa_W.T + MLPa_b, 0.01)
    ft = jax.nn.leaky_relu(t_feat @ MLPt_W.T + MLPt_b, 0.01)
    pv = _normalize(prefv); pa = _normalize(prefa); pt = _normalize(preft)
    fv = _normalize(fv); fa = _normalize(fa); ft = _normalize(ft)
    v_rep = _cgcn(pv, fv, pa, fa, pt, ft, v_pre_W, v_pre_ay, v_pre_az, v_ori_W, v_ori_as, v_ori_ad, src, dst, mask, N)
    a_rep = _cgcn(pa, fa, pv, fv, pt, ft, a_pre_W, a_pre_ay, a_pre_az, a_ori_W, a_ori_as, a_ori_ad, src, dst, mask, N)
    t_rep = _cgcn(pt, ft, pa, fa, pv, fv, t_pre_W, t_pre_ay, t_pre_az, t_ori_W, t_ori_as, t_ori_ad, src, dst, mask, N)
    # RealGCN (weight_mode == 'GCN')
    x = _normalize(id_emb)
    x1 = jax.nn.leaky_relu(_gcn(x, gcn1_W, src, dst, N), 0.01)
    x2 = jax.nn.leaky_relu(_gcn(x1, gcn2_W, src, dst, N), 0.01)
    x3 = _gcn(x1, gcn3_W, src, dst, N)
    id_rep = x + x1 + x2 + x3
    # fusion_mode == 'mean'
    return (id_rep + v_rep + a_rep + t_rep) / 4.0


def setup_inputs(seed: int = 0):
    key = jax.random.key(seed)
    ks = iter([jax.random.fold_in(key, i) for i in range(64)])
    def nrm(shape, scale=0.1):
        return jax.random.normal(next(ks), shape, dtype=jnp.float32) * scale
    d = {}
    d['prefv'] = nrm((NUM_USER, DIM))
    d['prefa'] = nrm((NUM_USER, DIM))
    d['preft'] = nrm((NUM_USER, DIM))
    d['id_emb'] = nrm((N, DIM))
    d['MLPv_W'] = nrm((DIM, V_DIM)); d['MLPv_b'] = nrm((DIM,))
    d['MLPa_W'] = nrm((DIM, A_DIM)); d['MLPa_b'] = nrm((DIM,))
    d['MLPt_W'] = nrm((DIM, T_DIM)); d['MLPt_b'] = nrm((DIM,))
    for m in ['v', 'a', 't']:
        d[m + '_pre_W'] = nrm((DIM, DIM))
        d[m + '_pre_ay'] = nrm((DIM,))
        d[m + '_pre_az'] = nrm((DIM,))
        d[m + '_ori_W'] = nrm((DIM, DIM))
        d[m + '_ori_as'] = nrm((DIM,))
        d[m + '_ori_ad'] = nrm((DIM,))
    d['gcn1_W'] = nrm((DIM, DIM))
    d['gcn2_W'] = nrm((DIM, DIM))
    d['gcn3_W'] = nrm((DIM, DIM))
    d['v_feat'] = jax.random.normal(next(ks), (NUM_ITEM, V_DIM), dtype=jnp.float32)
    d['a_feat'] = jax.random.normal(next(ks), (NUM_ITEM, A_DIM), dtype=jnp.float32)
    d['t_feat'] = jax.random.normal(next(ks), (NUM_ITEM, T_DIM), dtype=jnp.float32)
    d['edge_index'] = jax.random.randint(next(ks), (2, E), 0, N, dtype=jnp.int32)
    return d


def reference(prefv, prefa, preft, id_emb, MLPv_W, MLPv_b, MLPa_W, MLPa_b, MLPt_W, MLPt_b,
              v_pre_W, v_pre_ay, v_pre_az, v_ori_W, v_ori_as, v_ori_ad,
              a_pre_W, a_pre_ay, a_pre_az, a_ori_W, a_ori_as, a_ori_ad,
              t_pre_W, t_pre_ay, t_pre_az, t_ori_W, t_ori_as, t_ori_ad,
              gcn1_W, gcn2_W, gcn3_W, v_feat, a_feat, t_feat, edge_index):
    return _forward(prefv=prefv, prefa=prefa, preft=preft, id_emb=id_emb,
                    MLPv_W=MLPv_W, MLPv_b=MLPv_b, MLPa_W=MLPa_W, MLPa_b=MLPa_b,
                    MLPt_W=MLPt_W, MLPt_b=MLPt_b,
                    v_pre_W=v_pre_W, v_pre_ay=v_pre_ay, v_pre_az=v_pre_az,
                    v_ori_W=v_ori_W, v_ori_as=v_ori_as, v_ori_ad=v_ori_ad,
                    a_pre_W=a_pre_W, a_pre_ay=a_pre_ay, a_pre_az=a_pre_az,
                    a_ori_W=a_ori_W, a_ori_as=a_ori_as, a_ori_ad=a_ori_ad,
                    t_pre_W=t_pre_W, t_pre_ay=t_pre_ay, t_pre_az=t_pre_az,
                    t_ori_W=t_ori_W, t_ori_as=t_ori_as, t_ori_ad=t_ori_ad,
                    gcn1_W=gcn1_W, gcn2_W=gcn2_W, gcn3_W=gcn3_W,
                    v_feat=v_feat, a_feat=a_feat, t_feat=t_feat, edge_index=edge_index)

if __name__ == "__main__":
    import jax
    _d = setup_inputs()
    print(jax.jit(kernel)(*tuple(_d.values())))

</pallas_src>

<mosaic_0001>
#map = affine_map<(d0, d1) -> (0, 0)>
#map1 = affine_map<(d0, d1) -> (0)>
module attributes {stable_mosaic.version = 14 : i64} {
  func.func @edge_pass(%arg0: i32, %arg1: i32, %arg2: memref<12544x128xi32, #tpu.memory_space<hbm>>, %arg3: memref<12544x128xi32, #tpu.memory_space<hbm>>, %arg4: memref<16xf32, #tpu.memory_space<hbm>>, %arg5: memref<16xi32, #tpu.memory_space<hbm>>, %arg6: memref<50176xf32, #tpu.memory_space<hbm>>, %arg7: memref<50176xf32, #tpu.memory_space<hbm>>, %arg8: memref<100352x32xf32, #tpu.memory_space<hbm>>, %arg9: memref<12544x32xf32, #tpu.memory_space<hbm>>, %arg10: memref<12544xf32, #tpu.memory_space<hbm>>, %arg11: memref<50176xf32, #tpu.memory_space<vmem>>, %arg12: memref<50176xf32, #tpu.memory_space<vmem>>, %arg13: memref<16xf32, #tpu.memory_space<vmem>>, %arg14: memref<16xi32, #tpu.memory_space<vmem>>, %arg15: memref<2x128xi32, #tpu.memory_space<vmem>>, %arg16: memref<2x128xi32, #tpu.memory_space<vmem>>, %arg17: memref<2x128xi32, #tpu.memory_space<vmem>>, %arg18: memref<256xf32, #tpu.memory_space<vmem>>, %arg19: memref<256x32xf32, #tpu.memory_space<vmem>>, %arg20: memref<2x128xf32, #tpu.memory_space<vmem>>, %arg21: memref<128xf32, #tpu.memory_space<vmem>>, %arg22: memref<128xf32, #tpu.memory_space<vmem>>, %arg23: memref<1x128xi32, #tpu.memory_space<vmem>>, %arg24: memref<6272x32xf32, #tpu.memory_space<vmem_shared>>, %arg25: memref<6272xf32, #tpu.memory_space<vmem_shared>>, %arg26: memref<!tpu.dma_semaphore, #tpu.memory_space<semaphore_mem>>) attributes {dimension_semantics = [#tpu.dimension_semantics<core_parallel>, #tpu.dimension_semantics<subcore_parallel>], iteration_bounds = array<i64: 2, 16>, scalar_prefetch = 0 : i64, scratch_operands = 16 : i64, tpu.core_type = #tpu.core_type<sc_vector_subcore>, window_params = [{transform_indices = #map}, {transform_indices = #map}, {transform_indices = #map1}, {transform_indices = #map1}, {transform_indices = #map1}, {transform_indices = #map1}, {transform_indices = #map}, {transform_indices = #map}, {transform_indices = #map1}]} {
    %broadcast_in_dim3A = arith.constant 0.000000e+00 : f32
    %broadcast_in_dim3A_0 = vector.broadcast %broadcast_in_dim3A : f32 to vector<16xf32>
    %iota3A = tpu.iota {dimensions = array<i32: 0>} : vector<16xi32>
    %swap3A = arith.constant 0 : index
    %swap3A_1 = tpu.vector_load %arg21[%swap3A] {strides = array<i32>} : memref<128xf32, #tpu.memory_space<vmem>>, vector<16xf32>,
    tpu.vector_store %arg21[%swap3A], %broadcast_in_dim3A_0 {strides = array<i32>} : memref<128xf32, #tpu.memory_space<vmem>>, vector<16xf32>,
    %swap3A_2 = arith.constant 16 : index
    %swap3A_3 = tpu.vector_load %arg21[%swap3A_2] {strides = array<i32>} : memref<128xf32, #tpu.memory_space<vmem>>, vector<16xf32>,
    tpu.vector_store %arg21[%swap3A_2], %broadcast_in_dim3A_0 {strides = array<i32>} : memref<128xf32, #tpu.memory_space<vmem>>, vector<16xf32>,
    %swap3A_4 = arith.constant 32 : index
    %swap3A_5 = tpu.vector_load %arg21[%swap3A_4] {strides = array<i32>} : memref<128xf32, #tpu.memory_space<vmem>>, vector<16xf32>,
    tpu.vector_store %arg21[%swap3A_4], %broadcast_in_dim3A_0 {strides = array<i32>} : memref<128xf32, #tpu.memory_space<vmem>>, vector<16xf32>,
    %swap3A_6 = arith.constant 48 : index
    %swap3A_7 = tpu.vector_load %arg21[%swap3A_6] {strides = array<i32>} : memref<128xf32, #tpu.memory_space<vmem>>, vector<16xf32>,
    tpu.vector_store %arg21[%swap3A_6], %broadcast_in_dim3A_0 {strides = array<i32>} : memref<128xf32, #tpu.memory_space<vmem>>, vector<16xf32>,
    %swap3A_8 = arith.constant 64 : index
    %swap3A_9 = tpu.vector_load %arg21[%swap3A_8] {strides = array<i32>} : memref<128xf32, #tpu.memory_space<vmem>>, vector<16xf32>,
    tpu.vector_store %arg21[%swap3A_8], %broadcast_in_dim3A_0 {strides = array<i32>} : memref<128xf32, #tpu.memory_space<vmem>>, vector<16xf32>,
    %swap3A_10 = arith.constant 80 : index
    %swap3A_11 = tpu.vector_load %arg21[%swap3A_10] {strides = array<i32>} : memref<128xf32, #tpu.memory_space<vmem>>, vector<16xf32>,
    tpu.vector_store %arg21[%swap3A_10], %broadcast_in_dim3A_0 {strides = array<i32>} : memref<128xf32, #tpu.memory_space<vmem>>, vector<16xf32>,
    %swap3A_12 = arith.constant 96 : index
    %swap3A_13 = tpu.vector_load %arg21[%swap3A_12] {strides = array<i32>} : memref<128xf32, #tpu.memory_space<vmem>>, vector<16xf32>,
    tpu.vector_store %arg21[%swap3A_12], %broadcast_in_dim3A_0 {strides = array<i32>} : memref<128xf32, #tpu.memory_space<vmem>>, vector<16xf32>,
    %swap3A_14 = arith.constant 112 : index
    %swap3A_15 = tpu.vector_load %arg21[%swap3A_14] {strides = array<i32>} : memref<128xf32, #tpu.memory_space<vmem>>, vector<16xf32>,
    tpu.vector_store %arg21[%swap3A_14], %broadcast_in_dim3A_0 {strides = array<i32>} : memref<128xf32, #tpu.memory_space<vmem>>, vector<16xf32>,
    %swap3A_16 = arith.constant 0 : i32
    %swap3A_17 = arith.index_cast %swap3A_16 : i32 to index
    %swap3A_18 = arith.constant 0 : index
    %swap3A_19 = tpu.vector_load %arg19[%swap3A_17, %swap3A_18] {strides = array<i32>} : memref<256x32xf32, #tpu.memory_space<vmem>>, vector<16xf32>,
    tpu.vector_store %arg19[%swap3A_17, %swap3A_18], %broadcast_in_dim3A_0 {strides = array<i32>} : memref<256x32xf32, #tpu.memory_space<vmem>>, vector<16xf32>,
    %swap3A_20 = arith.constant 0 : i32
    %swap3A_21 = arith.index_cast %swap3A_20 : i32 to index
    %swap3A_22 = arith.constant 16 : index
    %swap3A_23 = tpu.vector_load %arg19[%swap3A_21, %swap3A_22] {strides = array<i32>} : memref<256x32xf32, #tpu.memory_space<vmem>>, vector<16xf32>,
    tpu.vector_store %arg19[%swap3A_21, %swap3A_22], %broadcast_in_dim3A_0 {strides = array<i32>} : memref<256x32xf32, #tpu.memory_space<vmem>>, vector<16xf32>,
    %swap3A_24 = arith.constant 1 : i32
    %swap3A_25 = arith.index_cast %swap3A_24 : i32 to index
    %swap3A_26 = arith.constant 0 : index
    %swap3A_27 = tpu.vector_load %arg19[%swap3A_25, %swap3A_26] {strides = array<i32>} : memref<256x32xf32, #tpu.memory_space<vmem>>, vector<16xf32>,
    tpu.vector_store %arg19[%swap3A_25, %swap3A_26], %broadcast_in_dim3A_0 {strides = array<i32>} : memref<256x32xf32, #tpu.memory_space<vmem>>, vector<16xf32>,
    %swap3A_28 = arith.constant 1 : i32
    %swap3A_29 = arith.index_cast %swap3A_28 : i32 to index
    %swap3A_30 = arith.constant 16 : index
    %swap3A_31 = tpu.vector_load %arg19[%swap3A_29, %swap3A_30] {strides = array<i32>} : memref<256x32xf32, #tpu.memory_space<vmem>>, vector<16xf32>,
    tpu.vector_store %arg19[%swap3A_29, %swap3A_30], %broadcast_in_dim3A_0 {strides = array<i32>} : memref<256x32xf32, #tpu.memory_space<vmem>>, vector<16xf32>,
    %swap3A_32 = arith.constant 2 : i32
    %swap3A_33 = arith.index_cast %swap3A_32 : i32 to index
    %swap3A_34 = arith.constant 0 : index
    %swap3A_35 = tpu.vector_load %arg19[%swap3A_33, %swap3A_34] {strides = array<i32>} : memref<256x32xf32, #tpu.memory_space<vmem>>, vector<16xf32>,
    tpu.vector_store %arg19[%swap3A_33, %swap3A_34], %broadcast_in_dim3A_0 {strides = array<i32>} : memref<256x32xf32, #tpu.memory_space<vmem>>, vector<16xf32>,
    %swap3A_36 = arith.constant 2 : i32
    %swap3A_37 = arith.index_cast %swap3A_36 : i32 to index
    %swap3A_38 = arith.constant 16 : index
    %swap3A_39 = tpu.vector_load %arg19[%swap3A_37, %swap3A_38] {strides = array<i32>} : memref<256x32xf32, #tpu.memory_space<vmem>>, vector<16xf32>,
    tpu.vector_store %arg19[%swap3A_37, %swap3A_38], %broadcast_in_dim3A_0 {strides = array<i32>} : memref<256x32xf32, #tpu.memory_space<vmem>>, vector<16xf32>,
    %swap3A_40 = arith.constant 3 : i32
    %swap3A_41 = arith.index_cast %swap3A_40 : i32 to index
    %swap3A_42 = arith.constant 0 : index
    %swap3A_43 = tpu.vector_load %arg19[%swap3A_41, %swap3A_42] {strides = array<i32>} : memref<256x32xf32, #tpu.memory_space<vmem>>, vector<16xf32>,
    tpu.vector_store %arg19[%swap3A_41, %swap3A_42], %broadcast_in_dim3A_0 {strides = array<i32>} : memref<256x32xf32, #tpu.memory_space<vmem>>, vector<16xf32>,
    %swap3A_44 = arith.constant 3 : i32
    %swap3A_45 = arith.index_cast %swap3A_44 : i32 to index
    %swap3A_46 = arith.constant 16 : index
    %swap3A_47 = tpu.vector_load %arg19[%swap3A_45, %swap3A_46] {strides = array<i32>} : memref<256x32xf32, #tpu.memory_space<vmem>>, vector<16xf32>,
    tpu.vector_store %arg19[%swap3A_45, %swap3A_46], %broadcast_in_dim3A_0 {strides = array<i32>} : memref<256x32xf32, #tpu.memory_space<vmem>>, vector<16xf32>,
    %swap3A_48 = arith.constant 4 : i32
    %swap3A_49 = arith.index_cast %swap3A_48 : i32 to index
    %swap3A_50 = arith.constant 0 : index
    %swap3A_51 = tpu.vector_load %arg19[%swap3A_49, %swap3A_50] {strides = array<i32>} : memref<256x32xf32, #tpu.memory_space<vmem>>, vector<16xf32>,
    tpu.vector_store %arg19[%swap3A_49, %swap3A_50], %broadcast_in_dim3A_0 {strides = array<i32>} : memref<256x32xf32, #tpu.memory_space<vmem>>, vector<16xf32>,
    %swap3A_52 = arith.constant 4 : i32
    %swap3A_53 = arith.index_cast %swap3A_52 : i32 to index
    %swap3A_54 = arith.constant 16 : index
    %swap3A_55 = tpu.vector_load %arg19[%swap3A_53, %swap3A_54] {strides = array<i32>} : memref<256x32xf32, #tpu.memory_space<vmem>>, vector<16xf32>,
    tpu.vector_store %arg19[%swap3A_53, %swap3A_54], %broadcast_in_dim3A_0 {strides = array<i32>} : memref<256x32xf32, #tpu.memory_space<vmem>>, vector<16xf32>,
    %swap3A_56 = arith.constant 5 : i32
    %swap3A_57 = arith.index_cast %swap3A_56 : i32 to index
    %swap3A_58 = arith.constant 0 : index
    %swap3A_59 = tpu.vector_load %arg19[%swap3A_57, %swap3A_58] {strides = array<i32>} : memref<256x32xf32, #tpu.memory_space<vmem>>, vector<16xf32>,
    tpu.vector_store %arg19[%swap3A_57, %swap3A_58], %broadcast_in_dim3A_0 {strides = array<i32>} : memref<256x32xf32, #tpu.memory_space<vmem>>, vector<16xf32>,
    %swap3A_60 = arith.constant 5 : i32
    %swap3A_61 = arith.index_cast %swap3A_60 : i32 to index
    %swap3A_62 = arith.constant 16 : index
    %swap3A_63 = tpu.vector_load %arg19[%swap3A_61, %swap3A_62] {strides = array<i32>} : memref<256x32xf32, #tpu.memory_space<vmem>>, vector<16xf32>,
    tpu.vector_store %arg19[%swap3A_61, %swap3A_62], %broadcast_in_dim3A_0 {strides = array<i32>} : memref<256x32xf32, #tpu.memory_space<vmem>>, vector<16xf32>,
    %swap3A_64 = arith.constant 6 : i32
    %swap3A_65 = arith.index_cast %swap3A_64 : i32 to index
    %swap3A_66 = arith.constant 0 : index
    %swap3A_67 = tpu.vector_load %arg19[%swap3A_65, %swap3A_66] {strides = array<i32>} : memref<256x32xf32, #tpu.memory_space<vmem>>, vector<16xf32>,
    tpu.vector_store %arg19[%swap3A_65, %swap3A_66], %broadcast_in_dim3A_0 {strides = array<i32>} : memref<256x32xf32, #tpu.memory_space<vmem>>, vector<16xf32>,
    %swap3A_68 = arith.constant 6 : i32
    %swap3A_69 = arith.index_cast %swap3A_68 : i32 to index
    %swap3A_70 = arith.constant 16 : index
    %swap3A_71 = tpu.vector_load %arg19[%swap3A_69, %swap3A_70] {strides = array<i32>} : memref<256x32xf32, #tpu.memory_space<vmem>>, vector<16xf32>,
    tpu.vector_store %arg19[%swap3A_69, %swap3A_70], %broadcast_in_dim3A_0 {strides = array<i32>} : memref<256x32xf32, #tpu.memory_space<vmem>>, vector<16xf32>,
    %swap3A_72 = arith.constant 7 : i32
    %swap3A_73 = arith.index_cast %swap3A_72 : i32 to index
    %swap3A_74 = arith.constant 0 : index
    %swap3A_75 = tpu.vector_load %arg19[%swap3A_73, %swap3A_74] {strides = array<i32>} : memref<256x32xf32, #tpu.memory_space<vmem>>, vector<16xf32>,
    tpu.vector_store %arg19[%swap3A_73, %swap3A_74], %broadcast_in_dim3A_0 {strides = array<i32>} : memref<256x32xf32, #tpu.memory_space<vmem>>, vector<16xf32>,
    %swap3A_76 = arith.constant 7 : i32
    %swap3A_77 = arith.index_cast %swap3A_76 : i32 to index
    %swap3A_78 = arith.constant 16 : index
    %swap3A_79 = tpu.vector_load %arg19[%swap3A_77, %swap3A_78] {strides = array<i32>} : memref<256x32xf32, #tpu.memory_space<vmem>>, vector<16xf32>,
    tpu.vector_store %arg19[%swap3A_77, %swap3A_78], %broadcast_in_dim3A_0 {strides = array<i32>} : memref<256x32xf32, #tpu.memory_space<vmem>>, vector<16xf32>,
    %swap3A_80 = arith.constant 8 : i32
    %swap3A_81 = arith.index_cast %swap3A_80 : i32 to index
    %swap3A_82 = arith.constant 0 : index
    %swap3A_83 = tpu.vector_load %arg19[%swap3A_81, %swap3A_82] {strides = array<i32>} : memref<256x32xf32, #tpu.memory_space<vmem>>, vector<16xf32>,
    tpu.vector_store %arg19[%swap3A_81, %swap3A_82], %broadcast_in_dim3A_0 {strides = array<i32>} : memref<256x32xf32, #tpu.memory_space<vmem>>, vector<16xf32>,
    %swap3A_84 = arith.constant 8 : i32
    %swap3A_85 = arith.index_cast %swap3A_84 : i32 to index
    %swap3A_86 = arith.constant 16 : index
    %swap3A_87 = tpu.vector_load %arg19[%swap3A_85, %swap3A_86] {strides = array<i32>} : memref<256x32xf32, #tpu.memory_space<vmem>>, vector<16xf32>,
    tpu.vector_store %arg19[%swap3A_85, %swap3A_86], %broadcast_in_dim3A_0 {strides = array<i32>} : memref<256x32xf32, #tpu.memory_space<vmem>>, vector<16xf32>,
    %swap3A_88 = arith.constant 9 : i32
    %swap3A_89 = arith.index_cast %swap3A_88 : i32 to index
    %swap3A_90 = arith.constant 0 : index
    %swap3A_91 = tpu.vector_load %arg19[%swap3A_89, %swap3A_90] {strides = array<i32>} : memref<256x32xf32, #tpu.memory_space<vmem>>, vector<16xf32>,
    tpu.vector_store %arg19[%swap3A_89, %swap3A_90], %broadcast_in_dim3A_0 {strides = array<i32>} : memref<256x32xf32, #tpu.memory_space<vmem>>, vector<16xf32>,
    %swap3A_92 = arith.constant 9 : i32
    %swap3A_93 = arith.index_cast %swap3A_92 : i32 to index
    %swap3A_94 = arith.constant 16 : index
    %swap3A_95 = tpu.vector_load %arg19[%swap3A_93, %swap3A_94] {strides = array<i32>} : memref<256x32xf32, #tpu.memory_space<vmem>>, vector<16xf32>,
    tpu.vector_store %arg19[%swap3A_93, %swap3A_94], %broadcast_in_dim3A_0 {strides = array<i32>} : memref<256x32xf32, #tpu.memory_space<vmem>>, vector<16xf32>,
    %swap3A_96 = arith.constant 10 : i32
    %swap3A_97 = arith.index_cast %swap3A_96 : i32 to index
    %swap3A_98 = arith.constant 0 : index
    %swap3A_99 = tpu.vector_load %arg19[%swap3A_97, %swap3A_98] {strides = array<i32>} : memref<256x32xf32, #tpu.memory_space<vmem>>, vector<16xf32>,
    tpu.vector_store %arg19[%swap3A_97, %swap3A_98], %broadcast_in_dim3A_0 {strides = array<i32>} : memref<256x32xf32, #tpu.memory_space<vmem>>, vector<16xf32>,
    %swap3A_100 = arith.constant 10 : i32
    %swap3A_101 = arith.index_cast %swap3A_100 : i32 to index
    %swap3A_102 = arith.constant 16 : index
    %swap3A_103 = tpu.vector_load %arg19[%swap3A_101, %swap3A_102] {strides = array<i32>} : memref<256x32xf32, #tpu.memory_space<vmem>>, vector<16xf32>,
    tpu.vector_store %arg19[%swap3A_101, %swap3A_102], %broadcast_in_dim3A_0 {strides = array<i32>} : memref<256x32xf32, #tpu.memory_space<vmem>>, vector<16xf32>,
    %swap3A_104 = arith.constant 11 : i32
    %swap3A_105 = arith.index_cast %swap3A_104 : i32 to index
    %swap3A_106 = arith.constant 0 : index
    %swap3A_107 = tpu.vector_load %arg19[%swap3A_105, %swap3A_106] {strides = array<i32>} : memref<256x32xf32, #tpu.memory_space<vmem>>, vector<16xf32>,
    tpu.vector_store %arg19[%swap3A_105, %swap3A_106], %broadcast_in_dim3A_0 {strides = array<i32>} : memref<256x32xf32, #tpu.memory_space<vmem>>, vector<16xf32>,
    %swap3A_108 = arith.constant 11 : i32
    %swap3A_109 = arith.index_cast %swap3A_108 : i32 to index
    %swap3A_110 = arith.constant 16 : index
    %swap3A_111 = tpu.vector_load %arg19[%swap3A_109, %swap3A_110] {strides = array<i32>} : memref<256x32xf32, #tpu.memory_space<vmem>>, vector<16xf32>,
    tpu.vector_store %arg19[%swap3A_109, %swap3A_110], %broadcast_in_dim3A_0 {strides = array<i32>} : memref<256x32xf32, #tpu.memory_space<vmem>>, vector<16xf32>,
    %swap3A_112 = arith.constant 12 : i32
    %swap3A_113 = arith.index_cast %swap3A_112 : i32 to index
    %swap3A_114 = arith.constant 0 : index
    %swap3A_115 = tpu.vector_load %arg19[%swap3A_113, %swap3A_114] {strides = array<i32>} : memref<256x32xf32, #tpu.memory_space<vmem>>, vector<16xf32>,
    tpu.vector_store %arg19[%swap3A_113, %swap3A_114], %broadcast_in_dim3A_0 {strides = array<i32>} : memref<256x32xf32, #tpu.memory_space<vmem>>, vector<16xf32>,
    %swap3A_116 = arith.constant 12 : i32
    %swap3A_117 = arith.index_cast %swap3A_116 : i32 to index
    %swap3A_118 = arith.constant 16 : index
    %swap3A_119 = tpu.vector_load %arg19[%swap3A_117, %swap3A_118] {strides = array<i32>} : memref<256x32xf32, #tpu.memory_space<vmem>>, vector<16xf32>,
    tpu.vector_store %arg19[%swap3A_117, %swap3A_118], %broadcast_in_dim3A_0 {strides = array<i32>} : memref<256x32xf32, #tpu.memory_space<vmem>>, vector<16xf32>,
    %swap3A_120 = arith.constant 13 : i32
    %swap3A_121 = arith.index_cast %swap3A_120 : i32 to index
    %swap3A_122 = arith.constant 0 : index
    %swap3A_123 = tpu.vector_load %arg19[%swap3A_121, %swap3A_122] {strides = array<i32>} : memref<256x32xf32, #tpu.memory_space<vmem>>, vector<16xf32>,
    tpu.vector_store %arg19[%swap3A_121, %swap3A_122], %broadcast_in_dim3A_0 {strides = array<i32>} : memref<256x32xf32, #tpu.memory_space<vmem>>, vector<16xf32>,
    %swap3A_124 = arith.constant 13 : i32
    %swap3A_125 = arith.index_cast %swap3A_124 : i32 to index
    %swap3A_126 = arith.constant 16 : index
    %swap3A_127 = tpu.vector_load %arg19[%swap3A_125, %swap3A_126] {strides = array<i32>} : memref<256x32xf32, #tpu.memory_space<vmem>>, vector<16xf32>,
    tpu.vector_store %arg19[%swap3A_125, %swap3A_126], %broadcast_in_dim3A_0 {strides = array<i32>} : memref<256x32xf32, #tpu.memory_space<vmem>>, vector<16xf32>,
    %swap3A_128 = arith.constant 14 : i32
    %swap3A_129 = arith.index_cast %swap3A_128 : i32 to index
    %swap3A_130 = arith.constant 0 : index
    %swap3A_131 = tpu.vector_load %arg19[%swap3A_129, %swap3A_130] {strides = array<i32>} : memref<256x32xf32, #tpu.memory_space<vmem>>, vector<16xf32>,
    tpu.vector_store %arg19[%swap3A_129, %swap3A_130], %broadcast_in_dim3A_0 {strides = array<i32>} : memref<256x32xf32, #tpu.memory_space<vmem>>, vector<16xf32>,
    %swap3A_132 = arith.constant 14 : i32
    %swap3A_133 = arith.index_cast %swap3A_132 : i32 to index
    %swap3A_134 = arith.constant 16 : index
    %swap3A_135 = tpu.vector_load %arg19[%swap3A_133, %swap3A_134] {strides = array<i32>} : memref<256x32xf32, #tpu.memory_space<vmem>>, vector<16xf32>,
    tpu.vector_store %arg19[%swap3A_133, %swap3A_134], %broadcast_in_dim3A_0 {strides = array<i32>} : memref<256x32xf32, #tpu.memory_space<vmem>>, vector<16xf32>,
    %swap3A_136 = arith.constant 15 : i32
    %swap3A_137 = arith.index_cast %swap3A_136 : i32 to index
    %swap3A_138 = arith.constant 0 : index
    %swap3A_139 = tpu.vector_load %arg19[%swap3A_137, %swap3A_138] {strides = array<i32>} : memref<256x32xf32, #tpu.memory_space<vmem>>, vector<16xf32>,
    tpu.vector_store %arg19[%swap3A_137, %swap3A_138], %broadcast_in_dim3A_0 {strides = array<i32>} : memref<256x32xf32, #tpu.memory_space<vmem>>, vector<16xf32>,
    %swap3A_140 = arith.constant 15 : i32
    %swap3A_141 = arith.index_cast %swap3A_140 : i32 to index
    %swap3A_142 = arith.constant 16 : index
    %swap3A_143 = tpu.vector_load %arg19[%swap3A_141, %swap3A_142] {strides = array<i32>} : memref<256x32xf32, #tpu.memory_space<vmem>>, vector<16xf32>,
    tpu.vector_store %arg19[%swap3A_141, %swap3A_142], %broadcast_in_dim3A_0 {strides = array<i32>} : memref<256x32xf32, #tpu.memory_space<vmem>>, vector<16xf32>,
    %swap3A_144 = arith.constant 16 : i32
    %swap3A_145 = arith.index_cast %swap3A_144 : i32 to index
    %swap3A_146 = arith.constant 0 : index
    %swap3A_147 = tpu.vector_load %arg19[%swap3A_145, %swap3A_146] {strides = array<i32>} : memref<256x32xf32, #tpu.memory_space<vmem>>, vector<16xf32>,
    tpu.vector_store %arg19[%swap3A_145, %swap3A_146], %broadcast_in_dim3A_0 {strides = array<i32>} : memref<256x32xf32, #tpu.memory_space<vmem>>, vector<16xf32>,
    %swap3A_148 = arith.constant 16 : i32
    %swap3A_149 = arith.index_cast %swap3A_148 : i32 to index
    %swap3A_150 = arith.constant 16 : index
    %swap3A_151 = tpu.vector_load %arg19[%swap3A_149, %swap3A_150] {strides = array<i32>} : memref<256x32xf32, #tpu.memory_space<vmem>>, vector<16xf32>,
    tpu.vector_store %arg19[%swap3A_149, %swap3A_150], %broadcast_in_dim3A_0 {strides = array<i32>} : memref<256x32xf32, #tpu.memory_space<vmem>>, vector<16xf32>,
    %swap3A_152 = arith.constant 17 : i32
    %swap3A_153 = arith.index_cast %swap3A_152 : i32 to index
    %swap3A_154 = arith.constant 0 : index
    %swap3A_155 = tpu.vector_load %arg19[%swap3A_153, %swap3A_154] {strides = array<i32>} : memref<256x32xf32, #tpu.memory_space<vmem>>, vector<16xf32>,
    tpu.vector_store %arg19[%swap3A_153, %swap3A_154], %broadcast_in_dim3A_0 {strides = array<i32>} : memref<256x32xf32, #tpu.memory_space<vmem>>, vector<16xf32>,
    %swap3A_156 = arith.constant 17 : i32
    %swap3A_157 = arith.index_cast %swap3A_156 : i32 to index
    %swap3A_158 = arith.constant 16 : index
    %swap3A_159 = tpu.vector_load %arg19[%swap3A_157, %swap3A_158] {strides = array<i32>} : memref<256x32xf32, #tpu.memory_space<vmem>>, vector<16xf32>,
    tpu.vector_store %arg19[%swap3A_157, %swap3A_158], %broadcast_in_dim3A_0 {strides = array<i32>} : memref<256x32xf32, #tpu.memory_space<vmem>>, vector<16xf32>,
    %swap3A_160 = arith.constant 18 : i32
    %swap3A_161 = arith.index_cast %swap3A_160 : i32 to index
    %swap3A_162 = arith.constant 0 : index
    %swap3A_163 = tpu.vector_load %arg19[%swap3A_161, %swap3A_162] {strides = array<i32>} : memref<256x32xf32, #tpu.memory_space<vmem>>, vector<16xf32>,
    tpu.vector_store %arg19[%swap3A_161, %swap3A_162], %broadcast_in_dim3A_0 {strides = array<i32>} : memref<256x32xf32, #tpu.memory_space<vmem>>, vector<16xf32>,
    %swap3A_164 = arith.constant 18 : i32
    %swap3A_165 = arith.index_cast %swap3A_164 : i32 to index
    %swap3A_166 = arith.constant 16 : index
    %swap3A_167 = tpu.vector_load %arg19[%swap3A_165, %swap3A_166] {strides = array<i32>} : memref<256x32xf32, #tpu.memory_space<vmem>>, vector<16xf32>,
    tpu.vector_store %arg19[%swap3A_165, %swap3A_166], %broadcast_in_dim3A_0 {strides = array<i32>} : memref<256x32xf32, #tpu.memory_space<vmem>>, vector<16xf32>,
    %swap3A_168 = arith.constant 19 : i32
    %swap3A_169 = arith.index_cast %swap3A_168 : i32 to index
    %swap3A_170 = arith.constant 0 : index
    %swap3A_171 = tpu.vector_load %arg19[%swap3A_169, %swap3A_170] {strides = array<i32>} : memref<256x32xf32, #tpu.memory_space<vmem>>, vector<16xf32>,
    tpu.vector_store %arg19[%swap3A_169, %swap3A_170], %broadcast_in_dim3A_0 {strides = array<i32>} : memref<256x32xf32, #tpu.memory_space<vmem>>, vector<16xf32>,
    %swap3A_172 = arith.constant 19 : i32
    %swap3A_173 = arith.index_cast %swap3A_172 : i32 to index
    %swap3A_174 = arith.constant 16 : index
    %swap3A_175 = tpu.vector_load %arg19[%swap3A_173, %swap3A_174] {strides = array<i32>} : memref<256x32xf32, #tpu.memory_space<vmem>>, vector<16xf32>,
    tpu.vector_store %arg19[%swap3A_173, %swap3A_174], %broadcast_in_dim3A_0 {strides = array<i32>} : memref<256x32xf32, #tpu.memory_space<vmem>>, vector<16xf32>,
    %swap3A_176 = arith.constant 20 : i32
    %swap3A_177 = arith.index_cast %swap3A_176 : i32 to index
    %swap3A_178 = arith.constant 0 : index
    %swap3A_179 = tpu.vector_load %arg19[%swap3A_177, %swap3A_178] {strides = array<i32>} : memref<256x32xf32, #tpu.memory_space<vmem>>, vector<16xf32>,
    tpu.vector_store %arg19[%swap3A_177, %swap3A_178], %broadcast_in_dim3A_0 {strides = array<i32>} : memref<256x32xf32, #tpu.memory_space<vmem>>, vector<16xf32>,
    %swap3A_180 = arith.constant 20 : i32
    %swap3A_181 = arith.index_cast %swap3A_180 : i32 to index
    %swap3A_182 = arith.constant 16 : index
    %swap3A_183 = tpu.vector_load %arg19[%swap3A_181, %swap3A_182] {strides = array<i32>} : memref<256x32xf32, #tpu.memory_space<vmem>>, vector<16xf32>,
    tpu.vector_store %arg19[%swap3A_181, %swap3A_182], %broadcast_in_dim3A_0 {strides = array<i32>} : memref<256x32xf32, #tpu.memory_space<vmem>>, vector<16xf32>,
    %swap3A_184 = arith.constant 21 : i32
    %swap3A_185 = arith.index_cast %swap3A_184 : i32 to index
    %swap3A_186 = arith.constant 0 : index
    %swap3A_187 = tpu.vector_load %arg19[%swap3A_185, %swap3A_186] {strides = array<i32>} : memref<256x32xf32, #tpu.memory_space<vmem>>, vector<16xf32>,
    tpu.vector_store %arg19[%swap3A_185, %swap3A_186], %broadcast_in_dim3A_0 {strides = array<i32>} : memref<256x32xf32, #tpu.memory_space<vmem>>, vector<16xf32>,
    %swap3A_188 = arith.constant 21 : i32
    %swap3A_189 = arith.index_cast %swap3A_188 : i32 to index
    %swap3A_190 = arith.constant 16 : index
    %swap3A_191 = tpu.vector_load %arg19[%swap3A_189, %swap3A_190] {strides = array<i32>} : memref<256x32xf32, #tpu.memory_space<vmem>>, vector<16xf32>,
    tpu.vector_store %arg19[%swap3A_189, %swap3A_190], %broadcast_in_dim3A_0 {strides = array<i32>} : memref<256x32xf32, #tpu.memory_space<vmem>>, vector<16xf32>,
    %swap3A_192 = arith.constant 22 : i32
    %swap3A_193 = arith.index_cast %swap3A_192 : i32 to index
    %swap3A_194 = arith.constant 0 : index
    %swap3A_195 = tpu.vector_load %arg19[%swap3A_193, %swap3A_194] {strides = array<i32>} : memref<256x32xf32, #tpu.memory_space<vmem>>, vector<16xf32>,
    tpu.vector_store %arg19[%swap3A_193, %swap3A_194], %broadcast_in_dim3A_0 {strides = array<i32>} : memref<256x32xf32, #tpu.memory_space<vmem>>, vector<16xf32>,
    %swap3A_196 = arith.constant 22 : i32
    %swap3A_197 = arith.index_cast %swap3A_196 : i32 to index
    %swap3A_198 = arith.constant 16 : index
    %swap3A_199 = tpu.vector_load %arg19[%swap3A_197, %swap3A_198] {strides = array<i32>} : memref<256x32xf32, #tpu.memory_space<vmem>>, vector<16xf32>,
    tpu.vector_store %arg19[%swap3A_197, %swap3A_198], %broadcast_in_dim3A_0 {strides = array<i32>} : memref<256x32xf32, #tpu.memory_space<vmem>>, vector<16xf32>,
    %swap3A_200 = arith.constant 23 : i32
    %swap3A_201 = arith.index_cast %swap3A_200 : i32 to index
    %swap3A_202 = arith.constant 0 : index
    %swap3A_203 = tpu.vector_load %arg19[%swap3A_201, %swap3A_202] {strides = array<i32>} : memref<256x32xf32, #tpu.memory_space<vmem>>, vector<16xf32>,
    tpu.vector_store %arg19[%swap3A_201, %swap3A_202], %broadcast_in_dim3A_0 {strides = array<i32>} : memref<256x32xf32, #tpu.memory_space<vmem>>, vector<16xf32>,
    %swap3A_204 = arith.constant 23 : i32
    %swap3A_205 = arith.index_cast %swap3A_204 : i32 to index
    %swap3A_206 = arith.constant 16 : index
    %swap3A_207 = tpu.vector_load %arg19[%swap3A_205, %swap3A_206] {strides = array<i32>} : memref<256x32xf32, #tpu.memory_space<vmem>>, vector<16xf32>,
    tpu.vector_store %arg19[%swap3A_205, %swap3A_206], %broadcast_in_dim3A_0 {strides = array<i32>} : memref<256x32xf32, #tpu.memory_space<vmem>>, vector<16xf32>,
    %swap3A_208 = arith.constant 24 : i32
    %swap3A_209 = arith.index_cast %swap3A_208 : i32 to index
    %swap3A_210 = arith.constant 0 : index
    %swap3A_211 = tpu.vector_load %arg19[%swap3A_209, %swap3A_210] {strides = array<i32>} : memref<256x32xf32, #tpu.memory_space<vmem>>, vector<16xf32>,
    tpu.vector_store %arg19[%swap3A_209, %swap3A_210], %broadcast_in_dim3A_0 {strides = array<i32>} : memref<256x32xf32, #tpu.memory_space<vmem>>, vector<16xf32>,
    %swap3A_212 = arith.constant 24 : i32
    %swap3A_213 = arith.index_cast %swap3A_212 : i32 to index
    %swap3A_214 = arith.constant 16 : index
    %swap3A_215 = tpu.vector_load %arg19[%swap3A_213, %swap3A_214] {strides = array<i32>} : memref<256x32xf32, #tpu.memory_space<vmem>>, vector<16xf32>,
    tpu.vector_store %arg19[%swap3A_213, %swap3A_214], %broadcast_in_dim3A_0 {strides = array<i32>} : memref<256x32xf32, #tpu.memory_space<vmem>>, vector<16xf32>,
    %swap3A_216 = arith.constant 25 : i32
    %swap3A_217 = arith.index_cast %swap3A_216 : i32 to index
    %swap3A_218 = arith.constant 0 : index
    %swap3A_219 = tpu.vector_load %arg19[%swap3A_217, %swap3A_218] {strides = array<i32>} : memref<256x32xf32, #tpu.memory_space<vmem>>, vector<16xf32>,
    tpu.vector_store %arg19[%swap3A_217, %swap3A_218], %broadcast_in_dim3A_0 {strides = array<i32>} : memref<256x32xf32, #tpu.memory_space<vmem>>, vector<16xf32>,
    %swap3A_220 = arith.constant 25 : i32
    %swap3A_221 = arith.index_cast %swap3A_220 : i32 to index
    %swap3A_222 = arith.constant 16 : index
    %swap3A_223 = tpu.vector_load %arg19[%swap3A_221, %swap3A_222] {strides = array<i32>} : memref<256x32xf32, #tpu.memory_space<vmem>>, vector<16xf32>,
    tpu.vector_store %arg19[%swap3A_221, %swap3A_222], %broadcast_in_dim3A_0 {strides = array<i32>} : memref<256x32xf32, #tpu.memory_space<vmem>>, vector<16xf32>,
    %swap3A_224 = arith.constant 26 : i32
    %swap3A_225 = arith.index_cast %swap3A_224 : i32 to index
    %swap3A_226 = arith.constant 0 : index
    %swap3A_227 = tpu.vector_load %arg19[%swap3A_225, %swap3A_226] {strides = array<i32>} : memref<256x32xf32, #tpu.memory_space<vmem>>, vector<16xf32>,
    tpu.vector_store %arg19[%swap3A_225, %swap3A_226], %broadcast_in_dim3A_0 {strides = array<i32>} : memref<256x32xf32, #tpu.memory_space<vmem>>, vector<16xf32>,
    %swap3A_228 = arith.constant 26 : i32
    %swap3A_229 = arith.index_cast %swap3A_228 : i32 to index
    %swap3A_230 = arith.constant 16 : index
    %swap3A_231 = tpu.vector_load %arg19[%swap3A_229, %swap3A_230] {strides = array<i32>} : memref<256x32xf32, #tpu.memory_space<vmem>>, vector<16xf32>,
    tpu.vector_store %arg19[%swap3A_229, %swap3A_230], %broadcast_in_dim3A_0 {strides = array<i32>} : memref<256x32xf32, #tpu.memory_space<vmem>>, vector<16xf32>,
    %swap3A_232 = arith.constant 27 : i32
    %swap3A_233 = arith.index_cast %swap3A_232 : i32 to index
    %swap3A_234 = arith.constant 0 : index
    %swap3A_235 = tpu.vector_load %arg19[%swap3A_233, %swap3A_234] {strides = array<i32>} : memref<256x32xf32, #tpu.memory_space<vmem>>, vector<16xf32>,
    tpu.vector_store %arg19[%swap3A_233, %swap3A_234], %broadcast_in_dim3A_0 {strides = array<i32>} : memref<256x32xf32, #tpu.memory_space<vmem>>, vector<16xf32>,
    %swap3A_236 = arith.constant 27 : i32
    %swap3A_237 = arith.index_cast %swap3A_236 : i32 to index
    %swap3A_238 = arith.constant 16 : index
    %swap3A_239 = tpu.vector_load %arg19[%swap3A_237, %swap3A_238] {strides = array<i32>} : memref<256x32xf32, #tpu.memory_space<vmem>>, vector<16xf32>,
    tpu.vector_store %arg19[%swap3A_237, %swap3A_238], %broadcast_in_dim3A_0 {strides = array<i32>} : memref<256x32xf32, #tpu.memory_space<vmem>>, vector<16xf32>,
    %swap3A_240 = arith.constant 28 : i32
    %swap3A_241 = arith.index_cast %swap3A_240 : i32 to index
    %swap3A_242 = arith.constant 0 : index
    %swap3A_243 = tpu.vector_load %arg19[%swap3A_241, %swap3A_242] {strides = array<i32>} : memref<256x32xf32, #tpu.memory_space<vmem>>, vector<16xf32>,
    tpu.vector_store %arg19[%swap3A_241, %swap3A_242], %broadcast_in_dim3A_0 {strides = array<i32>} : memref<256x32xf32, #tpu.memory_space<vmem>>, vector<16xf32>,
    %swap3A_244 = arith.constant 28 : i32
    %swap3A_245 = arith.index_cast %swap3A_244 : i32 to index
    %swap3A_246 = arith.constant 16 : index
    %swap3A_247 = tpu.vector_load %arg19[%swap3A_245, %swap3A_246] {strides = array<i32>} : memref<256x32xf32, #tpu.memory_space<vmem>>, vector<16xf32>,
    tpu.vector_store %arg19[%swap3A_245, %swap3A_246], %broadcast_in_dim3A_0 {strides = array<i32>} : memref<256x32xf32, #tpu.memory_space<vmem>>, vector<16xf32>,
    %swap3A_248 = arith.constant 29 : i32
    %swap3A_249 = arith.index_cast %swap3A_248 : i32 to index
    %swap3A_250 = arith.constant 0 : index
    %swap3A_251 = tpu.vector_load %arg19[%swap3A_249, %swap3A_250] {strides = array<i32>} : memref<256x32xf32, #tpu.memory_space<vmem>>, vector<16xf32>,
    tpu.vector_store %arg19[%swap3A_249, %swap3A_250], %broadcast_in_dim3A_0 {strides = array<i32>} : memref<256x32xf32, #tpu.memory_space<vmem>>, vector<16xf32>,
    %swap3A_252 = arith.constant 29 : i32
    %swap3A_253 = arith.index_cast %swap3A_252 : i32 to index
    %swap3A_254 = arith.constant 16 : index
    %swap3A_255 = tpu.vector_load %arg19[%swap3A_253, %swap3A_254] {strides = array<i32>} : memref<256x32xf32, #tpu.memory_space<vmem>>, vector<16xf32>,
    tpu.vector_store %arg19[%swap3A_253, %swap3A_254], %broadcast_in_dim3A_0 {strides = array<i32>} : memref<256x32xf32, #tpu.memory_space<vmem>>, vector<16xf32>,
    %swap3A_256 = arith.constant 30 : i32
    %swap3A_257 = arith.index_cast %swap3A_256 : i32 to index
    %swap3A_258 = arith.constant 0 : index
    %swap3A_259 = tpu.vector_load %arg19[%swap3A_257, %swap3A_258] {strides = array<i32>} : memref<256x32xf32, #tpu.memory_space<vmem>>, vector<16xf32>,
    tpu.vector_store %arg19[%swap3A_257, %swap3A_258], %broadcast_in_dim3A_0 {strides = array<i32>} : memref<256x32xf32, #tpu.memory_space<vmem>>, vector<16xf32>,
    %swap3A_260 = arith.constant 30 : i32
    %swap3A_261 = arith.index_cast %swap3A_260 : i32 to index
    %swap3A_262 = arith.constant 16 : index
    %swap3A_263 = tpu.vector_load %arg19[%swap3A_261, %swap3A_262] {strides = array<i32>} : memref<256x32xf32, #tpu.memory_space<vmem>>, vector<16xf32>,
    tpu.vector_store %arg19[%swap3A_261, %swap3A_262], %broadcast_in_dim3A_0 {strides = array<i32>} : memref<256x32xf32, #tpu.memory_space<vmem>>, vector<16xf32>,
    %swap3A_264 = arith.constant 31 : i32
    %swap3A_265 = arith.index_cast %swap3A_264 : i32 to index
    %swap3A_266 = arith.constant 0 : index
    %swap3A_267 = tpu.vector_load %arg19[%swap3A_265, %swap3A_266] {strides = array<i32>} : memref<256x32xf32, #tpu.memory_space<vmem>>, vector<16xf32>,
    tpu.vector_store %arg19[%swap3A_265, %swap3A_266], %broadcast_in_dim3A_0 {strides = array<i32>} : memref<256x32xf32, #tpu.memory_space<vmem>>, vector<16xf32>,
    %swap3A_268 = arith.constant 31 : i32
    %swap3A_269 = arith.index_cast %swap3A_268 : i32 to index
    %swap3A_270 = arith.constant 16 : index
    %swap3A_271 = tpu.vector_load %arg19[%swap3A_269, %swap3A_270] {strides = array<i32>} : memref<256x32xf32, #tpu.memory_space<vmem>>, vector<16xf32>,
    tpu.vector_store %arg19[%swap3A_269, %swap3A_270], %broadcast_in_dim3A_0 {strides = array<i32>} : memref<256x32xf32, #tpu.memory_space<vmem>>, vector<16xf32>,
    %swap3A_272 = arith.constant 32 : i32
    %swap3A_273 = arith.index_cast %swap3A_272 : i32 to index
    %swap3A_274 = arith.constant 0 : index
    %swap3A_275 = tpu.vector_load %arg19[%swap3A_273, %swap3A_274] {strides = array<i32>} : memref<256x32xf32, #tpu.memory_space<vmem>>, vector<16xf32>,
    tpu.vector_store %arg19[%swap3A_273, %swap3A_274], %broadcast_in_dim3A_0 {strides = array<i32>} : memref<256x32xf32, #tpu.memory_space<vmem>>, vector<16xf32>,
    %swap3A_276 = arith.constant 32 : i32
    %swap3A_277 = arith.index_cast %swap3A_276 : i32 to index
    %swap3A_278 = arith.constant 16 : index
    %swap3A_279 = tpu.vector_load %arg19[%swap3A_277, %swap3A_278] {strides = array<i32>} : memref<256x32xf32, #tpu.memory_space<vmem>>, vector<16xf32>,
    tpu.vector_store %arg19[%swap3A_277, %swap3A_278], %broadcast_in_dim3A_0 {strides = array<i32>} : memref<256x32xf32, #tpu.memory_space<vmem>>, vector<16xf32>,
    %swap3A_280 = arith.constant 33 : i32
    %swap3A_281 = arith.index_cast %swap3A_280 : i32 to index
    %swap3A_282 = arith.constant 0 : index
    %swap3A_283 = tpu.vector_load %arg19[%swap3A_281, %swap3A_282] {strides = array<i32>} : memref<256x32xf32, #tpu.memory_space<vmem>>, vector<16xf32>,
    tpu.vector_store %arg19[%swap3A_281, %swap3A_282], %broadcast_in_dim3A_0 {strides = array<i32>} : memref<256x32xf32, #tpu.memory_space<vmem>>, vector<16xf32>,
    %swap3A_284 = arith.constant 33 : i32
    %swap3A_285 = arith.index_cast %swap3A_284 : i32 to index
    %swap3A_286 = arith.constant 16 : index
    %swap3A_287 = tpu.vector_load %arg19[%swap3A_285, %swap3A_286] {strides = array<i32>} : memref<256x32xf32, #tpu.memory_space<vmem>>, vector<16xf32>,
    tpu.vector_store %arg19[%swap3A_285, %swap3A_286], %broadcast_in_dim3A_0 {strides = array<i32>} : memref<256x32xf32, #tpu.memory_space<vmem>>, vector<16xf32>,
    %swap3A_288 = arith.constant 34 : i32
    %swap3A_289 = arith.index_cast %swap3A_288 : i32 to index
    %swap3A_290 = arith.constant 0 : index
    %swap3A_291 = tpu.vector_load %arg19[%swap3A_289, %swap3A_290] {strides = array<i32>} : memref<256x32xf32, #tpu.memory_space<vmem>>, vector<16xf32>,
    tpu.vector_store %arg19[%swap3A_289, %swap3A_290], %broadcast_in_dim3A_0 {strides = array<i32>} : memref<256x32xf32, #tpu.memory_space<vmem>>, vector<16xf32>,
    %swap3A_292 = arith.constant 34 : i32
    %swap3A_293 = arith.index_cast %swap3A_292 : i32 to index
    %swap3A_294 = arith.constant 16 : index
    %swap3A_295 = tpu.vector_load %arg19[%swap3A_293, %swap3A_294] {strides = array<i32>} : memref<256x32xf32, #tpu.memory_space<vmem>>, vector<16xf32>,
    tpu.vector_store %arg19[%swap3A_293, %swap3A_294], %broadcast_in_dim3A_0 {strides = array<i32>} : memref<256x32xf32, #tpu.memory_space<vmem>>, vector<16xf32>,
    %swap3A_296 = arith.constant 35 : i32
    %swap3A_297 = arith.index_cast %swap3A_296 : i32 to index
    %swap3A_298 = arith.constant 0 : index
    %swap3A_299 = tpu.vector_load %arg19[%swap3A_297, %swap3A_298] {strides = array<i32>} : memref<256x32xf32, #tpu.memory_space<vmem>>, vector<16xf32>,
    tpu.vector_store %arg19[%swap3A_297, %swap3A_298], %broadcast_in_dim3A_0 {strides = array<i32>} : memref<256x32xf32, #tpu.memory_space<vmem>>, vector<16xf32>,
    %swap3A_300 = arith.constant 35 : i32
    %swap3A_301 = arith.index_cast %swap3A_300 : i32 to index
    %swap3A_302 = arith.constant 16 : index
    %swap3A_303 = tpu.vector_load %arg19[%swap3A_301, %swap3A_302] {strides = array<i32>} : memref<256x32xf32, #tpu.memory_space<vmem>>, vector<16xf32>,
    tpu.vector_store %arg19[%swap3A_301, %swap3A_302], %broadcast_in_dim3A_0 {strides = array<i32>} : memref<256x32xf32, #tpu.memory_space<vmem>>, vector<16xf32>,
    %swap3A_304 = arith.constant 36 : i32
    %swap3A_305 = arith.index_cast %swap3A_304 : i32 to index
    %swap3A_306 = arith.constant 0 : index
    %swap3A_307 = tpu.vector_load %arg19[%swap3A_305, %swap3A_306] {strides = array<i32>} : memref<256x32xf32, #tpu.memory_space<vmem>>, vector<16xf32>,
    tpu.vector_store %arg19[%swap3A_305, %swap3A_306], %broadcast_in_dim3A_0 {strides = array<i32>} : memref<256x32xf32, #tpu.memory_space<vmem>>, vector<16xf32>,
    %swap3A_308 = arith.constant 36 : i32
    %swap3A_309 = arith.index_cast %swap3A_308 : i32 to index
    %swap3A_310 = arith.constant 16 : index
    %swap3A_311 = tpu.vector_load %arg19[%swap3A_309, %swap3A_310] {strides = array<i32>} : memref<256x32xf32, #tpu.memory_space<vmem>>, vector<16xf32>,
    tpu.vector_store %arg19[%swap3A_309, %swap3A_310], %broadcast_in_dim3A_0 {strides = array<i32>} : memref<256x32xf32, #tpu.memory_space<vmem>>, vector<16xf32>,
    %swap3A_312 = arith.constant 37 : i32
    %swap3A_313 = arith.index_cast %swap3A_312 : i32 to index
    %swap3A_314 = arith.constant 0 : index
    %swap3A_315 = tpu.vector_load %arg19[%swap3A_313, %swap3A_314] {strides = array<i32>} : memref<256x32xf32, #tpu.memory_space<vmem>>, vector<16xf32>,
    tpu.vector_store %arg19[%swap3A_313, %swap3A_314], %broadcast_in_dim3A_0 {strides = array<i32>} : memref<256x32xf32, #tpu.memory_space<vmem>>, vector<16xf32>,
    %swap3A_316 = arith.constant 37 : i32
    %swap3A_317 = arith.index_cast %swap3A_316 : i32 to index
    %swap3A_318 = arith.constant 16 : index
    %swap3A_319 = tpu.vector_load %arg19[%swap3A_317, %swap3A_318] {strides = array<i32>} : memref<256x32xf32, #tpu.memory_space<vmem>>, vector<16xf32>,
    tpu.vector_store %arg19[%swap3A_317, %swap3A_318], %broadcast_in_dim3A_0 {strides = array<i32>} : memref<256x32xf32, #tpu.memory_space<vmem>>, vector<16xf32>,
    %swap3A_320 = arith.constant 38 : i32
    %swap3A_321 = arith.index_cast %swap3A_320 : i32 to index
    %swap3A_322 = arith.constant 0 : index
    %swap3A_323 = tpu.vector_load %arg19[%swap3A_321, %swap3A_322] {strides = array<i32>} : memref<256x32xf32, #tpu.memory_space<vmem>>, vector<16xf32>,
    tpu.vector_store %arg19[%swap3A_321, %swap3A_322], %broadcast_in_dim3A_0 {strides = array<i32>} : memref<256x32xf32, #tpu.memory_space<vmem>>, vector<16xf32>,
    %swap3A_324 = arith.constant 38 : i32
    %swap3A_325 = arith.index_cast %swap3A_324 : i32 to index
    %swap3A_326 = arith.constant 16 : index
    %swap3A_327 = tpu.vector_load %arg19[%swap3A_325, %swap3A_326] {strides = array<i32>} : memref<256x32xf32, #tpu.memory_space<vmem>>, vector<16xf32>,
    tpu.vector_store %arg19[%swap3A_325, %swap3A_326], %broadcast_in_dim3A_0 {strides = array<i32>} : memref<256x32xf32, #tpu.memory_space<vmem>>, vector<16xf32>,
    %swap3A_328 = arith.constant 39 : i32
    %swap3A_329 = arith.index_cast %swap3A_328 : i32 to index
    %swap3A_330 = arith.constant 0 : index
    %swap3A_331 = tpu.vector_load %arg19[%swap3A_329, %swap3A_330] {strides = array<i32>} : memref<256x32xf32, #tpu.memory_space<vmem>>, vector<16xf32>,
    tpu.vector_store %arg19[%swap3A_329, %swap3A_330], %broadcast_in_dim3A_0 {strides = array<i32>} : memref<256x32xf32, #tpu.memory_space<vmem>>, vector<16xf32>,
    %swap3A_332 = arith.constant 39 : i32
    %swap3A_333 = arith.index_cast %swap3A_332 : i32 to index
    %swap3A_334 = arith.constant 16 : index
    %swap3A_335 = tpu.vector_load %arg19[%swap3A_333, %swap3A_334] {strides = array<i32>} : memref<256x32xf32, #tpu.memory_space<vmem>>, vector<16xf32>,
    tpu.vector_store %arg19[%swap3A_333, %swap3A_334], %broadcast_in_dim3A_0 {strides = array<i32>} : memref<256x32xf32, #tpu.memory_space<vmem>>, vector<16xf32>,
    %swap3A_336 = arith.constant 40 : i32
    %swap3A_337 = arith.index_cast %swap3A_336 : i32 to index
    %swap3A_338 = arith.constant 0 : index
    %swap3A_339 = tpu.vector_load %arg19[%swap3A_337, %swap3A_338] {strides = array<i32>} : memref<256x32xf32, #tpu.memory_space<vmem>>, vector<16xf32>,
    tpu.vector_store %arg19[%swap3A_337, %swap3A_338], %broadcast_in_dim3A_0 {strides = array<i32>} : memref<256x32xf32, #tpu.memory_space<vmem>>, vector<16xf32>,
    %swap3A_340 = arith.constant 40 : i32
    %swap3A_341 = arith.index_cast %swap3A_340 : i32 to index
    %swap3A_342 = arith.constant 16 : index
    %swap3A_343 = tpu.vector_load %arg19[%swap3A_341, %swap3A_342] {strides = array<i32>} : memref<256x32xf32, #tpu.memory_space<vmem>>, vector<16xf32>,
    tpu.vector_store %arg19[%swap3A_341, %swap3A_342], %broadcast_in_dim3A_0 {strides = array<i32>} : memref<256x32xf32, #tpu.memory_space<vmem>>, vector<16xf32>,
    %swap3A_344 = arith.constant 41 : i32
    %swap3A_345 = arith.index_cast %swap3A_344 : i32 to index
    %swap3A_346 = arith.constant 0 : index
    %swap3A_347 = tpu.vector_load %arg19[%swap3A_345, %swap3A_346] {strides = array<i32>} : memref<256x32xf32, #tpu.memory_space<vmem>>, vector<16xf32>,
    tpu.vector_store %arg19[%swap3A_345, %swap3A_346], %broadcast_in_dim3A_0 {strides = array<i32>} : memref<256x32xf32, #tpu.memory_space<vmem>>, vector<16xf32>,
    %swap3A_348 = arith.constant 41 : i32
    %swap3A_349 = arith.index_cast %swap3A_348 : i32 to index
    %swap3A_350 = arith.constant 16 : index
    %swap3A_351 = tpu.vector_load %arg19[%swap3A_349, %swap3A_350] {strides = array<i32>} : memref<256x32xf32, #tpu.memory_space<vmem>>, vector<16xf32>,
    tpu.vector_store %arg19[%swap3A_349, %swap3A_350], %broadcast_in_dim3A_0 {strides = array<i32>} : memref<256x32xf32, #tpu.memory_space<vmem>>, vector<16xf32>,
    %swap3A_352 = arith.constant 42 : i32
    %swap3A_353 = arith.index_cast %swap3A_352 : i32 to index
    %swap3A_354 = arith.constant 0 : index
    %swap3A_355 = tpu.vector_load %arg19[%swap3A_353, %swap3A_354] {strides = array<i32>} : memref<256x32xf32, #tpu.memory_space<vmem>>, vector<16xf32>,
    tpu.vector_store %arg19[%swap3A_353, %swap3A_354], %broadcast_in_dim3A_0 {strides = array<i32>} : memref<256x32xf32, #tpu.memory_space<vmem>>, vector<16xf32>,
    %swap3A_356 = arith.constant 42 : i32
    %swap3A_357 = arith.index_cast %swap3A_356 : i32 to index
    %swap3A_358 = arith.constant 16 : index
    %swap3A_359 = tpu.vector_load %arg19[%swap3A_357, %swap3A_358] {strides = array<i32>} : memref<256x32xf32, #tpu.memory_space<vmem>>, vector<16xf32>,
    tpu.vector_store %arg19[%swap3A_357, %swap3A_358], %broadcast_in_dim3A_0 {strides = array<i32>} : memref<256x32xf32, #tpu.memory_space<vmem>>, vector<16xf32>,
    %swap3A_360 = arith.constant 43 : i32
    %swap3A_361 = arith.index_cast %swap3A_360 : i32 to index
    %swap3A_362 = arith.constant 0 : index
    %swap3A_363 = tpu.vector_load %arg19[%swap3A_361, %swap3A_362] {strides = array<i32>} : memref<256x32xf32, #tpu.memory_space<vmem>>, vector<16xf32>,
    tpu.vector_store %arg19[%swap3A_361, %swap3A_362], %broadcast_in_dim3A_0 {strides = array<i32>} : memref<256x32xf32, #tpu.memory_space<vmem>>, vector<16xf32>,
    %swap3A_364 = arith.constant 43 : i32
    %swap3A_365 = arith.index_cast %swap3A_364 : i32 to index
    %swap3A_366 = arith.constant 16 : index
    %swap3A_367 = tpu.vector_load %arg19[%swap3A_365, %swap3A_366] {strides = array<i32>} : memref<256x32xf32, #tpu.memory_space<vmem>>, vector<16xf32>,
    tpu.vector_store %arg19[%swap3A_365, %swap3A_366], %broadcast_in_dim3A_0 {strides = array<i32>} : memref<256x32xf32, #tpu.memory_space<vmem>>, vector<16xf32>,
    %swap3A_368 = arith.constant 44 : i32
    %swap3A_369 = arith.index_cast %swap3A_368 : i32 to index
    %swap3A_370 = arith.constant 0 : index
    %swap3A_371 = tpu.vector_load %arg19[%swap3A_369, %swap3A_370] {strides = array<i32>} : memref<256x32xf32, #tpu.memory_space<vmem>>, vector<16xf32>,
    tpu.vector_store %arg19[%swap3A_369, %swap3A_370], %broadcast_in_dim3A_0 {strides = array<i32>} : memref<256x32xf32, #tpu.memory_space<vmem>>, vector<16xf32>,
    %swap3A_372 = arith.constant 44 : i32
    %swap3A_373 = arith.index_cast %swap3A_372 : i32 to index
    %swap3A_374 = arith.constant 16 : index
    %swap3A_375 = tpu.vector_load %arg19[%swap3A_373, %swap3A_374] {strides = array<i32>} : memref<256x32xf32, #tpu.memory_space<vmem>>, vector<16xf32>,
    tpu.vector_store %arg19[%swap3A_373, %swap3A_374], %broadcast_in_dim3A_0 {strides = array<i32>} : memref<256x32xf32, #tpu.memory_space<vmem>>, vector<16xf32>,
    %swap3A_376 = arith.constant 45 : i32
    %swap3A_377 = arith.index_cast %swap3A_376 : i32 to index
    %swap3A_378 = arith.constant 0 : index
    %swap3A_379 = tpu.vector_load %arg19[%swap3A_377, %swap3A_378] {strides = array<i32>} : memref<256x32xf32, #tpu.memory_space<vmem>>, vector<16xf32>,
    tpu.vector_store %arg19[%swap3A_377, %swap3A_378], %broadcast_in_dim3A_0 {strides = array<i32>} : memref<256x32xf32, #tpu.memory_space<vmem>>, vector<16xf32>,
    %swap3A_380 = arith.constant 45 : i32
    %swap3A_381 = arith.index_cast %swap3A_380 : i32 to index
    %swap3A_382 = arith.constant 16 : index
    %swap3A_383 = tpu.vector_load %arg19[%swap3A_381, %swap3A_382] {strides = array<i32>} : memref<256x32xf32, #tpu.memory_space<vmem>>, vector<16xf32>,
    tpu.vector_store %arg19[%swap3A_381, %swap3A_382], %broadcast_in_dim3A_0 {strides = array<i32>} : memref<256x32xf32, #tpu.memory_space<vmem>>, vector<16xf32>,
    %swap3A_384 = arith.constant 46 : i32
    %swap3A_385 = arith.index_cast %swap3A_384 : i32 to index
    %swap3A_386 = arith.constant 0 : index
    %swap3A_387 = tpu.vector_load %arg19[%swap3A_385, %swap3A_386] {strides = array<i32>} : memref<256x32xf32, #tpu.memory_space<vmem>>, vector<16xf32>,
    tpu.vector_store %arg19[%swap3A_385, %swap3A_386], %broadcast_in_dim3A_0 {strides = array<i32>} : memref<256x32xf32, #tpu.memory_space<vmem>>, vector<16xf32>,
    %swap3A_388 = arith.constant 46 : i32
    %swap3A_389 = arith.index_cast %swap3A_388 : i32 to index
    %swap3A_390 = arith.constant 16 : index
    %swap3A_391 = tpu.vector_load %arg19[%swap3A_389, %swap3A_390] {strides = array<i32>} : memref<256x32xf32, #tpu.memory_space<vmem>>, vector<16xf32>,
    tpu.vector_store %arg19[%swap3A_389, %swap3A_390], %broadcast_in_dim3A_0 {strides = array<i32>} : memref<256x32xf32, #tpu.memory_space<vmem>>, vector<16xf32>,
    %swap3A_392 = arith.constant 47 : i32
    %swap3A_393 = arith.index_cast %swap3A_392 : i32 to index
    %swap3A_394 = arith.constant 0 : index
    %swap3A_395 = tpu.vector_load %arg19[%swap3A_393, %swap3A_394] {strides = array<i32>} : memref<256x32xf32, #tpu.memory_space<vmem>>, vector<16xf32>,
    tpu.vector_store %arg19[%swap3A_393, %swap3A_394], %broadcast_in_dim3A_0 {strides = array<i32>} : memref<256x32xf32, #tpu.memory_space<vmem>>, vector<16xf32>,
    %swap3A_396 = arith.constant 47 : i32
    %swap3A_397 = arith.index_cast %swap3A_396 : i32 to index
    %swap3A_398 = arith.constant 16 : index
    %swap3A_399 = tpu.vector_load %arg19[%swap3A_397, %swap3A_398] {strides = array<i32>} : memref<256x32xf32, #tpu.memory_space<vmem>>, vector<16xf32>,
    tpu.vector_store %arg19[%swap3A_397, %swap3A_398], %broadcast_in_dim3A_0 {strides = array<i32>} : memref<256x32xf32, #tpu.memory_space<vmem>>, vector<16xf32>,
    %swap3A_400 = arith.constant 48 : i32
    %swap3A_401 = arith.index_cast %swap3A_400 : i32 to index
    %swap3A_402 = arith.constant 0 : index
    %swap3A_403 = tpu.vector_load %arg19[%swap3A_401, %swap3A_402] {strides = array<i32>} : memref<256x32xf32, #tpu.memory_space<vmem>>, vector<16xf32>,
    tpu.vector_store %arg19[%swap3A_401, %swap3A_402], %broadcast_in_dim3A_0 {strides = array<i32>} : memref<256x32xf32, #tpu.memory_space<vmem>>, vector<16xf32>,
    %swap3A_404 = arith.constant 48 : i32
    %swap3A_405 = arith.index_cast %swap3A_404 : i32 to index
    %swap3A_406 = arith.constant 16 : index
    %swap3A_407 = tpu.vector_load %arg19[%swap3A_405, %swap3A_406] {strides = array<i32>} : memref<256x32xf32, #tpu.memory_space<vmem>>, vector<16xf32>,
    tpu.vector_store %arg19[%swap3A_405, %swap3A_406], %broadcast_in_dim3A_0 {strides = array<i32>} : memref<256x32xf32, #tpu.memory_space<vmem>>, vector<16xf32>,
    %swap3A_408 = arith.constant 49 : i32
    %swap3A_409 = arith.index_cast %swap3A_408 : i32 to index
    %swap3A_410 = arith.constant 0 : index
    %swap3A_411 = tpu.vector_load %arg19[%swap3A_409, %swap3A_410] {strides = array<i32>} : memref<256x32xf32, #tpu.memory_space<vmem>>, vector<16xf32>,
    tpu.vector_store %arg19[%swap3A_409, %swap3A_410], %broadcast_in_dim3A_0 {strides = array<i32>} : memref<256x32xf32, #tpu.memory_space<vmem>>, vector<16xf32>,
    %swap3A_412 = arith.constant 49 : i32
    %swap3A_413 = arith.index_cast %swap3A_412 : i32 to index
    %swap3A_414 = arith.constant 16 : index
    %swap3A_415 = tpu.vector_load %arg19[%swap3A_413, %swap3A_414] {strides = array<i32>} : memref<256x32xf32, #tpu.memory_space<vmem>>, vector<16xf32>,
    tpu.vector_store %arg19[%swap3A_413, %swap3A_414], %broadcast_in_dim3A_0 {strides = array<i32>} : memref<256x32xf32, #tpu.memory_space<vmem>>, vector<16xf32>,
    %swap3A_416 = arith.constant 50 : i32
    %swap3A_417 = arith.index_cast %swap3A_416 : i32 to index
    %swap3A_418 = arith.constant 0 : index
    %swap3A_419 = tpu.vector_load %arg19[%swap3A_417, %swap3A_418] {strides = array<i32>} : memref<256x32xf32, #tpu.memory_space<vmem>>, vector<16xf32>,
    tpu.vector_store %arg19[%swap3A_417, %swap3A_418], %broadcast_in_dim3A_0 {strides = array<i32>} : memref<256x32xf32, #tpu.memory_space<vmem>>, vector<16xf32>,
    %swap3A_420 = arith.constant 50 : i32
    %swap3A_421 = arith.index_cast %swap3A_420 : i32 to index
    %swap3A_422 = arith.constant 16 : index
    %swap3A_423 = tpu.vector_load %arg19[%swap3A_421, %swap3A_422] {strides = array<i32>} : memref<256x32xf32, #tpu.memory_space<vmem>>, vector<16xf32>,
    tpu.vector_store %arg19[%swap3A_421, %swap3A_422], %broadcast_in_dim3A_0 {strides = array<i32>} : memref<256x32xf32, #tpu.memory_space<vmem>>, vector<16xf32>,
    %swap3A_424 = arith.constant 51 : i32
    %swap3A_425 = arith.index_cast %swap3A_424 : i32 to index
    %swap3A_426 = arith.constant 0 : index
    %swap3A_427 = tpu.vector_load %arg19[%swap3A_425, %swap3A_426] {strides = array<i32>} : memref<256x32xf32, #tpu.memory_space<vmem>>, vector<16xf32>,
    tpu.vector_store %arg19[%swap3A_425, %swap3A_426], %broadcast_in_dim3A_0 {strides = array<i32>} : memref<256x32xf32, #tpu.memory_space<vmem>>, vector<16xf32>,
    %swap3A_428 = arith.constant 51 : i32
    %swap3A_429 = arith.index_cast %swap3A_428 : i32 to index
    %swap3A_430 = arith.constant 16 : index
    %swap3A_431 = tpu.vector_load %arg19[%swap3A_429, %swap3A_430] {strides = array<i32>} : memref<256x32xf32, #tpu.memory_space<vmem>>, vector<16xf32>,
    tpu.vector_store %arg19[%swap3A_429, %swap3A_430], %broadcast_in_dim3A_0 {strides = array<i32>} : memref<256x32xf32, #tpu.memory_space<vmem>>, vector<16xf32>,
    %swap3A_432 = arith.constant 52 : i32
    %swap3A_433 = arith.index_cast %swap3A_432 : i32 to index
    %swap3A_434 = arith.constant 0 : index
    %swap3A_435 = tpu.vector_load %arg19[%swap3A_433, %swap3A_434] {strides = array<i32>} : memref<256x32xf32, #tpu.memory_space<vmem>>, vector<16xf32>,
    tpu.vector_store %arg19[%swap3A_433, %swap3A_434], %broadcast_in_dim3A_0 {strides = array<i32>} : memref<256x32xf32, #tpu.memory_space<vmem>>, vector<16xf32>,
    %swap3A_436 = arith.constant 52 : i32
    %swap3A_437 = arith.index_cast %swap3A_436 : i32 to index
    %swap3A_438 = arith.constant 16 : index
    %swap3A_439 = tpu.vector_load %arg19[%swap3A_437, %swap3A_438] {strides = array<i32>} : memref<256x32xf32, #tpu.memory_space<vmem>>, vector<16xf32>,
    tpu.vector_store %arg19[%swap3A_437, %swap3A_438], %broadcast_in_dim3A_0 {strides = array<i32>} : memref<256x32xf32, #tpu.memory_space<vmem>>, vector<16xf32>,
    %swap3A_440 = arith.constant 53 : i32
    %swap3A_441 = arith.index_cast %swap3A_440 : i32 to index
    %swap3A_442 = arith.constant 0 : index
    %swap3A_443 = tpu.vector_load %arg19[%swap3A_441, %swap3A_442] {strides = array<i32>} : memref<256x32xf32, #tpu.memory_space<vmem>>, vector<16xf32>,
    tpu.vector_store %arg19[%swap3A_441, %swap3A_442], %broadcast_in_dim3A_0 {strides = array<i32>} : memref<256x32xf32, #tpu.memory_space<vmem>>, vector<16xf32>,
    %swap3A_444 = arith.constant 53 : i32
    %swap3A_445 = arith.index_cast %swap3A_444 : i32 to index
    %swap3A_446 = arith.constant 16 : index
    %swap3A_447 = tpu.vector_load %arg19[%swap3A_445, %swap3A_446] {strides = array<i32>} : memref<256x32xf32, #tpu.memory_space<vmem>>, vector<16xf32>,
    tpu.vector_store %arg19[%swap3A_445, %swap3A_446], %broadcast_in_dim3A_0 {strides = array<i32>} : memref<256x32xf32, #tpu.memory_space<vmem>>, vector<16xf32>,
    %swap3A_448 = arith.constant 54 : i32
    %swap3A_449 = arith.index_cast %swap3A_448 : i32 to index
    %swap3A_450 = arith.constant 0 : index
    %swap3A_451 = tpu.vector_load %arg19[%swap3A_449, %swap3A_450] {strides = array<i32>} : memref<256x32xf32, #tpu.memory_space<vmem>>, vector<16xf32>,
    tpu.vector_store %arg19[%swap3A_449, %swap3A_450], %broadcast_in_dim3A_0 {strides = array<i32>} : memref<256x32xf32, #tpu.memory_space<vmem>>, vector<16xf32>,
    %swap3A_452 = arith.constant 54 : i32
    %swap3A_453 = arith.index_cast %swap3A_452 : i32 to index
    %swap3A_454 = arith.constant 16 : index
    %swap3A_455 = tpu.vector_load %arg19[%swap3A_453, %swap3A_454] {strides = array<i32>} : memref<256x32xf32, #tpu.memory_space<vmem>>, vector<16xf32>,
    tpu.vector_store %arg19[%swap3A_453, %swap3A_454], %broadcast_in_dim3A_0 {strides = array<i32>} : memref<256x32xf32, #tpu.memory_space<vmem>>, vector<16xf32>,
    %swap3A_456 = arith.constant 55 : i32
    %swap3A_457 = arith.index_cast %swap3A_456 : i32 to index
    %swap3A_458 = arith.constant 0 : index
    %swap3A_459 = tpu.vector_load %arg19[%swap3A_457, %swap3A_458] {strides = array<i32>} : memref<256x32xf32, #tpu.memory_space<vmem>>, vector<16xf32>,
    tpu.vector_store %arg19[%swap3A_457, %swap3A_458], %broadcast_in_dim3A_0 {strides = array<i32>} : memref<256x32xf32, #tpu.memory_space<vmem>>, vector<16xf32>,
    %swap3A_460 = arith.constant 55 : i32
    %swap3A_461 = arith.index_cast %swap3A_460 : i32 to index
    %swap3A_462 = arith.constant 16 : index
    %swap3A_463 = tpu.vector_load %arg19[%swap3A_461, %swap3A_462] {strides = array<i32>} : memref<256x32xf32, #tpu.memory_space<vmem>>, vector<16xf32>,
    tpu.vector_store %arg19[%swap3A_461, %swap3A_462], %broadcast_in_dim3A_0 {strides = array<i32>} : memref<256x32xf32, #tpu.memory_space<vmem>>, vector<16xf32>,
    %swap3A_464 = arith.constant 56 : i32
    %swap3A_465 = arith.index_cast %swap3A_464 : i32 to index
    %swap3A_466 = arith.constant 0 : index
    %swap3A_467 = tpu.vector_load %arg19[%swap3A_465, %swap3A_466] {strides = array<i32>} : memref<256x32xf32, #tpu.memory_space<vmem>>, vector<16xf32>,
    tpu.vector_store %arg19[%swap3A_465, %swap3A_466], %broadcast_in_dim3A_0 {strides = array<i32>} : memref<256x32xf32, #tpu.memory_space<vmem>>, vector<16xf32>,
    %swap3A_468 = arith.constant 56 : i32
    %swap3A_469 = arith.index_cast %swap3A_468 : i32 to index
    %swap3A_470 = arith.constant 16 : index
    %swap3A_471 = tpu.vector_load %arg19[%swap3A_469, %swap3A_470] {strides = array<i32>} : memref<256x32xf32, #tpu.memory_space<vmem>>, vector<16xf32>,
    tpu.vector_store %arg19[%swap3A_469, %swap3A_470], %broadcast_in_dim3A_0 {strides = array<i32>} : memref<256x32xf32, #tpu.memory_space<vmem>>, vector<16xf32>,
    %swap3A_472 = arith.constant 57 : i32
    %swap3A_473 = arith.index_cast %swap3A_472 : i32 to index
    %swap3A_474 = arith.constant 0 : index
    %swap3A_475 = tpu.vector_load %arg19[%swap3A_473, %swap3A_474] {strides = array<i32>} : memref<256x32xf32, #tpu.memory_space<vmem>>, vector<16xf32>,
    tpu.vector_store %arg19[%swap3A_473, %swap3A_474], %broadcast_in_dim3A_0 {strides = array<i32>} : memref<256x32xf32, #tpu.memory_space<vmem>>, vector<16xf32>,
    %swap3A_476 = arith.constant 57 : i32
    %swap3A_477 = arith.index_cast %swap3A_476 : i32 to index
    %swap3A_478 = arith.constant 16 : index
    %swap3A_479 = tpu.vector_load %arg19[%swap3A_477, %swap3A_478] {strides = array<i32>} : memref<256x32xf32, #tpu.memory_space<vmem>>, vector<16xf32>,
    tpu.vector_store %arg19[%swap3A_477, %swap3A_478], %broadcast_in_dim3A_0 {strides = array<i32>} : memref<256x32xf32, #tpu.memory_space<vmem>>, vector<16xf32>,
    %swap3A_480 = arith.constant 58 : i32
    %swap3A_481 = arith.index_cast %swap3A_480 : i32 to index
    %swap3A_482 = arith.constant 0 : index
    %swap3A_483 = tpu.vector_load %arg19[%swap3A_481, %swap3A_482] {strides = array<i32>} : memref<256x32xf32, #tpu.memory_space<vmem>>, vector<16xf32>,
    tpu.vector_store %arg19[%swap3A_481, %swap3A_482], %broadcast_in_dim3A_0 {strides = array<i32>} : memref<256x32xf32, #tpu.memory_space<vmem>>, vector<16xf32>,
    %swap3A_484 = arith.constant 58 : i32
    %swap3A_485 = arith.index_cast %swap3A_484 : i32 to index
    %swap3A_486 = arith.constant 16 : index
    %swap3A_487 = tpu.vector_load %arg19[%swap3A_485, %swap3A_486] {strides = array<i32>} : memref<256x32xf32, #tpu.memory_space<vmem>>, vector<16xf32>,
    tpu.vector_store %arg19[%swap3A_485, %swap3A_486], %broadcast_in_dim3A_0 {strides = array<i32>} : memref<256x32xf32, #tpu.memory_space<vmem>>, vector<16xf32>,
    %swap3A_488 = arith.constant 59 : i32
    %swap3A_489 = arith.index_cast %swap3A_488 : i32 to index
    %swap3A_490 = arith.constant 0 : index
    %swap3A_491 = tpu.vector_load %arg19[%swap3A_489, %swap3A_490] {strides = array<i32>} : memref<256x32xf32, #tpu.memory_space<vmem>>, vector<16xf32>,
    tpu.vector_store %arg19[%swap3A_489, %swap3A_490], %broadcast_in_dim3A_0 {strides = array<i32>} : memref<256x32xf32, #tpu.memory_space<vmem>>, vector<16xf32>,
    %swap3A_492 = arith.constant 59 : i32
    %swap3A_493 = arith.index_cast %swap3A_492 : i32 to index
    %swap3A_494 = arith.constant 16 : index
    %swap3A_495 = tpu.vector_load %arg19[%swap3A_493, %swap3A_494] {strides = array<i32>} : memref<256x32xf32, #tpu.memory_space<vmem>>, vector<16xf32>,
    tpu.vector_store %arg19[%swap3A_493, %swap3A_494], %broadcast_in_dim3A_0 {strides = array<i32>} : memref<256x32xf32, #tpu.memory_space<vmem>>, vector<16xf32>,
    %swap3A_496 = arith.constant 60 : i32
    %swap3A_497 = arith.index_cast %swap3A_496 : i32 to index
    %swap3A_498 = arith.constant 0 : index
    %swap3A_499 = tpu.vector_load %arg19[%swap3A_497, %swap3A_498] {strides = array<i32>} : memref<256x32xf32, #tpu.memory_space<vmem>>, vector<16xf32>,
    tpu.vector_store %arg19[%swap3A_497, %swap3A_498], %broadcast_in_dim3A_0 {strides = array<i32>} : memref<256x32xf32, #tpu.memory_space<vmem>>, vector<16xf32>,
    %swap3A_500 = arith.constant 60 : i32
    %swap3A_501 = arith.index_cast %swap3A_500 : i32 to index
    %swap3A_502 = arith.constant 16 : index
    %swap3A_503 = tpu.vector_load %arg19[%swap3A_501, %swap3A_502] {strides = array<i32>} : memref<256x32xf32, #tpu.memory_space<vmem>>, vector<16xf32>,
    tpu.vector_store %arg19[%swap3A_501, %swap3A_502], %broadcast_in_dim3A_0 {strides = array<i32>} : memref<256x32xf32, #tpu.memory_space<vmem>>, vector<16xf32>,
    %swap3A_504 = arith.constant 61 : i32
    %swap3A_505 = arith.index_cast %swap3A_504 : i32 to index
    %swap3A_506 = arith.constant 0 : index
    %swap3A_507 = tpu.vector_load %arg19[%swap3A_505, %swap3A_506] {strides = array<i32>} : memref<256x32xf32, #tpu.memory_space<vmem>>, vector<16xf32>,
    tpu.vector_store %arg19[%swap3A_505, %swap3A_506], %broadcast_in_dim3A_0 {strides = array<i32>} : memref<256x32xf32, #tpu.memory_space<vmem>>, vector<16xf32>,
    %swap3A_508 = arith.constant 61 : i32
    %swap3A_509 = arith.index_cast %swap3A_508 : i32 to index
    %swap3A_510 = arith.constant 16 : index
    %swap3A_511 = tpu.vector_load %arg19[%swap3A_509, %swap3A_510] {strides = array<i32>} : memref<256x32xf32, #tpu.memory_space<vmem>>, vector<16xf32>,
    tpu.vector_store %arg19[%swap3A_509, %swap3A_510], %broadcast_in_dim3A_0 {strides = array<i32>} : memref<256x32xf32, #tpu.memory_space<vmem>>, vector<16xf32>,
    %swap3A_512 = arith.constant 62 : i32
    %swap3A_513 = arith.index_cast %swap3A_512 : i32 to index
    %swap3A_514 = arith.constant 0 : index
    %swap3A_515 = tpu.vector_load %arg19[%swap3A_513, %swap3A_514] {strides = array<i32>} : memref<256x32xf32, #tpu.memory_space<vmem>>, vector<16xf32>,
    tpu.vector_store %arg19[%swap3A_513, %swap3A_514], %broadcast_in_dim3A_0 {strides = array<i32>} : memref<256x32xf32, #tpu.memory_space<vmem>>, vector<16xf32>,
    %swap3A_516 = arith.constant 62 : i32
    %swap3A_517 = arith.index_cast %swap3A_516 : i32 to index
    %swap3A_518 = arith.constant 16 : index
    %swap3A_519 = tpu.vector_load %arg19[%swap3A_517, %swap3A_518] {strides = array<i32>} : memref<256x32xf32, #tpu.memory_space<vmem>>, vector<16xf32>,
    tpu.vector_store %arg19[%swap3A_517, %swap3A_518], %broadcast_in_dim3A_0 {strides = array<i32>} : memref<256x32xf32, #tpu.memory_space<vmem>>, vector<16xf32>,
    %swap3A_520 = arith.constant 63 : i32
    %swap3A_521 = arith.index_cast %swap3A_520 : i32 to index
    %swap3A_522 = arith.constant 0 : index
    %swap3A_523 = tpu.vector_load %arg19[%swap3A_521, %swap3A_522] {strides = array<i32>} : memref<256x32xf32, #tpu.memory_space<vmem>>, vector<16xf32>,
    tpu.vector_store %arg19[%swap3A_521, %swap3A_522], %broadcast_in_dim3A_0 {strides = array<i32>} : memref<256x32xf32, #tpu.memory_space<vmem>>, vector<16xf32>,
    %swap3A_524 = arith.constant 63 : i32
    %swap3A_525 = arith.index_cast %swap3A_524 : i32 to index
    %swap3A_526 = arith.constant 16 : index
    %swap3A_527 = tpu.vector_load %arg19[%swap3A_525, %swap3A_526] {strides = array<i32>} : memref<256x32xf32, #tpu.memory_space<vmem>>, vector<16xf32>,
    tpu.vector_store %arg19[%swap3A_525, %swap3A_526], %broadcast_in_dim3A_0 {strides = array<i32>} : memref<256x32xf32, #tpu.memory_space<vmem>>, vector<16xf32>,
    %swap3A_528 = arith.constant 64 : i32
    %swap3A_529 = arith.index_cast %swap3A_528 : i32 to index
    %swap3A_530 = arith.constant 0 : index
    %swap3A_531 = tpu.vector_load %arg19[%swap3A_529, %swap3A_530] {strides = array<i32>} : memref<256x32xf32, #tpu.memory_space<vmem>>, vector<16xf32>,
    tpu.vector_store %arg19[%swap3A_529, %swap3A_530], %broadcast_in_dim3A_0 {strides = array<i32>} : memref<256x32xf32, #tpu.memory_space<vmem>>, vector<16xf32>,
    %swap3A_532 = arith.constant 64 : i32
    %swap3A_533 = arith.index_cast %swap3A_532 : i32 to index
    %swap3A_534 = arith.constant 16 : index
    %swap3A_535 = tpu.vector_load %arg19[%swap3A_533, %swap3A_534] {strides = array<i32>} : memref<256x32xf32, #tpu.memory_space<vmem>>, vector<16xf32>,
    tpu.vector_store %arg19[%swap3A_533, %swap3A_534], %broadcast_in_dim3A_0 {strides = array<i32>} : memref<256x32xf32, #tpu.memory_space<vmem>>, vector<16xf32>,
    %swap3A_536 = arith.constant 65 : i32
    %swap3A_537 = arith.index_cast %swap3A_536 : i32 to index
    %swap3A_538 = arith.constant 0 : index
    %swap3A_539 = tpu.vector_load %arg19[%swap3A_537, %swap3A_538] {strides = array<i32>} : memref<256x32xf32, #tpu.memory_space<vmem>>, vector<16xf32>,
    tpu.vector_store %arg19[%swap3A_537, %swap3A_538], %broadcast_in_dim3A_0 {strides = array<i32>} : memref<256x32xf32, #tpu.memory_space<vmem>>, vector<16xf32>,
    %swap3A_540 = arith.constant 65 : i32
    %swap3A_541 = arith.index_cast %swap3A_540 : i32 to index
    %swap3A_542 = arith.constant 16 : index
    %swap3A_543 = tpu.vector_load %arg19[%swap3A_541, %swap3A_542] {strides = array<i32>} : memref<256x32xf32, #tpu.memory_space<vmem>>, vector<16xf32>,
    tpu.vector_store %arg19[%swap3A_541, %swap3A_542], %broadcast_in_dim3A_0 {strides = array<i32>} : memref<256x32xf32, #tpu.memory_space<vmem>>, vector<16xf32>,
    %swap3A_544 = arith.constant 66 : i32
    %swap3A_545 = arith.index_cast %swap3A_544 : i32 to index
    %swap3A_546 = arith.constant 0 : index
    %swap3A_547 = tpu.vector_load %arg19[%swap3A_545, %swap3A_546] {strides = array<i32>} : memref<256x32xf32, #tpu.memory_space<vmem>>, vector<16xf32>,
    tpu.vector_store %arg19[%swap3A_545, %swap3A_546], %broadcast_in_dim3A_0 {strides = array<i32>} : memref<256x32xf32, #tpu.memory_space<vmem>>, vector<16xf32>,
    %swap3A_548 = arith.constant 66 : i32
    %swap3A_549 = arith.index_cast %swap3A_548 : i32 to index
    %swap3A_550 = arith.constant 16 : index
    %swap3A_551 = tpu.vector_load %arg19[%swap3A_549, %swap3A_550] {strides = array<i32>} : memref<256x32xf32, #tpu.memory_space<vmem>>, vector<16xf32>,
    tpu.vector_store %arg19[%swap3A_549, %swap3A_550], %broadcast_in_dim3A_0 {strides = array<i32>} : memref<256x32xf32, #tpu.memory_space<vmem>>, vector<16xf32>,
    %swap3A_552 = arith.constant 67 : i32
    %swap3A_553 = arith.index_cast %swap3A_552 : i32 to index
    %swap3A_554 = arith.constant 0 : index
    %swap3A_555 = tpu.vector_load %arg19[%swap3A_553, %swap3A_554] {strides = array<i32>} : memref<256x32xf32, #tpu.memory_space<vmem>>, vector<16xf32>,
    tpu.vector_store %arg19[%swap3A_553, %swap3A_554], %broadcast_in_dim3A_0 {strides = array<i32>} : memref<256x32xf32, #tpu.memory_space<vmem>>, vector<16xf32>,
    %swap3A_556 = arith.constant 67 : i32
    %swap3A_557 = arith.index_cast %swap3A_556 : i32 to index
    %swap3A_558 = arith.constant 16 : index
    %swap3A_559 = tpu.vector_load %arg19[%swap3A_557, %swap3A_558] {strides = array<i32>} : memref<256x32xf32, #tpu.memory_space<vmem>>, vector<16xf32>,
    tpu.vector_store %arg19[%swap3A_557, %swap3A_558], %broadcast_in_dim3A_0 {strides = array<i32>} : memref<256x32xf32, #tpu.memory_space<vmem>>, vector<16xf32>,
    %swap3A_560 = arith.constant 68 : i32
    %swap3A_561 = arith.index_cast %swap3A_560 : i32 to index
    %swap3A_562 = arith.constant 0 : index
    %swap3A_563 = tpu.vector_load %arg19[%swap3A_561, %swap3A_562] {strides = array<i32>} : memref<256x32xf32, #tpu.memory_space<vmem>>, vector<16xf32>,
    tpu.vector_store %arg19[%swap3A_561, %swap3A_562], %broadcast_in_dim3A_0 {strides = array<i32>} : memref<256x32xf32, #tpu.memory_space<vmem>>, vector<16xf32>,
    %swap3A_564 = arith.constant 68 : i32
    %swap3A_565 = arith.index_cast %swap3A_564 : i32 to index
    %swap3A_566 = arith.constant 16 : index
    %swap3A_567 = tpu.vector_load %arg19[%swap3A_565, %swap3A_566] {strides = array<i32>} : memref<256x32xf32, #tpu.memory_space<vmem>>, vector<16xf32>,
    tpu.vector_store %arg19[%swap3A_565, %swap3A_566], %broadcast_in_dim3A_0 {strides = array<i32>} : memref<256x32xf32, #tpu.memory_space<vmem>>, vector<16xf32>,
    %swap3A_568 = arith.constant 69 : i32
    %swap3A_569 = arith.index_cast %swap3A_568 : i32 to index
    %swap3A_570 = arith.constant 0 : index
    %swap3A_571 = tpu.vector_load %arg19[%swap3A_569, %swap3A_570] {strides = array<i32>} : memref<256x32xf32, #tpu.memory_space<vmem>>, vector<16xf32>,
    tpu.vector_store %arg19[%swap3A_569, %swap3A_570], %broadcast_in_dim3A_0 {strides = array<i32>} : memref<256x32xf32, #tpu.memory_space<vmem>>, vector<16xf32>,
    %swap3A_572 = arith.constant 69 : i32
    %swap3A_573 = arith.index_cast %swap3A_572 : i32 to index
    %swap3A_574 = arith.constant 16 : index
    %swap3A_575 = tpu.vector_load %arg19[%swap3A_573, %swap3A_574] {strides = array<i32>} : memref<256x32xf32, #tpu.memory_space<vmem>>, vector<16xf32>,
    tpu.vector_store %arg19[%swap3A_573, %swap3A_574], %broadcast_in_dim3A_0 {strides = array<i32>} : memref<256x32xf32, #tpu.memory_space<vmem>>, vector<16xf32>,
    %swap3A_576 = arith.constant 70 : i32
    %swap3A_577 = arith.index_cast %swap3A_576 : i32 to index
    %swap3A_578 = arith.constant 0 : index
    %swap3A_579 = tpu.vector_load %arg19[%swap3A_577, %swap3A_578] {strides = array<i32>} : memref<256x32xf32, #tpu.memory_space<vmem>>, vector<16xf32>,
    tpu.vector_store %arg19[%swap3A_577, %swap3A_578], %broadcast_in_dim3A_0 {strides = array<i32>} : memref<256x32xf32, #tpu.memory_space<vmem>>, vector<16xf32>,
    %swap3A_580 = arith.constant 70 : i32
    %swap3A_581 = arith.index_cast %swap3A_580 : i32 to index
    %swap3A_582 = arith.constant 16 : index
    %swap3A_583 = tpu.vector_load %arg19[%swap3A_581, %swap3A_582] {strides = array<i32>} : memref<256x32xf32, #tpu.memory_space<vmem>>, vector<16xf32>,
    tpu.vector_store %arg19[%swap3A_581, %swap3A_582], %broadcast_in_dim3A_0 {strides = array<i32>} : memref<256x32xf32, #tpu.memory_space<vmem>>, vector<16xf32>,
    %swap3A_584 = arith.constant 71 : i32
    %swap3A_585 = arith.index_cast %swap3A_584 : i32 to index
    %swap3A_586 = arith.constant 0 : index
    %swap3A_587 = tpu.vector_load %arg19[%swap3A_585, %swap3A_586] {strides = array<i32>} : memref<256x32xf32, #tpu.memory_space<vmem>>, vector<16xf32>,
    tpu.vector_store %arg19[%swap3A_585, %swap3A_586], %broadcast_in_dim3A_0 {strides = array<i32>} : memref<256x32xf32, #tpu.memory_space<vmem>>, vector<16xf32>,
    %swap3A_588 = arith.constant 71 : i32
    %swap3A_589 = arith.index_cast %swap3A_588 : i32 to index
    %swap3A_590 = arith.constant 16 : index
    %swap3A_591 = tpu.vector_load %arg19[%swap3A_589, %swap3A_590] {strides = array<i32>} : memref<256x32xf32, #tpu.memory_space<vmem>>, vector<16xf32>,
    tpu.vector_store %arg19[%swap3A_589, %swap3A_590], %broadcast_in_dim3A_0 {strides = array<i32>} : memref<256x32xf32, #tpu.memory_space<vmem>>, vector<16xf32>,
    %swap3A_592 = arith.constant 72 : i32
    %swap3A_593 = arith.index_cast %swap3A_592 : i32 to index
    %swap3A_594 = arith.constant 0 : index
    %swap3A_595 = tpu.vector_load %arg19[%swap3A_593, %swap3A_594] {strides = array<i32>} : memref<256x32xf32, #tpu.memory_space<vmem>>, vector<16xf32>,
    tpu.vector_store %arg19[%swap3A_593, %swap3A_594], %broadcast_in_dim3A_0 {strides = array<i32>} : memref<256x32xf32, #tpu.memory_space<vmem>>, vector<16xf32>,
    %swap3A_596 = arith.constant 72 : i32
    %swap3A_597 = arith.index_cast %swap3A_596 : i32 to index
    %swap3A_598 = arith.constant 16 : index
    %swap3A_599 = tpu.vector_load %arg19[%swap3A_597, %swap3A_598] {strides = array<i32>} : memref<256x32xf32, #tpu.memory_space<vmem>>, vector<16xf32>,
    tpu.vector_store %arg19[%swap3A_597, %swap3A_598], %broadcast_in_dim3A_0 {strides = array<i32>} : memref<256x32xf32, #tpu.memory_space<vmem>>, vector<16xf32>,
    %swap3A_600 = arith.constant 73 : i32
    %swap3A_601 = arith.index_cast %swap3A_600 : i32 to index
    %swap3A_602 = arith.constant 0 : index
    %swap3A_603 = tpu.vector_load %arg19[%swap3A_601, %swap3A_602] {strides = array<i32>} : memref<256x32xf32, #tpu.memory_space<vmem>>, vector<16xf32>,
    tpu.vector_store %arg19[%swap3A_601, %swap3A_602], %broadcast_in_dim3A_0 {strides = array<i32>} : memref<256x32xf32, #tpu.memory_space<vmem>>, vector<16xf32>,
    %swap3A_604 = arith.constant 73 : i32
    %swap3A_605 = arith.index_cast %swap3A_604 : i32 to index
    %swap3A_606 = arith.constant 16 : index
    %swap3A_607 = tpu.vector_load %arg19[%swap3A_605, %swap3A_606] {strides = array<i32>} : memref<256x32xf32, #tpu.memory_space<vmem>>, vector<16xf32>,
    tpu.vector_store %arg19[%swap3A_605, %swap3A_606], %broadcast_in_dim3A_0 {strides = array<i32>} : memref<256x32xf32, #tpu.memory_space<vmem>>, vector<16xf32>,
    %swap3A_608 = arith.constant 74 : i32
    %swap3A_609 = arith.index_cast %swap3A_608 : i32 to index
    %swap3A_610 = arith.constant 0 : index
    %swap3A_611 = tpu.vector_load %arg19[%swap3A_609, %swap3A_610] {strides = array<i32>} : memref<256x32xf32, #tpu.memory_space<vmem>>, vector<16xf32>,
    tpu.vector_store %arg19[%swap3A_609, %swap3A_610], %broadcast_in_dim3A_0 {strides = array<i32>} : memref<256x32xf32, #tpu.memory_space<vmem>>, vector<16xf32>,
    %swap3A_612 = arith.constant 74 : i32
    %swap3A_613 = arith.index_cast %swap3A_612 : i32 to index
    %swap3A_614 = arith.constant 16 : index
    %swap3A_615 = tpu.vector_load %arg19[%swap3A_613, %swap3A_614] {strides = array<i32>} : memref<256x32xf32, #tpu.memory_space<vmem>>, vector<16xf32>,
    tpu.vector_store %arg19[%swap3A_613, %swap3A_614], %broadcast_in_dim3A_0 {strides = array<i32>} : memref<256x32xf32, #tpu.memory_space<vmem>>, vector<16xf32>,
    %swap3A_616 = arith.constant 75 : i32
    %swap3A_617 = arith.index_cast %swap3A_616 : i32 to index
    %swap3A_618 = arith.constant 0 : index
    %swap3A_619 = tpu.vector_load %arg19[%swap3A_617, %swap3A_618] {strides = array<i32>} : memref<256x32xf32, #tpu.memory_space<vmem>>, vector<16xf32>,
    tpu.vector_store %arg19[%swap3A_617, %swap3A_618], %broadcast_in_dim3A_0 {strides = array<i32>} : memref<256x32xf32, #tpu.memory_space<vmem>>, vector<16xf32>,
    %swap3A_620 = arith.constant 75 : i32
    %swap3A_621 = arith.index_cast %swap3A_620 : i32 to index
    %swap3A_622 = arith.constant 16 : index
    %swap3A_623 = tpu.vector_load %arg19[%swap3A_621, %swap3A_622] {strides = array<i32>} : memref<256x32xf32, #tpu.memory_space<vmem>>, vector<16xf32>,
    tpu.vector_store %arg19[%swap3A_621, %swap3A_622], %broadcast_in_dim3A_0 {strides = array<i32>} : memref<256x32xf32, #tpu.memory_space<vmem>>, vector<16xf32>,
    %swap3A_624 = arith.constant 76 : i32
    %swap3A_625 = arith.index_cast %swap3A_624 : i32 to index
    %swap3A_626 = arith.constant 0 : index
    %swap3A_627 = tpu.vector_load %arg19[%swap3A_625, %swap3A_626] {strides = array<i32>} : memref<256x32xf32, #tpu.memory_space<vmem>>, vector<16xf32>,
    tpu.vector_store %arg19[%swap3A_625, %swap3A_626], %broadcast_in_dim3A_0 {strides = array<i32>} : memref<256x32xf32, #tpu.memory_space<vmem>>, vector<16xf32>,
    %swap3A_628 = arith.constant 76 : i32
    %swap3A_629 = arith.index_cast %swap3A_628 : i32 to index
    %swap3A_630 = arith.constant 16 : index
    %swap3A_631 = tpu.vector_load %arg19[%swap3A_629, %swap3A_630] {strides = array<i32>} : memref<256x32xf32, #tpu.memory_space<vmem>>, vector<16xf32>,
    tpu.vector_store %arg19[%swap3A_629, %swap3A_630], %broadcast_in_dim3A_0 {strides = array<i32>} : memref<256x32xf32, #tpu.memory_space<vmem>>, vector<16xf32>,
    %swap3A_632 = arith.constant 77 : i32
    %swap3A_633 = arith.index_cast %swap3A_632 : i32 to index
    %swap3A_634 = arith.constant 0 : index
    %swap3A_635 = tpu.vector_load %arg19[%swap3A_633, %swap3A_634] {strides = array<i32>} : memref<256x32xf32, #tpu.memory_space<vmem>>, vector<16xf32>,
    tpu.vector_store %arg19[%swap3A_633, %swap3A_634], %broadcast_in_dim3A_0 {strides = array<i32>} : memref<256x32xf32, #tpu.memory_space<vmem>>, vector<16xf32>,
    %swap3A_636 = arith.constant 77 : i32
    %swap3A_637 = arith.index_cast %swap3A_636 : i32 to index
    %swap3A_638 = arith.constant 16 : index
    %swap3A_639 = tpu.vector_load %arg19[%swap3A_637, %swap3A_638] {strides = array<i32>} : memref<256x32xf32, #tpu.memory_space<vmem>>, vector<16xf32>,
    tpu.vector_store %arg19[%swap3A_637, %swap3A_638], %broadcast_in_dim3A_0 {strides = array<i32>} : memref<256x32xf32, #tpu.memory_space<vmem>>, vector<16xf32>,
    %swap3A_640 = arith.constant 78 : i32
    %swap3A_641 = arith.index_cast %swap3A_640 : i32 to index
    %swap3A_642 = arith.constant 0 : index
    %swap3A_643 = tpu.vector_load %arg19[%swap3A_641, %swap3A_642] {strides = array<i32>} : memref<256x32xf32, #tpu.memory_space<vmem>>, vector<16xf32>,
    tpu.vector_store %arg19[%swap3A_641, %swap3A_642], %broadcast_in_dim3A_0 {strides = array<i32>} : memref<256x32xf32, #tpu.memory_space<vmem>>, vector<16xf32>,
    %swap3A_644 = arith.constant 78 : i32
    %swap3A_645 = arith.index_cast %swap3A_644 : i32 to index
    %swap3A_646 = arith.constant 16 : index
    %swap3A_647 = tpu.vector_load %arg19[%swap3A_645, %swap3A_646] {strides = array<i32>} : memref<256x32xf32, #tpu.memory_space<vmem>>, vector<16xf32>,
    tpu.vector_store %arg19[%swap3A_645, %swap3A_646], %broadcast_in_dim3A_0 {strides = array<i32>} : memref<256x32xf32, #tpu.memory_space<vmem>>, vector<16xf32>,
    %swap3A_648 = arith.constant 79 : i32
    %swap3A_649 = arith.index_cast %swap3A_648 : i32 to index
    %swap3A_650 = arith.constant 0 : index
    %swap3A_651 = tpu.vector_load %arg19[%swap3A_649, %swap3A_650] {strides = array<i32>} : memref<256x32xf32, #tpu.memory_space<vmem>>, vector<16xf32>,
    tpu.vector_store %arg19[%swap3A_649, %swap3A_650], %broadcast_in_dim3A_0 {strides = array<i32>} : memref<256x32xf32, #tpu.memory_space<vmem>>, vector<16xf32>,
    %swap3A_652 = arith.constant 79 : i32
    %swap3A_653 = arith.index_cast %swap3A_652 : i32 to index
    %swap3A_654 = arith.constant 16 : index
    %swap3A_655 = tpu.vector_load %arg19[%swap3A_653, %swap3A_654] {strides = array<i32>} : memref<256x32xf32, #tpu.memory_space<vmem>>, vector<16xf32>,
    tpu.vector_store %arg19[%swap3A_653, %swap3A_654], %broadcast_in_dim3A_0 {strides = array<i32>} : memref<256x32xf32, #tpu.memory_space<vmem>>, vector<16xf32>,
    %swap3A_656 = arith.constant 80 : i32
    %swap3A_657 = arith.index_cast %swap3A_656 : i32 to index
    %swap3A_658 = arith.constant 0 : index
    %swap3A_659 = tpu.vector_load %arg19[%swap3A_657, %swap3A_658] {strides = array<i32>} : memref<256x32xf32, #tpu.memory_space<vmem>>, vector<16xf32>,
    tpu.vector_store %arg19[%swap3A_657, %swap3A_658], %broadcast_in_dim3A_0 {strides = array<i32>} : memref<256x32xf32, #tpu.memory_space<vmem>>, vector<16xf32>,
    %swap3A_660 = arith.constant 80 : i32
    %swap3A_661 = arith.index_cast %swap3A_660 : i32 to index
    %swap3A_662 = arith.constant 16 : index
    %swap3A_663 = tpu.vector_load %arg19[%swap3A_661, %swap3A_662] {strides = array<i32>} : memref<256x32xf32, #tpu.memory_space<vmem>>, vector<16xf32>,
    tpu.vector_store %arg19[%swap3A_661, %swap3A_662], %broadcast_in_dim3A_0 {strides = array<i32>} : memref<256x32xf32, #tpu.memory_space<vmem>>, vector<16xf32>,
    %swap3A_664 = arith.constant 81 : i32
    %swap3A_665 = arith.index_cast %swap3A_664 : i32 to index
    %swap3A_666 = arith.constant 0 : index
    %swap3A_667 = tpu.vector_load %arg19[%swap3A_665, %swap3A_666] {strides = array<i32>} : memref<256x32xf32, #tpu.memory_space<vmem>>, vector<16xf32>,
    tpu.vector_store %arg19[%swap3A_665, %swap3A_666], %broadcast_in_dim3A_0 {strides = array<i32>} : memref<256x32xf32, #tpu.memory_space<vmem>>, vector<16xf32>,
    %swap3A_668 = arith.constant 81 : i32
    %swap3A_669 = arith.index_cast %swap3A_668 : i32 to index
    %swap3A_670 = arith.constant 16 : index
    %swap3A_671 = tpu.vector_load %arg19[%swap3A_669, %swap3A_670] {strides = array<i32>} : memref<256x32xf32, #tpu.memory_space<vmem>>, vector<16xf32>,
    tpu.vector_store %arg19[%swap3A_669, %swap3A_670], %broadcast_in_dim3A_0 {strides = array<i32>} : memref<256x32xf32, #tpu.memory_space<vmem>>, vector<16xf32>,
    %swap3A_672 = arith.constant 82 : i32
    %swap3A_673 = arith.index_cast %swap3A_672 : i32 to index
    %swap3A_674 = arith.constant 0 : index
    %swap3A_675 = tpu.vector_load %arg19[%swap3A_673, %swap3A_674] {strides = array<i32>} : memref<256x32xf32, #tpu.memory_space<vmem>>, vector<16xf32>,
    tpu.vector_store %arg19[%swap3A_673, %swap3A_674], %broadcast_in_dim3A_0 {strides = array<i32>} : memref<256x32xf32, #tpu.memory_space<vmem>>, vector<16xf32>,
    %swap3A_676 = arith.constant 82 : i32
    %swap3A_677 = arith.index_cast %swap3A_676 : i32 to index
    %swap3A_678 = arith.constant 16 : index
    %swap3A_679 = tpu.vector_load %arg19[%swap3A_677, %swap3A_678] {strides = array<i32>} : memref<256x32xf32, #tpu.memory_space<vmem>>, vector<16xf32>,
    tpu.vector_store %arg19[%swap3A_677, %swap3A_678], %broadcast_in_dim3A_0 {strides = array<i32>} : memref<256x32xf32, #tpu.memory_space<vmem>>, vector<16xf32>,
    %swap3A_680 = arith.constant 83 : i32
    %swap3A_681 = arith.index_cast %swap3A_680 : i32 to index
    %swap3A_682 = arith.constant 0 : index
    %swap3A_683 = tpu.vector_load %arg19[%swap3A_681, %swap3A_682] {strides = array<i32>} : memref<256x32xf32, #tpu.memory_space<vmem>>, vector<16xf32>,
    tpu.vector_store %arg19[%swap3A_681, %swap3A_682], %broadcast_in_dim3A_0 {strides = array<i32>} : memref<256x32xf32, #tpu.memory_space<vmem>>, vector<16xf32>,
    %swap3A_684 = arith.constant 83 : i32
    %swap3A_685 = arith.index_cast %swap3A_684 : i32 to index
    %swap3A_686 = arith.constant 16 : index
    %swap3A_687 = tpu.vector_load %arg19[%swap3A_685, %swap3A_686] {strides = array<i32>} : memref<256x32xf32, #tpu.memory_space<vmem>>, vector<16xf32>,
    tpu.vector_store %arg19[%swap3A_685, %swap3A_686], %broadcast_in_dim3A_0 {strides = array<i32>} : memref<256x32xf32, #tpu.memory_space<vmem>>, vector<16xf32>,
    %swap3A_688 = arith.constant 84 : i32
    %swap3A_689 = arith.index_cast %swap3A_688 : i32 to index
    %swap3A_690 = arith.constant 0 : index
    %swap3A_691 = tpu.vector_load %arg19[%swap3A_689, %swap3A_690] {strides = array<i32>} : memref<256x32xf32, #tpu.memory_space<vmem>>, vector<16xf32>,
    tpu.vector_store %arg19[%swap3A_689, %swap3A_690], %broadcast_in_dim3A_0 {strides = array<i32>} : memref<256x32xf32, #tpu.memory_space<vmem>>, vector<16xf32>,
    %swap3A_692 = arith.constant 84 : i32
    %swap3A_693 = arith.index_cast %swap3A_692 : i32 to index
    %swap3A_694 = arith.constant 16 : index
    %swap3A_695 = tpu.vector_load %arg19[%swap3A_693, %swap3A_694] {strides = array<i32>} : memref<256x32xf32, #tpu.memory_space<vmem>>, vector<16xf32>,
    tpu.vector_store %arg19[%swap3A_693, %swap3A_694], %broadcast_in_dim3A_0 {strides = array<i32>} : memref<256x32xf32, #tpu.memory_space<vmem>>, vector<16xf32>,
    %swap3A_696 = arith.constant 85 : i32
    %swap3A_697 = arith.index_cast %swap3A_696 : i32 to index
    %swap3A_698 = arith.constant 0 : index
    %swap3A_699 = tpu.vector_load %arg19[%swap3A_697, %swap3A_698] {strides = array<i32>} : memref<256x32xf32, #tpu.memory_space<vmem>>, vector<16xf32>,
    tpu.vector_store %arg19[%swap3A_697, %swap3A_698], %broadcast_in_dim3A_0 {strides = array<i32>} : memref<256x32xf32, #tpu.memory_space<vmem>>, vector<16xf32>,
    %swap3A_700 = arith.constant 85 : i32
    %swap3A_701 = arith.index_cast %swap3A_700 : i32 to index
    %swap3A_702 = arith.constant 16 : index
    %swap3A_703 = tpu.vector_load %arg19[%swap3A_701, %swap3A_702] {strides = array<i32>} : memref<256x32xf32, #tpu.memory_space<vmem>>, vector<16xf32>,
    tpu.vector_store %arg19[%swap3A_701, %swap3A_702], %broadcast_in_dim3A_0 {strides = array<i32>} : memref<256x32xf32, #tpu.memory_space<vmem>>, vector<16xf32>,
    %swap3A_704 = arith.constant 86 : i32
    %swap3A_705 = arith.index_cast %swap3A_704 : i32 to index
    %swap3A_706 = arith.constant 0 : index
    %swap3A_707 = tpu.vector_load %arg19[%swap3A_705, %swap3A_706] {strides = array<i32>} : memref<256x32xf32, #tpu.memory_space<vmem>>, vector<16xf32>,
    tpu.vector_store %arg19[%swap3A_705, %swap3A_706], %broadcast_in_dim3A_0 {strides = array<i32>} : memref<256x32xf32, #tpu.memory_space<vmem>>, vector<16xf32>,
    %swap3A_708 = arith.constant 86 : i32
    %swap3A_709 = arith.index_cast %swap3A_708 : i32 to index
    %swap3A_710 = arith.constant 16 : index
    %swap3A_711 = tpu.vector_load %arg19[%swap3A_709, %swap3A_710] {strides = array<i32>} : memref<256x32xf32, #tpu.memory_space<vmem>>, vector<16xf32>,
    tpu.vector_store %arg19[%swap3A_709, %swap3A_710], %broadcast_in_dim3A_0 {strides = array<i32>} : memref<256x32xf32, #tpu.memory_space<vmem>>, vector<16xf32>,
    %swap3A_712 = arith.constant 87 : i32
    %swap3A_713 = arith.index_cast %swap3A_712 : i32 to index
    %swap3A_714 = arith.constant 0 : index
    %swap3A_715 = tpu.vector_load %arg19[%swap3A_713, %swap3A_714] {strides = array<i32>} : memref<256x32xf32, #tpu.memory_space<vmem>>, vector<16xf32>,
    tpu.vector_store %arg19[%swap3A_713, %swap3A_714], %broadcast_in_dim3A_0 {strides = array<i32>} : memref<256x32xf32, #tpu.memory_space<vmem>>, vector<16xf32>,
    %swap3A_716 = arith.constant 87 : i32
    %swap3A_717 = arith.index_cast %swap3A_716 : i32 to index
    %swap3A_718 = arith.constant 16 : index
    %swap3A_719 = tpu.vector_load %arg19[%swap3A_717, %swap3A_718] {strides = array<i32>} : memref<256x32xf32, #tpu.memory_space<vmem>>, vector<16xf32>,
    tpu.vector_store %arg19[%swap3A_717, %swap3A_718], %broadcast_in_dim3A_0 {strides = array<i32>} : memref<256x32xf32, #tpu.memory_space<vmem>>, vector<16xf32>,
    %swap3A_720 = arith.constant 88 : i32
    %swap3A_721 = arith.index_cast %swap3A_720 : i32 to index
    %swap3A_722 = arith.constant 0 : index
    %swap3A_723 = tpu.vector_load %arg19[%swap3A_721, %swap3A_722] {strides = array<i32>} : memref<256x32xf32, #tpu.memory_space<vmem>>, vector<16xf32>,
    tpu.vector_store %arg19[%swap3A_721, %swap3A_722], %broadcast_in_dim3A_0 {strides = array<i32>} : memref<256x32xf32, #tpu.memory_space<vmem>>, vector<16xf32>,
    %swap3A_724 = arith.constant 88 : i32
    %swap3A_725 = arith.index_cast %swap3A_724 : i32 to index
    %swap3A_726 = arith.constant 16 : index
    %swap3A_727 = tpu.vector_load %arg19[%swap3A_725, %swap3A_726] {strides = array<i32>} : memref<256x32xf32, #tpu.memory_space<vmem>>, vector<16xf32>,
    tpu.vector_store %arg19[%swap3A_725, %swap3A_726], %broadcast_in_dim3A_0 {strides = array<i32>} : memref<256x32xf32, #tpu.memory_space<vmem>>, vector<16xf32>,
    %swap3A_728 = arith.constant 89 : i32
    %swap3A_729 = arith.index_cast %swap3A_728 : i32 to index
    %swap3A_730 = arith.constant 0 : index
    %swap3A_731 = tpu.vector_load %arg19[%swap3A_729, %swap3A_730] {strides = array<i32>} : memref<256x32xf32, #tpu.memory_space<vmem>>, vector<16xf32>,
    tpu.vector_store %arg19[%swap3A_729, %swap3A_730], %broadcast_in_dim3A_0 {strides = array<i32>} : memref<256x32xf32, #tpu.memory_space<vmem>>, vector<16xf32>,
    %swap3A_732 = arith.constant 89 : i32
    %swap3A_733 = arith.index_cast %swap3A_732 : i32 to index
    %swap3A_734 = arith.constant 16 : index
    %swap3A_735 = tpu.vector_load %arg19[%swap3A_733, %swap3A_734] {strides = array<i32>} : memref<256x32xf32, #tpu.memory_space<vmem>>, vector<16xf32>,
    tpu.vector_store %arg19[%swap3A_733, %swap3A_734], %broadcast_in_dim3A_0 {strides = array<i32>} : memref<256x32xf32, #tpu.memory_space<vmem>>, vector<16xf32>,
    %swap3A_736 = arith.constant 90 : i32
    %swap3A_737 = arith.index_cast %swap3A_736 : i32 to index
    %swap3A_738 = arith.constant 0 : index
    %swap3A_739 = tpu.vector_load %arg19[%swap3A_737, %swap3A_738] {strides = array<i32>} : memref<256x32xf32, #tpu.memory_space<vmem>>, vector<16xf32>,
    tpu.vector_store %arg19[%swap3A_737, %swap3A_738], %broadcast_in_dim3A_0 {strides = array<i32>} : memref<256x32xf32, #tpu.memory_space<vmem>>, vector<16xf32>,
    %swap3A_740 = arith.constant 90 : i32
    %swap3A_741 = arith.index_cast %swap3A_740 : i32 to index
    %swap3A_742 = arith.constant 16 : index
    %swap3A_743 = tpu.vector_load %arg19[%swap3A_741, %swap3A_742] {strides = array<i32>} : memref<256x32xf32, #tpu.memory_space<vmem>>, vector<16xf32>,
    tpu.vector_store %arg19[%swap3A_741, %swap3A_742], %broadcast_in_dim3A_0 {strides = array<i32>} : memref<256x32xf32, #tpu.memory_space<vmem>>, vector<16xf32>,
    %swap3A_744 = arith.constant 91 : i32
    %swap3A_745 = arith.index_cast %swap3A_744 : i32 to index
    %swap3A_746 = arith.constant 0 : index
    %swap3A_747 = tpu.vector_load %arg19[%swap3A_745, %swap3A_746] {strides = array<i32>} : memref<256x32xf32, #tpu.memory_space<vmem>>, vector<16xf32>,
    tpu.vector_store %arg19[%swap3A_745, %swap3A_746], %broadcast_in_dim3A_0 {strides = array<i32>} : memref<256x32xf32, #tpu.memory_space<vmem>>, vector<16xf32>,
    %swap3A_748 = arith.constant 91 : i32
    %swap3A_749 = arith.index_cast %swap3A_748 : i32 to index
    %swap3A_750 = arith.constant 16 : index
    %swap3A_751 = tpu.vector_load %arg19[%swap3A_749, %swap3A_750] {strides = array<i32>} : memref<256x32xf32, #tpu.memory_space<vmem>>, vector<16xf32>,
    tpu.vector_store %arg19[%swap3A_749, %swap3A_750], %broadcast_in_dim3A_0 {strides = array<i32>} : memref<256x32xf32, #tpu.memory_space<vmem>>, vector<16xf32>,
    %swap3A_752 = arith.constant 92 : i32
    %swap3A_753 = arith.index_cast %swap3A_752 : i32 to index
    %swap3A_754 = arith.constant 0 : index
    %swap3A_755 = tpu.vector_load %arg19[%swap3A_753, %swap3A_754] {strides = array<i32>} : memref<256x32xf32, #tpu.memory_space<vmem>>, vector<16xf32>,
    tpu.vector_store %arg19[%swap3A_753, %swap3A_754], %broadcast_in_dim3A_0 {strides = array<i32>} : memref<256x32xf32, #tpu.memory_space<vmem>>, vector<16xf32>,
    %swap3A_756 = arith.constant 92 : i32
    %swap3A_757 = arith.index_cast %swap3A_756 : i32 to index
    %swap3A_758 = arith.constant 16 : index
    %swap3A_759 = tpu.vector_load %arg19[%swap3A_757, %swap3A_758] {strides = array<i32>} : memref<256x32xf32, #tpu.memory_space<vmem>>, vector<16xf32>,
    tpu.vector_store %arg19[%swap3A_757, %swap3A_758], %broadcast_in_dim3A_0 {strides = array<i32>} : memref<256x32xf32, #tpu.memory_space<vmem>>, vector<16xf32>,
    %swap3A_760 = arith.constant 93 : i32
    %swap3A_761 = arith.index_cast %swap3A_760 : i32 to index
    %swap3A_762 = arith.constant 0 : index
    %swap3A_763 = tpu.vector_load %arg19[%swap3A_761, %swap3A_762] {strides = array<i32>} : memref<256x32xf32, #tpu.memory_space<vmem>>, vector<16xf32>,
    tpu.vector_store %arg19[%swap3A_761, %swap3A_762], %broadcast_in_dim3A_0 {strides = array<i32>} : memref<256x32xf32, #tpu.memory_space<vmem>>, vector<16xf32>,
    %swap3A_764 = arith.constant 93 : i32
    %swap3A_765 = arith.index_cast %swap3A_764 : i32 to index
    %swap3A_766 = arith.constant 16 : index
    %swap3A_767 = tpu.vector_load %arg19[%swap3A_765, %swap3A_766] {strides = array<i32>} : memref<256x32xf32, #tpu.memory_space<vmem>>, vector<16xf32>,
    tpu.vector_store %arg19[%swap3A_765, %swap3A_766], %broadcast_in_dim3A_0 {strides = array<i32>} : memref<256x32xf32, #tpu.memory_space<vmem>>, vector<16xf32>,
    %swap3A_768 = arith.constant 94 : i32
    %swap3A_769 = arith.index_cast %swap3A_768 : i32 to index
    %swap3A_770 = arith.constant 0 : index
    %swap3A_771 = tpu.vector_load %arg19[%swap3A_769, %swap3A_770] {strides = array<i32>} : memref<256x32xf32, #tpu.memory_space<vmem>>, vector<16xf32>,
    tpu.vector_store %arg19[%swap3A_769, %swap3A_770], %broadcast_in_dim3A_0 {strides = array<i32>} : memref<256x32xf32, #tpu.memory_space<vmem>>, vector<16xf32>,
    %swap3A_772 = arith.constant 94 : i32
    %swap3A_773 = arith.index_cast %swap3A_772 : i32 to index
    %swap3A_774 = arith.constant 16 : index
    %swap3A_775 = tpu.vector_load %arg19[%swap3A_773, %swap3A_774] {strides = array<i32>} : memref<256x32xf32, #tpu.memory_space<vmem>>, vector<16xf32>,
    tpu.vector_store %arg19[%swap3A_773, %swap3A_774], %broadcast_in_dim3A_0 {strides = array<i32>} : memref<256x32xf32, #tpu.memory_space<vmem>>, vector<16xf32>,
    %swap3A_776 = arith.constant 95 : i32
    %swap3A_777 = arith.index_cast %swap3A_776 : i32 to index
    %swap3A_778 = arith.constant 0 : index
    %swap3A_779 = tpu.vector_load %arg19[%swap3A_777, %swap3A_778] {strides = array<i32>} : memref<256x32xf32, #tpu.memory_space<vmem>>, vector<16xf32>,
    tpu.vector_store %arg19[%swap3A_777, %swap3A_778], %broadcast_in_dim3A_0 {strides = array<i32>} : memref<256x32xf32, #tpu.memory_space<vmem>>, vector<16xf32>,
    %swap3A_780 = arith.constant 95 : i32
    %swap3A_781 = arith.index_cast %swap3A_780 : i32 to index
    %swap3A_782 = arith.constant 16 : index
    %swap3A_783 = tpu.vector_load %arg19[%swap3A_781, %swap3A_782] {strides = array<i32>} : memref<256x32xf32, #tpu.memory_space<vmem>>, vector<16xf32>,
    tpu.vector_store %arg19[%swap3A_781, %swap3A_782], %broadcast_in_dim3A_0 {strides = array<i32>} : memref<256x32xf32, #tpu.memory_space<vmem>>, vector<16xf32>,
    %swap3A_784 = arith.constant 96 : i32
    %swap3A_785 = arith.index_cast %swap3A_784 : i32 to index
    %swap3A_786 = arith.constant 0 : index
    %swap3A_787 = tpu.vector_load %arg19[%swap3A_785, %swap3A_786] {strides = array<i32>} : memref<256x32xf32, #tpu.memory_space<vmem>>, vector<16xf32>,
    tpu.vector_store %arg19[%swap3A_785, %swap3A_786], %broadcast_in_dim3A_0 {strides = array<i32>} : memref<256x32xf32, #tpu.memory_space<vmem>>, vector<16xf32>,
    %swap3A_788 = arith.constant 96 : i32
    %swap3A_789 = arith.index_cast %swap3A_788 : i32 to index
    %swap3A_790 = arith.constant 16 : index
    %swap3A_791 = tpu.vector_load %arg19[%swap3A_789, %swap3A_790] {strides = array<i32>} : memref<256x32xf32, #tpu.memory_space<vmem>>, vector<16xf32>,
    tpu.vector_store %arg19[%swap3A_789, %swap3A_790], %broadcast_in_dim3A_0 {strides = array<i32>} : memref<256x32xf32, #tpu.memory_space<vmem>>, vector<16xf32>,
    %swap3A_792 = arith.constant 97 : i32
    %swap3A_793 = arith.index_cast %swap3A_792 : i32 to index
    %swap3A_794 = arith.constant 0 : index
    %swap3A_795 = tpu.vector_load %arg19[%swap3A_793, %swap3A_794] {strides = array<i32>} : memref<256x32xf32, #tpu.memory_space<vmem>>, vector<16xf32>,
    tpu.vector_store %arg19[%swap3A_793, %swap3A_794], %broadcast_in_dim3A_0 {strides = array<i32>} : memref<256x32xf32, #tpu.memory_space<vmem>>, vector<16xf32>,
    %swap3A_796 = arith.constant 97 : i32
    %swap3A_797 = arith.index_cast %swap3A_796 : i32 to index
    %swap3A_798 = arith.constant 16 : index
    %swap3A_799 = tpu.vector_load %arg19[%swap3A_797, %swap3A_798] {strides = array<i32>} : memref<256x32xf32, #tpu.memory_space<vmem>>, vector<16xf32>,
    tpu.vector_store %arg19[%swap3A_797, %swap3A_798], %broadcast_in_dim3A_0 {strides = array<i32>} : memref<256x32xf32, #tpu.memory_space<vmem>>, vector<16xf32>,
    %swap3A_800 = arith.constant 98 : i32
    %swap3A_801 = arith.index_cast %swap3A_800 : i32 to index
    %swap3A_802 = arith.constant 0 : index
    %swap3A_803 = tpu.vector_load %arg19[%swap3A_801, %swap3A_802] {strides = array<i32>} : memref<256x32xf32, #tpu.memory_space<vmem>>, vector<16xf32>,
    tpu.vector_store %arg19[%swap3A_801, %swap3A_802], %broadcast_in_dim3A_0 {strides = array<i32>} : memref<256x32xf32, #tpu.memory_space<vmem>>, vector<16xf32>,
    %swap3A_804 = arith.constant 98 : i32
    %swap3A_805 = arith.index_cast %swap3A_804 : i32 to index
    %swap3A_806 = arith.constant 16 : index
    %swap3A_807 = tpu.vector_load %arg19[%swap3A_805, %swap3A_806] {strides = array<i32>} : memref<256x32xf32, #tpu.memory_space<vmem>>, vector<16xf32>,
    tpu.vector_store %arg19[%swap3A_805, %swap3A_806], %broadcast_in_dim3A_0 {strides = array<i32>} : memref<256x32xf32, #tpu.memory_space<vmem>>, vector<16xf32>,
    %swap3A_808 = arith.constant 99 : i32
    %swap3A_809 = arith.index_cast %swap3A_808 : i32 to index
    %swap3A_810 = arith.constant 0 : index
    %swap3A_811 = tpu.vector_load %arg19[%swap3A_809, %swap3A_810] {strides = array<i32>} : memref<256x32xf32, #tpu.memory_space<vmem>>, vector<16xf32>,
    tpu.vector_store %arg19[%swap3A_809, %swap3A_810], %broadcast_in_dim3A_0 {strides = array<i32>} : memref<256x32xf32, #tpu.memory_space<vmem>>, vector<16xf32>,
    %swap3A_812 = arith.constant 99 : i32
    %swap3A_813 = arith.index_cast %swap3A_812 : i32 to index
    %swap3A_814 = arith.constant 16 : index
    %swap3A_815 = tpu.vector_load %arg19[%swap3A_813, %swap3A_814] {strides = array<i32>} : memref<256x32xf32, #tpu.memory_space<vmem>>, vector<16xf32>,
    tpu.vector_store %arg19[%swap3A_813, %swap3A_814], %broadcast_in_dim3A_0 {strides = array<i32>} : memref<256x32xf32, #tpu.memory_space<vmem>>, vector<16xf32>,
    %swap3A_816 = arith.constant 100 : i32
    %swap3A_817 = arith.index_cast %swap3A_816 : i32 to index
    %swap3A_818 = arith.constant 0 : index
    %swap3A_819 = tpu.vector_load %arg19[%swap3A_817, %swap3A_818] {strides = array<i32>} : memref<256x32xf32, #tpu.memory_space<vmem>>, vector<16xf32>,
    tpu.vector_store %arg19[%swap3A_817, %swap3A_818], %broadcast_in_dim3A_0 {strides = array<i32>} : memref<256x32xf32, #tpu.memory_space<vmem>>, vector<16xf32>,
    %swap3A_820 = arith.constant 100 : i32
    %swap3A_821 = arith.index_cast %swap3A_820 : i32 to index
    %swap3A_822 = arith.constant 16 : index
    %swap3A_823 = tpu.vector_load %arg19[%swap3A_821, %swap3A_822] {strides = array<i32>} : memref<256x32xf32, #tpu.memory_space<vmem>>, vector<16xf32>,
    tpu.vector_store %arg19[%swap3A_821, %swap3A_822], %broadcast_in_dim3A_0 {strides = array<i32>} : memref<256x32xf32, #tpu.memory_space<vmem>>, vector<16xf32>,
    %swap3A_824 = arith.constant 101 : i32
    %swap3A_825 = arith.index_cast %swap3A_824 : i32 to index
    %swap3A_826 = arith.constant 0 : index
    %swap3A_827 = tpu.vector_load %arg19[%swap3A_825, %swap3A_826] {strides = array<i32>} : memref<256x32xf32, #tpu.memory_space<vmem>>, vector<16xf32>,
    tpu.vector_store %arg19[%swap3A_825, %swap3A_826], %broadcast_in_dim3A_0 {strides = array<i32>} : memref<256x32xf32, #tpu.memory_space<vmem>>, vector<16xf32>,
    %swap3A_828 = arith.constant 101 : i32
    %swap3A_829 = arith.index_cast %swap3A_828 : i32 to index
    %swap3A_830 = arith.constant 16 : index
    %swap3A_831 = tpu.vector_load %arg19[%swap3A_829, %swap3A_830] {strides = array<i32>} : memref<256x32xf32, #tpu.memory_space<vmem>>, vector<16xf32>,
    tpu.vector_store %arg19[%swap3A_829, %swap3A_830], %broadcast_in_dim3A_0 {strides = array<i32>} : memref<256x32xf32, #tpu.memory_space<vmem>>, vector<16xf32>,
    %swap3A_832 = arith.constant 102 : i32
    %swap3A_833 = arith.index_cast %swap3A_832 : i32 to index
    %swap3A_834 = arith.constant 0 : index
    %swap3A_835 = tpu.vector_load %arg19[%swap3A_833, %swap3A_834] {strides = array<i32>} : memref<256x32xf32, #tpu.memory_space<vmem>>, vector<16xf32>,
    tpu.vector_store %arg19[%swap3A_833, %swap3A_834], %broadcast_in_dim3A_0 {strides = array<i32>} : memref<256x32xf32, #tpu.memory_space<vmem>>, vector<16xf32>,
    %swap3A_836 = arith.constant 102 : i32
    %swap3A_837 = arith.index_cast %swap3A_836 : i32 to index
    %swap3A_838 = arith.constant 16 : index
    %swap3A_839 = tpu.vector_load %arg19[%swap3A_837, %swap3A_838] {strides = array<i32>} : memref<256x32xf32, #tpu.memory_space<vmem>>, vector<16xf32>,
    tpu.vector_store %arg19[%swap3A_837, %swap3A_838], %broadcast_in_dim3A_0 {strides = array<i32>} : memref<256x32xf32, #tpu.memory_space<vmem>>, vector<16xf32>,
    %swap3A_840 = arith.constant 103 : i32
    %swap3A_841 = arith.index_cast %swap3A_840 : i32 to index
    %swap3A_842 = arith.constant 0 : index
    %swap3A_843 = tpu.vector_load %arg19[%swap3A_841, %swap3A_842] {strides = array<i32>} : memref<256x32xf32, #tpu.memory_space<vmem>>, vector<16xf32>,
    tpu.vector_store %arg19[%swap3A_841, %swap3A_842], %broadcast_in_dim3A_0 {strides = array<i32>} : memref<256x32xf32, #tpu.memory_space<vmem>>, vector<16xf32>,
    %swap3A_844 = arith.constant 103 : i32
    %swap3A_845 = arith.index_cast %swap3A_844 : i32 to index
    %swap3A_846 = arith.constant 16 : index
    %swap3A_847 = tpu.vector_load %arg19[%swap3A_845, %swap3A_846] {strides = array<i32>} : memref<256x32xf32, #tpu.memory_space<vmem>>, vector<16xf32>,
    tpu.vector_store %arg19[%swap3A_845, %swap3A_846], %broadcast_in_dim3A_0 {strides = array<i32>} : memref<256x32xf32, #tpu.memory_space<vmem>>, vector<16xf32>,
    %swap3A_848 = arith.constant 104 : i32
    %swap3A_849 = arith.index_cast %swap3A_848 : i32 to index
    %swap3A_850 = arith.constant 0 : index
    %swap3A_851 = tpu.vector_load %arg19[%swap3A_849, %swap3A_850] {strides = array<i32>} : memref<256x32xf32, #tpu.memory_space<vmem>>, vector<16xf32>,
    tpu.vector_store %arg19[%swap3A_849, %swap3A_850], %broadcast_in_dim3A_0 {strides = array<i32>} : memref<256x32xf32, #tpu.memory_space<vmem>>, vector<16xf32>,
    %swap3A_852 = arith.constant 104 : i32
    %swap3A_853 = arith.index_cast %swap3A_852 : i32 to index
    %swap3A_854 = arith.constant 16 : index
    %swap3A_855 = tpu.vector_load %arg19[%swap3A_853, %swap3A_854] {strides = array<i32>} : memref<256x32xf32, #tpu.memory_space<vmem>>, vector<16xf32>,
    tpu.vector_store %arg19[%swap3A_853, %swap3A_854], %broadcast_in_dim3A_0 {strides = array<i32>} : memref<256x32xf32, #tpu.memory_space<vmem>>, vector<16xf32>,
    %swap3A_856 = arith.constant 105 : i32
    %swap3A_857 = arith.index_cast %swap3A_856 : i32 to index
    %swap3A_858 = arith.constant 0 : index
    %swap3A_859 = tpu.vector_load %arg19[%swap3A_857, %swap3A_858] {strides = array<i32>} : memref<256x32xf32, #tpu.memory_space<vmem>>, vector<16xf32>,
    tpu.vector_store %arg19[%swap3A_857, %swap3A_858], %broadcast_in_dim3A_0 {strides = array<i32>} : memref<256x32xf32, #tpu.memory_space<vmem>>, vector<16xf32>,
    %swap3A_860 = arith.constant 105 : i32
    %swap3A_861 = arith.index_cast %swap3A_860 : i32 to index
    %swap3A_862 = arith.constant 16 : index
    %swap3A_863 = tpu.vector_load %arg19[%swap3A_861, %swap3A_862] {strides = array<i32>} : memref<256x32xf32, #tpu.memory_space<vmem>>, vector<16xf32>,
    tpu.vector_store %arg19[%swap3A_861, %swap3A_862], %broadcast_in_dim3A_0 {strides = array<i32>} : memref<256x32xf32, #tpu.memory_space<vmem>>, vector<16xf32>,
    %swap3A_864 = arith.constant 106 : i32
    %swap3A_865 = arith.index_cast %swap3A_864 : i32 to index
    %swap3A_866 = arith.constant 0 : index
    %swap3A_867 = tpu.vector_load %arg19[%swap3A_865, %swap3A_866] {strides = array<i32>} : memref<256x32xf32, #tpu.memory_space<vmem>>, vector<16xf32>,
    tpu.vector_store %arg19[%swap3A_865, %swap3A_866], %broadcast_in_dim3A_0 {strides = array<i32>} : memref<256x32xf32, #tpu.memory_space<vmem>>, vector<16xf32>,
    %swap3A_868 = arith.constant 106 : i32
    %swap3A_869 = arith.index_cast %swap3A_868 : i32 to index
    %swap3A_870 = arith.constant 16 : index
    %swap3A_871 = tpu.vector_load %arg19[%swap3A_869, %swap3A_870] {strides = array<i32>} : memref<256x32xf32, #tpu.memory_space<vmem>>, vector<16xf32>,
    tpu.vector_store %arg19[%swap3A_869, %swap3A_870], %broadcast_in_dim3A_0 {strides = array<i32>} : memref<256x32xf32, #tpu.memory_space<vmem>>, vector<16xf32>,
    %swap3A_872 = arith.constant 107 : i32
    %swap3A_873 = arith.index_cast %swap3A_872 : i32 to index
    %swap3A_874 = arith.constant 0 : index
    %swap3A_875 = tpu.vector_load %arg19[%swap3A_873, %swap3A_874] {strides = array<i32>} : memref<256x32xf32, #tpu.memory_space<vmem>>, vector<16xf32>,
    tpu.vector_store %arg19[%swap3A_873, %swap3A_874], %broadcast_in_dim3A_0 {strides = array<i32>} : memref<256x32xf32, #tpu.memory_space<vmem>>, vector<16xf32>,
    %swap3A_876 = arith.constant 107 : i32
    %swap3A_877 = arith.index_cast %swap3A_876 : i32 to index
    %swap3A_878 = arith.constant 16 : index
    %swap3A_879 = tpu.vector_load %arg19[%swap3A_877, %swap3A_878] {strides = array<i32>} : memref<256x32xf32, #tpu.memory_space<vmem>>, vector<16xf32>,
    tpu.vector_store %arg19[%swap3A_877, %swap3A_878], %broadcast_in_dim3A_0 {strides = array<i32>} : memref<256x32xf32, #tpu.memory_space<vmem>>, vector<16xf32>,
    %swap3A_880 = arith.constant 108 : i32
    %swap3A_881 = arith.index_cast %swap3A_880 : i32 to index
    %swap3A_882 = arith.constant 0 : index
    %swap3A_883 = tpu.vector_load %arg19[%swap3A_881, %swap3A_882] {strides = array<i32>} : memref<256x32xf32, #tpu.memory_space<vmem>>, vector<16xf32>,
    tpu.vector_store %arg19[%swap3A_881, %swap3A_882], %broadcast_in_dim3A_0 {strides = array<i32>} : memref<256x32xf32, #tpu.memory_space<vmem>>, vector<16xf32>,
    %swap3A_884 = arith.constant 108 : i32
    %swap3A_885 = arith.index_cast %swap3A_884 : i32 to index
    %swap3A_886 = arith.constant 16 : index
    %swap3A_887 = tpu.vector_load %arg19[%swap3A_885, %swap3A_886] {strides = array<i32>} : memref<256x32xf32, #tpu.memory_space<vmem>>, vector<16xf32>,
    tpu.vector_store %arg19[%swap3A_885, %swap3A_886], %broadcast_in_dim3A_0 {strides = array<i32>} : memref<256x32xf32, #tpu.memory_space<vmem>>, vector<16xf32>,
    %swap3A_888 = arith.constant 109 : i32
    %swap3A_889 = arith.index_cast %swap3A_888 : i32 to index
    %swap3A_890 = arith.constant 0 : index
    %swap3A_891 = tpu.vector_load %arg19[%swap3A_889, %swap3A_890] {strides = array<i32>} : memref<256x32xf32, #tpu.memory_space<vmem>>, vector<16xf32>,
    tpu.vector_store %arg19[%swap3A_889, %swap3A_890], %broadcast_in_dim3A_0 {strides = array<i32>} : memref<256x32xf32, #tpu.memory_space<vmem>>, vector<16xf32>,
    %swap3A_892 = arith.constant 109 : i32
    %swap3A_893 = arith.index_cast %swap3A_892 : i32 to index
    %swap3A_894 = arith.constant 16 : index
    %swap3A_895 = tpu.vector_load %arg19[%swap3A_893, %swap3A_894] {strides = array<i32>} : memref<256x32xf32, #tpu.memory_space<vmem>>, vector<16xf32>,
    tpu.vector_store %arg19[%swap3A_893, %swap3A_894], %broadcast_in_dim3A_0 {strides = array<i32>} : memref<256x32xf32, #tpu.memory_space<vmem>>, vector<16xf32>,
    %swap3A_896 = arith.constant 110 : i32
    %swap3A_897 = arith.index_cast %swap3A_896 : i32 to index
    %swap3A_898 = arith.constant 0 : index
    %swap3A_899 = tpu.vector_load %arg19[%swap3A_897, %swap3A_898] {strides = array<i32>} : memref<256x32xf32, #tpu.memory_space<vmem>>, vector<16xf32>,
    tpu.vector_store %arg19[%swap3A_897, %swap3A_898], %broadcast_in_dim3A_0 {strides = array<i32>} : memref<256x32xf32, #tpu.memory_space<vmem>>, vector<16xf32>,
    %swap3A_900 = arith.constant 110 : i32
    %swap3A_901 = arith.index_cast %swap3A_900 : i32 to index
    %swap3A_902 = arith.constant 16 : index
    %swap3A_903 = tpu.vector_load %arg19[%swap3A_901, %swap3A_902] {strides = array<i32>} : memref<256x32xf32, #tpu.memory_space<vmem>>, vector<16xf32>,
    tpu.vector_store %arg19[%swap3A_901, %swap3A_902], %broadcast_in_dim3A_0 {strides = array<i32>} : memref<256x32xf32, #tpu.memory_space<vmem>>, vector<16xf32>,
    %swap3A_904 = arith.constant 111 : i32
    %swap3A_905 = arith.index_cast %swap3A_904 : i32 to index
    %swap3A_906 = arith.constant 0 : index
    %swap3A_907 = tpu.vector_load %arg19[%swap3A_905, %swap3A_906] {strides = array<i32>} : memref<256x32xf32, #tpu.memory_space<vmem>>, vector<16xf32>,
    tpu.vector_store %arg19[%swap3A_905, %swap3A_906], %broadcast_in_dim3A_0 {strides = array<i32>} : memref<256x32xf32, #tpu.memory_space<vmem>>, vector<16xf32>,
    %swap3A_908 = arith.constant 111 : i32
    %swap3A_909 = arith.index_cast %swap3A_908 : i32 to index
    %swap3A_910 = arith.constant 16 : index
    %swap3A_911 = tpu.vector_load %arg19[%swap3A_909, %swap3A_910] {strides = array<i32>} : memref<256x32xf32, #tpu.memory_space<vmem>>, vector<16xf32>,
    tpu.vector_store %arg19[%swap3A_909, %swap3A_910], %broadcast_in_dim3A_0 {strides = array<i32>} : memref<256x32xf32, #tpu.memory_space<vmem>>, vector<16xf32>,
    %swap3A_912 = arith.constant 112 : i32
    %swap3A_913 = arith.index_cast %swap3A_912 : i32 to index
    %swap3A_914 = arith.constant 0 : index
    %swap3A_915 = tpu.vector_load %arg19[%swap3A_913, %swap3A_914] {strides = array<i32>} : memref<256x32xf32, #tpu.memory_space<vmem>>, vector<16xf32>,
    tpu.vector_store %arg19[%swap3A_913, %swap3A_914], %broadcast_in_dim3A_0 {strides = array<i32>} : memref<256x32xf32, #tpu.memory_space<vmem>>, vector<16xf32>,
    %swap3A_916 = arith.constant 112 : i32
    %swap3A_917 = arith.index_cast %swap3A_916 : i32 to index
    %swap3A_918 = arith.constant 16 : index
    %swap3A_919 = tpu.vector_load %arg19[%swap3A_917, %swap3A_918] {strides = array<i32>} : memref<256x32xf32, #tpu.memory_space<vmem>>, vector<16xf32>,
    tpu.vector_store %arg19[%swap3A_917, %swap3A_918], %broadcast_in_dim3A_0 {strides = array<i32>} : memref<256x32xf32, #tpu.memory_space<vmem>>, vector<16xf32>,
    %swap3A_920 = arith.constant 113 : i32
    %swap3A_921 = arith.index_cast %swap3A_920 : i32 to index
    %swap3A_922 = arith.constant 0 : index
    %swap3A_923 = tpu.vector_load %arg19[%swap3A_921, %swap3A_922] {strides = array<i32>} : memref<256x32xf32, #tpu.memory_space<vmem>>, vector<16xf32>,
    tpu.vector_store %arg19[%swap3A_921, %swap3A_922], %broadcast_in_dim3A_0 {strides = array<i32>} : memref<256x32xf32, #tpu.memory_space<vmem>>, vector<16xf32>,
    %swap3A_924 = arith.constant 113 : i32
    %swap3A_925 = arith.index_cast %swap3A_924 : i32 to index
    %swap3A_926 = arith.constant 16 : index
    %swap3A_927 = tpu.vector_load %arg19[%swap3A_925, %swap3A_926] {strides = array<i32>} : memref<256x32xf32, #tpu.memory_space<vmem>>, vector<16xf32>,
    tpu.vector_store %arg19[%swap3A_925, %swap3A_926], %broadcast_in_dim3A_0 {strides = array<i32>} : memref<256x32xf32, #tpu.memory_space<vmem>>, vector<16xf32>,
    %swap3A_928 = arith.constant 114 : i32
    %swap3A_929 = arith.index_cast %swap3A_928 : i32 to index
    %swap3A_930 = arith.constant 0 : index
    %swap3A_931 = tpu.vector_load %arg19[%swap3A_929, %swap3A_930] {strides = array<i32>} : memref<256x32xf32, #tpu.memory_space<vmem>>, vector<16xf32>,
    tpu.vector_store %arg19[%swap3A_929, %swap3A_930], %broadcast_in_dim3A_0 {strides = array<i32>} : memref<256x32xf32, #tpu.memory_space<vmem>>, vector<16xf32>,
    %swap3A_932 = arith.constant 114 : i32
    %swap3A_933 = arith.index_cast %swap3A_932 : i32 to index
    %swap3A_934 = arith.constant 16 : index
    %swap3A_935 = tpu.vector_load %arg19[%swap3A_933, %swap3A_934] {strides = array<i32>} : memref<256x32xf32, #tpu.memory_space<vmem>>, vector<16xf32>,
    tpu.vector_store %arg19[%swap3A_933, %swap3A_934], %broadcast_in_dim3A_0 {strides = array<i32>} : memref<256x32xf32, #tpu.memory_space<vmem>>, vector<16xf32>,
    %swap3A_936 = arith.constant 115 : i32
    %swap3A_937 = arith.index_cast %swap3A_936 : i32 to index
    %swap3A_938 = arith.constant 0 : index
    %swap3A_939 = tpu.vector_load %arg19[%swap3A_937, %swap3A_938] {strides = array<i32>} : memref<256x32xf32, #tpu.memory_space<vmem>>, vector<16xf32>,
    tpu.vector_store %arg19[%swap3A_937, %swap3A_938], %broadcast_in_dim3A_0 {strides = array<i32>} : memref<256x32xf32, #tpu.memory_space<vmem>>, vector<16xf32>,
    %swap3A_940 = arith.constant 115 : i32
    %swap3A_941 = arith.index_cast %swap3A_940 : i32 to index
    %swap3A_942 = arith.constant 16 : index
    %swap3A_943 = tpu.vector_load %arg19[%swap3A_941, %swap3A_942] {strides = array<i32>} : memref<256x32xf32, #tpu.memory_space<vmem>>, vector<16xf32>,
    tpu.vector_store %arg19[%swap3A_941, %swap3A_942], %broadcast_in_dim3A_0 {strides = array<i32>} : memref<256x32xf32, #tpu.memory_space<vmem>>, vector<16xf32>,
    %swap3A_944 = arith.constant 116 : i32
    %swap3A_945 = arith.index_cast %swap3A_944 : i32 to index
    %swap3A_946 = arith.constant 0 : index
    %swap3A_947 = tpu.vector_load %arg19[%swap3A_945, %swap3A_946] {strides = array<i32>} : memref<256x32xf32, #tpu.memory_space<vmem>>, vector<16xf32>,
    tpu.vector_store %arg19[%swap3A_945, %swap3A_946], %broadcast_in_dim3A_0 {strides = array<i32>} : memref<256x32xf32, #tpu.memory_space<vmem>>, vector<16xf32>,
    %swap3A_948 = arith.constant 116 : i32
    %swap3A_949 = arith.index_cast %swap3A_948 : i32 to index
    %swap3A_950 = arith.constant 16 : index
    %swap3A_951 = tpu.vector_load %arg19[%swap3A_949, %swap3A_950] {strides = array<i32>} : memref<256x32xf32, #tpu.memory_space<vmem>>, vector<16xf32>,
    tpu.vector_store %arg19[%swap3A_949, %swap3A_950], %broadcast_in_dim3A_0 {strides = array<i32>} : memref<256x32xf32, #tpu.memory_space<vmem>>, vector<16xf32>,
    %swap3A_952 = arith.constant 117 : i32
    %swap3A_953 = arith.index_cast %swap3A_952 : i32 to index
    %swap3A_954 = arith.constant 0 : index
    %swap3A_955 = tpu.vector_load %arg19[%swap3A_953, %swap3A_954] {strides = array<i32>} : memref<256x32xf32, #tpu.memory_space<vmem>>, vector<16xf32>,
    tpu.vector_store %arg19[%swap3A_953, %swap3A_954], %broadcast_in_dim3A_0 {strides = array<i32>} : memref<256x32xf32, #tpu.memory_space<vmem>>, vector<16xf32>,
    %swap3A_956 = arith.constant 117 : i32
    %swap3A_957 = arith.index_cast %swap3A_956 : i32 to index
    %swap3A_958 = arith.constant 16 : index
    %swap3A_959 = tpu.vector_load %arg19[%swap3A_957, %swap3A_958] {strides = array<i32>} : memref<256x32xf32, #tpu.memory_space<vmem>>, vector<16xf32>,
    tpu.vector_store %arg19[%swap3A_957, %swap3A_958], %broadcast_in_dim3A_0 {strides = array<i32>} : memref<256x32xf32, #tpu.memory_space<vmem>>, vector<16xf32>,
    %swap3A_960 = arith.constant 118 : i32
    %swap3A_961 = arith.index_cast %swap3A_960 : i32 to index
    %swap3A_962 = arith.constant 0 : index
    %swap3A_963 = tpu.vector_load %arg19[%swap3A_961, %swap3A_962] {strides = array<i32>} : memref<256x32xf32, #tpu.memory_space<vmem>>, vector<16xf32>,
    tpu.vector_store %arg19[%swap3A_961, %swap3A_962], %broadcast_in_dim3A_0 {strides = array<i32>} : memref<256x32xf32, #tpu.memory_space<vmem>>, vector<16xf32>,
    %swap3A_964 = arith.constant 118 : i32
    %swap3A_965 = arith.index_cast %swap3A_964 : i32 to index
    %swap3A_966 = arith.constant 16 : index
    %swap3A_967 = tpu.vector_load %arg19[%swap3A_965, %swap3A_966] {strides = array<i32>} : memref<256x32xf32, #tpu.memory_space<vmem>>, vector<16xf32>,
    tpu.vector_store %arg19[%swap3A_965, %swap3A_966], %broadcast_in_dim3A_0 {strides = array<i32>} : memref<256x32xf32, #tpu.memory_space<vmem>>, vector<16xf32>,
    %swap3A_968 = arith.constant 119 : i32
    %swap3A_969 = arith.index_cast %swap3A_968 : i32 to index
    %swap3A_970 = arith.constant 0 : index
    %swap3A_971 = tpu.vector_load %arg19[%swap3A_969, %swap3A_970] {strides = array<i32>} : memref<256x32xf32, #tpu.memory_space<vmem>>, vector<16xf32>,
    tpu.vector_store %arg19[%swap3A_969, %swap3A_970], %broadcast_in_dim3A_0 {strides = array<i32>} : memref<256x32xf32, #tpu.memory_space<vmem>>, vector<16xf32>,
    %swap3A_972 = arith.constant 119 : i32
    %swap3A_973 = arith.index_cast %swap3A_972 : i32 to index
    %swap3A_974 = arith.constant 16 : index
    %swap3A_975 = tpu.vector_load %arg19[%swap3A_973, %swap3A_974] {strides = array<i32>} : memref<256x32xf32, #tpu.memory_space<vmem>>, vector<16xf32>,
    tpu.vector_store %arg19[%swap3A_973, %swap3A_974], %broadcast_in_dim3A_0 {strides = array<i32>} : memref<256x32xf32, #tpu.memory_space<vmem>>, vector<16xf32>,
    %swap3A_976 = arith.constant 120 : i32
    %swap3A_977 = arith.index_cast %swap3A_976 : i32 to index
    %swap3A_978 = arith.constant 0 : index
    %swap3A_979 = tpu.vector_load %arg19[%swap3A_977, %swap3A_978] {strides = array<i32>} : memref<256x32xf32, #tpu.memory_space<vmem>>, vector<16xf32>,
    tpu.vector_store %arg19[%swap3A_977, %swap3A_978], %broadcast_in_dim3A_0 {strides = array<i32>} : memref<256x32xf32, #tpu.memory_space<vmem>>, vector<16xf32>,
    %swap3A_980 = arith.constant 120 : i32
    %swap3A_981 = arith.index_cast %swap3A_980 : i32 to index
    %swap3A_982 = arith.constant 16 : index
    %swap3A_983 = tpu.vector_load %arg19[%swap3A_981, %swap3A_982] {strides = array<i32>} : memref<256x32xf32, #tpu.memory_space<vmem>>, vector<16xf32>,
    tpu.vector_store %arg19[%swap3A_981, %swap3A_982], %broadcast_in_dim3A_0 {strides = array<i32>} : memref<256x32xf32, #tpu.memory_space<vmem>>, vector<16xf32>,
    %swap3A_984 = arith.constant 121 : i32
    %swap3A_985 = arith.index_cast %swap3A_984 : i32 to index
    %swap3A_986 = arith.constant 0 : index
    %swap3A_987 = tpu.vector_load %arg19[%swap3A_985, %swap3A_986] {strides = array<i32>} : memref<256x32xf32, #tpu.memory_space<vmem>>, vector<16xf32>,
    tpu.vector_store %arg19[%swap3A_985, %swap3A_986], %broadcast_in_dim3A_0 {strides = array<i32>} : memref<256x32xf32, #tpu.memory_space<vmem>>, vector<16xf32>,
    %swap3A_988 = arith.constant 121 : i32
    %swap3A_989 = arith.index_cast %swap3A_988 : i32 to index
    %swap3A_990 = arith.constant 16 : index
    %swap3A_991 = tpu.vector_load %arg19[%swap3A_989, %swap3A_990] {strides = array<i32>} : memref<256x32xf32, #tpu.memory_space<vmem>>, vector<16xf32>,
    tpu.vector_store %arg19[%swap3A_989, %swap3A_990], %broadcast_in_dim3A_0 {strides = array<i32>} : memref<256x32xf32, #tpu.memory_space<vmem>>, vector<16xf32>,
    %swap3A_992 = arith.constant 122 : i32
    %swap3A_993 = arith.index_cast %swap3A_992 : i32 to index
    %swap3A_994 = arith.constant 0 : index
    %swap3A_995 = tpu.vector_load %arg19[%swap3A_993, %swap3A_994] {strides = array<i32>} : memref<256x32xf32, #tpu.memory_space<vmem>>, vector<16xf32>,
    tpu.vector_store %arg19[%swap3A_993, %swap3A_994], %broadcast_in_dim3A_0 {strides = array<i32>} : memref<256x32xf32, #tpu.memory_space<vmem>>, vector<16xf32>,
    %swap3A_996 = arith.constant 122 : i32
    %swap3A_997 = arith.index_cast %swap3A_996 : i32 to index
    %swap3A_998 = arith.constant 16 : index
    %swap3A_999 = tpu.vector_load %arg19[%swap3A_997, %swap3A_998] {strides = array<i32>} : memref<256x32xf32, #tpu.memory_space<vmem>>, vector<16xf32>,
    tpu.vector_store %arg19[%swap3A_997, %swap3A_998], %broadcast_in_dim3A_0 {strides = array<i32>} : memref<256x32xf32, #tpu.memory_space<vmem>>, vector<16xf32>,
    %swap3A_1000 = arith.constant 123 : i32
    %swap3A_1001 = arith.index_cast %swap3A_1000 : i32 to index
    %swap3A_1002 = arith.constant 0 : index
    %swap3A_1003 = tpu.vector_load %arg19[%swap3A_1001, %swap3A_1002] {strides = array<i32>} : memref<256x32xf32, #tpu.memory_space<vmem>>, vector<16xf32>,
    tpu.vector_store %arg19[%swap3A_1001, %swap3A_1002], %broadcast_in_dim3A_0 {strides = array<i32>} : memref<256x32xf32, #tpu.memory_space<vmem>>, vector<16xf32>,
    %swap3A_1004 = arith.constant 123 : i32
    %swap3A_1005 = arith.index_cast %swap3A_1004 : i32 to index
    %swap3A_1006 = arith.constant 16 : index
    %swap3A_1007 = tpu.vector_load %arg19[%swap3A_1005, %swap3A_1006] {strides = array<i32>} : memref<256x32xf32, #tpu.memory_space<vmem>>, vector<16xf32>,
    tpu.vector_store %arg19[%swap3A_1005, %swap3A_1006], %broadcast_in_dim3A_0 {strides = array<i32>} : memref<256x32xf32, #tpu.memory_space<vmem>>, vector<16xf32>,
    %swap3A_1008 = arith.constant 124 : i32
    %swap3A_1009 = arith.index_cast %swap3A_1008 : i32 to index
    %swap3A_1010 = arith.constant 0 : index
    %swap3A_1011 = tpu.vector_load %arg19[%swap3A_1009, %swap3A_1010] {strides = array<i32>} : memref<256x32xf32, #tpu.memory_space<vmem>>, vector<16xf32>,
    tpu.vector_store %arg19[%swap3A_1009, %swap3A_1010], %broadcast_in_dim3A_0 {strides = array<i32>} : memref<256x32xf32, #tpu.memory_space<vmem>>, vector<16xf32>,
    %swap3A_1012 = arith.constant 124 : i32
    %swap3A_1013 = arith.index_cast %swap3A_1012 : i32 to index
    %swap3A_1014 = arith.constant 16 : index
    %swap3A_1015 = tpu.vector_load %arg19[%swap3A_1013, %swap3A_1014] {strides = array<i32>} : memref<256x32xf32, #tpu.memory_space<vmem>>, vector<16xf32>,
    tpu.vector_store %arg19[%swap3A_1013, %swap3A_1014], %broadcast_in_dim3A_0 {strides = array<i32>} : memref<256x32xf32, #tpu.memory_space<vmem>>, vector<16xf32>,
    %swap3A_1016 = arith.constant 125 : i32
    %swap3A_1017 = arith.index_cast %swap3A_1016 : i32 to index
    %swap3A_1018 = arith.constant 0 : index
    %swap3A_1019 = tpu.vector_load %arg19[%swap3A_1017, %swap3A_1018] {strides = array<i32>} : memref<256x32xf32, #tpu.memory_space<vmem>>, vector<16xf32>,
    tpu.vector_store %arg19[%swap3A_1017, %swap3A_1018], %broadcast_in_dim3A_0 {strides = array<i32>} : memref<256x32xf32, #tpu.memory_space<vmem>>, vector<16xf32>,
    %swap3A_1020 = arith.constant 125 : i32
    %swap3A_1021 = arith.index_cast %swap3A_1020 : i32 to index
    %swap3A_1022 = arith.constant 16 : index
    %swap3A_1023 = tpu.vector_load %arg19[%swap3A_1021, %swap3A_1022] {strides = array<i32>} : memref<256x32xf32, #tpu.memory_space<vmem>>, vector<16xf32>,
    tpu.vector_store %arg19[%swap3A_1021, %swap3A_1022], %broadcast_in_dim3A_0 {strides = array<i32>} : memref<256x32xf32, #tpu.memory_space<vmem>>, vector<16xf32>,
    %swap3A_1024 = arith.constant 126 : i32
    %swap3A_1025 = arith.index_cast %swap3A_1024 : i32 to index
    %swap3A_1026 = arith.constant 0 : index
    %swap3A_1027 = tpu.vector_load %arg19[%swap3A_1025, %swap3A_1026] {strides = array<i32>} : memref<256x32xf32, #tpu.memory_space<vmem>>, vector<16xf32>,
    tpu.vector_store %arg19[%swap3A_1025, %swap3A_1026], %broadcast_in_dim3A_0 {strides = array<i32>} : memref<256x32xf32, #tpu.memory_space<vmem>>, vector<16xf32>,
    %swap3A_1028 = arith.constant 126 : i32
    %swap3A_1029 = arith.index_cast %swap3A_1028 : i32 to index
    %swap3A_1030 = arith.constant 16 : index
    %swap3A_1031 = tpu.vector_load %arg19[%swap3A_1029, %swap3A_1030] {strides = array<i32>} : memref<256x32xf32, #tpu.memory_space<vmem>>, vector<16xf32>,
    tpu.vector_store %arg19[%swap3A_1029, %swap3A_1030], %broadcast_in_dim3A_0 {strides = array<i32>} : memref<256x32xf32, #tpu.memory_space<vmem>>, vector<16xf32>,
    %swap3A_1032 = arith.constant 127 : i32
    %swap3A_1033 = arith.index_cast %swap3A_1032 : i32 to index
    %swap3A_1034 = arith.constant 0 : index
    %swap3A_1035 = tpu.vector_load %arg19[%swap3A_1033, %swap3A_1034] {strides = array<i32>} : memref<256x32xf32, #tpu.memory_space<vmem>>, vector<16xf32>,
    tpu.vector_store %arg19[%swap3A_1033, %swap3A_1034], %broadcast_in_dim3A_0 {strides = array<i32>} : memref<256x32xf32, #tpu.memory_space<vmem>>, vector<16xf32>,
    %swap3A_1036 = arith.constant 127 : i32
    %swap3A_1037 = arith.index_cast %swap3A_1036 : i32 to index
    %swap3A_1038 = arith.constant 16 : index
    %swap3A_1039 = tpu.vector_load %arg19[%swap3A_1037, %swap3A_1038] {strides = array<i32>} : memref<256x32xf32, #tpu.memory_space<vmem>>, vector<16xf32>,
    tpu.vector_store %arg19[%swap3A_1037, %swap3A_1038], %broadcast_in_dim3A_0 {strides = array<i32>} : memref<256x32xf32, #tpu.memory_space<vmem>>, vector<16xf32>,
    %sub3A = arith.constant 49 : i32
    %sub3A_1040 = arith.subi %sub3A, %arg1 : i32
    %add3A = arith.constant 16 : i32
    %add3A_1041 = arith.addi %sub3A_1040, %add3A : i32
    %sub3A_1042 = arith.constant 1 : i32
    %sub3A_1043 = arith.subi %add3A_1041, %sub3A_1042 : i32
    %jit3A = arith.constant 16 : i32
    %div3A = arith.divsi %sub3A_1043, %jit3A : i32
    %sign3A = arith.constant 0 : i32
    %sign3A_1044 = arith.cmpi sgt, %sub3A_1043, %sign3A : i32
    %sign3A_1045 = arith.extui %sign3A_1044 : i1 to i32
    %sign3A_1046 = arith.constant 0 : i32
    %sign3A_1047 = arith.cmpi slt, %sub3A_1043, %sign3A_1046 : i32
    %sign3A_1048 = arith.extui %sign3A_1047 : i1 to i32
    %sign3A_1049 = arith.subi %sign3A_1045, %sign3A_1048 : i32
    %sign3A_1050 = arith.constant 0 : i32
    %sign3A_1051 = arith.cmpi sgt, %jit3A, %sign3A_1050 : i32
    %sign3A_1052 = arith.extui %sign3A_1051 : i1 to i32
    %sign3A_1053 = arith.constant 0 : i32
    %sign3A_1054 = arith.cmpi slt, %jit3A, %sign3A_1053 : i32
    %sign3A_1055 = arith.extui %sign3A_1054 : i1 to i32
    %sign3A_1056 = arith.subi %sign3A_1052, %sign3A_1055 : i32
    %ne3A = arith.cmpi ne, %sign3A_1049, %sign3A_1056 : i32
    %rem3A = arith.remsi %sub3A_1043, %jit3A : i32
    %ne3A_1057 = arith.constant 0 : i32
    %ne3A_1058 = arith.cmpi ne, %rem3A, %ne3A_1057 : i32
    %and3A = arith.andi %ne3A, %ne3A_1058 : i1
    %sub3A_1059 = arith.constant 1 : i32
    %sub3A_1060 = arith.subi %div3A, %sub3A_1059 : i32
    %select_n3A = arith.select %and3A, %sub3A_1060, %div3A : i32
    %while3A = arith.constant 0 : i32
    %while3A_1061 = arith.constant 0 : i32
    %while3A_1062 = arith.subi %select_n3A, %while3A : i32
    %while3A_1063 = arith.addi %while3A, %while3A_1062 : i32
    %while3A_1064 = arith.constant 1 : i32
    %while3A_1065 = arith.divsi %while3A_1062, %while3A_1064 : i32
    %while3A_1066 = arith.muli %while3A_1065, %while3A_1064 : i32
    %while3A_1067 = arith.addi %while3A, %while3A_1066 : i32
    %while3A_1068 = arith.constant 1 : i32
    %while3A_1069 = scf.for %while3A_1097 = %while3A to %while3A_1067 step %while3A_1068 iter_args(%while3A_1098 = %while3A_1061) -> (i32)  : i32 {
      %mul3A_1099 = arith.constant 16 : i32
      %mul3A_1100 = arith.muli %while3A_1097, %mul3A_1099 : i32
      %add3A_1101 = arith.addi %arg1, %mul3A_1100 : i32
      %mul3A_1102 = arith.constant 128 : i32
      %mul3A_1103 = arith.muli %add3A_1101, %mul3A_1102 : i32
      %add3A_1104 = arith.constant 0 : i32
      %add3A_1105 = arith.addi %mul3A_1103, %add3A_1104 : i32
      %add3A_1106 = vector.broadcast %add3A_1105 : i32 to vector<16xi32>
      %add3A_1107 = arith.addi %add3A_1106, %iota3A : vector<16xi32>
      %swap3A_1108 = arith.constant 0 : i32
      %swap3A_1109 = arith.index_cast %swap3A_1108 : i32 to index
      %swap3A_1110 = arith.constant 0 : index
      %swap3A_1111 = tpu.vector_load %arg23[%swap3A_1109, %swap3A_1110] {strides = array<i32>} : memref<1x128xi32, #tpu.memory_space<vmem>>, vector<16xi32>,
      tpu.vector_store %arg23[%swap3A_1109, %swap3A_1110], %add3A_1107 {strides = array<i32>} : memref<1x128xi32, #tpu.memory_space<vmem>>, vector<16xi32>,
      %add3A_1112 = arith.constant 16 : i32
      %add3A_1113 = arith.addi %mul3A_1103, %add3A_1112 : i32
      %add3A_1114 = vector.broadcast %add3A_1113 : i32 to vector<16xi32>
      %add3A_1115 = arith.addi %add3A_1114, %iota3A : vector<16xi32>
      %swap3A_1116 = arith.constant 0 : i32
      %swap3A_1117 = arith.index_cast %swap3A_1116 : i32 to index
      %swap3A_1118 = arith.constant 16 : index
      %swap3A_1119 = tpu.vector_load %arg23[%swap3A_1117, %swap3A_1118] {strides = array<i32>} : memref<1x128xi32, #tpu.memory_space<vmem>>, vector<16xi32>,
      tpu.vector_store %arg23[%swap3A_1117, %swap3A_1118], %add3A_1115 {strides = array<i32>} : memref<1x128xi32, #tpu.memory_space<vmem>>, vector<16xi32>,
      %add3A_1120 = arith.constant 32 : i32
      %add3A_1121 = arith.addi %mul3A_1103, %add3A_1120 : i32
      %add3A_1122 = vector.broadcast %add3A_1121 : i32 to vector<16xi32>
      %add3A_1123 = arith.addi %add3A_1122, %iota3A : vector<16xi32>
      %swap3A_1124 = arith.constant 0 : i32
      %swap3A_1125 = arith.index_cast %swap3A_1124 : i32 to index
      %swap3A_1126 = arith.constant 32 : index
      %swap3A_1127 = tpu.vector_load %arg23[%swap3A_1125, %swap3A_1126] {strides = array<i32>} : memref<1x128xi32, #tpu.memory_space<vmem>>, vector<16xi32>,
      tpu.vector_store %arg23[%swap3A_1125, %swap3A_1126], %add3A_1123 {strides = array<i32>} : memref<1x128xi32, #tpu.memory_space<vmem>>, vector<16xi32>,
      %add3A_1128 = arith.constant 48 : i32
      %add3A_1129 = arith.addi %mul3A_1103, %add3A_1128 : i32
      %add3A_1130 = vector.broadcast %add3A_1129 : i32 to vector<16xi32>
      %add3A_1131 = arith.addi %add3A_1130, %iota3A : vector<16xi32>
      %swap3A_1132 = arith.constant 0 : i32
      %swap3A_1133 = arith.index_cast %swap3A_1132 : i32 to index
      %swap3A_1134 = arith.constant 48 : index
      %swap3A_1135 = tpu.vector_load %arg23[%swap3A_1133, %swap3A_1134] {strides = array<i32>} : memref<1x128xi32, #tpu.memory_space<vmem>>, vector<16xi32>,
      tpu.vector_store %arg23[%swap3A_1133, %swap3A_1134], %add3A_1131 {strides = array<i32>} : memref<1x128xi32, #tpu.memory_space<vmem>>, vector<16xi32>,
      %add3A_1136 = arith.constant 64 : i32
      %add3A_1137 = arith.addi %mul3A_1103, %add3A_1136 : i32
      %add3A_1138 = vector.broadcast %add3A_1137 : i32 to vector<16xi32>
      %add3A_1139 = arith.addi %add3A_1138, %iota3A : vector<16xi32>
      %swap3A_1140 = arith.constant 0 : i32
      %swap3A_1141 = arith.index_cast %swap3A_1140 : i32 to index
      %swap3A_1142 = arith.constant 64 : index
      %swap3A_1143 = tpu.vector_load %arg23[%swap3A_1141, %swap3A_1142] {strides = array<i32>} : memref<1x128xi32, #tpu.memory_space<vmem>>, vector<16xi32>,
      tpu.vector_store %arg23[%swap3A_1141, %swap3A_1142], %add3A_1139 {strides = array<i32>} : memref<1x128xi32, #tpu.memory_space<vmem>>, vector<16xi32>,
      %add3A_1144 = arith.constant 80 : i32
      %add3A_1145 = arith.addi %mul3A_1103, %add3A_1144 : i32
      %add3A_1146 = vector.broadcast %add3A_1145 : i32 to vector<16xi32>
      %add3A_1147 = arith.addi %add3A_1146, %iota3A : vector<16xi32>
      %swap3A_1148 = arith.constant 0 : i32
      %swap3A_1149 = arith.index_cast %swap3A_1148 : i32 to index
      %swap3A_1150 = arith.constant 80 : index
      %swap3A_1151 = tpu.vector_load %arg23[%swap3A_1149, %swap3A_1150] {strides = array<i32>} : memref<1x128xi32, #tpu.memory_space<vmem>>, vector<16xi32>,
      tpu.vector_store %arg23[%swap3A_1149, %swap3A_1150], %add3A_1147 {strides = array<i32>} : memref<1x128xi32, #tpu.memory_space<vmem>>, vector<16xi32>,
      %add3A_1152 = arith.constant 96 : i32
      %add3A_1153 = arith.addi %mul3A_1103, %add3A_1152 : i32
      %add3A_1154 = vector.broadcast %add3A_1153 : i32 to vector<16xi32>
      %add3A_1155 = arith.addi %add3A_1154, %iota3A : vector<16xi32>
      %swap3A_1156 = arith.constant 0 : i32
      %swap3A_1157 = arith.index_cast %swap3A_1156 : i32 to index
      %swap3A_1158 = arith.constant 96 : index
      %swap3A_1159 = tpu.vector_load %arg23[%swap3A_1157, %swap3A_1158] {strides = array<i32>} : memref<1x128xi32, #tpu.memory_space<vmem>>, vector<16xi32>,
      tpu.vector_store %arg23[%swap3A_1157, %swap3A_1158], %add3A_1155 {strides = array<i32>} : memref<1x128xi32, #tpu.memory_space<vmem>>, vector<16xi32>,
      %add3A_1160 = arith.constant 112 : i32
      %add3A_1161 = arith.addi %mul3A_1103, %add3A_1160 : i32
      %add3A_1162 = vector.broadcast %add3A_1161 : i32 to vector<16xi32>
      %add3A_1163 = arith.addi %add3A_1162, %iota3A : vector<16xi32>
      %swap3A_1164 = arith.constant 0 : i32
      %swap3A_1165 = arith.index_cast %swap3A_1164 : i32 to index
      %swap3A_1166 = arith.constant 112 : index
      %swap3A_1167 = tpu.vector_load %arg23[%swap3A_1165, %swap3A_1166] {strides = array<i32>} : memref<1x128xi32, #tpu.memory_space<vmem>>, vector<16xi32>,
      tpu.vector_store %arg23[%swap3A_1165, %swap3A_1166], %add3A_1163 {strides = array<i32>} : memref<1x128xi32, #tpu.memory_space<vmem>>, vector<16xi32>,
      %run_scoped3A = arith.constant 0 : i32
      "tpu.region"() ({
        %run_scoped3A_1170 = tpu.sem_alloc : memref<!tpu.dma_semaphore, #tpu.memory_space<semaphore_mem>>
        %dma_start3A = arith.constant 0 : i32
        %dma_start3A_1171 = arith.constant 0 : i32
        %dma_start3A_1172 = tpu.memref_slice %arg19[%dma_start3A, %dma_start3A_1171] : memref<256x32xf32, #tpu.memory_space<vmem>> -> memref<128x32xf32, #tpu.memory_space<vmem>>
        %dma_start3A_1173 = arith.constant 0 : i32
        %dma_start3A_1174 = tpu.memref_slice %arg23[%run_scoped3A, %dma_start3A_1173] : memref<1x128xi32, #tpu.memory_space<vmem>> -> memref<1x128xi32, #tpu.memory_space<vmem>>
        %dma_start3A_1175 = tpu.memref_squeeze %dma_start3A_1174 : memref<1x128xi32, #tpu.memory_space<vmem>> -> memref<128xi32, #tpu.memory_space<vmem>>
        %dma_start3A_1176 = arith.constant 0 : i32
        %dma_start3A_1177 = arith.constant 0 : i32
        %dma_start3A_1178 = tpu.memref_slice %arg24[%dma_start3A_1176, %dma_start3A_1177] : memref<6272x32xf32, #tpu.memory_space<vmem_shared>> -> memref<6272x32xf32, #tpu.memory_space<vmem_shared>>
        tpu.enqueue_indirect_dma source(%dma_start3A_1172 : memref<128x32xf32, #tpu.memory_space<vmem>>) target(%dma_start3A_1178 : memref<6272x32xf32, #tpu.memory_space<vmem_shared>>) offsets(%dma_start3A_1175 : memref<128xi32, #tpu.memory_space<vmem>>) semaphore(%run_scoped3A_1170 : memref<!tpu.dma_semaphore, #tpu.memory_space<semaphore_mem>>)
        %dma_wait3A = arith.constant 0 : i32
        %dma_wait3A_1179 = arith.constant 0 : i32
        %dma_wait3A_1180 = tpu.memref_slice %arg19[%dma_wait3A, %dma_wait3A_1179] : memref<256x32xf32, #tpu.memory_space<vmem>> -> memref<128x32xf32, #tpu.memory_space<vmem>>
        %dma_wait3A_1181 = arith.constant 0 : i32
        %dma_wait3A_1182 = tpu.memref_slice %arg23[%run_scoped3A, %dma_wait3A_1181] : memref<1x128xi32, #tpu.memory_space<vmem>> -> memref<1x128xi32, #tpu.memory_space<vmem>>
        %dma_wait3A_1183 = tpu.memref_squeeze %dma_wait3A_1182 : memref<1x128xi32, #tpu.memory_space<vmem>> -> memref<128xi32, #tpu.memory_space<vmem>>
        %dma_wait3A_1184 = arith.constant 0 : i32
        %dma_wait3A_1185 = arith.constant 0 : i32
        %dma_wait3A_1186 = tpu.memref_slice %arg24[%dma_wait3A_1184, %dma_wait3A_1185] : memref<6272x32xf32, #tpu.memory_space<vmem_shared>> -> memref<6272x32xf32, #tpu.memory_space<vmem_shared>>
        tpu.wait_indirect_dma semaphore(%run_scoped3A_1170 : memref<!tpu.dma_semaphore, #tpu.memory_space<semaphore_mem>>) src(%dma_wait3A_1180 : memref<128x32xf32, #tpu.memory_space<vmem>>) dst(%dma_wait3A_1186 : memref<6272x32xf32, #tpu.memory_space<vmem_shared>>)
        tpu.yield
      }) : () -> ()
      %run_scoped3A_1168 = arith.constant 0 : i32
      "tpu.region"() ({
        %run_scoped3A_1170 = tpu.sem_alloc : memref<!tpu.dma_semaphore, #tpu.memory_space<semaphore_mem>>
        %dma_start3A = arith.constant 0 : i32
        %dma_start3A_1171 = tpu.memref_slice %arg23[%run_scoped3A_1168, %dma_start3A] : memref<1x128xi32, #tpu.memory_space<vmem>> -> memref<1x128xi32, #tpu.memory_space<vmem>>
        %dma_start3A_1172 = tpu.memref_squeeze %dma_start3A_1171 : memref<1x128xi32, #tpu.memory_space<vmem>> -> memref<128xi32, #tpu.memory_space<vmem>>
        %dma_start3A_1173 = arith.constant 0 : i32
        %dma_start3A_1174 = tpu.memref_slice %arg25[%dma_start3A_1173] : memref<6272xf32, #tpu.memory_space<vmem_shared>> -> memref<6272xf32, #tpu.memory_space<vmem_shared>>
        tpu.enqueue_indirect_dma source(%arg21 : memref<128xf32, #tpu.memory_space<vmem>>) target(%dma_start3A_1174 : memref<6272xf32, #tpu.memory_space<vmem_shared>>) offsets(%dma_start3A_1172 : memref<128xi32, #tpu.memory_space<vmem>>) semaphore(%run_scoped3A_1170 : memref<!tpu.dma_semaphore, #tpu.memory_space<semaphore_mem>>)
        %dma_wait3A = arith.constant 0 : i32
        %dma_wait3A_1175 = tpu.memref_slice %arg23[%run_scoped3A_1168, %dma_wait3A] : memref<1x128xi32, #tpu.memory_space<vmem>> -> memref<1x128xi32, #tpu.memory_space<vmem>>
        %dma_wait3A_1176 = tpu.memref_squeeze %dma_wait3A_1175 : memref<1x128xi32, #tpu.memory_space<vmem>> -> memref<128xi32, #tpu.memory_space<vmem>>
        %dma_wait3A_1177 = arith.constant 0 : i32
        %dma_wait3A_1178 = tpu.memref_slice %arg25[%dma_wait3A_1177] : memref<6272xf32, #tpu.memory_space<vmem_shared>> -> memref<6272xf32, #tpu.memory_space<vmem_shared>>
        tpu.wait_indirect_dma semaphore(%run_scoped3A_1170 : memref<!tpu.dma_semaphore, #tpu.memory_space<semaphore_mem>>) src(%arg21 : memref<128xf32, #tpu.memory_space<vmem>>) dst(%dma_wait3A_1178 : memref<6272xf32, #tpu.memory_space<vmem_shared>>)
        tpu.yield
      }) : () -> ()
      %while3A_1169 = arith.constant 0 : i32
      scf.yield %while3A_1169 : i32
    }
    %while3A_1070 = arith.constant 1 : i32
    %while3A_1071 = scf.for %while3A_1097 = %while3A_1067 to %while3A_1063 step %while3A_1070 iter_args(%while3A_1098 = %while3A_1069) -> (i32)  : i32 {
      %mul3A_1099 = arith.constant 16 : i32
      %mul3A_1100 = arith.muli %while3A_1097, %mul3A_1099 : i32
      %add3A_1101 = arith.addi %arg1, %mul3A_1100 : i32
      %mul3A_1102 = arith.constant 128 : i32
      %mul3A_1103 = arith.muli %add3A_1101, %mul3A_1102 : i32
      %add3A_1104 = arith.constant 0 : i32
      %add3A_1105 = arith.addi %mul3A_1103, %add3A_1104 : i32
      %add3A_1106 = vector.broadcast %add3A_1105 : i32 to vector<16xi32>
      %add3A_1107 = arith.addi %add3A_1106, %iota3A : vector<16xi32>
      %swap3A_1108 = arith.constant 0 : i32
      %swap3A_1109 = arith.index_cast %swap3A_1108 : i32 to index
      %swap3A_1110 = arith.constant 0 : index
      %swap3A_1111 = tpu.vector_load %arg23[%swap3A_1109, %swap3A_1110] {strides = array<i32>} : memref<1x128xi32, #tpu.memory_space<vmem>>, vector<16xi32>,
      tpu.vector_store %arg23[%swap3A_1109, %swap3A_1110], %add3A_1107 {strides = array<i32>} : memref<1x128xi32, #tpu.memory_space<vmem>>, vector<16xi32>,
      %add3A_1112 = arith.constant 16 : i32
      %add3A_1113 = arith.addi %mul3A_1103, %add3A_1112 : i32
      %add3A_1114 = vector.broadcast %add3A_1113 : i32 to vector<16xi32>
      %add3A_1115 = arith.addi %add3A_1114, %iota3A : vector<16xi32>
      %swap3A_1116 = arith.constant 0 : i32
      %swap3A_1117 = arith.index_cast %swap3A_1116 : i32 to index
      %swap3A_1118 = arith.constant 16 : index
      %swap3A_1119 = tpu.vector_load %arg23[%swap3A_1117, %swap3A_1118] {strides = array<i32>} : memref<1x128xi32, #tpu.memory_space<vmem>>, vector<16xi32>,
      tpu.vector_store %arg23[%swap3A_1117, %swap3A_1118], %add3A_1115 {strides = array<i32>} : memref<1x128xi32, #tpu.memory_space<vmem>>, vector<16xi32>,
      %add3A_1120 = arith.constant 32 : i32
      %add3A_1121 = arith.addi %mul3A_1103, %add3A_1120 : i32
      %add3A_1122 = vector.broadcast %add3A_1121 : i32 to vector<16xi32>
      %add3A_1123 = arith.addi %add3A_1122, %iota3A : vector<16xi32>
      %swap3A_1124 = arith.constant 0 : i32
      %swap3A_1125 = arith.index_cast %swap3A_1124 : i32 to index
      %swap3A_1126 = arith.constant 32 : index
      %swap3A_1127 = tpu.vector_load %arg23[%swap3A_1125, %swap3A_1126] {strides = array<i32>} : memref<1x128xi32, #tpu.memory_space<vmem>>, vector<16xi32>,
      tpu.vector_store %arg23[%swap3A_1125, %swap3A_1126], %add3A_1123 {strides = array<i32>} : memref<1x128xi32, #tpu.memory_space<vmem>>, vector<16xi32>,
      %add3A_1128 = arith.constant 48 : i32
      %add3A_1129 = arith.addi %mul3A_1103, %add3A_1128 : i32
      %add3A_1130 = vector.broadcast %add3A_1129 : i32 to vector<16xi32>
      %add3A_1131 = arith.addi %add3A_1130, %iota3A : vector<16xi32>
      %swap3A_1132 = arith.constant 0 : i32
      %swap3A_1133 = arith.index_cast %swap3A_1132 : i32 to index
      %swap3A_1134 = arith.constant 48 : index
      %swap3A_1135 = tpu.vector_load %arg23[%swap3A_1133, %swap3A_1134] {strides = array<i32>} : memref<1x128xi32, #tpu.memory_space<vmem>>, vector<16xi32>,
      tpu.vector_store %arg23[%swap3A_1133, %swap3A_1134], %add3A_1131 {strides = array<i32>} : memref<1x128xi32, #tpu.memory_space<vmem>>, vector<16xi32>,
      %add3A_1136 = arith.constant 64 : i32
      %add3A_1137 = arith.addi %mul3A_1103, %add3A_1136 : i32
      %add3A_1138 = vector.broadcast %add3A_1137 : i32 to vector<16xi32>
      %add3A_1139 = arith.addi %add3A_1138, %iota3A : vector<16xi32>
      %swap3A_1140 = arith.constant 0 : i32
      %swap3A_1141 = arith.index_cast %swap3A_1140 : i32 to index
      %swap3A_1142 = arith.constant 64 : index
      %swap3A_1143 = tpu.vector_load %arg23[%swap3A_1141, %swap3A_1142] {strides = array<i32>} : memref<1x128xi32, #tpu.memory_space<vmem>>, vector<16xi32>,
      tpu.vector_store %arg23[%swap3A_1141, %swap3A_1142], %add3A_1139 {strides = array<i32>} : memref<1x128xi32, #tpu.memory_space<vmem>>, vector<16xi32>,
      %add3A_1144 = arith.constant 80 : i32
      %add3A_1145 = arith.addi %mul3A_1103, %add3A_1144 : i32
      %add3A_1146 = vector.broadcast %add3A_1145 : i32 to vector<16xi32>
      %add3A_1147 = arith.addi %add3A_1146, %iota3A : vector<16xi32>
      %swap3A_1148 = arith.constant 0 : i32
      %swap3A_1149 = arith.index_cast %swap3A_1148 : i32 to index
      %swap3A_1150 = arith.constant 80 : index
      %swap3A_1151 = tpu.vector_load %arg23[%swap3A_1149, %swap3A_1150] {strides = array<i32>} : memref<1x128xi32, #tpu.memory_space<vmem>>, vector<16xi32>,
      tpu.vector_store %arg23[%swap3A_1149, %swap3A_1150], %add3A_1147 {strides = array<i32>} : memref<1x128xi32, #tpu.memory_space<vmem>>, vector<16xi32>,
      %add3A_1152 = arith.constant 96 : i32
      %add3A_1153 = arith.addi %mul3A_1103, %add3A_1152 : i32
      %add3A_1154 = vector.broadcast %add3A_1153 : i32 to vector<16xi32>
      %add3A_1155 = arith.addi %add3A_1154, %iota3A : vector<16xi32>
      %swap3A_1156 = arith.constant 0 : i32
      %swap3A_1157 = arith.index_cast %swap3A_1156 : i32 to index
      %swap3A_1158 = arith.constant 96 : index
      %swap3A_1159 = tpu.vector_load %arg23[%swap3A_1157, %swap3A_1158] {strides = array<i32>} : memref<1x128xi32, #tpu.memory_space<vmem>>, vector<16xi32>,
      tpu.vector_store %arg23[%swap3A_1157, %swap3A_1158], %add3A_1155 {strides = array<i32>} : memref<1x128xi32, #tpu.memory_space<vmem>>, vector<16xi32>,
      %add3A_1160 = arith.constant 112 : i32
      %add3A_1161 = arith.addi %mul3A_1103, %add3A_1160 : i32
      %add3A_1162 = vector.broadcast %add3A_1161 : i32 to vector<16xi32>
      %add3A_1163 = arith.addi %add3A_1162, %iota3A : vector<16xi32>
      %swap3A_1164 = arith.constant 0 : i32
      %swap3A_1165 = arith.index_cast %swap3A_1164 : i32 to index
      %swap3A_1166 = arith.constant 112 : index
      %swap3A_1167 = tpu.vector_load %arg23[%swap3A_1165, %swap3A_1166] {strides = array<i32>} : memref<1x128xi32, #tpu.memory_space<vmem>>, vector<16xi32>,
      tpu.vector_store %arg23[%swap3A_1165, %swap3A_1166], %add3A_1163 {strides = array<i32>} : memref<1x128xi32, #tpu.memory_space<vmem>>, vector<16xi32>,
      %run_scoped3A = arith.constant 0 : i32
      "tpu.region"() ({
        %run_scoped3A_1170 = tpu.sem_alloc : memref<!tpu.dma_semaphore, #tpu.memory_space<semaphore_mem>>
        %dma_start3A = arith.constant 0 : i32
        %dma_start3A_1171 = arith.constant 0 : i32
        %dma_start3A_1172 = tpu.memref_slice %arg19[%dma_start3A, %dma_start3A_1171] : memref<256x32xf32, #tpu.memory_space<vmem>> -> memref<128x32xf32, #tpu.memory_space<vmem>>
        %dma_start3A_1173 = arith.constant 0 : i32
        %dma_start3A_1174 = tpu.memref_slice %arg23[%run_scoped3A, %dma_start3A_1173] : memref<1x128xi32, #tpu.memory_space<vmem>> -> memref<1x128xi32, #tpu.memory_space<vmem>>
        %dma_start3A_1175 = tpu.memref_squeeze %dma_start3A_1174 : memref<1x128xi32, #tpu.memory_space<vmem>> -> memref<128xi32, #tpu.memory_space<vmem>>
        %dma_start3A_1176 = arith.constant 0 : i32
        %dma_start3A_1177 = arith.constant 0 : i32
        %dma_start3A_1178 = tpu.memref_slice %arg24[%dma_start3A_1176, %dma_start3A_1177] : memref<6272x32xf32, #tpu.memory_space<vmem_shared>> -> memref<6272x32xf32, #tpu.memory_space<vmem_shared>>
        tpu.enqueue_indirect_dma source(%dma_start3A_1172 : memref<128x32xf32, #tpu.memory_space<vmem>>) target(%dma_start3A_1178 : memref<6272x32xf32, #tpu.memory_space<vmem_shared>>) offsets(%dma_start3A_1175 : memref<128xi32, #tpu.memory_space<vmem>>) semaphore(%run_scoped3A_1170 : memref<!tpu.dma_semaphore, #tpu.memory_space<semaphore_mem>>)
        %dma_wait3A = arith.constant 0 : i32
        %dma_wait3A_1179 = arith.constant 0 : i32
        %dma_wait3A_1180 = tpu.memref_slice %arg19[%dma_wait3A, %dma_wait3A_1179] : memref<256x32xf32, #tpu.memory_space<vmem>> -> memref<128x32xf32, #tpu.memory_space<vmem>>
        %dma_wait3A_1181 = arith.constant 0 : i32
        %dma_wait3A_1182 = tpu.memref_slice %arg23[%run_scoped3A, %dma_wait3A_1181] : memref<1x128xi32, #tpu.memory_space<vmem>> -> memref<1x128xi32, #tpu.memory_space<vmem>>
        %dma_wait3A_1183 = tpu.memref_squeeze %dma_wait3A_1182 : memref<1x128xi32, #tpu.memory_space<vmem>> -> memref<128xi32, #tpu.memory_space<vmem>>
        %dma_wait3A_1184 = arith.constant 0 : i32
        %dma_wait3A_1185 = arith.constant 0 : i32
        %dma_wait3A_1186 = tpu.memref_slice %arg24[%dma_wait3A_1184, %dma_wait3A_1185] : memref<6272x32xf32, #tpu.memory_space<vmem_shared>> -> memref<6272x32xf32, #tpu.memory_space<vmem_shared>>
        tpu.wait_indirect_dma semaphore(%run_scoped3A_1170 : memref<!tpu.dma_semaphore, #tpu.memory_space<semaphore_mem>>) src(%dma_wait3A_1180 : memref<128x32xf32, #tpu.memory_space<vmem>>) dst(%dma_wait3A_1186 : memref<6272x32xf32, #tpu.memory_space<vmem_shared>>)
        tpu.yield
      }) : () -> ()
      %run_scoped3A_1168 = arith.constant 0 : i32
      "tpu.region"() ({
        %run_scoped3A_1170 = tpu.sem_alloc : memref<!tpu.dma_semaphore, #tpu.memory_space<semaphore_mem>>
        %dma_start3A = arith.constant 0 : i32
        %dma_start3A_1171 = tpu.memref_slice %arg23[%run_scoped3A_1168, %dma_start3A] : memref<1x128xi32, #tpu.memory_space<vmem>> -> memref<1x128xi32, #tpu.memory_space<vmem>>
        %dma_start3A_1172 = tpu.memref_squeeze %dma_start3A_1171 : memref<1x128xi32, #tpu.memory_space<vmem>> -> memref<128xi32, #tpu.memory_space<vmem>>
        %dma_start3A_1173 = arith.constant 0 : i32
        %dma_start3A_1174 = tpu.memref_slice %arg25[%dma_start3A_1173] : memref<6272xf32, #tpu.memory_space<vmem_shared>> -> memref<6272xf32, #tpu.memory_space<vmem_shared>>
        tpu.enqueue_indirect_dma source(%arg21 : memref<128xf32, #tpu.memory_space<vmem>>) target(%dma_start3A_1174 : memref<6272xf32, #tpu.memory_space<vmem_shared>>) offsets(%dma_start3A_1172 : memref<128xi32, #tpu.memory_space<vmem>>) semaphore(%run_scoped3A_1170 : memref<!tpu.dma_semaphore, #tpu.memory_space<semaphore_mem>>)
        %dma_wait3A = arith.constant 0 : i32
        %dma_wait3A_1175 = tpu.memref_slice %arg23[%run_scoped3A_1168, %dma_wait3A] : memref<1x128xi32, #tpu.memory_space<vmem>> -> memref<1x128xi32, #tpu.memory_space<vmem>>
        %dma_wait3A_1176 = tpu.memref_squeeze %dma_wait3A_1175 : memref<1x128xi32, #tpu.memory_space<vmem>> -> memref<128xi32, #tpu.memory_space<vmem>>
        %dma_wait3A_1177 = arith.constant 0 : i32
        %dma_wait3A_1178 = tpu.memref_slice %arg25[%dma_wait3A_1177] : memref<6272xf32, #tpu.memory_space<vmem_shared>> -> memref<6272xf32, #tpu.memory_space<vmem_shared>>
        tpu.wait_indirect_dma semaphore(%run_scoped3A_1170 : memref<!tpu.dma_semaphore, #tpu.memory_space<semaphore_mem>>) src(%arg21 : memref<128xf32, #tpu.memory_space<vmem>>) dst(%dma_wait3A_1178 : memref<6272xf32, #tpu.memory_space<vmem_shared>>)
        tpu.yield
      }) : () -> ()
      %while3A_1169 = arith.constant 0 : i32
      scf.yield %while3A_1169 : i32
    }
    "tpu.region"() ({
      %run_scoped3A = tpu.sem_alloc : memref<!tpu.dma_semaphore, #tpu.memory_space<semaphore_mem>>
      tpu.enqueue_dma source(%arg6 : memref<50176xf32, #tpu.memory_space<hbm>>) target(%arg11 : memref<50176xf32, #tpu.memory_space<vmem>>) target_semaphore(%run_scoped3A : memref<!tpu.dma_semaphore, #tpu.memory_space<semaphore_mem>>)
      tpu.wait_dma2 semaphore(%run_scoped3A : memref<!tpu.dma_semaphore, #tpu.memory_space<semaphore_mem>>) src(%arg6 : memref<50176xf32, #tpu.memory_space<hbm>>) dst(%arg11 : memref<50176xf32, #tpu.memory_space<vmem>>)
      tpu.yield
    }) : () -> ()
    "tpu.region"() ({
      %run_scoped3A = tpu.sem_alloc : memref<!tpu.dma_semaphore, #tpu.memory_space<semaphore_mem>>
      tpu.enqueue_dma source(%arg7 : memref<50176xf32, #tpu.memory_space<hbm>>) target(%arg12 : memref<50176xf32, #tpu.memory_space<vmem>>) target_semaphore(%run_scoped3A : memref<!tpu.dma_semaphore, #tpu.memory_space<semaphore_mem>>)
      tpu.wait_dma2 semaphore(%run_scoped3A : memref<!tpu.dma_semaphore, #tpu.memory_space<semaphore_mem>>) src(%arg7 : memref<50176xf32, #tpu.memory_space<hbm>>) dst(%arg12 : memref<50176xf32, #tpu.memory_space<vmem>>)
      tpu.yield
    }) : () -> ()
    "tpu.region"() ({
      %run_scoped3A = tpu.sem_alloc : memref<!tpu.dma_semaphore, #tpu.memory_space<semaphore_mem>>
      tpu.enqueue_dma source(%arg4 : memref<16xf32, #tpu.memory_space<hbm>>) target(%arg13 : memref<16xf32, #tpu.memory_space<vmem>>) target_semaphore(%run_scoped3A : memref<!tpu.dma_semaphore, #tpu.memory_space<semaphore_mem>>)
      tpu.wait_dma2 semaphore(%run_scoped3A : memref<!tpu.dma_semaphore, #tpu.memory_space<semaphore_mem>>) src(%arg4 : memref<16xf32, #tpu.memory_space<hbm>>) dst(%arg13 : memref<16xf32, #tpu.memory_space<vmem>>)
      tpu.yield
    }) : () -> ()
    "tpu.region"() ({
      %run_scoped3A = tpu.sem_alloc : memref<!tpu.dma_semaphore, #tpu.memory_space<semaphore_mem>>
      tpu.enqueue_dma source(%arg5 : memref<16xi32, #tpu.memory_space<hbm>>) target(%arg14 : memref<16xi32, #tpu.memory_space<vmem>>) target_semaphore(%run_scoped3A : memref<!tpu.dma_semaphore, #tpu.memory_space<semaphore_mem>>)
      tpu.wait_dma2 semaphore(%run_scoped3A : memref<!tpu.dma_semaphore, #tpu.memory_space<semaphore_mem>>) src(%arg5 : memref<16xi32, #tpu.memory_space<hbm>>) dst(%arg14 : memref<16xi32, #tpu.memory_space<vmem>>)
      tpu.yield
    }) : () -> ()
    %barrier3A = arith.constant 0 : index
    tpu.barrier barrier_id(%barrier3A)
    %mul3A = arith.constant 784 : i32
    %mul3A_1072 = arith.muli %arg1, %mul3A : i32
    %scan3A = arith.constant 0 : i32
    %scan3A_1073 = arith.constant 0 : i32
    %scan3A_1074 = arith.constant 392 : i32
    %scan3A_1075 = arith.addi %scan3A_1073, %scan3A_1074 : i32
    %scan3A_1076 = arith.constant 1 : i32
    %scan3A_1077 = scf.for %scan3A_1097 = %scan3A_1073 to %scan3A_1075 step %scan3A_1076 iter_args(%scan3A_1098 = %scan3A) -> (i32)  : i32 {
      %mul3A_1099 = arith.constant 2 : i32
      %mul3A_1100 = arith.muli %scan3A_1097, %mul3A_1099 : i32
      %add3A_1101 = arith.addi %mul3A_1072, %mul3A_1100 : i32
      "tpu.region"() ({
        %run_scoped3A_2047 = tpu.sem_alloc : memref<!tpu.dma_semaphore, #tpu.memory_space<semaphore_mem>>
        %dma_start3A_2048 = arith.constant 0 : i32
        %dma_start3A_2049 = tpu.memref_slice %arg2[%add3A_1101, %dma_start3A_2048] : memref<12544x128xi32, #tpu.memory_space<hbm>> -> memref<2x128xi32, #tpu.memory_space<hbm>>
        %dma_start3A_2050 = arith.constant 0 : i32
        %dma_start3A_2051 = tpu.memref_slice %arg2[%add3A_1101, %dma_start3A_2050] : memref<12544x128xi32, #tpu.memory_space<hbm>> -> memref<2x128xi32, #tpu.memory_space<hbm>>
        tpu.enqueue_dma source(%dma_start3A_2051 : memref<2x128xi32, #tpu.memory_space<hbm>>) target(%arg15 : memref<2x128xi32, #tpu.memory_space<vmem>>) target_semaphore(%run_scoped3A_2047 : memref<!tpu.dma_semaphore, #tpu.memory_space<semaphore_mem>>)
        %dma_wait3A_2052 = arith.constant 0 : i32
        %dma_wait3A_2053 = tpu.memref_slice %arg2[%add3A_1101, %dma_wait3A_2052] : memref<12544x128xi32, #tpu.memory_space<hbm>> -> memref<2x128xi32, #tpu.memory_space<hbm>>
        %dma_wait3A_2054 = arith.constant 0 : i32
        %dma_wait3A_2055 = tpu.memref_slice %arg2[%add3A_1101, %dma_wait3A_2054] : memref<12544x128xi32, #tpu.memory_space<hbm>> -> memref<2x128xi32, #tpu.memory_space<hbm>>
        tpu.wait_dma2 semaphore(%run_scoped3A_2047 : memref<!tpu.dma_semaphore, #tpu.memory_space<semaphore_mem>>) src(%dma_wait3A_2055 : memref<2x128xi32, #tpu.memory_space<hbm>>) dst(%arg15 : memref<2x128xi32, #tpu.memory_space<vmem>>)
        tpu.yield
      }) : () -> ()
      "tpu.region"() ({
        %run_scoped3A_2047 = tpu.sem_alloc : memref<!tpu.dma_semaphore, #tpu.memory_space<semaphore_mem>>
        %dma_start3A_2048 = arith.constant 0 : i32
        %dma_start3A_2049 = tpu.memref_slice %arg3[%add3A_1101, %dma_start3A_2048] : memref<12544x128xi32, #tpu.memory_space<hbm>> -> memref<2x128xi32, #tpu.memory_space<hbm>>
        %dma_start3A_2050 = arith.constant 0 : i32
        %dma_start3A_2051 = tpu.memref_slice %arg3[%add3A_1101, %dma_start3A_2050] : memref<12544x128xi32, #tpu.memory_space<hbm>> -> memref<2x128xi32, #tpu.memory_space<hbm>>
        tpu.enqueue_dma source(%dma_start3A_2051 : memref<2x128xi32, #tpu.memory_space<hbm>>) target(%arg16 : memref<2x128xi32, #tpu.memory_space<vmem>>) target_semaphore(%run_scoped3A_2047 : memref<!tpu.dma_semaphore, #tpu.memory_space<semaphore_mem>>)
        %dma_wait3A_2052 = arith.constant 0 : i32
        %dma_wait3A_2053 = tpu.memref_slice %arg3[%add3A_1101, %dma_wait3A_2052] : memref<12544x128xi32, #tpu.memory_space<hbm>> -> memref<2x128xi32, #tpu.memory_space<hbm>>
        %dma_wait3A_2054 = arith.constant 0 : i32
        %dma_wait3A_2055 = tpu.memref_slice %arg3[%add3A_1101, %dma_wait3A_2054] : memref<12544x128xi32, #tpu.memory_space<hbm>> -> memref<2x128xi32, #tpu.memory_space<hbm>>
        tpu.wait_dma2 semaphore(%run_scoped3A_2047 : memref<!tpu.dma_semaphore, #tpu.memory_space<semaphore_mem>>) src(%dma_wait3A_2055 : memref<2x128xi32, #tpu.memory_space<hbm>>) dst(%arg16 : memref<2x128xi32, #tpu.memory_space<vmem>>)
        tpu.yield
      }) : () -> ()
      %get3A = arith.constant 0 : index
      %get3A_1102 = tpu.vector_load %arg13[%get3A] {strides = array<i32>} : memref<16xf32, #tpu.memory_space<vmem>>, vector<16xf32>,
      %get3A_1103 = arith.constant 0 : index
      %get3A_1104 = tpu.vector_load %arg14[%get3A_1103] {strides = array<i32>} : memref<16xi32, #tpu.memory_space<vmem>>, vector<16xi32>,
      %get3A_1105 = arith.constant 0 : i32
      %get3A_1106 = arith.index_cast %get3A_1105 : i32 to index
      %get3A_1107 = arith.constant 0 : index
      %get3A_1108 = tpu.vector_load %arg15[%get3A_1106, %get3A_1107] {strides = array<i32>} : memref<2x128xi32, #tpu.memory_space<vmem>>, vector<16xi32>,
      %get3A_1109 = arith.constant 0 : i32
      %get3A_1110 = arith.index_cast %get3A_1109 : i32 to index
      %get3A_1111 = arith.constant 0 : index
      %get3A_1112 = tpu.vector_load %arg16[%get3A_1110, %get3A_1111] {strides = array<i32>} : memref<2x128xi32, #tpu.memory_space<vmem>>, vector<16xi32>,
      %gather3A = tpu.vector_load_idx %arg11[%get3A_1108] : memref<50176xf32, #tpu.memory_space<vmem>>[vector<16xi32>], vector<16xf32>,
      %gather3A_1113 = tpu.vector_load_idx %arg12[%get3A_1112] : memref<50176xf32, #tpu.memory_space<vmem>>[vector<16xi32>], vector<16xf32>,
      %add3A_1114 = arith.addf %gather3A, %gather3A_1113 : vector<16xf32>
      %ne3A_1115 = arith.cmpi ne, %get3A_1108, %get3A_1112 : vector<16xi32>
      %mul3A_1116 = arith.constant 2.000000e-01 : f32
      %mul3A_1117 = vector.broadcast %mul3A_1116 : f32 to vector<16xf32>
      %mul3A_1118 = arith.mulf %mul3A_1117, %add3A_1114 : vector<16xf32>
      %max3A = arith.maximumf %add3A_1114, %mul3A_1118 : vector<16xf32>
      %exp3A = math.exp %max3A : vector<16xf32>
      %broadcast_in_dim3A_1119 = arith.constant 0.000000e+00 : f32
      %broadcast_in_dim3A_1120 = vector.broadcast %broadcast_in_dim3A_1119 : f32 to vector<16xf32>
      %select_n3A_1121 = arith.select %ne3A_1115, %exp3A, %broadcast_in_dim3A_1120 : vector<16xi1>, vector<16xf32>
      %mul3A_1122 = arith.mulf %gather3A, %gather3A_1113 : vector<16xf32>
      %sub3A_1123 = arith.subf %select_n3A_1121, %mul3A_1122 : vector<16xf32>
      %mul3A_1124 = arith.mulf %get3A_1102, %sub3A_1123 : vector<16xf32>
      %add3A_1125 = arith.addf %mul3A_1122, %mul3A_1124 : vector<16xf32>
      %sub3A_1126 = arith.subi %get3A_1112, %get3A_1104 : vector<16xi32>
      %ge3A = arith.constant 0 : i32
      %ge3A_1127 = vector.broadcast %ge3A : i32 to vector<16xi32>
      %ge3A_1128 = arith.cmpi sge, %sub3A_1126, %ge3A_1127 : vector<16xi32>
      %lt3A = arith.constant 6272 : i32
      %lt3A_1129 = vector.broadcast %lt3A : i32 to vector<16xi32>
      %lt3A_1130 = arith.cmpi slt, %sub3A_1126, %lt3A_1129 : vector<16xi32>
      %and3A_1131 = arith.andi %ge3A_1128, %lt3A_1130 : vector<16xi1>
      %broadcast_in_dim3A_1132 = arith.constant 0.000000e+00 : f32
      %broadcast_in_dim3A_1133 = vector.broadcast %broadcast_in_dim3A_1132 : f32 to vector<16xf32>
      %select_n3A_1134 = arith.select %and3A_1131, %add3A_1125, %broadcast_in_dim3A_1133 : vector<16xi1>, vector<16xf32>
      %broadcast_in_dim3A_1135 = arith.constant 0 : i32
      %broadcast_in_dim3A_1136 = vector.broadcast %broadcast_in_dim3A_1135 : i32 to vector<16xi32>
      %select_n3A_1137 = arith.select %and3A_1131, %sub3A_1126, %broadcast_in_dim3A_1136 : vector<16xi1>, vector<16xi32>
      %swap3A_1138 = arith.constant 0 : index
      %swap3A_1139 = tpu.vector_load %arg18[%swap3A_1138] {strides = array<i32>} : memref<256xf32, #tpu.memory_space<vmem>>, vector<16xf32>,
      tpu.vector_store %arg18[%swap3A_1138], %select_n3A_1134 {strides = array<i32>} : memref<256xf32, #tpu.memory_space<vmem>>, vector<16xf32>,
      %mul3A_1140 = arith.constant 50176 : i32
      %mul3A_1141 = arith.muli %arg0, %mul3A_1140 : i32
      %add3A_1142 = vector.broadcast %mul3A_1141 : i32 to vector<16xi32>
      %add3A_1143 = arith.addi %get3A_1108, %add3A_1142 : vector<16xi32>
      %swap3A_1144 = arith.constant 0 : i32
      %swap3A_1145 = arith.index_cast %swap3A_1144 : i32 to index
      %swap3A_1146 = arith.constant 0 : index
      %swap3A_1147 = tpu.vector_load %arg17[%swap3A_1145, %swap3A_1146] {strides = array<i32>} : memref<2x128xi32, #tpu.memory_space<vmem>>, vector<16xi32>,
      tpu.vector_store %arg17[%swap3A_1145, %swap3A_1146], %add3A_1143 {strides = array<i32>} : memref<2x128xi32, #tpu.memory_space<vmem>>, vector<16xi32>,
      %swap3A_1148 = arith.constant 0 : i32
      %swap3A_1149 = arith.index_cast %swap3A_1148 : i32 to index
      %swap3A_1150 = arith.constant 0 : index
      %swap3A_1151 = tpu.vector_load %arg20[%swap3A_1149, %swap3A_1150] {strides = array<i32>} : memref<2x128xf32, #tpu.memory_space<vmem>>, vector<16xf32>,
      tpu.vector_store %arg20[%swap3A_1149, %swap3A_1150], %select_n3A_1134 {strides = array<i32>} : memref<2x128xf32, #tpu.memory_space<vmem>>, vector<16xf32>,
      %swap3A_1152 = arith.constant 0 : i32
      %swap3A_1153 = arith.index_cast %swap3A_1152 : i32 to index
      %swap3A_1154 = arith.constant 0 : index
      %swap3A_1155 = tpu.vector_load %arg16[%swap3A_1153, %swap3A_1154] {strides = array<i32>} : memref<2x128xi32, #tpu.memory_space<vmem>>, vector<16xi32>,
      tpu.vector_store %arg16[%swap3A_1153, %swap3A_1154], %select_n3A_1137 {strides = array<i32>} : memref<2x128xi32, #tpu.memory_space<vmem>>, vector<16xi32>,
      %get3A_1156 = arith.constant 0 : i32
      %get3A_1157 = arith.index_cast %get3A_1156 : i32 to index
      %get3A_1158 = arith.constant 16 : index
      %get3A_1159 = tpu.vector_load %arg15[%get3A_1157, %get3A_1158] {strides = array<i32>} : memref<2x128xi32, #tpu.memory_space<vmem>>, vector<16xi32>,
      %get3A_1160 = arith.constant 0 : i32
      %get3A_1161 = arith.index_cast %get3A_1160 : i32 to index
      %get3A_1162 = arith.constant 16 : index
      %get3A_1163 = tpu.vector_load %arg16[%get3A_1161, %get3A_1162] {strides = array<i32>} : memref<2x128xi32, #tpu.memory_space<vmem>>, vector<16xi32>,
      %gather3A_1164 = tpu.vector_load_idx %arg11[%get3A_1159] : memref<50176xf32, #tpu.memory_space<vmem>>[vector<16xi32>], vector<16xf32>,
      %gather3A_1165 = tpu.vector_load_idx %arg12[%get3A_1163] : memref<50176xf32, #tpu.memory_space<vmem>>[vector<16xi32>], vector<16xf32>,
      %add3A_1166 = arith.addf %gather3A_1164, %gather3A_1165 : vector<16xf32>
      %ne3A_1167 = arith.cmpi ne, %get3A_1159, %get3A_1163 : vector<16xi32>
      %mul3A_1168 = arith.constant 2.000000e-01 : f32
      %mul3A_1169 = vector.broadcast %mul3A_1168 : f32 to vector<16xf32>
      %mul3A_1170 = arith.mulf %mul3A_1169, %add3A_1166 : vector<16xf32>
      %max3A_1171 = arith.maximumf %add3A_1166, %mul3A_1170 : vector<16xf32>
      %exp3A_1172 = math.exp %max3A_1171 : vector<16xf32>
      %broadcast_in_dim3A_1173 = arith.constant 0.000000e+00 : f32
      %broadcast_in_dim3A_1174 = vector.broadcast %broadcast_in_dim3A_1173 : f32 to vector<16xf32>
      %select_n3A_1175 = arith.select %ne3A_1167, %exp3A_1172, %broadcast_in_dim3A_1174 : vector<16xi1>, vector<16xf32>
      %mul3A_1176 = arith.mulf %gather3A_1164, %gather3A_1165 : vector<16xf32>
      %sub3A_1177 = arith.subf %select_n3A_1175, %mul3A_1176 : vector<16xf32>
      %mul3A_1178 = arith.mulf %get3A_1102, %sub3A_1177 : vector<16xf32>
      %add3A_1179 = arith.addf %mul3A_1176, %mul3A_1178 : vector<16xf32>
      %sub3A_1180 = arith.subi %get3A_1163, %get3A_1104 : vector<16xi32>
      %ge3A_1181 = arith.constant 0 : i32
      %ge3A_1182 = vector.broadcast %ge3A_1181 : i32 to vector<16xi32>
      %ge3A_1183 = arith.cmpi sge, %sub3A_1180, %ge3A_1182 : vector<16xi32>
      %lt3A_1184 = arith.constant 6272 : i32
      %lt3A_1185 = vector.broadcast %lt3A_1184 : i32 to vector<16xi32>
      %lt3A_1186 = arith.cmpi slt, %sub3A_1180, %lt3A_1185 : vector<16xi32>
      %and3A_1187 = arith.andi %ge3A_1183, %lt3A_1186 : vector<16xi1>
      %broadcast_in_dim3A_1188 = arith.constant 0.000000e+00 : f32
      %broadcast_in_dim3A_1189 = vector.broadcast %broadcast_in_dim3A_1188 : f32 to vector<16xf32>
      %select_n3A_1190 = arith.select %and3A_1187, %add3A_1179, %broadcast_in_dim3A_1189 : vector<16xi1>, vector<16xf32>
      %broadcast_in_dim3A_1191 = arith.constant 0 : i32
      %broadcast_in_dim3A_1192 = vector.broadcast %broadcast_in_dim3A_1191 : i32 to vector<16xi32>
      %select_n3A_1193 = arith.select %and3A_1187, %sub3A_1180, %broadcast_in_dim3A_1192 : vector<16xi1>, vector<16xi32>
      %swap3A_1194 = arith.constant 16 : index
      %swap3A_1195 = tpu.vector_load %arg18[%swap3A_1194] {strides = array<i32>} : memref<256xf32, #tpu.memory_space<vmem>>, vector<16xf32>,
      tpu.vector_store %arg18[%swap3A_1194], %select_n3A_1190 {strides = array<i32>} : memref<256xf32, #tpu.memory_space<vmem>>, vector<16xf32>,
      %mul3A_1196 = arith.constant 50176 : i32
      %mul3A_1197 = arith.muli %arg0, %mul3A_1196 : i32
      %add3A_1198 = vector.broadcast %mul3A_1197 : i32 to vector<16xi32>
      %add3A_1199 = arith.addi %get3A_1159, %add3A_1198 : vector<16xi32>
      %swap3A_1200 = arith.constant 0 : i32
      %swap3A_1201 = arith.index_cast %swap3A_1200 : i32 to index
      %swap3A_1202 = arith.constant 16 : index
      %swap3A_1203 = tpu.vector_load %arg17[%swap3A_1201, %swap3A_1202] {strides = array<i32>} : memref<2x128xi32, #tpu.memory_space<vmem>>, vector<16xi32>,
      tpu.vector_store %arg17[%swap3A_1201, %swap3A_1202], %add3A_1199 {strides = array<i32>} : memref<2x128xi32, #tpu.memory_space<vmem>>, vector<16xi32>,
      %swap3A_1204 = arith.constant 0 : i32
      %swap3A_1205 = arith.index_cast %swap3A_1204 : i32 to index
      %swap3A_1206 = arith.constant 16 : index
      %swap3A_1207 = tpu.vector_load %arg20[%swap3A_1205, %swap3A_1206] {strides = array<i32>} : memref<2x128xf32, #tpu.memory_space<vmem>>, vector<16xf32>,
      tpu.vector_store %arg20[%swap3A_1205, %swap3A_1206], %select_n3A_1190 {strides = array<i32>} : memref<2x128xf32, #tpu.memory_space<vmem>>, vector<16xf32>,
      %swap3A_1208 = arith.constant 0 : i32
      %swap3A_1209 = arith.index_cast %swap3A_1208 : i32 to index
      %swap3A_1210 = arith.constant 16 : index
      %swap3A_1211 = tpu.vector_load %arg16[%swap3A_1209, %swap3A_1210] {strides = array<i32>} : memref<2x128xi32, #tpu.memory_space<vmem>>, vector<16xi32>,
      tpu.vector_store %arg16[%swap3A_1209, %swap3A_1210], %select_n3A_1193 {strides = array<i32>} : memref<2x128xi32, #tpu.memory_space<vmem>>, vector<16xi32>,
      %get3A_1212 = arith.constant 0 : i32
      %get3A_1213 = arith.index_cast %get3A_1212 : i32 to index
      %get3A_1214 = arith.constant 32 : index
      %get3A_1215 = tpu.vector_load %arg15[%get3A_1213, %get3A_1214] {strides = array<i32>} : memref<2x128xi32, #tpu.memory_space<vmem>>, vector<16xi32>,
      %get3A_1216 = arith.constant 0 : i32
      %get3A_1217 = arith.index_cast %get3A_1216 : i32 to index
      %get3A_1218 = arith.constant 32 : index
      %get3A_1219 = tpu.vector_load %arg16[%get3A_1217, %get3A_1218] {strides = array<i32>} : memref<2x128xi32, #tpu.memory_space<vmem>>, vector<16xi32>,
      %gather3A_1220 = tpu.vector_load_idx %arg11[%get3A_1215] : memref<50176xf32, #tpu.memory_space<vmem>>[vector<16xi32>], vector<16xf32>,
      %gather3A_1221 = tpu.vector_load_idx %arg12[%get3A_1219] : memref<50176xf32, #tpu.memory_space<vmem>>[vector<16xi32>], vector<16xf32>,
      %add3A_1222 = arith.addf %gather3A_1220, %gather3A_1221 : vector<16xf32>
      %ne3A_1223 = arith.cmpi ne, %get3A_1215, %get3A_1219 : vector<16xi32>
      %mul3A_1224 = arith.constant 2.000000e-01 : f32
      %mul3A_1225 = vector.broadcast %mul3A_1224 : f32 to vector<16xf32>
      %mul3A_1226 = arith.mulf %mul3A_1225, %add3A_1222 : vector<16xf32>
      %max3A_1227 = arith.maximumf %add3A_1222, %mul3A_1226 : vector<16xf32>
      %exp3A_1228 = math.exp %max3A_1227 : vector<16xf32>
      %broadcast_in_dim3A_1229 = arith.constant 0.000000e+00 : f32
      %broadcast_in_dim3A_1230 = vector.broadcast %broadcast_in_dim3A_1229 : f32 to vector<16xf32>
      %select_n3A_1231 = arith.select %ne3A_1223, %exp3A_1228, %broadcast_in_dim3A_1230 : vector<16xi1>, vector<16xf32>
      %mul3A_1232 = arith.mulf %gather3A_1220, %gather3A_1221 : vector<16xf32>
      %sub3A_1233 = arith.subf %select_n3A_1231, %mul3A_1232 : vector<16xf32>
      %mul3A_1234 = arith.mulf %get3A_1102, %sub3A_1233 : vector<16xf32>
      %add3A_1235 = arith.addf %mul3A_1232, %mul3A_1234 : vector<16xf32>
      %sub3A_1236 = arith.subi %get3A_1219, %get3A_1104 : vector<16xi32>
      %ge3A_1237 = arith.constant 0 : i32
      %ge3A_1238 = vector.broadcast %ge3A_1237 : i32 to vector<16xi32>
      %ge3A_1239 = arith.cmpi sge, %sub3A_1236, %ge3A_1238 : vector<16xi32>
      %lt3A_1240 = arith.constant 6272 : i32
      %lt3A_1241 = vector.broadcast %lt3A_1240 : i32 to vector<16xi32>
      %lt3A_1242 = arith.cmpi slt, %sub3A_1236, %lt3A_1241 : vector<16xi32>
      %and3A_1243 = arith.andi %ge3A_1239, %lt3A_1242 : vector<16xi1>
      %broadcast_in_dim3A_1244 = arith.constant 0.000000e+00 : f32
      %broadcast_in_dim3A_1245 = vector.broadcast %broadcast_in_dim3A_1244 : f32 to vector<16xf32>
      %select_n3A_1246 = arith.select %and3A_1243, %add3A_1235, %broadcast_in_dim3A_1245 : vector<16xi1>, vector<16xf32>
      %broadcast_in_dim3A_1247 = arith.constant 0 : i32
      %broadcast_in_dim3A_1248 = vector.broadcast %broadcast_in_dim3A_1247 : i32 to vector<16xi32>
      %select_n3A_1249 = arith.select %and3A_1243, %sub3A_1236, %broadcast_in_dim3A_1248 : vector<16xi1>, vector<16xi32>
      %swap3A_1250 = arith.constant 32 : index
      %swap3A_1251 = tpu.vector_load %arg18[%swap3A_1250] {strides = array<i32>} : memref<256xf32, #tpu.memory_space<vmem>>, vector<16xf32>,
      tpu.vector_store %arg18[%swap3A_1250], %select_n3A_1246 {strides = array<i32>} : memref<256xf32, #tpu.memory_space<vmem>>, vector<16xf32>,
      %mul3A_1252 = arith.constant 50176 : i32
      %mul3A_1253 = arith.muli %arg0, %mul3A_1252 : i32
      %add3A_1254 = vector.broadcast %mul3A_1253 : i32 to vector<16xi32>
      %add3A_1255 = arith.addi %get3A_1215, %add3A_1254 : vector<16xi32>
      %swap3A_1256 = arith.constant 0 : i32
      %swap3A_1257 = arith.index_cast %swap3A_1256 : i32 to index
      %swap3A_1258 = arith.constant 32 : index
      %swap3A_1259 = tpu.vector_load %arg17[%swap3A_1257, %swap3A_1258] {strides = array<i32>} : memref<2x128xi32, #tpu.memory_space<vmem>>, vector<16xi32>,
      tpu.vector_store %arg17[%swap3A_1257, %swap3A_1258], %add3A_1255 {strides = array<i32>} : memref<2x128xi32, #tpu.memory_space<vmem>>, vector<16xi32>,
      %swap3A_1260 = arith.constant 0 : i32
      %swap3A_1261 = arith.index_cast %swap3A_1260 : i32 to index
      %swap3A_1262 = arith.constant 32 : index
      %swap3A_1263 = tpu.vector_load %arg20[%swap3A_1261, %swap3A_1262] {strides = array<i32>} : memref<2x128xf32, #tpu.memory_space<vmem>>, vector<16xf32>,
      tpu.vector_store %arg20[%swap3A_1261, %swap3A_1262], %select_n3A_1246 {strides = array<i32>} : memref<2x128xf32, #tpu.memory_space<vmem>>, vector<16xf32>,
      %swap3A_1264 = arith.constant 0 : i32
      %swap3A_1265 = arith.index_cast %swap3A_1264 : i32 to index
      %swap3A_1266 = arith.constant 32 : index
      %swap3A_1267 = tpu.vector_load %arg16[%swap3A_1265, %swap3A_1266] {strides = array<i32>} : memref<2x128xi32, #tpu.memory_space<vmem>>, vector<16xi32>,
      tpu.vector_store %arg16[%swap3A_1265, %swap3A_1266], %select_n3A_1249 {strides = array<i32>} : memref<2x128xi32, #tpu.memory_space<vmem>>, vector<16xi32>,
      %get3A_1268 = arith.constant 0 : i32
      %get3A_1269 = arith.index_cast %get3A_1268 : i32 to index
      %get3A_1270 = arith.constant 48 : index
      %get3A_1271 = tpu.vector_load %arg15[%get3A_1269, %get3A_1270] {strides = array<i32>} : memref<2x128xi32, #tpu.memory_space<vmem>>, vector<16xi32>,
      %get3A_1272 = arith.constant 0 : i32
      %get3A_1273 = arith.index_cast %get3A_1272 : i32 to index
      %get3A_1274 = arith.constant 48 : index
      %get3A_1275 = tpu.vector_load %arg16[%get3A_1273, %get3A_1274] {strides = array<i32>} : memref<2x128xi32, #tpu.memory_space<vmem>>, vector<16xi32>,
      %gather3A_1276 = tpu.vector_load_idx %arg11[%get3A_1271] : memref<50176xf32, #tpu.memory_space<vmem>>[vector<16xi32>], vector<16xf32>,
      %gather3A_1277 = tpu.vector_load_idx %arg12[%get3A_1275] : memref<50176xf32, #tpu.memory_space<vmem>>[vector<16xi32>], vector<16xf32>,
      %add3A_1278 = arith.addf %gather3A_1276, %gather3A_1277 : vector<16xf32>
      %ne3A_1279 = arith.cmpi ne, %get3A_1271, %get3A_1275 : vector<16xi32>
      %mul3A_1280 = arith.constant 2.000000e-01 : f32
      %mul3A_1281 = vector.broadcast %mul3A_1280 : f32 to vector<16xf32>
      %mul3A_1282 = arith.mulf %mul3A_1281, %add3A_1278 : vector<16xf32>
      %max3A_1283 = arith.maximumf %add3A_1278, %mul3A_1282 : vector<16xf32>
      %exp3A_1284 = math.exp %max3A_1283 : vector<16xf32>
      %broadcast_in_dim3A_1285 = arith.constant 0.000000e+00 : f32
      %broadcast_in_dim3A_1286 = vector.broadcast %broadcast_in_dim3A_1285 : f32 to vector<16xf32>
      %select_n3A_1287 = arith.select %ne3A_1279, %exp3A_1284, %broadcast_in_dim3A_1286 : vector<16xi1>, vector<16xf32>
      %mul3A_1288 = arith.mulf %gather3A_1276, %gather3A_1277 : vector<16xf32>
      %sub3A_1289 = arith.subf %select_n3A_1287, %mul3A_1288 : vector<16xf32>
      %mul3A_1290 = arith.mulf %get3A_1102, %sub3A_1289 : vector<16xf32>
      %add3A_1291 = arith.addf %mul3A_1288, %mul3A_1290 : vector<16xf32>
      %sub3A_1292 = arith.subi %get3A_1275, %get3A_1104 : vector<16xi32>
      %ge3A_1293 = arith.constant 0 : i32
      %ge3A_1294 = vector.broadcast %ge3A_1293 : i32 to vector<16xi32>
      %ge3A_1295 = arith.cmpi sge, %sub3A_1292, %ge3A_1294 : vector<16xi32>
      %lt3A_1296 = arith.constant 6272 : i32
      %lt3A_1297 = vector.broadcast %lt3A_1296 : i32 to vector<16xi32>
      %lt3A_1298 = arith.cmpi slt, %sub3A_1292, %lt3A_1297 : vector<16xi32>
      %and3A_1299 = arith.andi %ge3A_1295, %lt3A_1298 : vector<16xi1>
      %broadcast_in_dim3A_1300 = arith.constant 0.000000e+00 : f32
      %broadcast_in_dim3A_1301 = vector.broadcast %broadcast_in_dim3A_1300 : f32 to vector<16xf32>
      %select_n3A_1302 = arith.select %and3A_1299, %add3A_1291, %broadcast_in_dim3A_1301 : vector<16xi1>, vector<16xf32>
      %broadcast_in_dim3A_1303 = arith.constant 0 : i32
      %broadcast_in_dim3A_1304 = vector.broadcast %broadcast_in_dim3A_1303 : i32 to vector<16xi32>
      %select_n3A_1305 = arith.select %and3A_1299, %sub3A_1292, %broadcast_in_dim3A_1304 : vector<16xi1>, vector<16xi32>
      %swap3A_1306 = arith.constant 48 : index
      %swap3A_1307 = tpu.vector_load %arg18[%swap3A_1306] {strides = array<i32>} : memref<256xf32, #tpu.memory_space<vmem>>, vector<16xf32>,
      tpu.vector_store %arg18[%swap3A_1306], %select_n3A_1302 {strides = array<i32>} : memref<256xf32, #tpu.memory_space<vmem>>, vector<16xf32>,
      %mul3A_1308 = arith.constant 50176 : i32
      %mul3A_1309 = arith.muli %arg0, %mul3A_1308 : i32
      %add3A_1310 = vector.broadcast %mul3A_1309 : i32 to vector<16xi32>
      %add3A_1311 = arith.addi %get3A_1271, %add3A_1310 : vector<16xi32>
      %swap3A_1312 = arith.constant 0 : i32
      %swap3A_1313 = arith.index_cast %swap3A_1312 : i32 to index
      %swap3A_1314 = arith.constant 48 : index
      %swap3A_1315 = tpu.vector_load %arg17[%swap3A_1313, %swap3A_1314] {strides = array<i32>} : memref<2x128xi32, #tpu.memory_space<vmem>>, vector<16xi32>,
      tpu.vector_store %arg17[%swap3A_1313, %swap3A_1314], %add3A_1311 {strides = array<i32>} : memref<2x128xi32, #tpu.memory_space<vmem>>, vector<16xi32>,
      %swap3A_1316 = arith.constant 0 : i32
      %swap3A_1317 = arith.index_cast %swap3A_1316 : i32 to index
      %swap3A_1318 = arith.constant 48 : index
      %swap3A_1319 = tpu.vector_load %arg20[%swap3A_1317, %swap3A_1318] {strides = array<i32>} : memref<2x128xf32, #tpu.memory_space<vmem>>, vector<16xf32>,
      tpu.vector_store %arg20[%swap3A_1317, %swap3A_1318], %select_n3A_1302 {strides = array<i32>} : memref<2x128xf32, #tpu.memory_space<vmem>>, vector<16xf32>,
      %swap3A_1320 = arith.constant 0 : i32
      %swap3A_1321 = arith.index_cast %swap3A_1320 : i32 to index
      %swap3A_1322 = arith.constant 48 : index
      %swap3A_1323 = tpu.vector_load %arg16[%swap3A_1321, %swap3A_1322] {strides = array<i32>} : memref<2x128xi32, #tpu.memory_space<vmem>>, vector<16xi32>,
      tpu.vector_store %arg16[%swap3A_1321, %swap3A_1322], %select_n3A_1305 {strides = array<i32>} : memref<2x128xi32, #tpu.memory_space<vmem>>, vector<16xi32>,
      %get3A_1324 = arith.constant 0 : i32
      %get3A_1325 = arith.index_cast %get3A_1324 : i32 to index
      %get3A_1326 = arith.constant 64 : index
      %get3A_1327 = tpu.vector_load %arg15[%get3A_1325, %get3A_1326] {strides = array<i32>} : memref<2x128xi32, #tpu.memory_space<vmem>>, vector<16xi32>,
      %get3A_1328 = arith.constant 0 : i32
      %get3A_1329 = arith.index_cast %get3A_1328 : i32 to index
      %get3A_1330 = arith.constant 64 : index
      %get3A_1331 = tpu.vector_load %arg16[%get3A_1329, %get3A_1330] {strides = array<i32>} : memref<2x128xi32, #tpu.memory_space<vmem>>, vector<16xi32>,
      %gather3A_1332 = tpu.vector_load_idx %arg11[%get3A_1327] : memref<50176xf32, #tpu.memory_space<vmem>>[vector<16xi32>], vector<16xf32>,
      %gather3A_1333 = tpu.vector_load_idx %arg12[%get3A_1331] : memref<50176xf32, #tpu.memory_space<vmem>>[vector<16xi32>], vector<16xf32>,
      %add3A_1334 = arith.addf %gather3A_1332, %gather3A_1333 : vector<16xf32>
      %ne3A_1335 = arith.cmpi ne, %get3A_1327, %get3A_1331 : vector<16xi32>
      %mul3A_1336 = arith.constant 2.000000e-01 : f32
      %mul3A_1337 = vector.broadcast %mul3A_1336 : f32 to vector<16xf32>
      %mul3A_1338 = arith.mulf %mul3A_1337, %add3A_1334 : vector<16xf32>
      %max3A_1339 = arith.maximumf %add3A_1334, %mul3A_1338 : vector<16xf32>
      %exp3A_1340 = math.exp %max3A_1339 : vector<16xf32>
      %broadcast_in_dim3A_1341 = arith.constant 0.000000e+00 : f32
      %broadcast_in_dim3A_1342 = vector.broadcast %broadcast_in_dim3A_1341 : f32 to vector<16xf32>
      %select_n3A_1343 = arith.select %ne3A_1335, %exp3A_1340, %broadcast_in_dim3A_1342 : vector<16xi1>, vector<16xf32>
      %mul3A_1344 = arith.mulf %gather3A_1332, %gather3A_1333 : vector<16xf32>
      %sub3A_1345 = arith.subf %select_n3A_1343, %mul3A_1344 : vector<16xf32>
      %mul3A_1346 = arith.mulf %get3A_1102, %sub3A_1345 : vector<16xf32>
      %add3A_1347 = arith.addf %mul3A_1344, %mul3A_1346 : vector<16xf32>
      %sub3A_1348 = arith.subi %get3A_1331, %get3A_1104 : vector<16xi32>
      %ge3A_1349 = arith.constant 0 : i32
      %ge3A_1350 = vector.broadcast %ge3A_1349 : i32 to vector<16xi32>
      %ge3A_1351 = arith.cmpi sge, %sub3A_1348, %ge3A_1350 : vector<16xi32>
      %lt3A_1352 = arith.constant 6272 : i32
      %lt3A_1353 = vector.broadcast %lt3A_1352 : i32 to vector<16xi32>
      %lt3A_1354 = arith.cmpi slt, %sub3A_1348, %lt3A_1353 : vector<16xi32>
      %and3A_1355 = arith.andi %ge3A_1351, %lt3A_1354 : vector<16xi1>
      %broadcast_in_dim3A_1356 = arith.constant 0.000000e+00 : f32
      %broadcast_in_dim3A_1357 = vector.broadcast %broadcast_in_dim3A_1356 : f32 to vector<16xf32>
      %select_n3A_1358 = arith.select %and3A_1355, %add3A_1347, %broadcast_in_dim3A_1357 : vector<16xi1>, vector<16xf32>
      %broadcast_in_dim3A_1359 = arith.constant 0 : i32
      %broadcast_in_dim3A_1360 = vector.broadcast %broadcast_in_dim3A_1359 : i32 to vector<16xi32>
      %select_n3A_1361 = arith.select %and3A_1355, %sub3A_1348, %broadcast_in_dim3A_1360 : vector<16xi1>, vector<16xi32>
      %swap3A_1362 = arith.constant 64 : index
      %swap3A_1363 = tpu.vector_load %arg18[%swap3A_1362] {strides = array<i32>} : memref<256xf32, #tpu.memory_space<vmem>>, vector<16xf32>,
      tpu.vector_store %arg18[%swap3A_1362], %select_n3A_1358 {strides = array<i32>} : memref<256xf32, #tpu.memory_space<vmem>>, vector<16xf32>,
      %mul3A_1364 = arith.constant 50176 : i32
      %mul3A_1365 = arith.muli %arg0, %mul3A_1364 : i32
      %add3A_1366 = vector.broadcast %mul3A_1365 : i32 to vector<16xi32>
      %add3A_1367 = arith.addi %get3A_1327, %add3A_1366 : vector<16xi32>
      %swap3A_1368 = arith.constant 0 : i32
      %swap3A_1369 = arith.index_cast %swap3A_1368 : i32 to index
      %swap3A_1370 = arith.constant 64 : index
      %swap3A_1371 = tpu.vector_load %arg17[%swap3A_1369, %swap3A_1370] {strides = array<i32>} : memref<2x128xi32, #tpu.memory_space<vmem>>, vector<16xi32>,
      tpu.vector_store %arg17[%swap3A_1369, %swap3A_1370], %add3A_1367 {strides = array<i32>} : memref<2x128xi32, #tpu.memory_space<vmem>>, vector<16xi32>,
      %swap3A_1372 = arith.constant 0 : i32
      %swap3A_1373 = arith.index_cast %swap3A_1372 : i32 to index
      %swap3A_1374 = arith.constant 64 : index
      %swap3A_1375 = tpu.vector_load %arg20[%swap3A_1373, %swap3A_1374] {strides = array<i32>} : memref<2x128xf32, #tpu.memory_space<vmem>>, vector<16xf32>,
      tpu.vector_store %arg20[%swap3A_1373, %swap3A_1374], %select_n3A_1358 {strides = array<i32>} : memref<2x128xf32, #tpu.memory_space<vmem>>, vector<16xf32>,
      %swap3A_1376 = arith.constant 0 : i32
      %swap3A_1377 = arith.index_cast %swap3A_1376 : i32 to index
      %swap3A_1378 = arith.constant 64 : index
      %swap3A_1379 = tpu.vector_load %arg16[%swap3A_1377, %swap3A_1378] {strides = array<i32>} : memref<2x128xi32, #tpu.memory_space<vmem>>, vector<16xi32>,
      tpu.vector_store %arg16[%swap3A_1377, %swap3A_1378], %select_n3A_1361 {strides = array<i32>} : memref<2x128xi32, #tpu.memory_space<vmem>>, vector<16xi32>,
      %get3A_1380 = arith.constant 0 : i32
      %get3A_1381 = arith.index_cast %get3A_1380 : i32 to index
      %get3A_1382 = arith.constant 80 : index
      %get3A_1383 = tpu.vector_load %arg15[%get3A_1381, %get3A_1382] {strides = array<i32>} : memref<2x128xi32, #tpu.memory_space<vmem>>, vector<16xi32>,
      %get3A_1384 = arith.constant 0 : i32
      %get3A_1385 = arith.index_cast %get3A_1384 : i32 to index
      %get3A_1386 = arith.constant 80 : index
      %get3A_1387 = tpu.vector_load %arg16[%get3A_1385, %get3A_1386] {strides = array<i32>} : memref<2x128xi32, #tpu.memory_space<vmem>>, vector<16xi32>,
      %gather3A_1388 = tpu.vector_load_idx %arg11[%get3A_1383] : memref<50176xf32, #tpu.memory_space<vmem>>[vector<16xi32>], vector<16xf32>,
      %gather3A_1389 = tpu.vector_load_idx %arg12[%get3A_1387] : memref<50176xf32, #tpu.memory_space<vmem>>[vector<16xi32>], vector<16xf32>,
      %add3A_1390 = arith.addf %gather3A_1388, %gather3A_1389 : vector<16xf32>
      %ne3A_1391 = arith.cmpi ne, %get3A_1383, %get3A_1387 : vector<16xi32>
      %mul3A_1392 = arith.constant 2.000000e-01 : f32
      %mul3A_1393 = vector.broadcast %mul3A_1392 : f32 to vector<16xf32>
      %mul3A_1394 = arith.mulf %mul3A_1393, %add3A_1390 : vector<16xf32>
      %max3A_1395 = arith.maximumf %add3A_1390, %mul3A_1394 : vector<16xf32>
      %exp3A_1396 = math.exp %max3A_1395 : vector<16xf32>
      %broadcast_in_dim3A_1397 = arith.constant 0.000000e+00 : f32
      %broadcast_in_dim3A_1398 = vector.broadcast %broadcast_in_dim3A_1397 : f32 to vector<16xf32>
      %select_n3A_1399 = arith.select %ne3A_1391, %exp3A_1396, %broadcast_in_dim3A_1398 : vector<16xi1>, vector<16xf32>
      %mul3A_1400 = arith.mulf %gather3A_1388, %gather3A_1389 : vector<16xf32>
      %sub3A_1401 = arith.subf %select_n3A_1399, %mul3A_1400 : vector<16xf32>
      %mul3A_1402 = arith.mulf %get3A_1102, %sub3A_1401 : vector<16xf32>
      %add3A_1403 = arith.addf %mul3A_1400, %mul3A_1402 : vector<16xf32>
      %sub3A_1404 = arith.subi %get3A_1387, %get3A_1104 : vector<16xi32>
      %ge3A_1405 = arith.constant 0 : i32
      %ge3A_1406 = vector.broadcast %ge3A_1405 : i32 to vector<16xi32>
      %ge3A_1407 = arith.cmpi sge, %sub3A_1404, %ge3A_1406 : vector<16xi32>
      %lt3A_1408 = arith.constant 6272 : i32
      %lt3A_1409 = vector.broadcast %lt3A_1408 : i32 to vector<16xi32>
      %lt3A_1410 = arith.cmpi slt, %sub3A_1404, %lt3A_1409 : vector<16xi32>
      %and3A_1411 = arith.andi %ge3A_1407, %lt3A_1410 : vector<16xi1>
      %broadcast_in_dim3A_1412 = arith.constant 0.000000e+00 : f32
      %broadcast_in_dim3A_1413 = vector.broadcast %broadcast_in_dim3A_1412 : f32 to vector<16xf32>
      %select_n3A_1414 = arith.select %and3A_1411, %add3A_1403, %broadcast_in_dim3A_1413 : vector<16xi1>, vector<16xf32>
      %broadcast_in_dim3A_1415 = arith.constant 0 : i32
      %broadcast_in_dim3A_1416 = vector.broadcast %broadcast_in_dim3A_1415 : i32 to vector<16xi32>
      %select_n3A_1417 = arith.select %and3A_1411, %sub3A_1404, %broadcast_in_dim3A_1416 : vector<16xi1>, vector<16xi32>
      %swap3A_1418 = arith.constant 80 : index
      %swap3A_1419 = tpu.vector_load %arg18[%swap3A_1418] {strides = array<i32>} : memref<256xf32, #tpu.memory_space<vmem>>, vector<16xf32>,
      tpu.vector_store %arg18[%swap3A_1418], %select_n3A_1414 {strides = array<i32>} : memref<256xf32, #tpu.memory_space<vmem>>, vector<16xf32>,
      %mul3A_1420 = arith.constant 50176 : i32
      %mul3A_1421 = arith.muli %arg0, %mul3A_1420 : i32
      %add3A_1422 = vector.broadcast %mul3A_1421 : i32 to vector<16xi32>
      %add3A_1423 = arith.addi %get3A_1383, %add3A_1422 : vector<16xi32>
      %swap3A_1424 = arith.constant 0 : i32
      %swap3A_1425 = arith.index_cast %swap3A_1424 : i32 to index
      %swap3A_1426 = arith.constant 80 : index
      %swap3A_1427 = tpu.vector_load %arg17[%swap3A_1425, %swap3A_1426] {strides = array<i32>} : memref<2x128xi32, #tpu.memory_space<vmem>>, vector<16xi32>,
      tpu.vector_store %arg17[%swap3A_1425, %swap3A_1426], %add3A_1423 {strides = array<i32>} : memref<2x128xi32, #tpu.memory_space<vmem>>, vector<16xi32>,
      %swap3A_1428 = arith.constant 0 : i32
      %swap3A_1429 = arith.index_cast %swap3A_1428 : i32 to index
      %swap3A_1430 = arith.constant 80 : index
      %swap3A_1431 = tpu.vector_load %arg20[%swap3A_1429, %swap3A_1430] {strides = array<i32>} : memref<2x128xf32, #tpu.memory_space<vmem>>, vector<16xf32>,
      tpu.vector_store %arg20[%swap3A_1429, %swap3A_1430], %select_n3A_1414 {strides = array<i32>} : memref<2x128xf32, #tpu.memory_space<vmem>>, vector<16xf32>,
      %swap3A_1432 = arith.constant 0 : i32
      %swap3A_1433 = arith.index_cast %swap3A_1432 : i32 to index
      %swap3A_1434 = arith.constant 80 : index
      %swap3A_1435 = tpu.vector_load %arg16[%swap3A_1433, %swap3A_1434] {strides = array<i32>} : memref<2x128xi32, #tpu.memory_space<vmem>>, vector<16xi32>,
      tpu.vector_store %arg16[%swap3A_1433, %swap3A_1434], %select_n3A_1417 {strides = array<i32>} : memref<2x128xi32, #tpu.memory_space<vmem>>, vector<16xi32>,
      %get3A_1436 = arith.constant 0 : i32
      %get3A_1437 = arith.index_cast %get3A_1436 : i32 to index
      %get3A_1438 = arith.constant 96 : index
      %get3A_1439 = tpu.vector_load %arg15[%get3A_1437, %get3A_1438] {strides = array<i32>} : memref<2x128xi32, #tpu.memory_space<vmem>>, vector<16xi32>,
      %get3A_1440 = arith.constant 0 : i32
      %get3A_1441 = arith.index_cast %get3A_1440 : i32 to index
      %get3A_1442 = arith.constant 96 : index
      %get3A_1443 = tpu.vector_load %arg16[%get3A_1441, %get3A_1442] {strides = array<i32>} : memref<2x128xi32, #tpu.memory_space<vmem>>, vector<16xi32>,
      %gather3A_1444 = tpu.vector_load_idx %arg11[%get3A_1439] : memref<50176xf32, #tpu.memory_space<vmem>>[vector<16xi32>], vector<16xf32>,
      %gather3A_1445 = tpu.vector_load_idx %arg12[%get3A_1443] : memref<50176xf32, #tpu.memory_space<vmem>>[vector<16xi32>], vector<16xf32>,
      %add3A_1446 = arith.addf %gather3A_1444, %gather3A_1445 : vector<16xf32>
      %ne3A_1447 = arith.cmpi ne, %get3A_1439, %get3A_1443 : vector<16xi32>
      %mul3A_1448 = arith.constant 2.000000e-01 : f32
      %mul3A_1449 = vector.broadcast %mul3A_1448 : f32 to vector<16xf32>
      %mul3A_1450 = arith.mulf %mul3A_1449, %add3A_1446 : vector<16xf32>
      %max3A_1451 = arith.maximumf %add3A_1446, %mul3A_1450 : vector<16xf32>
      %exp3A_1452 = math.exp %max3A_1451 : vector<16xf32>
      %broadcast_in_dim3A_1453 = arith.constant 0.000000e+00 : f32
      %broadcast_in_dim3A_1454 = vector.broadcast %broadcast_in_dim3A_1453 : f32 to vector<16xf32>
      %select_n3A_1455 = arith.select %ne3A_1447, %exp3A_1452, %broadcast_in_dim3A_1454 : vector<16xi1>, vector<16xf32>
      %mul3A_1456 = arith.mulf %gather3A_1444, %gather3A_1445 : vector<16xf32>
      %sub3A_1457 = arith.subf %select_n3A_1455, %mul3A_1456 : vector<16xf32>
      %mul3A_1458 = arith.mulf %get3A_1102, %sub3A_1457 : vector<16xf32>
      %add3A_1459 = arith.addf %mul3A_1456, %mul3A_1458 : vector<16xf32>
      %sub3A_1460 = arith.subi %get3A_1443, %get3A_1104 : vector<16xi32>
      %ge3A_1461 = arith.constant 0 : i32
      %ge3A_1462 = vector.broadcast %ge3A_1461 : i32 to vector<16xi32>
      %ge3A_1463 = arith.cmpi sge, %sub3A_1460, %ge3A_1462 : vector<16xi32>
      %lt3A_1464 = arith.constant 6272 : i32
      %lt3A_1465 = vector.broadcast %lt3A_1464 : i32 to vector<16xi32>
      %lt3A_1466 = arith.cmpi slt, %sub3A_1460, %lt3A_1465 : vector<16xi32>
      %and3A_1467 = arith.andi %ge3A_1463, %lt3A_1466 : vector<16xi1>
      %broadcast_in_dim3A_1468 = arith.constant 0.000000e+00 : f32
      %broadcast_in_dim3A_1469 = vector.broadcast %broadcast_in_dim3A_1468 : f32 to vector<16xf32>
      %select_n3A_1470 = arith.select %and3A_1467, %add3A_1459, %broadcast_in_dim3A_1469 : vector<16xi1>, vector<16xf32>
      %broadcast_in_dim3A_1471 = arith.constant 0 : i32
      %broadcast_in_dim3A_1472 = vector.broadcast %broadcast_in_dim3A_1471 : i32 to vector<16xi32>
      %select_n3A_1473 = arith.select %and3A_1467, %sub3A_1460, %broadcast_in_dim3A_1472 : vector<16xi1>, vector<16xi32>
      %swap3A_1474 = arith.constant 96 : index
      %swap3A_1475 = tpu.vector_load %arg18[%swap3A_1474] {strides = array<i32>} : memref<256xf32, #tpu.memory_space<vmem>>, vector<16xf32>,
      tpu.vector_store %arg18[%swap3A_1474], %select_n3A_1470 {strides = array<i32>} : memref<256xf32, #tpu.memory_space<vmem>>, vector<16xf32>,
      %mul3A_1476 = arith.constant 50176 : i32
      %mul3A_1477 = arith.muli %arg0, %mul3A_1476 : i32
      %add3A_1478 = vector.broadcast %mul3A_1477 : i32 to vector<16xi32>
      %add3A_1479 = arith.addi %get3A_1439, %add3A_1478 : vector<16xi32>
      %swap3A_1480 = arith.constant 0 : i32
      %swap3A_1481 = arith.index_cast %swap3A_1480 : i32 to index
      %swap3A_1482 = arith.constant 96 : index
      %swap3A_1483 = tpu.vector_load %arg17[%swap3A_1481, %swap3A_1482] {strides = array<i32>} : memref<2x128xi32, #tpu.memory_space<vmem>>, vector<16xi32>,
      tpu.vector_store %arg17[%swap3A_1481, %swap3A_1482], %add3A_1479 {strides = array<i32>} : memref<2x128xi32, #tpu.memory_space<vmem>>, vector<16xi32>,
      %swap3A_1484 = arith.constant 0 : i32
      %swap3A_1485 = arith.index_cast %swap3A_1484 : i32 to index
      %swap3A_1486 = arith.constant 96 : index
      %swap3A_1487 = tpu.vector_load %arg20[%swap3A_1485, %swap3A_1486] {strides = array<i32>} : memref<2x128xf32, #tpu.memory_space<vmem>>, vector<16xf32>,
      tpu.vector_store %arg20[%swap3A_1485, %swap3A_1486], %select_n3A_1470 {strides = array<i32>} : memref<2x128xf32, #tpu.memory_space<vmem>>, vector<16xf32>,
      %swap3A_1488 = arith.constant 0 : i32
      %swap3A_1489 = arith.index_cast %swap3A_1488 : i32 to index
      %swap3A_1490 = arith.constant 96 : index
      %swap3A_1491 = tpu.vector_load %arg16[%swap3A_1489, %swap3A_1490] {strides = array<i32>} : memref<2x128xi32, #tpu.memory_space<vmem>>, vector<16xi32>,
      tpu.vector_store %arg16[%swap3A_1489, %swap3A_1490], %select_n3A_1473 {strides = array<i32>} : memref<2x128xi32, #tpu.memory_space<vmem>>, vector<16xi32>,
      %get3A_1492 = arith.constant 0 : i32
      %get3A_1493 = arith.index_cast %get3A_1492 : i32 to index
      %get3A_1494 = arith.constant 112 : index
      %get3A_1495 = tpu.vector_load %arg15[%get3A_1493, %get3A_1494] {strides = array<i32>} : memref<2x128xi32, #tpu.memory_space<vmem>>, vector<16xi32>,
      %get3A_1496 = arith.constant 0 : i32
      %get3A_1497 = arith.index_cast %get3A_1496 : i32 to index
      %get3A_1498 = arith.constant 112 : index
      %get3A_1499 = tpu.vector_load %arg16[%get3A_1497, %get3A_1498] {strides = array<i32>} : memref<2x128xi32, #tpu.memory_space<vmem>>, vector<16xi32>,
      %gather3A_1500 = tpu.vector_load_idx %arg11[%get3A_1495] : memref<50176xf32, #tpu.memory_space<vmem>>[vector<16xi32>], vector<16xf32>,
      %gather3A_1501 = tpu.vector_load_idx %arg12[%get3A_1499] : memref<50176xf32, #tpu.memory_space<vmem>>[vector<16xi32>], vector<16xf32>,
      %add3A_1502 = arith.addf %gather3A_1500, %gather3A_1501 : vector<16xf32>
      %ne3A_1503 = arith.cmpi ne, %get3A_1495, %get3A_1499 : vector<16xi32>
      %mul3A_1504 = arith.constant 2.000000e-01 : f32
      %mul3A_1505 = vector.broadcast %mul3A_1504 : f32 to vector<16xf32>
      %mul3A_1506 = arith.mulf %mul3A_1505, %add3A_1502 : vector<16xf32>
      %max3A_1507 = arith.maximumf %add3A_1502, %mul3A_1506 : vector<16xf32>
      %exp3A_1508 = math.exp %max3A_1507 : vector<16xf32>
      %broadcast_in_dim3A_1509 = arith.constant 0.000000e+00 : f32
      %broadcast_in_dim3A_1510 = vector.broadcast %broadcast_in_dim3A_1509 : f32 to vector<16xf32>
      %select_n3A_1511 = arith.select %ne3A_1503, %exp3A_1508, %broadcast_in_dim3A_1510 : vector<16xi1>, vector<16xf32>
      %mul3A_1512 = arith.mulf %gather3A_1500, %gather3A_1501 : vector<16xf32>
      %sub3A_1513 = arith.subf %select_n3A_1511, %mul3A_1512 : vector<16xf32>
      %mul3A_1514 = arith.mulf %get3A_1102, %sub3A_1513 : vector<16xf32>
      %add3A_1515 = arith.addf %mul3A_1512, %mul3A_1514 : vector<16xf32>
      %sub3A_1516 = arith.subi %get3A_1499, %get3A_1104 : vector<16xi32>
      %ge3A_1517 = arith.constant 0 : i32
      %ge3A_1518 = vector.broadcast %ge3A_1517 : i32 to vector<16xi32>
      %ge3A_1519 = arith.cmpi sge, %sub3A_1516, %ge3A_1518 : vector<16xi32>
      %lt3A_1520 = arith.constant 6272 : i32
      %lt3A_1521 = vector.broadcast %lt3A_1520 : i32 to vector<16xi32>
      %lt3A_1522 = arith.cmpi slt, %sub3A_1516, %lt3A_1521 : vector<16xi32>
      %and3A_1523 = arith.andi %ge3A_1519, %lt3A_1522 : vector<16xi1>
      %broadcast_in_dim3A_1524 = arith.constant 0.000000e+00 : f32
      %broadcast_in_dim3A_1525 = vector.broadcast %broadcast_in_dim3A_1524 : f32 to vector<16xf32>
      %select_n3A_1526 = arith.select %and3A_1523, %add3A_1515, %broadcast_in_dim3A_1525 : vector<16xi1>, vector<16xf32>
      %broadcast_in_dim3A_1527 = arith.constant 0 : i32
      %broadcast_in_dim3A_1528 = vector.broadcast %broadcast_in_dim3A_1527 : i32 to vector<16xi32>
      %select_n3A_1529 = arith.select %and3A_1523, %sub3A_1516, %broadcast_in_dim3A_1528 : vector<16xi1>, vector<16xi32>
      %swap3A_1530 = arith.constant 112 : index
      %swap3A_1531 = tpu.vector_load %arg18[%swap3A_1530] {strides = array<i32>} : memref<256xf32, #tpu.memory_space<vmem>>, vector<16xf32>,
      tpu.vector_store %arg18[%swap3A_1530], %select_n3A_1526 {strides = array<i32>} : memref<256xf32, #tpu.memory_space<vmem>>, vector<16xf32>,
      %mul3A_1532 = arith.constant 50176 : i32
      %mul3A_1533 = arith.muli %arg0, %mul3A_1532 : i32
      %add3A_1534 = vector.broadcast %mul3A_1533 : i32 to vector<16xi32>
      %add3A_1535 = arith.addi %get3A_1495, %add3A_1534 : vector<16xi32>
      %swap3A_1536 = arith.constant 0 : i32
      %swap3A_1537 = arith.index_cast %swap3A_1536 : i32 to index
      %swap3A_1538 = arith.constant 112 : index
      %swap3A_1539 = tpu.vector_load %arg17[%swap3A_1537, %swap3A_1538] {strides = array<i32>} : memref<2x128xi32, #tpu.memory_space<vmem>>, vector<16xi32>,
      tpu.vector_store %arg17[%swap3A_1537, %swap3A_1538], %add3A_1535 {strides = array<i32>} : memref<2x128xi32, #tpu.memory_space<vmem>>, vector<16xi32>,
      %swap3A_1540 = arith.constant 0 : i32
      %swap3A_1541 = arith.index_cast %swap3A_1540 : i32 to index
      %swap3A_1542 = arith.constant 112 : index
      %swap3A_1543 = tpu.vector_load %arg20[%swap3A_1541, %swap3A_1542] {strides = array<i32>} : memref<2x128xf32, #tpu.memory_space<vmem>>, vector<16xf32>,
      tpu.vector_store %arg20[%swap3A_1541, %swap3A_1542], %select_n3A_1526 {strides = array<i32>} : memref<2x128xf32, #tpu.memory_space<vmem>>, vector<16xf32>,
      %swap3A_1544 = arith.constant 0 : i32
      %swap3A_1545 = arith.index_cast %swap3A_1544 : i32 to index
      %swap3A_1546 = arith.constant 112 : index
      %swap3A_1547 = tpu.vector_load %arg16[%swap3A_1545, %swap3A_1546] {strides = array<i32>} : memref<2x128xi32, #tpu.memory_space<vmem>>, vector<16xi32>,
      tpu.vector_store %arg16[%swap3A_1545, %swap3A_1546], %select_n3A_1529 {strides = array<i32>} : memref<2x128xi32, #tpu.memory_space<vmem>>, vector<16xi32>,
      %get3A_1548 = arith.constant 1 : i32
      %get3A_1549 = arith.index_cast %get3A_1548 : i32 to index
      %get3A_1550 = arith.constant 0 : index
      %get3A_1551 = tpu.vector_load %arg15[%get3A_1549, %get3A_1550] {strides = array<i32>} : memref<2x128xi32, #tpu.memory_space<vmem>>, vector<16xi32>,
      %get3A_1552 = arith.constant 1 : i32
      %get3A_1553 = arith.index_cast %get3A_1552 : i32 to index
      %get3A_1554 = arith.constant 0 : index
      %get3A_1555 = tpu.vector_load %arg16[%get3A_1553, %get3A_1554] {strides = array<i32>} : memref<2x128xi32, #tpu.memory_space<vmem>>, vector<16xi32>,
      %gather3A_1556 = tpu.vector_load_idx %arg11[%get3A_1551] : memref<50176xf32, #tpu.memory_space<vmem>>[vector<16xi32>], vector<16xf32>,
      %gather3A_1557 = tpu.vector_load_idx %arg12[%get3A_1555] : memref<50176xf32, #tpu.memory_space<vmem>>[vector<16xi32>], vector<16xf32>,
      %add3A_1558 = arith.addf %gather3A_1556, %gather3A_1557 : vector<16xf32>
      %ne3A_1559 = arith.cmpi ne, %get3A_1551, %get3A_1555 : vector<16xi32>
      %mul3A_1560 = arith.constant 2.000000e-01 : f32
      %mul3A_1561 = vector.broadcast %mul3A_1560 : f32 to vector<16xf32>
      %mul3A_1562 = arith.mulf %mul3A_1561, %add3A_1558 : vector<16xf32>
      %max3A_1563 = arith.maximumf %add3A_1558, %mul3A_1562 : vector<16xf32>
      %exp3A_1564 = math.exp %max3A_1563 : vector<16xf32>
      %broadcast_in_dim3A_1565 = arith.constant 0.000000e+00 : f32
      %broadcast_in_dim3A_1566 = vector.broadcast %broadcast_in_dim3A_1565 : f32 to vector<16xf32>
      %select_n3A_1567 = arith.select %ne3A_1559, %exp3A_1564, %broadcast_in_dim3A_1566 : vector<16xi1>, vector<16xf32>
      %mul3A_1568 = arith.mulf %gather3A_1556, %gather3A_1557 : vector<16xf32>
      %sub3A_1569 = arith.subf %select_n3A_1567, %mul3A_1568 : vector<16xf32>
      %mul3A_1570 = arith.mulf %get3A_1102, %sub3A_1569 : vector<16xf32>
      %add3A_1571 = arith.addf %mul3A_1568, %mul3A_1570 : vector<16xf32>
      %sub3A_1572 = arith.subi %get3A_1555, %get3A_1104 : vector<16xi32>
      %ge3A_1573 = arith.constant 0 : i32
      %ge3A_1574 = vector.broadcast %ge3A_1573 : i32 to vector<16xi32>
      %ge3A_1575 = arith.cmpi sge, %sub3A_1572, %ge3A_1574 : vector<16xi32>
      %lt3A_1576 = arith.constant 6272 : i32
      %lt3A_1577 = vector.broadcast %lt3A_1576 : i32 to vector<16xi32>
      %lt3A_1578 = arith.cmpi slt, %sub3A_1572, %lt3A_1577 : vector<16xi32>
      %and3A_1579 = arith.andi %ge3A_1575, %lt3A_1578 : vector<16xi1>
      %broadcast_in_dim3A_1580 = arith.constant 0.000000e+00 : f32
      %broadcast_in_dim3A_1581 = vector.broadcast %broadcast_in_dim3A_1580 : f32 to vector<16xf32>
      %select_n3A_1582 = arith.select %and3A_1579, %add3A_1571, %broadcast_in_dim3A_1581 : vector<16xi1>, vector<16xf32>
      %broadcast_in_dim3A_1583 = arith.constant 0 : i32
      %broadcast_in_dim3A_1584 = vector.broadcast %broadcast_in_dim3A_1583 : i32 to vector<16xi32>
      %select_n3A_1585 = arith.select %and3A_1579, %sub3A_1572, %broadcast_in_dim3A_1584 : vector<16xi1>, vector<16xi32>
      %swap3A_1586 = arith.constant 128 : index
      %swap3A_1587 = tpu.vector_load %arg18[%swap3A_1586] {strides = array<i32>} : memref<256xf32, #tpu.memory_space<vmem>>, vector<16xf32>,
      tpu.vector_store %arg18[%swap3A_1586], %select_n3A_1582 {strides = array<i32>} : memref<256xf32, #tpu.memory_space<vmem>>, vector<16xf32>,
      %mul3A_1588 = arith.constant 50176 : i32
      %mul3A_1589 = arith.muli %arg0, %mul3A_1588 : i32
      %add3A_1590 = vector.broadcast %mul3A_1589 : i32 to vector<16xi32>
      %add3A_1591 = arith.addi %get3A_1551, %add3A_1590 : vector<16xi32>
      %swap3A_1592 = arith.constant 1 : i32
      %swap3A_1593 = arith.index_cast %swap3A_1592 : i32 to index
      %swap3A_1594 = arith.constant 0 : index
      %swap3A_1595 = tpu.vector_load %arg17[%swap3A_1593, %swap3A_1594] {strides = array<i32>} : memref<2x128xi32, #tpu.memory_space<vmem>>, vector<16xi32>,
      tpu.vector_store %arg17[%swap3A_1593, %swap3A_1594], %add3A_1591 {strides = array<i32>} : memref<2x128xi32, #tpu.memory_space<vmem>>, vector<16xi32>,
      %swap3A_1596 = arith.constant 1 : i32
      %swap3A_1597 = arith.index_cast %swap3A_1596 : i32 to index
      %swap3A_1598 = arith.constant 0 : index
      %swap3A_1599 = tpu.vector_load %arg20[%swap3A_1597, %swap3A_1598] {strides = array<i32>} : memref<2x128xf32, #tpu.memory_space<vmem>>, vector<16xf32>,
      tpu.vector_store %arg20[%swap3A_1597, %swap3A_1598], %select_n3A_1582 {strides = array<i32>} : memref<2x128xf32, #tpu.memory_space<vmem>>, vector<16xf32>,
      %swap3A_1600 = arith.constant 1 : i32
      %swap3A_1601 = arith.index_cast %swap3A_1600 : i32 to index
      %swap3A_1602 = arith.constant 0 : index
      %swap3A_1603 = tpu.vector_load %arg16[%swap3A_1601, %swap3A_1602] {strides = array<i32>} : memref<2x128xi32, #tpu.memory_space<vmem>>, vector<16xi32>,
      tpu.vector_store %arg16[%swap3A_1601, %swap3A_1602], %select_n3A_1585 {strides = array<i32>} : memref<2x128xi32, #tpu.memory_space<vmem>>, vector<16xi32>,
      %get3A_1604 = arith.constant 1 : i32
      %get3A_1605 = arith.index_cast %get3A_1604 : i32 to index
      %get3A_1606 = arith.constant 16 : index
      %get3A_1607 = tpu.vector_load %arg15[%get3A_1605, %get3A_1606] {strides = array<i32>} : memref<2x128xi32, #tpu.memory_space<vmem>>, vector<16xi32>,
      %get3A_1608 = arith.constant 1 : i32
      %get3A_1609 = arith.index_cast %get3A_1608 : i32 to index
      %get3A_1610 = arith.constant 16 : index
      %get3A_1611 = tpu.vector_load %arg16[%get3A_1609, %get3A_1610] {strides = array<i32>} : memref<2x128xi32, #tpu.memory_space<vmem>>, vector<16xi32>,
      %gather3A_1612 = tpu.vector_load_idx %arg11[%get3A_1607] : memref<50176xf32, #tpu.memory_space<vmem>>[vector<16xi32>], vector<16xf32>,
      %gather3A_1613 = tpu.vector_load_idx %arg12[%get3A_1611] : memref<50176xf32, #tpu.memory_space<vmem>>[vector<16xi32>], vector<16xf32>,
      %add3A_1614 = arith.addf %gather3A_1612, %gather3A_1613 : vector<16xf32>
      %ne3A_1615 = arith.cmpi ne, %get3A_1607, %get3A_1611 : vector<16xi32>
      %mul3A_1616 = arith.constant 2.000000e-01 : f32
      %mul3A_1617 = vector.broadcast %mul3A_1616 : f32 to vector<16xf32>
      %mul3A_1618 = arith.mulf %mul3A_1617, %add3A_1614 : vector<16xf32>
      %max3A_1619 = arith.maximumf %add3A_1614, %mul3A_1618 : vector<16xf32>
      %exp3A_1620 = math.exp %max3A_1619 : vector<16xf32>
      %broadcast_in_dim3A_1621 = arith.constant 0.000000e+00 : f32
      %broadcast_in_dim3A_1622 = vector.broadcast %broadcast_in_dim3A_1621 : f32 to vector<16xf32>
      %select_n3A_1623 = arith.select %ne3A_1615, %exp3A_1620, %broadcast_in_dim3A_1622 : vector<16xi1>, vector<16xf32>
      %mul3A_1624 = arith.mulf %gather3A_1612, %gather3A_1613 : vector<16xf32>
      %sub3A_1625 = arith.subf %select_n3A_1623, %mul3A_1624 : vector<16xf32>
      %mul3A_1626 = arith.mulf %get3A_1102, %sub3A_1625 : vector<16xf32>
      %add3A_1627 = arith.addf %mul3A_1624, %mul3A_1626 : vector<16xf32>
      %sub3A_1628 = arith.subi %get3A_1611, %get3A_1104 : vector<16xi32>
      %ge3A_1629 = arith.constant 0 : i32
      %ge3A_1630 = vector.broadcast %ge3A_1629 : i32 to vector<16xi32>
      %ge3A_1631 = arith.cmpi sge, %sub3A_1628, %ge3A_1630 : vector<16xi32>
      %lt3A_1632 = arith.constant 6272 : i32
      %lt3A_1633 = vector.broadcast %lt3A_1632 : i32 to vector<16xi32>
      %lt3A_1634 = arith.cmpi slt, %sub3A_1628, %lt3A_1633 : vector<16xi32>
      %and3A_1635 = arith.andi %ge3A_1631, %lt3A_1634 : vector<16xi1>
      %broadcast_in_dim3A_1636 = arith.constant 0.000000e+00 : f32
      %broadcast_in_dim3A_1637 = vector.broadcast %broadcast_in_dim3A_1636 : f32 to vector<16xf32>
      %select_n3A_1638 = arith.select %and3A_1635, %add3A_1627, %broadcast_in_dim3A_1637 : vector<16xi1>, vector<16xf32>
      %broadcast_in_dim3A_1639 = arith.constant 0 : i32
      %broadcast_in_dim3A_1640 = vector.broadcast %broadcast_in_dim3A_1639 : i32 to vector<16xi32>
      %select_n3A_1641 = arith.select %and3A_1635, %sub3A_1628, %broadcast_in_dim3A_1640 : vector<16xi1>, vector<16xi32>
      %swap3A_1642 = arith.constant 144 : index
      %swap3A_1643 = tpu.vector_load %arg18[%swap3A_1642] {strides = array<i32>} : memref<256xf32, #tpu.memory_space<vmem>>, vector<16xf32>,
      tpu.vector_store %arg18[%swap3A_1642], %select_n3A_1638 {strides = array<i32>} : memref<256xf32, #tpu.memory_space<vmem>>, vector<16xf32>,
      %mul3A_1644 = arith.constant 50176 : i32
      %mul3A_1645 = arith.muli %arg0, %mul3A_1644 : i32
      %add3A_1646 = vector.broadcast %mul3A_1645 : i32 to vector<16xi32>
      %add3A_1647 = arith.addi %get3A_1607, %add3A_1646 : vector<16xi32>
      %swap3A_1648 = arith.constant 1 : i32
      %swap3A_1649 = arith.index_cast %swap3A_1648 : i32 to index
      %swap3A_1650 = arith.constant 16 : index
      %swap3A_1651 = tpu.vector_load %arg17[%swap3A_1649, %swap3A_1650] {strides = array<i32>} : memref<2x128xi32, #tpu.memory_space<vmem>>, vector<16xi32>,
      tpu.vector_store %arg17[%swap3A_1649, %swap3A_1650], %add3A_1647 {strides = array<i32>} : memref<2x128xi32, #tpu.memory_space<vmem>>, vector<16xi32>,
      %swap3A_1652 = arith.constant 1 : i32
      %swap3A_1653 = arith.index_cast %swap3A_1652 : i32 to index
      %swap3A_1654 = arith.constant 16 : index
      %swap3A_1655 = tpu.vector_load %arg20[%swap3A_1653, %swap3A_1654] {strides = array<i32>} : memref<2x128xf32, #tpu.memory_space<vmem>>, vector<16xf32>,
      tpu.vector_store %arg20[%swap3A_1653, %swap3A_1654], %select_n3A_1638 {strides = array<i32>} : memref<2x128xf32, #tpu.memory_space<vmem>>, vector<16xf32>,
      %swap3A_1656 = arith.constant 1 : i32
      %swap3A_1657 = arith.index_cast %swap3A_1656 : i32 to index
      %swap3A_1658 = arith.constant 16 : index
      %swap3A_1659 = tpu.vector_load %arg16[%swap3A_1657, %swap3A_1658] {strides = array<i32>} : memref<2x128xi32, #tpu.memory_space<vmem>>, vector<16xi32>,
      tpu.vector_store %arg16[%swap3A_1657, %swap3A_1658], %select_n3A_1641 {strides = array<i32>} : memref<2x128xi32, #tpu.memory_space<vmem>>, vector<16xi32>,
      %get3A_1660 = arith.constant 1 : i32
      %get3A_1661 = arith.index_cast %get3A_1660 : i32 to index
      %get3A_1662 = arith.constant 32 : index
      %get3A_1663 = tpu.vector_load %arg15[%get3A_1661, %get3A_1662] {strides = array<i32>} : memref<2x128xi32, #tpu.memory_space<vmem>>, vector<16xi32>,
      %get3A_1664 = arith.constant 1 : i32
      %get3A_1665 = arith.index_cast %get3A_1664 : i32 to index
      %get3A_1666 = arith.constant 32 : index
      %get3A_1667 = tpu.vector_load %arg16[%get3A_1665, %get3A_1666] {strides = array<i32>} : memref<2x128xi32, #tpu.memory_space<vmem>>, vector<16xi32>,
      %gather3A_1668 = tpu.vector_load_idx %arg11[%get3A_1663] : memref<50176xf32, #tpu.memory_space<vmem>>[vector<16xi32>], vector<16xf32>,
      %gather3A_1669 = tpu.vector_load_idx %arg12[%get3A_1667] : memref<50176xf32, #tpu.memory_space<vmem>>[vector<16xi32>], vector<16xf32>,
      %add3A_1670 = arith.addf %gather3A_1668, %gather3A_1669 : vector<16xf32>
      %ne3A_1671 = arith.cmpi ne, %get3A_1663, %get3A_1667 : vector<16xi32>
      %mul3A_1672 = arith.constant 2.000000e-01 : f32
      %mul3A_1673 = vector.broadcast %mul3A_1672 : f32 to vector<16xf32>
      %mul3A_1674 = arith.mulf %mul3A_1673, %add3A_1670 : vector<16xf32>
      %max3A_1675 = arith.maximumf %add3A_1670, %mul3A_1674 : vector<16xf32>
      %exp3A_1676 = math.exp %max3A_1675 : vector<16xf32>
      %broadcast_in_dim3A_1677 = arith.constant 0.000000e+00 : f32
      %broadcast_in_dim3A_1678 = vector.broadcast %broadcast_in_dim3A_1677 : f32 to vector<16xf32>
      %select_n3A_1679 = arith.select %ne3A_1671, %exp3A_1676, %broadcast_in_dim3A_1678 : vector<16xi1>, vector<16xf32>
      %mul3A_1680 = arith.mulf %gather3A_1668, %gather3A_1669 : vector<16xf32>
      %sub3A_1681 = arith.subf %select_n3A_1679, %mul3A_1680 : vector<16xf32>
      %mul3A_1682 = arith.mulf %get3A_1102, %sub3A_1681 : vector<16xf32>
      %add3A_1683 = arith.addf %mul3A_1680, %mul3A_1682 : vector<16xf32>
      %sub3A_1684 = arith.subi %get3A_1667, %get3A_1104 : vector<16xi32>
      %ge3A_1685 = arith.constant 0 : i32
      %ge3A_1686 = vector.broadcast %ge3A_1685 : i32 to vector<16xi32>
      %ge3A_1687 = arith.cmpi sge, %sub3A_1684, %ge3A_1686 : vector<16xi32>
      %lt3A_1688 = arith.constant 6272 : i32
      %lt3A_1689 = vector.broadcast %lt3A_1688 : i32 to vector<16xi32>
      %lt3A_1690 = arith.cmpi slt, %sub3A_1684, %lt3A_1689 : vector<16xi32>
      %and3A_1691 = arith.andi %ge3A_1687, %lt3A_1690 : vector<16xi1>
      %broadcast_in_dim3A_1692 = arith.constant 0.000000e+00 : f32
      %broadcast_in_dim3A_1693 = vector.broadcast %broadcast_in_dim3A_1692 : f32 to vector<16xf32>
      %select_n3A_1694 = arith.select %and3A_1691, %add3A_1683, %broadcast_in_dim3A_1693 : vector<16xi1>, vector<16xf32>
      %broadcast_in_dim3A_1695 = arith.constant 0 : i32
      %broadcast_in_dim3A_1696 = vector.broadcast %broadcast_in_dim3A_1695 : i32 to vector<16xi32>
      %select_n3A_1697 = arith.select %and3A_1691, %sub3A_1684, %broadcast_in_dim3A_1696 : vector<16xi1>, vector<16xi32>
      %swap3A_1698 = arith.constant 160 : index
      %swap3A_1699 = tpu.vector_load %arg18[%swap3A_1698] {strides = array<i32>} : memref<256xf32, #tpu.memory_space<vmem>>, vector<16xf32>,
      tpu.vector_store %arg18[%swap3A_1698], %select_n3A_1694 {strides = array<i32>} : memref<256xf32, #tpu.memory_space<vmem>>, vector<16xf32>,
      %mul3A_1700 = arith.constant 50176 : i32
      %mul3A_1701 = arith.muli %arg0, %mul3A_1700 : i32
      %add3A_1702 = vector.broadcast %mul3A_1701 : i32 to vector<16xi32>
      %add3A_1703 = arith.addi %get3A_1663, %add3A_1702 : vector<16xi32>
      %swap3A_1704 = arith.constant 1 : i32
      %swap3A_1705 = arith.index_cast %swap3A_1704 : i32 to index
      %swap3A_1706 = arith.constant 32 : index
      %swap3A_1707 = tpu.vector_load %arg17[%swap3A_1705, %swap3A_1706] {strides = array<i32>} : memref<2x128xi32, #tpu.memory_space<vmem>>, vector<16xi32>,
      tpu.vector_store %arg17[%swap3A_1705, %swap3A_1706], %add3A_1703 {strides = array<i32>} : memref<2x128xi32, #tpu.memory_space<vmem>>, vector<16xi32>,
      %swap3A_1708 = arith.constant 1 : i32
      %swap3A_1709 = arith.index_cast %swap3A_1708 : i32 to index
      %swap3A_1710 = arith.constant 32 : index
      %swap3A_1711 = tpu.vector_load %arg20[%swap3A_1709, %swap3A_1710] {strides = array<i32>} : memref<2x128xf32, #tpu.memory_space<vmem>>, vector<16xf32>,
      tpu.vector_store %arg20[%swap3A_1709, %swap3A_1710], %select_n3A_1694 {strides = array<i32>} : memref<2x128xf32, #tpu.memory_space<vmem>>, vector<16xf32>,
      %swap3A_1712 = arith.constant 1 : i32
      %swap3A_1713 = arith.index_cast %swap3A_1712 : i32 to index
      %swap3A_1714 = arith.constant 32 : index
      %swap3A_1715 = tpu.vector_load %arg16[%swap3A_1713, %swap3A_1714] {strides = array<i32>} : memref<2x128xi32, #tpu.memory_space<vmem>>, vector<16xi32>,
      tpu.vector_store %arg16[%swap3A_1713, %swap3A_1714], %select_n3A_1697 {strides = array<i32>} : memref<2x128xi32, #tpu.memory_space<vmem>>, vector<16xi32>,
      %get3A_1716 = arith.constant 1 : i32
      %get3A_1717 = arith.index_cast %get3A_1716 : i32 to index
      %get3A_1718 = arith.constant 48 : index
      %get3A_1719 = tpu.vector_load %arg15[%get3A_1717, %get3A_1718] {strides = array<i32>} : memref<2x128xi32, #tpu.memory_space<vmem>>, vector<16xi32>,
      %get3A_1720 = arith.constant 1 : i32
      %get3A_1721 = arith.index_cast %get3A_1720 : i32 to index
      %get3A_1722 = arith.constant 48 : index
      %get3A_1723 = tpu.vector_load %arg16[%get3A_1721, %get3A_1722] {strides = array<i32>} : memref<2x128xi32, #tpu.memory_space<vmem>>, vector<16xi32>,
      %gather3A_1724 = tpu.vector_load_idx %arg11[%get3A_1719] : memref<50176xf32, #tpu.memory_space<vmem>>[vector<16xi32>], vector<16xf32>,
      %gather3A_1725 = tpu.vector_load_idx %arg12[%get3A_1723] : memref<50176xf32, #tpu.memory_space<vmem>>[vector<16xi32>], vector<16xf32>,
      %add3A_1726 = arith.addf %gather3A_1724, %gather3A_1725 : vector<16xf32>
      %ne3A_1727 = arith.cmpi ne, %get3A_1719, %get3A_1723 : vector<16xi32>
      %mul3A_1728 = arith.constant 2.000000e-01 : f32
      %mul3A_1729 = vector.broadcast %mul3A_1728 : f32 to vector<16xf32>
      %mul3A_1730 = arith.mulf %mul3A_1729, %add3A_1726 : vector<16xf32>
      %max3A_1731 = arith.maximumf %add3A_1726, %mul3A_1730 : vector<16xf32>
      %exp3A_1732 = math.exp %max3A_1731 : vector<16xf32>
      %broadcast_in_dim3A_1733 = arith.constant 0.000000e+00 : f32
      %broadcast_in_dim3A_1734 = vector.broadcast %broadcast_in_dim3A_1733 : f32 to vector<16xf32>
      %select_n3A_1735 = arith.select %ne3A_1727, %exp3A_1732, %broadcast_in_dim3A_1734 : vector<16xi1>, vector<16xf32>
      %mul3A_1736 = arith.mulf %gather3A_1724, %gather3A_1725 : vector<16xf32>
      %sub3A_1737 = arith.subf %select_n3A_1735, %mul3A_1736 : vector<16xf32>
      %mul3A_1738 = arith.mulf %get3A_1102, %sub3A_1737 : vector<16xf32>
      %add3A_1739 = arith.addf %mul3A_1736, %mul3A_1738 : vector<16xf32>
      %sub3A_1740 = arith.subi %get3A_1723, %get3A_1104 : vector<16xi32>
      %ge3A_1741 = arith.constant 0 : i32
      %ge3A_1742 = vector.broadcast %ge3A_1741 : i32 to vector<16xi32>
      %ge3A_1743 = arith.cmpi sge, %sub3A_1740, %ge3A_1742 : vector<16xi32>
      %lt3A_1744 = arith.constant 6272 : i32
      %lt3A_1745 = vector.broadcast %lt3A_1744 : i32 to vector<16xi32>
      %lt3A_1746 = arith.cmpi slt, %sub3A_1740, %lt3A_1745 : vector<16xi32>
      %and3A_1747 = arith.andi %ge3A_1743, %lt3A_1746 : vector<16xi1>
      %broadcast_in_dim3A_1748 = arith.constant 0.000000e+00 : f32
      %broadcast_in_dim3A_1749 = vector.broadcast %broadcast_in_dim3A_1748 : f32 to vector<16xf32>
      %select_n3A_1750 = arith.select %and3A_1747, %add3A_1739, %broadcast_in_dim3A_1749 : vector<16xi1>, vector<16xf32>
      %broadcast_in_dim3A_1751 = arith.constant 0 : i32
      %broadcast_in_dim3A_1752 = vector.broadcast %broadcast_in_dim3A_1751 : i32 to vector<16xi32>
      %select_n3A_1753 = arith.select %and3A_1747, %sub3A_1740, %broadcast_in_dim3A_1752 : vector<16xi1>, vector<16xi32>
      %swap3A_1754 = arith.constant 176 : index
      %swap3A_1755 = tpu.vector_load %arg18[%swap3A_1754] {strides = array<i32>} : memref<256xf32, #tpu.memory_space<vmem>>, vector<16xf32>,
      tpu.vector_store %arg18[%swap3A_1754], %select_n3A_1750 {strides = array<i32>} : memref<256xf32, #tpu.memory_space<vmem>>, vector<16xf32>,
      %mul3A_1756 = arith.constant 50176 : i32
      %mul3A_1757 = arith.muli %arg0, %mul3A_1756 : i32
      %add3A_1758 = vector.broadcast %mul3A_1757 : i32 to vector<16xi32>
      %add3A_1759 = arith.addi %get3A_1719, %add3A_1758 : vector<16xi32>
      %swap3A_1760 = arith.constant 1 : i32
      %swap3A_1761 = arith.index_cast %swap3A_1760 : i32 to index
      %swap3A_1762 = arith.constant 48 : index
      %swap3A_1763 = tpu.vector_load %arg17[%swap3A_1761, %swap3A_1762] {strides = array<i32>} : memref<2x128xi32, #tpu.memory_space<vmem>>, vector<16xi32>,
      tpu.vector_store %arg17[%swap3A_1761, %swap3A_1762], %add3A_1759 {strides = array<i32>} : memref<2x128xi32, #tpu.memory_space<vmem>>, vector<16xi32>,
      %swap3A_1764 = arith.constant 1 : i32
      %swap3A_1765 = arith.index_cast %swap3A_1764 : i32 to index
      %swap3A_1766 = arith.constant 48 : index
      %swap3A_1767 = tpu.vector_load %arg20[%swap3A_1765, %swap3A_1766] {strides = array<i32>} : memref<2x128xf32, #tpu.memory_space<vmem>>, vector<16xf32>,
      tpu.vector_store %arg20[%swap3A_1765, %swap3A_1766], %select_n3A_1750 {strides = array<i32>} : memref<2x128xf32, #tpu.memory_space<vmem>>, vector<16xf32>,
      %swap3A_1768 = arith.constant 1 : i32
      %swap3A_1769 = arith.index_cast %swap3A_1768 : i32 to index
      %swap3A_1770 = arith.constant 48 : index
      %swap3A_1771 = tpu.vector_load %arg16[%swap3A_1769, %swap3A_1770] {strides = array<i32>} : memref<2x128xi32, #tpu.memory_space<vmem>>, vector<16xi32>,
      tpu.vector_store %arg16[%swap3A_1769, %swap3A_1770], %select_n3A_1753 {strides = array<i32>} : memref<2x128xi32, #tpu.memory_space<vmem>>, vector<16xi32>,
      %get3A_1772 = arith.constant 1 : i32
      %get3A_1773 = arith.index_cast %get3A_1772 : i32 to index
      %get3A_1774 = arith.constant 64 : index
      %get3A_1775 = tpu.vector_load %arg15[%get3A_1773, %get3A_1774] {strides = array<i32>} : memref<2x128xi32, #tpu.memory_space<vmem>>, vector<16xi32>,
      %get3A_1776 = arith.constant 1 : i32
      %get3A_1777 = arith.index_cast %get3A_1776 : i32 to index
      %get3A_1778 = arith.constant 64 : index
      %get3A_1779 = tpu.vector_load %arg16[%get3A_1777, %get3A_1778] {strides = array<i32>} : memref<2x128xi32, #tpu.memory_space<vmem>>, vector<16xi32>,
      %gather3A_1780 = tpu.vector_load_idx %arg11[%get3A_1775] : memref<50176xf32, #tpu.memory_space<vmem>>[vector<16xi32>], vector<16xf32>,
      %gather3A_1781 = tpu.vector_load_idx %arg12[%get3A_1779] : memref<50176xf32, #tpu.memory_space<vmem>>[vector<16xi32>], vector<16xf32>,
      %add3A_1782 = arith.addf %gather3A_1780, %gather3A_1781 : vector<16xf32>
      %ne3A_1783 = arith.cmpi ne, %get3A_1775, %get3A_1779 : vector<16xi32>
      %mul3A_1784 = arith.constant 2.000000e-01 : f32
      %mul3A_1785 = vector.broadcast %mul3A_1784 : f32 to vector<16xf32>
      %mul3A_1786 = arith.mulf %mul3A_1785, %add3A_1782 : vector<16xf32>
      %max3A_1787 = arith.maximumf %add3A_1782, %mul3A_1786 : vector<16xf32>
      %exp3A_1788 = math.exp %max3A_1787 : vector<16xf32>
      %broadcast_in_dim3A_1789 = arith.constant 0.000000e+00 : f32
      %broadcast_in_dim3A_1790 = vector.broadcast %broadcast_in_dim3A_1789 : f32 to vector<16xf32>
      %select_n3A_1791 = arith.select %ne3A_1783, %exp3A_1788, %broadcast_in_dim3A_1790 : vector<16xi1>, vector<16xf32>
      %mul3A_1792 = arith.mulf %gather3A_1780, %gather3A_1781 : vector<16xf32>
      %sub3A_1793 = arith.subf %select_n3A_1791, %mul3A_1792 : vector<16xf32>
      %mul3A_1794 = arith.mulf %get3A_1102, %sub3A_1793 : vector<16xf32>
      %add3A_1795 = arith.addf %mul3A_1792, %mul3A_1794 : vector<16xf32>
      %sub3A_1796 = arith.subi %get3A_1779, %get3A_1104 : vector<16xi32>
      %ge3A_1797 = arith.constant 0 : i32
      %ge3A_1798 = vector.broadcast %ge3A_1797 : i32 to vector<16xi32>
      %ge3A_1799 = arith.cmpi sge, %sub3A_1796, %ge3A_1798 : vector<16xi32>
      %lt3A_1800 = arith.constant 6272 : i32
      %lt3A_1801 = vector.broadcast %lt3A_1800 : i32 to vector<16xi32>
      %lt3A_1802 = arith.cmpi slt, %sub3A_1796, %lt3A_1801 : vector<16xi32>
      %and3A_1803 = arith.andi %ge3A_1799, %lt3A_1802 : vector<16xi1>
      %broadcast_in_dim3A_1804 = arith.constant 0.000000e+00 : f32
      %broadcast_in_dim3A_1805 = vector.broadcast %broadcast_in_dim3A_1804 : f32 to vector<16xf32>
      %select_n3A_1806 = arith.select %and3A_1803, %add3A_1795, %broadcast_in_dim3A_1805 : vector<16xi1>, vector<16xf32>
      %broadcast_in_dim3A_1807 = arith.constant 0 : i32
      %broadcast_in_dim3A_1808 = vector.broadcast %broadcast_in_dim3A_1807 : i32 to vector<16xi32>
      %select_n3A_1809 = arith.select %and3A_1803, %sub3A_1796, %broadcast_in_dim3A_1808 : vector<16xi1>, vector<16xi32>
      %swap3A_1810 = arith.constant 192 : index
      %swap3A_1811 = tpu.vector_load %arg18[%swap3A_1810] {strides = array<i32>} : memref<256xf32, #tpu.memory_space<vmem>>, vector<16xf32>,
      tpu.vector_store %arg18[%swap3A_1810], %select_n3A_1806 {strides = array<i32>} : memref<256xf32, #tpu.memory_space<vmem>>, vector<16xf32>,
      %mul3A_1812 = arith.constant 50176 : i32
      %mul3A_1813 = arith.muli %arg0, %mul3A_1812 : i32
      %add3A_1814 = vector.broadcast %mul3A_1813 : i32 to vector<16xi32>
      %add3A_1815 = arith.addi %get3A_1775, %add3A_1814 : vector<16xi32>
      %swap3A_1816 = arith.constant 1 : i32
      %swap3A_1817 = arith.index_cast %swap3A_1816 : i32 to index
      %swap3A_1818 = arith.constant 64 : index
      %swap3A_1819 = tpu.vector_load %arg17[%swap3A_1817, %swap3A_1818] {strides = array<i32>} : memref<2x128xi32, #tpu.memory_space<vmem>>, vector<16xi32>,
      tpu.vector_store %arg17[%swap3A_1817, %swap3A_1818], %add3A_1815 {strides = array<i32>} : memref<2x128xi32, #tpu.memory_space<vmem>>, vector<16xi32>,
      %swap3A_1820 = arith.constant 1 : i32
      %swap3A_1821 = arith.index_cast %swap3A_1820 : i32 to index
      %swap3A_1822 = arith.constant 64 : index
      %swap3A_1823 = tpu.vector_load %arg20[%swap3A_1821, %swap3A_1822] {strides = array<i32>} : memref<2x128xf32, #tpu.memory_space<vmem>>, vector<16xf32>,
      tpu.vector_store %arg20[%swap3A_1821, %swap3A_1822], %select_n3A_1806 {strides = array<i32>} : memref<2x128xf32, #tpu.memory_space<vmem>>, vector<16xf32>,
      %swap3A_1824 = arith.constant 1 : i32
      %swap3A_1825 = arith.index_cast %swap3A_1824 : i32 to index
      %swap3A_1826 = arith.constant 64 : index
      %swap3A_1827 = tpu.vector_load %arg16[%swap3A_1825, %swap3A_1826] {strides = array<i32>} : memref<2x128xi32, #tpu.memory_space<vmem>>, vector<16xi32>,
      tpu.vector_store %arg16[%swap3A_1825, %swap3A_1826], %select_n3A_1809 {strides = array<i32>} : memref<2x128xi32, #tpu.memory_space<vmem>>, vector<16xi32>,
      %get3A_1828 = arith.constant 1 : i32
      %get3A_1829 = arith.index_cast %get3A_1828 : i32 to index
      %get3A_1830 = arith.constant 80 : index
      %get3A_1831 = tpu.vector_load %arg15[%get3A_1829, %get3A_1830] {strides = array<i32>} : memref<2x128xi32, #tpu.memory_space<vmem>>, vector<16xi32>,
      %get3A_1832 = arith.constant 1 : i32
      %get3A_1833 = arith.index_cast %get3A_1832 : i32 to index
      %get3A_1834 = arith.constant 80 : index
      %get3A_1835 = tpu.vector_load %arg16[%get3A_1833, %get3A_1834] {strides = array<i32>} : memref<2x128xi32, #tpu.memory_space<vmem>>, vector<16xi32>,
      %gather3A_1836 = tpu.vector_load_idx %arg11[%get3A_1831] : memref<50176xf32, #tpu.memory_space<vmem>>[vector<16xi32>], vector<16xf32>,
      %gather3A_1837 = tpu.vector_load_idx %arg12[%get3A_1835] : memref<50176xf32, #tpu.memory_space<vmem>>[vector<16xi32>], vector<16xf32>,
      %add3A_1838 = arith.addf %gather3A_1836, %gather3A_1837 : vector<16xf32>
      %ne3A_1839 = arith.cmpi ne, %get3A_1831, %get3A_1835 : vector<16xi32>
      %mul3A_1840 = arith.constant 2.000000e-01 : f32
      %mul3A_1841 = vector.broadcast %mul3A_1840 : f32 to vector<16xf32>
      %mul3A_1842 = arith.mulf %mul3A_1841, %add3A_1838 : vector<16xf32>
      %max3A_1843 = arith.maximumf %add3A_1838, %mul3A_1842 : vector<16xf32>
      %exp3A_1844 = math.exp %max3A_1843 : vector<16xf32>
      %broadcast_in_dim3A_1845 = arith.constant 0.000000e+00 : f32
      %broadcast_in_dim3A_1846 = vector.broadcast %broadcast_in_dim3A_1845 : f32 to vector<16xf32>
      %select_n3A_1847 = arith.select %ne3A_1839, %exp3A_1844, %broadcast_in_dim3A_1846 : vector<16xi1>, vector<16xf32>
      %mul3A_1848 = arith.mulf %gather3A_1836, %gather3A_1837 : vector<16xf32>
      %sub3A_1849 = arith.subf %select_n3A_1847, %mul3A_1848 : vector<16xf32>
      %mul3A_1850 = arith.mulf %get3A_1102, %sub3A_1849 : vector<16xf32>
      %add3A_1851 = arith.addf %mul3A_1848, %mul3A_1850 : vector<16xf32>
      %sub3A_1852 = arith.subi %get3A_1835, %get3A_1104 : vector<16xi32>
      %ge3A_1853 = arith.constant 0 : i32
      %ge3A_1854 = vector.broadcast %ge3A_1853 : i32 to vector<16xi32>
      %ge3A_1855 = arith.cmpi sge, %sub3A_1852, %ge3A_1854 : vector<16xi32>
      %lt3A_1856 = arith.constant 6272 : i32
      %lt3A_1857 = vector.broadcast %lt3A_1856 : i32 to vector<16xi32>
      %lt3A_1858 = arith.cmpi slt, %sub3A_1852, %lt3A_1857 : vector<16xi32>
      %and3A_1859 = arith.andi %ge3A_1855, %lt3A_1858 : vector<16xi1>
      %broadcast_in_dim3A_1860 = arith.constant 0.000000e+00 : f32
      %broadcast_in_dim3A_1861 = vector.broadcast %broadcast_in_dim3A_1860 : f32 to vector<16xf32>
      %select_n3A_1862 = arith.select %and3A_1859, %add3A_1851, %broadcast_in_dim3A_1861 : vector<16xi1>, vector<16xf32>
      %broadcast_in_dim3A_1863 = arith.constant 0 : i32
      %broadcast_in_dim3A_1864 = vector.broadcast %broadcast_in_dim3A_1863 : i32 to vector<16xi32>
      %select_n3A_1865 = arith.select %and3A_1859, %sub3A_1852, %broadcast_in_dim3A_1864 : vector<16xi1>, vector<16xi32>
      %swap3A_1866 = arith.constant 208 : index
      %swap3A_1867 = tpu.vector_load %arg18[%swap3A_1866] {strides = array<i32>} : memref<256xf32, #tpu.memory_space<vmem>>, vector<16xf32>,
      tpu.vector_store %arg18[%swap3A_1866], %select_n3A_1862 {strides = array<i32>} : memref<256xf32, #tpu.memory_space<vmem>>, vector<16xf32>,
      %mul3A_1868 = arith.constant 50176 : i32
      %mul3A_1869 = arith.muli %arg0, %mul3A_1868 : i32
      %add3A_1870 = vector.broadcast %mul3A_1869 : i32 to vector<16xi32>
      %add3A_1871 = arith.addi %get3A_1831, %add3A_1870 : vector<16xi32>
      %swap3A_1872 = arith.constant 1 : i32
      %swap3A_1873 = arith.index_cast %swap3A_1872 : i32 to index
      %swap3A_1874 = arith.constant 80 : index
      %swap3A_1875 = tpu.vector_load %arg17[%swap3A_1873, %swap3A_1874] {strides = array<i32>} : memref<2x128xi32, #tpu.memory_space<vmem>>, vector<16xi32>,
      tpu.vector_store %arg17[%swap3A_1873, %swap3A_1874], %add3A_1871 {strides = array<i32>} : memref<2x128xi32, #tpu.memory_space<vmem>>, vector<16xi32>,
      %swap3A_1876 = arith.constant 1 : i32
      %swap3A_1877 = arith.index_cast %swap3A_1876 : i32 to index
      %swap3A_1878 = arith.constant 80 : index
      %swap3A_1879 = tpu.vector_load %arg20[%swap3A_1877, %swap3A_1878] {strides = array<i32>} : memref<2x128xf32, #tpu.memory_space<vmem>>, vector<16xf32>,
      tpu.vector_store %arg20[%swap3A_1877, %swap3A_1878], %select_n3A_1862 {strides = array<i32>} : memref<2x128xf32, #tpu.memory_space<vmem>>, vector<16xf32>,
      %swap3A_1880 = arith.constant 1 : i32
      %swap3A_1881 = arith.index_cast %swap3A_1880 : i32 to index
      %swap3A_1882 = arith.constant 80 : index
      %swap3A_1883 = tpu.vector_load %arg16[%swap3A_1881, %swap3A_1882] {strides = array<i32>} : memref<2x128xi32, #tpu.memory_space<vmem>>, vector<16xi32>,
      tpu.vector_store %arg16[%swap3A_1881, %swap3A_1882], %select_n3A_1865 {strides = array<i32>} : memref<2x128xi32, #tpu.memory_space<vmem>>, vector<16xi32>,
      %get3A_1884 = arith.constant 1 : i32
      %get3A_1885 = arith.index_cast %get3A_1884 : i32 to index
      %get3A_1886 = arith.constant 96 : index
      %get3A_1887 = tpu.vector_load %arg15[%get3A_1885, %get3A_1886] {strides = array<i32>} : memref<2x128xi32, #tpu.memory_space<vmem>>, vector<16xi32>,
      %get3A_1888 = arith.constant 1 : i32
      %get3A_1889 = arith.index_cast %get3A_1888 : i32 to index
      %get3A_1890 = arith.constant 96 : index
      %get3A_1891 = tpu.vector_load %arg16[%get3A_1889, %get3A_1890] {strides = array<i32>} : memref<2x128xi32, #tpu.memory_space<vmem>>, vector<16xi32>,
      %gather3A_1892 = tpu.vector_load_idx %arg11[%get3A_1887] : memref<50176xf32, #tpu.memory_space<vmem>>[vector<16xi32>], vector<16xf32>,
      %gather3A_1893 = tpu.vector_load_idx %arg12[%get3A_1891] : memref<50176xf32, #tpu.memory_space<vmem>>[vector<16xi32>], vector<16xf32>,
      %add3A_1894 = arith.addf %gather3A_1892, %gather3A_1893 : vector<16xf32>
      %ne3A_1895 = arith.cmpi ne, %get3A_1887, %get3A_1891 : vector<16xi32>
      %mul3A_1896 = arith.constant 2.000000e-01 : f32
      %mul3A_1897 = vector.broadcast %mul3A_1896 : f32 to vector<16xf32>
      %mul3A_1898 = arith.mulf %mul3A_1897, %add3A_1894 : vector<16xf32>
      %max3A_1899 = arith.maximumf %add3A_1894, %mul3A_1898 : vector<16xf32>
      %exp3A_1900 = math.exp %max3A_1899 : vector<16xf32>
      %broadcast_in_dim3A_1901 = arith.constant 0.000000e+00 : f32
      %broadcast_in_dim3A_1902 = vector.broadcast %broadcast_in_dim3A_1901 : f32 to vector<16xf32>
      %select_n3A_1903 = arith.select %ne3A_1895, %exp3A_1900, %broadcast_in_dim3A_1902 : vector<16xi1>, vector<16xf32>
      %mul3A_1904 = arith.mulf %gather3A_1892, %gather3A_1893 : vector<16xf32>
      %sub3A_1905 = arith.subf %select_n3A_1903, %mul3A_1904 : vector<16xf32>
      %mul3A_1906 = arith.mulf %get3A_1102, %sub3A_1905 : vector<16xf32>
      %add3A_1907 = arith.addf %mul3A_1904, %mul3A_1906 : vector<16xf32>
      %sub3A_1908 = arith.subi %get3A_1891, %get3A_1104 : vector<16xi32>
      %ge3A_1909 = arith.constant 0 : i32
      %ge3A_1910 = vector.broadcast %ge3A_1909 : i32 to vector<16xi32>
      %ge3A_1911 = arith.cmpi sge, %sub3A_1908, %ge3A_1910 : vector<16xi32>
      %lt3A_1912 = arith.constant 6272 : i32
      %lt3A_1913 = vector.broadcast %lt3A_1912 : i32 to vector<16xi32>
      %lt3A_1914 = arith.cmpi slt, %sub3A_1908, %lt3A_1913 : vector<16xi32>
      %and3A_1915 = arith.andi %ge3A_1911, %lt3A_1914 : vector<16xi1>
      %broadcast_in_dim3A_1916 = arith.constant 0.000000e+00 : f32
      %broadcast_in_dim3A_1917 = vector.broadcast %broadcast_in_dim3A_1916 : f32 to vector<16xf32>
      %select_n3A_1918 = arith.select %and3A_1915, %add3A_1907, %broadcast_in_dim3A_1917 : vector<16xi1>, vector<16xf32>
      %broadcast_in_dim3A_1919 = arith.constant 0 : i32
      %broadcast_in_dim3A_1920 = vector.broadcast %broadcast_in_dim3A_1919 : i32 to vector<16xi32>
      %select_n3A_1921 = arith.select %and3A_1915, %sub3A_1908, %broadcast_in_dim3A_1920 : vector<16xi1>, vector<16xi32>
      %swap3A_1922 = arith.constant 224 : index
      %swap3A_1923 = tpu.vector_load %arg18[%swap3A_1922] {strides = array<i32>} : memref<256xf32, #tpu.memory_space<vmem>>, vector<16xf32>,
      tpu.vector_store %arg18[%swap3A_1922], %select_n3A_1918 {strides = array<i32>} : memref<256xf32, #tpu.memory_space<vmem>>, vector<16xf32>,
      %mul3A_1924 = arith.constant 50176 : i32
      %mul3A_1925 = arith.muli %arg0, %mul3A_1924 : i32
      %add3A_1926 = vector.broadcast %mul3A_1925 : i32 to vector<16xi32>
      %add3A_1927 = arith.addi %get3A_1887, %add3A_1926 : vector<16xi32>
      %swap3A_1928 = arith.constant 1 : i32
      %swap3A_1929 = arith.index_cast %swap3A_1928 : i32 to index
      %swap3A_1930 = arith.constant 96 : index
      %swap3A_1931 = tpu.vector_load %arg17[%swap3A_1929, %swap3A_1930] {strides = array<i32>} : memref<2x128xi32, #tpu.memory_space<vmem>>, vector<16xi32>,
      tpu.vector_store %arg17[%swap3A_1929, %swap3A_1930], %add3A_1927 {strides = array<i32>} : memref<2x128xi32, #tpu.memory_space<vmem>>, vector<16xi32>,
      %swap3A_1932 = arith.constant 1 : i32
      %swap3A_1933 = arith.index_cast %swap3A_1932 : i32 to index
      %swap3A_1934 = arith.constant 96 : index
      %swap3A_1935 = tpu.vector_load %arg20[%swap3A_1933, %swap3A_1934] {strides = array<i32>} : memref<2x128xf32, #tpu.memory_space<vmem>>, vector<16xf32>,
      tpu.vector_store %arg20[%swap3A_1933, %swap3A_1934], %select_n3A_1918 {strides = array<i32>} : memref<2x128xf32, #tpu.memory_space<vmem>>, vector<16xf32>,
      %swap3A_1936 = arith.constant 1 : i32
      %swap3A_1937 = arith.index_cast %swap3A_1936 : i32 to index
      %swap3A_1938 = arith.constant 96 : index
      %swap3A_1939 = tpu.vector_load %arg16[%swap3A_1937, %swap3A_1938] {strides = array<i32>} : memref<2x128xi32, #tpu.memory_space<vmem>>, vector<16xi32>,
      tpu.vector_store %arg16[%swap3A_1937, %swap3A_1938], %select_n3A_1921 {strides = array<i32>} : memref<2x128xi32, #tpu.memory_space<vmem>>, vector<16xi32>,
      %get3A_1940 = arith.constant 1 : i32
      %get3A_1941 = arith.index_cast %get3A_1940 : i32 to index
      %get3A_1942 = arith.constant 112 : index
      %get3A_1943 = tpu.vector_load %arg15[%get3A_1941, %get3A_1942] {strides = array<i32>} : memref<2x128xi32, #tpu.memory_space<vmem>>, vector<16xi32>,
      %get3A_1944 = arith.constant 1 : i32
      %get3A_1945 = arith.index_cast %get3A_1944 : i32 to index
      %get3A_1946 = arith.constant 112 : index
      %get3A_1947 = tpu.vector_load %arg16[%get3A_1945, %get3A_1946] {strides = array<i32>} : memref<2x128xi32, #tpu.memory_space<vmem>>, vector<16xi32>,
      %gather3A_1948 = tpu.vector_load_idx %arg11[%get3A_1943] : memref<50176xf32, #tpu.memory_space<vmem>>[vector<16xi32>], vector<16xf32>,
      %gather3A_1949 = tpu.vector_load_idx %arg12[%get3A_1947] : memref<50176xf32, #tpu.memory_space<vmem>>[vector<16xi32>], vector<16xf32>,
      %add3A_1950 = arith.addf %gather3A_1948, %gather3A_1949 : vector<16xf32>
      %ne3A_1951 = arith.cmpi ne, %get3A_1943, %get3A_1947 : vector<16xi32>
      %mul3A_1952 = arith.constant 2.000000e-01 : f32
      %mul3A_1953 = vector.broadcast %mul3A_1952 : f32 to vector<16xf32>
      %mul3A_1954 = arith.mulf %mul3A_1953, %add3A_1950 : vector<16xf32>
      %max3A_1955 = arith.maximumf %add3A_1950, %mul3A_1954 : vector<16xf32>
      %exp3A_1956 = math.exp %max3A_1955 : vector<16xf32>
      %broadcast_in_dim3A_1957 = arith.constant 0.000000e+00 : f32
      %broadcast_in_dim3A_1958 = vector.broadcast %broadcast_in_dim3A_1957 : f32 to vector<16xf32>
      %select_n3A_1959 = arith.select %ne3A_1951, %exp3A_1956, %broadcast_in_dim3A_1958 : vector<16xi1>, vector<16xf32>
      %mul3A_1960 = arith.mulf %gather3A_1948, %gather3A_1949 : vector<16xf32>
      %sub3A_1961 = arith.subf %select_n3A_1959, %mul3A_1960 : vector<16xf32>
      %mul3A_1962 = arith.mulf %get3A_1102, %sub3A_1961 : vector<16xf32>
      %add3A_1963 = arith.addf %mul3A_1960, %mul3A_1962 : vector<16xf32>
      %sub3A_1964 = arith.subi %get3A_1947, %get3A_1104 : vector<16xi32>
      %ge3A_1965 = arith.constant 0 : i32
      %ge3A_1966 = vector.broadcast %ge3A_1965 : i32 to vector<16xi32>
      %ge3A_1967 = arith.cmpi sge, %sub3A_1964, %ge3A_1966 : vector<16xi32>
      %lt3A_1968 = arith.constant 6272 : i32
      %lt3A_1969 = vector.broadcast %lt3A_1968 : i32 to vector<16xi32>
      %lt3A_1970 = arith.cmpi slt, %sub3A_1964, %lt3A_1969 : vector<16xi32>
      %and3A_1971 = arith.andi %ge3A_1967, %lt3A_1970 : vector<16xi1>
      %broadcast_in_dim3A_1972 = arith.constant 0.000000e+00 : f32
      %broadcast_in_dim3A_1973 = vector.broadcast %broadcast_in_dim3A_1972 : f32 to vector<16xf32>
      %select_n3A_1974 = arith.select %and3A_1971, %add3A_1963, %broadcast_in_dim3A_1973 : vector<16xi1>, vector<16xf32>
      %broadcast_in_dim3A_1975 = arith.constant 0 : i32
      %broadcast_in_dim3A_1976 = vector.broadcast %broadcast_in_dim3A_1975 : i32 to vector<16xi32>
      %select_n3A_1977 = arith.select %and3A_1971, %sub3A_1964, %broadcast_in_dim3A_1976 : vector<16xi1>, vector<16xi32>
      %swap3A_1978 = arith.constant 240 : index
      %swap3A_1979 = tpu.vector_load %arg18[%swap3A_1978] {strides = array<i32>} : memref<256xf32, #tpu.memory_space<vmem>>, vector<16xf32>,
      tpu.vector_store %arg18[%swap3A_1978], %select_n3A_1974 {strides = array<i32>} : memref<256xf32, #tpu.memory_space<vmem>>, vector<16xf32>,
      %mul3A_1980 = arith.constant 50176 : i32
      %mul3A_1981 = arith.muli %arg0, %mul3A_1980 : i32
      %add3A_1982 = vector.broadcast %mul3A_1981 : i32 to vector<16xi32>
      %add3A_1983 = arith.addi %get3A_1943, %add3A_1982 : vector<16xi32>
      %swap3A_1984 = arith.constant 1 : i32
      %swap3A_1985 = arith.index_cast %swap3A_1984 : i32 to index
      %swap3A_1986 = arith.constant 112 : index
      %swap3A_1987 = tpu.vector_load %arg17[%swap3A_1985, %swap3A_1986] {strides = array<i32>} : memref<2x128xi32, #tpu.memory_space<vmem>>, vector<16xi32>,
      tpu.vector_store %arg17[%swap3A_1985, %swap3A_1986], %add3A_1983 {strides = array<i32>} : memref<2x128xi32, #tpu.memory_space<vmem>>, vector<16xi32>,
      %swap3A_1988 = arith.constant 1 : i32
      %swap3A_1989 = arith.index_cast %swap3A_1988 : i32 to index
      %swap3A_1990 = arith.constant 112 : index
      %swap3A_1991 = tpu.vector_load %arg20[%swap3A_1989, %swap3A_1990] {strides = array<i32>} : memref<2x128xf32, #tpu.memory_space<vmem>>, vector<16xf32>,
      tpu.vector_store %arg20[%swap3A_1989, %swap3A_1990], %select_n3A_1974 {strides = array<i32>} : memref<2x128xf32, #tpu.memory_space<vmem>>, vector<16xf32>,
      %swap3A_1992 = arith.constant 1 : i32
      %swap3A_1993 = arith.index_cast %swap3A_1992 : i32 to index
      %swap3A_1994 = arith.constant 112 : index
      %swap3A_1995 = tpu.vector_load %arg16[%swap3A_1993, %swap3A_1994] {strides = array<i32>} : memref<2x128xi32, #tpu.memory_space<vmem>>, vector<16xi32>,
      tpu.vector_store %arg16[%swap3A_1993, %swap3A_1994], %select_n3A_1977 {strides = array<i32>} : memref<2x128xi32, #tpu.memory_space<vmem>>, vector<16xi32>,
      %dma_start3A = arith.constant 0 : i32
      %dma_start3A_1996 = arith.constant 0 : i32
      %dma_start3A_1997 = arith.constant 0 : i32
      %dma_start3A_1998 = tpu.memref_slice %arg19[%dma_start3A_1996, %dma_start3A_1997] : memref<256x32xf32, #tpu.memory_space<vmem>> -> memref<128x32xf32, #tpu.memory_space<vmem>>
      %dma_start3A_1999 = arith.constant 0 : i32
      %dma_start3A_2000 = tpu.memref_slice %arg17[%dma_start3A, %dma_start3A_1999] : memref<2x128xi32, #tpu.memory_space<vmem>> -> memref<1x128xi32, #tpu.memory_space<vmem>>
      %dma_start3A_2001 = tpu.memref_squeeze %dma_start3A_2000 : memref<1x128xi32, #tpu.memory_space<vmem>> -> memref<128xi32, #tpu.memory_space<vmem>>
      %dma_start3A_2002 = arith.constant 0 : i32
      %dma_start3A_2003 = arith.constant 0 : i32
      %dma_start3A_2004 = tpu.memref_slice %arg8[%dma_start3A_2002, %dma_start3A_2003] : memref<100352x32xf32, #tpu.memory_space<hbm>> -> memref<100352x32xf32, #tpu.memory_space<hbm>>
      tpu.enqueue_indirect_dma source(%dma_start3A_2004 : memref<100352x32xf32, #tpu.memory_space<hbm>>) target(%dma_start3A_1998 : memref<128x32xf32, #tpu.memory_space<vmem>>) offsets(%dma_start3A_2001 : memref<128xi32, #tpu.memory_space<vmem>>) semaphore(%arg26 : memref<!tpu.dma_semaphore, #tpu.memory_space<semaphore_mem>>)
      %dma_wait3A = arith.constant 0 : i32
      %dma_wait3A_2005 = arith.constant 0 : i32
      %dma_wait3A_2006 = arith.constant 0 : i32
      %dma_wait3A_2007 = tpu.memref_slice %arg19[%dma_wait3A_2005, %dma_wait3A_2006] : memref<256x32xf32, #tpu.memory_space<vmem>> -> memref<128x32xf32, #tpu.memory_space<vmem>>
      %dma_wait3A_2008 = arith.constant 0 : i32
      %dma_wait3A_2009 = tpu.memref_slice %arg17[%dma_wait3A, %dma_wait3A_2008] : memref<2x128xi32, #tpu.memory_space<vmem>> -> memref<1x128xi32, #tpu.memory_space<vmem>>
      %dma_wait3A_2010 = tpu.memref_squeeze %dma_wait3A_2009 : memref<1x128xi32, #tpu.memory_space<vmem>> -> memref<128xi32, #tpu.memory_space<vmem>>
      %dma_wait3A_2011 = arith.constant 0 : i32
      %dma_wait3A_2012 = arith.constant 0 : i32
      %dma_wait3A_2013 = tpu.memref_slice %arg8[%dma_wait3A_2011, %dma_wait3A_2012] : memref<100352x32xf32, #tpu.memory_space<hbm>> -> memref<100352x32xf32, #tpu.memory_space<hbm>>
      tpu.wait_indirect_dma semaphore(%arg26 : memref<!tpu.dma_semaphore, #tpu.memory_space<semaphore_mem>>) src(%dma_wait3A_2013 : memref<100352x32xf32, #tpu.memory_space<hbm>>) dst(%dma_wait3A_2007 : memref<128x32xf32, #tpu.memory_space<vmem>>)
      %dma_start3A_2014 = arith.constant 1 : i32
      %dma_start3A_2015 = arith.constant 128 : i32
      %dma_start3A_2016 = arith.constant 0 : i32
      %dma_start3A_2017 = tpu.memref_slice %arg19[%dma_start3A_2015, %dma_start3A_2016] : memref<256x32xf32, #tpu.memory_space<vmem>> -> memref<128x32xf32, #tpu.memory_space<vmem>>
      %dma_start3A_2018 = arith.constant 0 : i32
      %dma_start3A_2019 = tpu.memref_slice %arg17[%dma_start3A_2014, %dma_start3A_2018] : memref<2x128xi32, #tpu.memory_space<vmem>> -> memref<1x128xi32, #tpu.memory_space<vmem>>
      %dma_start3A_2020 = tpu.memref_squeeze %dma_start3A_2019 : memref<1x128xi32, #tpu.memory_space<vmem>> -> memref<128xi32, #tpu.memory_space<vmem>>
      %dma_start3A_2021 = arith.constant 0 : i32
      %dma_start3A_2022 = arith.constant 0 : i32
      %dma_start3A_2023 = tpu.memref_slice %arg8[%dma_start3A_2021, %dma_start3A_2022] : memref<100352x32xf32, #tpu.memory_space<hbm>> -> memref<100352x32xf32, #tpu.memory_space<hbm>>
      tpu.enqueue_indirect_dma source(%dma_start3A_2023 : memref<100352x32xf32, #tpu.memory_space<hbm>>) target(%dma_start3A_2017 : memref<128x32xf32, #tpu.memory_space<vmem>>) offsets(%dma_start3A_2020 : memref<128xi32, #tpu.memory_space<vmem>>) semaphore(%arg26 : memref<!tpu.dma_semaphore, #tpu.memory_space<semaphore_mem>>)
      %dma_wait3A_2024 = arith.constant 1 : i32
      %dma_wait3A_2025 = arith.constant 128 : i32
      %dma_wait3A_2026 = arith.constant 0 : i32
      %dma_wait3A_2027 = tpu.memref_slice %arg19[%dma_wait3A_2025, %dma_wait3A_2026] : memref<256x32xf32, #tpu.memory_space<vmem>> -> memref<128x32xf32, #tpu.memory_space<vmem>>
      %dma_wait3A_2028 = arith.constant 0 : i32
      %dma_wait3A_2029 = tpu.memref_slice %arg17[%dma_wait3A_2024, %dma_wait3A_2028] : memref<2x128xi32, #tpu.memory_space<vmem>> -> memref<1x128xi32, #tpu.memory_space<vmem>>
      %dma_wait3A_2030 = tpu.memref_squeeze %dma_wait3A_2029 : memref<1x128xi32, #tpu.memory_space<vmem>> -> memref<128xi32, #tpu.memory_space<vmem>>
      %dma_wait3A_2031 = arith.constant 0 : i32
      %dma_wait3A_2032 = arith.constant 0 : i32
      %dma_wait3A_2033 = tpu.memref_slice %arg8[%dma_wait3A_2031, %dma_wait3A_2032] : memref<100352x32xf32, #tpu.memory_space<hbm>> -> memref<100352x32xf32, #tpu.memory_space<hbm>>
      tpu.wait_indirect_dma semaphore(%arg26 : memref<!tpu.dma_semaphore, #tpu.memory_space<semaphore_mem>>) src(%dma_wait3A_2033 : memref<100352x32xf32, #tpu.memory_space<hbm>>) dst(%dma_wait3A_2027 : memref<128x32xf32, #tpu.memory_space<vmem>>)
      %scan3A_2034 = arith.constant 0 : i32
      %scan3A_2035 = arith.constant 0 : i32
      %scan3A_2036 = arith.constant 16 : i32
      %scan3A_2037 = arith.addi %scan3A_2035, %scan3A_2036 : i32
      %scan3A_2038 = arith.constant 1 : i32
      %scan3A_2039 = scf.for %scan3A_2047 = %scan3A_2035 to %scan3A_2037 step %scan3A_2038 iter_args(%scan3A_2048 = %scan3A_2034) -> (i32)  : i32 {
        %mul3A_2049 = arith.constant 16 : i32
        %mul3A_2050 = arith.muli %scan3A_2047, %mul3A_2049 : i32
        %get3A_2051 = arith.index_cast %mul3A_2050 : i32 to index
        %get3A_2052 = tpu.vector_load %arg18[%get3A_2051] {strides = array<i32>} : memref<256xf32, #tpu.memory_space<vmem>>, vector<16xf32>,
        %mul3A_2053 = arith.constant 16 : i32
        %mul3A_2054 = arith.muli %scan3A_2047, %mul3A_2053 : i32
        %add3A_2055 = arith.constant 0 : i32
        %add3A_2056 = arith.addi %mul3A_2054, %add3A_2055 : i32
        %slice3A = vector.extract_strided_slice %get3A_2052 {offsets = [0], sizes = [1], strides = [1]} : vector<16xf32> to vector<1xf32>
        %squeeze3A = vector.extract %slice3A[0] : f32 from vector<1xf32>
        %get3A_2057 = arith.index_cast %add3A_2056 : i32 to index
        %get3A_2058 = arith.constant 0 : index
        %get3A_2059 = tpu.vector_load %arg19[%get3A_2057, %get3A_2058] {strides = array<i32>} : memref<256x32xf32, #tpu.memory_space<vmem>>, vector<16xf32>,
        %mul3A_2060 = vector.broadcast %squeeze3A : f32 to vector<16xf32>
        %mul3A_2061 = arith.mulf %get3A_2059, %mul3A_2060 : vector<16xf32>
        %swap3A_2062 = arith.index_cast %add3A_2056 : i32 to index
        %swap3A_2063 = arith.constant 0 : index
        %swap3A_2064 = tpu.vector_load %arg19[%swap3A_2062, %swap3A_2063] {strides = array<i32>} : memref<256x32xf32, #tpu.memory_space<vmem>>, vector<16xf32>,
        tpu.vector_store %arg19[%swap3A_2062, %swap3A_2063], %mul3A_2061 {strides = array<i32>} : memref<256x32xf32, #tpu.memory_space<vmem>>, vector<16xf32>,
        %get3A_2065 = arith.index_cast %add3A_2056 : i32 to index
        %get3A_2066 = arith.constant 16 : index
        %get3A_2067 = tpu.vector_load %arg19[%get3A_2065, %get3A_2066] {strides = array<i32>} : memref<256x32xf32, #tpu.memory_space<vmem>>, vector<16xf32>,
        %mul3A_2068 = vector.broadcast %squeeze3A : f32 to vector<16xf32>
        %mul3A_2069 = arith.mulf %get3A_2067, %mul3A_2068 : vector<16xf32>
        %swap3A_2070 = arith.index_cast %add3A_2056 : i32 to index
        %swap3A_2071 = arith.constant 16 : index
        %swap3A_2072 = tpu.vector_load %arg19[%swap3A_2070, %swap3A_2071] {strides = array<i32>} : memref<256x32xf32, #tpu.memory_space<vmem>>, vector<16xf32>,
        tpu.vector_store %arg19[%swap3A_2070, %swap3A_2071], %mul3A_2069 {strides = array<i32>} : memref<256x32xf32, #tpu.memory_space<vmem>>, vector<16xf32>,
        %mul3A_2073 = arith.constant 16 : i32
        %mul3A_2074 = arith.muli %scan3A_2047, %mul3A_2073 : i32
        %add3A_2075 = arith.constant 1 : i32
        %add3A_2076 = arith.addi %mul3A_2074, %add3A_2075 : i32
        %slice3A_2077 = vector.extract_strided_slice %get3A_2052 {offsets = [1], sizes = [1], strides = [1]} : vector<16xf32> to vector<1xf32>
        %squeeze3A_2078 = vector.extract %slice3A_2077[0] : f32 from vector<1xf32>
        %get3A_2079 = arith.index_cast %add3A_2076 : i32 to index
        %get3A_2080 = arith.constant 0 : index
        %get3A_2081 = tpu.vector_load %arg19[%get3A_2079, %get3A_2080] {strides = array<i32>} : memref<256x32xf32, #tpu.memory_space<vmem>>, vector<16xf32>,
        %mul3A_2082 = vector.broadcast %squeeze3A_2078 : f32 to vector<16xf32>
        %mul3A_2083 = arith.mulf %get3A_2081, %mul3A_2082 : vector<16xf32>
        %swap3A_2084 = arith.index_cast %add3A_2076 : i32 to index
        %swap3A_2085 = arith.constant 0 : index
        %swap3A_2086 = tpu.vector_load %arg19[%swap3A_2084, %swap3A_2085] {strides = array<i32>} : memref<256x32xf32, #tpu.memory_space<vmem>>, vector<16xf32>,
        tpu.vector_store %arg19[%swap3A_2084, %swap3A_2085], %mul3A_2083 {strides = array<i32>} : memref<256x32xf32, #tpu.memory_space<vmem>>, vector<16xf32>,
        %get3A_2087 = arith.index_cast %add3A_2076 : i32 to index
        %get3A_2088 = arith.constant 16 : index
        %get3A_2089 = tpu.vector_load %arg19[%get3A_2087, %get3A_2088] {strides = array<i32>} : memref<256x32xf32, #tpu.memory_space<vmem>>, vector<16xf32>,
        %mul3A_2090 = vector.broadcast %squeeze3A_2078 : f32 to vector<16xf32>
        %mul3A_2091 = arith.mulf %get3A_2089, %mul3A_2090 : vector<16xf32>
        %swap3A_2092 = arith.index_cast %add3A_2076 : i32 to index
        %swap3A_2093 = arith.constant 16 : index
        %swap3A_2094 = tpu.vector_load %arg19[%swap3A_2092, %swap3A_2093] {strides = array<i32>} : memref<256x32xf32, #tpu.memory_space<vmem>>, vector<16xf32>,
        tpu.vector_store %arg19[%swap3A_2092, %swap3A_2093], %mul3A_2091 {strides = array<i32>} : memref<256x32xf32, #tpu.memory_space<vmem>>, vector<16xf32>,
        %mul3A_2095 = arith.constant 16 : i32
        %mul3A_2096 = arith.muli %scan3A_2047, %mul3A_2095 : i32
        %add3A_2097 = arith.constant 2 : i32
        %add3A_2098 = arith.addi %mul3A_2096, %add3A_2097 : i32
        %slice3A_2099 = vector.extract_strided_slice %get3A_2052 {offsets = [2], sizes = [1], strides = [1]} : vector<16xf32> to vector<1xf32>
        %squeeze3A_2100 = vector.extract %slice3A_2099[0] : f32 from vector<1xf32>
        %get3A_2101 = arith.index_cast %add3A_2098 : i32 to index
        %get3A_2102 = arith.constant 0 : index
        %get3A_2103 = tpu.vector_load %arg19[%get3A_2101, %get3A_2102] {strides = array<i32>} : memref<256x32xf32, #tpu.memory_space<vmem>>, vector<16xf32>,
        %mul3A_2104 = vector.broadcast %squeeze3A_2100 : f32 to vector<16xf32>
        %mul3A_2105 = arith.mulf %get3A_2103, %mul3A_2104 : vector<16xf32>
        %swap3A_2106 = arith.index_cast %add3A_2098 : i32 to index
        %swap3A_2107 = arith.constant 0 : index
        %swap3A_2108 = tpu.vector_load %arg19[%swap3A_2106, %swap3A_2107] {strides = array<i32>} : memref<256x32xf32, #tpu.memory_space<vmem>>, vector<16xf32>,
        tpu.vector_store %arg19[%swap3A_2106, %swap3A_2107], %mul3A_2105 {strides = array<i32>} : memref<256x32xf32, #tpu.memory_space<vmem>>, vector<16xf32>,
        %get3A_2109 = arith.index_cast %add3A_2098 : i32 to index
        %get3A_2110 = arith.constant 16 : index
        %get3A_2111 = tpu.vector_load %arg19[%get3A_2109, %get3A_2110] {strides = array<i32>} : memref<256x32xf32, #tpu.memory_space<vmem>>, vector<16xf32>,
        %mul3A_2112 = vector.broadcast %squeeze3A_2100 : f32 to vector<16xf32>
        %mul3A_2113 = arith.mulf %get3A_2111, %mul3A_2112 : vector<16xf32>
        %swap3A_2114 = arith.index_cast %add3A_2098 : i32 to index
        %swap3A_2115 = arith.constant 16 : index
        %swap3A_2116 = tpu.vector_load %arg19[%swap3A_2114, %swap3A_2115] {strides = array<i32>} : memref<256x32xf32, #tpu.memory_space<vmem>>, vector<16xf32>,
        tpu.vector_store %arg19[%swap3A_2114, %swap3A_2115], %mul3A_2113 {strides = array<i32>} : memref<256x32xf32, #tpu.memory_space<vmem>>, vector<16xf32>,
        %mul3A_2117 = arith.constant 16 : i32
        %mul3A_2118 = arith.muli %scan3A_2047, %mul3A_2117 : i32
        %add3A_2119 = arith.constant 3 : i32
        %add3A_2120 = arith.addi %mul3A_2118, %add3A_2119 : i32
        %slice3A_2121 = vector.extract_strided_slice %get3A_2052 {offsets = [3], sizes = [1], strides = [1]} : vector<16xf32> to vector<1xf32>
        %squeeze3A_2122 = vector.extract %slice3A_2121[0] : f32 from vector<1xf32>
        %get3A_2123 = arith.index_cast %add3A_2120 : i32 to index
        %get3A_2124 = arith.constant 0 : index
        %get3A_2125 = tpu.vector_load %arg19[%get3A_2123, %get3A_2124] {strides = array<i32>} : memref<256x32xf32, #tpu.memory_space<vmem>>, vector<16xf32>,
        %mul3A_2126 = vector.broadcast %squeeze3A_2122 : f32 to vector<16xf32>
        %mul3A_2127 = arith.mulf %get3A_2125, %mul3A_2126 : vector<16xf32>
        %swap3A_2128 = arith.index_cast %add3A_2120 : i32 to index
        %swap3A_2129 = arith.constant 0 : index
        %swap3A_2130 = tpu.vector_load %arg19[%swap3A_2128, %swap3A_2129] {strides = array<i32>} : memref<256x32xf32, #tpu.memory_space<vmem>>, vector<16xf32>,
        tpu.vector_store %arg19[%swap3A_2128, %swap3A_2129], %mul3A_2127 {strides = array<i32>} : memref<256x32xf32, #tpu.memory_space<vmem>>, vector<16xf32>,
        %get3A_2131 = arith.index_cast %add3A_2120 : i32 to index
        %get3A_2132 = arith.constant 16 : index
        %get3A_2133 = tpu.vector_load %arg19[%get3A_2131, %get3A_2132] {strides = array<i32>} : memref<256x32xf32, #tpu.memory_space<vmem>>, vector<16xf32>,
        %mul3A_2134 = vector.broadcast %squeeze3A_2122 : f32 to vector<16xf32>
        %mul3A_2135 = arith.mulf %get3A_2133, %mul3A_2134 : vector<16xf32>
        %swap3A_2136 = arith.index_cast %add3A_2120 : i32 to index
        %swap3A_2137 = arith.constant 16 : index
        %swap3A_2138 = tpu.vector_load %arg19[%swap3A_2136, %swap3A_2137] {strides = array<i32>} : memref<256x32xf32, #tpu.memory_space<vmem>>, vector<16xf32>,
        tpu.vector_store %arg19[%swap3A_2136, %swap3A_2137], %mul3A_2135 {strides = array<i32>} : memref<256x32xf32, #tpu.memory_space<vmem>>, vector<16xf32>,
        %mul3A_2139 = arith.constant 16 : i32
        %mul3A_2140 = arith.muli %scan3A_2047, %mul3A_2139 : i32
        %add3A_2141 = arith.constant 4 : i32
        %add3A_2142 = arith.addi %mul3A_2140, %add3A_2141 : i32
        %slice3A_2143 = vector.extract_strided_slice %get3A_2052 {offsets = [4], sizes = [1], strides = [1]} : vector<16xf32> to vector<1xf32>
        %squeeze3A_2144 = vector.extract %slice3A_2143[0] : f32 from vector<1xf32>
        %get3A_2145 = arith.index_cast %add3A_2142 : i32 to index
        %get3A_2146 = arith.constant 0 : index
        %get3A_2147 = tpu.vector_load %arg19[%get3A_2145, %get3A_2146] {strides = array<i32>} : memref<256x32xf32, #tpu.memory_space<vmem>>, vector<16xf32>,
        %mul3A_2148 = vector.broadcast %squeeze3A_2144 : f32 to vector<16xf32>
        %mul3A_2149 = arith.mulf %get3A_2147, %mul3A_2148 : vector<16xf32>
        %swap3A_2150 = arith.index_cast %add3A_2142 : i32 to index
        %swap3A_2151 = arith.constant 0 : index
        %swap3A_2152 = tpu.vector_load %arg19[%swap3A_2150, %swap3A_2151] {strides = array<i32>} : memref<256x32xf32, #tpu.memory_space<vmem>>, vector<16xf32>,
        tpu.vector_store %arg19[%swap3A_2150, %swap3A_2151], %mul3A_2149 {strides = array<i32>} : memref<256x32xf32, #tpu.memory_space<vmem>>, vector<16xf32>,
        %get3A_2153 = arith.index_cast %add3A_2142 : i32 to index
        %get3A_2154 = arith.constant 16 : index
        %get3A_2155 = tpu.vector_load %arg19[%get3A_2153, %get3A_2154] {strides = array<i32>} : memref<256x32xf32, #tpu.memory_space<vmem>>, vector<16xf32>,
        %mul3A_2156 = vector.broadcast %squeeze3A_2144 : f32 to vector<16xf32>
        %mul3A_2157 = arith.mulf %get3A_2155, %mul3A_2156 : vector<16xf32>
        %swap3A_2158 = arith.index_cast %add3A_2142 : i32 to index
        %swap3A_2159 = arith.constant 16 : index
        %swap3A_2160 = tpu.vector_load %arg19[%swap3A_2158, %swap3A_2159] {strides = array<i32>} : memref<256x32xf32, #tpu.memory_space<vmem>>, vector<16xf32>,
        tpu.vector_store %arg19[%swap3A_2158, %swap3A_2159], %mul3A_2157 {strides = array<i32>} : memref<256x32xf32, #tpu.memory_space<vmem>>, vector<16xf32>,
        %mul3A_2161 = arith.constant 16 : i32
        %mul3A_2162 = arith.muli %scan3A_2047, %mul3A_2161 : i32
        %add3A_2163 = arith.constant 5 : i32
        %add3A_2164 = arith.addi %mul3A_2162, %add3A_2163 : i32
        %slice3A_2165 = vector.extract_strided_slice %get3A_2052 {offsets = [5], sizes = [1], strides = [1]} : vector<16xf32> to vector<1xf32>
        %squeeze3A_2166 = vector.extract %slice3A_2165[0] : f32 from vector<1xf32>
        %get3A_2167 = arith.index_cast %add3A_2164 : i32 to index
        %get3A_2168 = arith.constant 0 : index
        %get3A_2169 = tpu.vector_load %arg19[%get3A_2167, %get3A_2168] {strides = array<i32>} : memref<256x32xf32, #tpu.memory_space<vmem>>, vector<16xf32>,
        %mul3A_2170 = vector.broadcast %squeeze3A_2166 : f32 to vector<16xf32>
        %mul3A_2171 = arith.mulf %get3A_2169, %mul3A_2170 : vector<16xf32>
        %swap3A_2172 = arith.index_cast %add3A_2164 : i32 to index
        %swap3A_2173 = arith.constant 0 : index
        %swap3A_2174 = tpu.vector_load %arg19[%swap3A_2172, %swap3A_2173] {strides = array<i32>} : memref<256x32xf32, #tpu.memory_space<vmem>>, vector<16xf32>,
        tpu.vector_store %arg19[%swap3A_2172, %swap3A_2173], %mul3A_2171 {strides = array<i32>} : memref<256x32xf32, #tpu.memory_space<vmem>>, vector<16xf32>,
        %get3A_2175 = arith.index_cast %add3A_2164 : i32 to index
        %get3A_2176 = arith.constant 16 : index
        %get3A_2177 = tpu.vector_load %arg19[%get3A_2175, %get3A_2176] {strides = array<i32>} : memref<256x32xf32, #tpu.memory_space<vmem>>, vector<16xf32>,
        %mul3A_2178 = vector.broadcast %squeeze3A_2166 : f32 to vector<16xf32>
        %mul3A_2179 = arith.mulf %get3A_2177, %mul3A_2178 : vector<16xf32>
        %swap3A_2180 = arith.index_cast %add3A_2164 : i32 to index
        %swap3A_2181 = arith.constant 16 : index
        %swap3A_2182 = tpu.vector_load %arg19[%swap3A_2180, %swap3A_2181] {strides = array<i32>} : memref<256x32xf32, #tpu.memory_space<vmem>>, vector<16xf32>,
        tpu.vector_store %arg19[%swap3A_2180, %swap3A_2181], %mul3A_2179 {strides = array<i32>} : memref<256x32xf32, #tpu.memory_space<vmem>>, vector<16xf32>,
        %mul3A_2183 = arith.constant 16 : i32
        %mul3A_2184 = arith.muli %scan3A_2047, %mul3A_2183 : i32
        %add3A_2185 = arith.constant 6 : i32
        %add3A_2186 = arith.addi %mul3A_2184, %add3A_2185 : i32
        %slice3A_2187 = vector.extract_strided_slice %get3A_2052 {offsets = [6], sizes = [1], strides = [1]} : vector<16xf32> to vector<1xf32>
        %squeeze3A_2188 = vector.extract %slice3A_2187[0] : f32 from vector<1xf32>
        %get3A_2189 = arith.index_cast %add3A_2186 : i32 to index
        %get3A_2190 = arith.constant 0 : index
        %get3A_2191 = tpu.vector_load %arg19[%get3A_2189, %get3A_2190] {strides = array<i32>} : memref<256x32xf32, #tpu.memory_space<vmem>>, vector<16xf32>,
        %mul3A_2192 = vector.broadcast %squeeze3A_2188 : f32 to vector<16xf32>
        %mul3A_2193 = arith.mulf %get3A_2191, %mul3A_2192 : vector<16xf32>
        %swap3A_2194 = arith.index_cast %add3A_2186 : i32 to index
        %swap3A_2195 = arith.constant 0 : index
        %swap3A_2196 = tpu.vector_load %arg19[%swap3A_2194, %swap3A_2195] {strides = array<i32>} : memref<256x32xf32, #tpu.memory_space<vmem>>, vector<16xf32>,
        tpu.vector_store %arg19[%swap3A_2194, %swap3A_2195], %mul3A_2193 {strides = array<i32>} : memref<256x32xf32, #tpu.memory_space<vmem>>, vector<16xf32>,
        %get3A_2197 = arith.index_cast %add3A_2186 : i32 to index
        %get3A_2198 = arith.constant 16 : index
        %get3A_2199 = tpu.vector_load %arg19[%get3A_2197, %get3A_2198] {strides = array<i32>} : memref<256x32xf32, #tpu.memory_space<vmem>>, vector<16xf32>,
        %mul3A_2200 = vector.broadcast %squeeze3A_2188 : f32 to vector<16xf32>
        %mul3A_2201 = arith.mulf %get3A_2199, %mul3A_2200 : vector<16xf32>
        %swap3A_2202 = arith.index_cast %add3A_2186 : i32 to index
        %swap3A_2203 = arith.constant 16 : index
        %swap3A_2204 = tpu.vector_load %arg19[%swap3A_2202, %swap3A_2203] {strides = array<i32>} : memref<256x32xf32, #tpu.memory_space<vmem>>, vector<16xf32>,
        tpu.vector_store %arg19[%swap3A_2202, %swap3A_2203], %mul3A_2201 {strides = array<i32>} : memref<256x32xf32, #tpu.memory_space<vmem>>, vector<16xf32>,
        %mul3A_2205 = arith.constant 16 : i32
        %mul3A_2206 = arith.muli %scan3A_2047, %mul3A_2205 : i32
        %add3A_2207 = arith.constant 7 : i32
        %add3A_2208 = arith.addi %mul3A_2206, %add3A_2207 : i32
        %slice3A_2209 = vector.extract_strided_slice %get3A_2052 {offsets = [7], sizes = [1], strides = [1]} : vector<16xf32> to vector<1xf32>
        %squeeze3A_2210 = vector.extract %slice3A_2209[0] : f32 from vector<1xf32>
        %get3A_2211 = arith.index_cast %add3A_2208 : i32 to index
        %get3A_2212 = arith.constant 0 : index
        %get3A_2213 = tpu.vector_load %arg19[%get3A_2211, %get3A_2212] {strides = array<i32>} : memref<256x32xf32, #tpu.memory_space<vmem>>, vector<16xf32>,
        %mul3A_2214 = vector.broadcast %squeeze3A_2210 : f32 to vector<16xf32>
        %mul3A_2215 = arith.mulf %get3A_2213, %mul3A_2214 : vector<16xf32>
        %swap3A_2216 = arith.index_cast %add3A_2208 : i32 to index
        %swap3A_2217 = arith.constant 0 : index
        %swap3A_2218 = tpu.vector_load %arg19[%swap3A_2216, %swap3A_2217] {strides = array<i32>} : memref<256x32xf32, #tpu.memory_space<vmem>>, vector<16xf32>,
        tpu.vector_store %arg19[%swap3A_2216, %swap3A_2217], %mul3A_2215 {strides = array<i32>} : memref<256x32xf32, #tpu.memory_space<vmem>>, vector<16xf32>,
        %get3A_2219 = arith.index_cast %add3A_2208 : i32 to index
        %get3A_2220 = arith.constant 16 : index
        %get3A_2221 = tpu.vector_load %arg19[%get3A_2219, %get3A_2220] {strides = array<i32>} : memref<256x32xf32, #tpu.memory_space<vmem>>, vector<16xf32>,
        %mul3A_2222 = vector.broadcast %squeeze3A_2210 : f32 to vector<16xf32>
        %mul3A_2223 = arith.mulf %get3A_2221, %mul3A_2222 : vector<16xf32>
        %swap3A_2224 = arith.index_cast %add3A_2208 : i32 to index
        %swap3A_2225 = arith.constant 16 : index
        %swap3A_2226 = tpu.vector_load %arg19[%swap3A_2224, %swap3A_2225] {strides = array<i32>} : memref<256x32xf32, #tpu.memory_space<vmem>>, vector<16xf32>,
        tpu.vector_store %arg19[%swap3A_2224, %swap3A_2225], %mul3A_2223 {strides = array<i32>} : memref<256x32xf32, #tpu.memory_space<vmem>>, vector<16xf32>,
        %mul3A_2227 = arith.constant 16 : i32
        %mul3A_2228 = arith.muli %scan3A_2047, %mul3A_2227 : i32
        %add3A_2229 = arith.constant 8 : i32
        %add3A_2230 = arith.addi %mul3A_2228, %add3A_2229 : i32
        %slice3A_2231 = vector.extract_strided_slice %get3A_2052 {offsets = [8], sizes = [1], strides = [1]} : vector<16xf32> to vector<1xf32>
        %squeeze3A_2232 = vector.extract %slice3A_2231[0] : f32 from vector<1xf32>
        %get3A_2233 = arith.index_cast %add3A_2230 : i32 to index
        %get3A_2234 = arith.constant 0 : index
        %get3A_2235 = tpu.vector_load %arg19[%get3A_2233, %get3A_2234] {strides = array<i32>} : memref<256x32xf32, #tpu.memory_space<vmem>>, vector<16xf32>,
        %mul3A_2236 = vector.broadcast %squeeze3A_2232 : f32 to vector<16xf32>
        %mul3A_2237 = arith.mulf %get3A_2235, %mul3A_2236 : vector<16xf32>
        %swap3A_2238 = arith.index_cast %add3A_2230 : i32 to index
        %swap3A_2239 = arith.constant 0 : index
        %swap3A_2240 = tpu.vector_load %arg19[%swap3A_2238, %swap3A_2239] {strides = array<i32>} : memref<256x32xf32, #tpu.memory_space<vmem>>, vector<16xf32>,
        tpu.vector_store %arg19[%swap3A_2238, %swap3A_2239], %mul3A_2237 {strides = array<i32>} : memref<256x32xf32, #tpu.memory_space<vmem>>, vector<16xf32>,
        %get3A_2241 = arith.index_cast %add3A_2230 : i32 to index
        %get3A_2242 = arith.constant 16 : index
        %get3A_2243 = tpu.vector_load %arg19[%get3A_2241, %get3A_2242] {strides = array<i32>} : memref<256x32xf32, #tpu.memory_space<vmem>>, vector<16xf32>,
        %mul3A_2244 = vector.broadcast %squeeze3A_2232 : f32 to vector<16xf32>
        %mul3A_2245 = arith.mulf %get3A_2243, %mul3A_2244 : vector<16xf32>
        %swap3A_2246 = arith.index_cast %add3A_2230 : i32 to index
        %swap3A_2247 = arith.constant 16 : index
        %swap3A_2248 = tpu.vector_load %arg19[%swap3A_2246, %swap3A_2247] {strides = array<i32>} : memref<256x32xf32, #tpu.memory_space<vmem>>, vector<16xf32>,
        tpu.vector_store %arg19[%swap3A_2246, %swap3A_2247], %mul3A_2245 {strides = array<i32>} : memref<256x32xf32, #tpu.memory_space<vmem>>, vector<16xf32>,
        %mul3A_2249 = arith.constant 16 : i32
        %mul3A_2250 = arith.muli %scan3A_2047, %mul3A_2249 : i32
        %add3A_2251 = arith.constant 9 : i32
        %add3A_2252 = arith.addi %mul3A_2250, %add3A_2251 : i32
        %slice3A_2253 = vector.extract_strided_slice %get3A_2052 {offsets = [9], sizes = [1], strides = [1]} : vector<16xf32> to vector<1xf32>
        %squeeze3A_2254 = vector.extract %slice3A_2253[0] : f32 from vector<1xf32>
        %get3A_2255 = arith.index_cast %add3A_2252 : i32 to index
        %get3A_2256 = arith.constant 0 : index
        %get3A_2257 = tpu.vector_load %arg19[%get3A_2255, %get3A_2256] {strides = array<i32>} : memref<256x32xf32, #tpu.memory_space<vmem>>, vector<16xf32>,
        %mul3A_2258 = vector.broadcast %squeeze3A_2254 : f32 to vector<16xf32>
        %mul3A_2259 = arith.mulf %get3A_2257, %mul3A_2258 : vector<16xf32>
        %swap3A_2260 = arith.index_cast %add3A_2252 : i32 to index
        %swap3A_2261 = arith.constant 0 : index
        %swap3A_2262 = tpu.vector_load %arg19[%swap3A_2260, %swap3A_2261] {strides = array<i32>} : memref<256x32xf32, #tpu.memory_space<vmem>>, vector<16xf32>,
        tpu.vector_store %arg19[%swap3A_2260, %swap3A_2261], %mul3A_2259 {strides = array<i32>} : memref<256x32xf32, #tpu.memory_space<vmem>>, vector<16xf32>,
        %get3A_2263 = arith.index_cast %add3A_2252 : i32 to index
        %get3A_2264 = arith.constant 16 : index
        %get3A_2265 = tpu.vector_load %arg19[%get3A_2263, %get3A_2264] {strides = array<i32>} : memref<256x32xf32, #tpu.memory_space<vmem>>, vector<16xf32>,
        %mul3A_2266 = vector.broadcast %squeeze3A_2254 : f32 to vector<16xf32>
        %mul3A_2267 = arith.mulf %get3A_2265, %mul3A_2266 : vector<16xf32>
        %swap3A_2268 = arith.index_cast %add3A_2252 : i32 to index
        %swap3A_2269 = arith.constant 16 : index
        %swap3A_2270 = tpu.vector_load %arg19[%swap3A_2268, %swap3A_2269] {strides = array<i32>} : memref<256x32xf32, #tpu.memory_space<vmem>>, vector<16xf32>,
        tpu.vector_store %arg19[%swap3A_2268, %swap3A_2269], %mul3A_2267 {strides = array<i32>} : memref<256x32xf32, #tpu.memory_space<vmem>>, vector<16xf32>,
        %mul3A_2271 = arith.constant 16 : i32
        %mul3A_2272 = arith.muli %scan3A_2047, %mul3A_2271 : i32
        %add3A_2273 = arith.constant 10 : i32
        %add3A_2274 = arith.addi %mul3A_2272, %add3A_2273 : i32
        %slice3A_2275 = vector.extract_strided_slice %get3A_2052 {offsets = [10], sizes = [1], strides = [1]} : vector<16xf32> to vector<1xf32>
        %squeeze3A_2276 = vector.extract %slice3A_2275[0] : f32 from vector<1xf32>
        %get3A_2277 = arith.index_cast %add3A_2274 : i32 to index
        %get3A_2278 = arith.constant 0 : index
        %get3A_2279 = tpu.vector_load %arg19[%get3A_2277, %get3A_2278] {strides = array<i32>} : memref<256x32xf32, #tpu.memory_space<vmem>>, vector<16xf32>,
        %mul3A_2280 = vector.broadcast %squeeze3A_2276 : f32 to vector<16xf32>
        %mul3A_2281 = arith.mulf %get3A_2279, %mul3A_2280 : vector<16xf32>
        %swap3A_2282 = arith.index_cast %add3A_2274 : i32 to index
        %swap3A_2283 = arith.constant 0 : index
        %swap3A_2284 = tpu.vector_load %arg19[%swap3A_2282, %swap3A_2283] {strides = array<i32>} : memref<256x32xf32, #tpu.memory_space<vmem>>, vector<16xf32>,
        tpu.vector_store %arg19[%swap3A_2282, %swap3A_2283], %mul3A_2281 {strides = array<i32>} : memref<256x32xf32, #tpu.memory_space<vmem>>, vector<16xf32>,
        %get3A_2285 = arith.index_cast %add3A_2274 : i32 to index
        %get3A_2286 = arith.constant 16 : index
        %get3A_2287 = tpu.vector_load %arg19[%get3A_2285, %get3A_2286] {strides = array<i32>} : memref<256x32xf32, #tpu.memory_space<vmem>>, vector<16xf32>,
        %mul3A_2288 = vector.broadcast %squeeze3A_2276 : f32 to vector<16xf32>
        %mul3A_2289 = arith.mulf %get3A_2287, %mul3A_2288 : vector<16xf32>
        %swap3A_2290 = arith.index_cast %add3A_2274 : i32 to index
        %swap3A_2291 = arith.constant 16 : index
        %swap3A_2292 = tpu.vector_load %arg19[%swap3A_2290, %swap3A_2291] {strides = array<i32>} : memref<256x32xf32, #tpu.memory_space<vmem>>, vector<16xf32>,
        tpu.vector_store %arg19[%swap3A_2290, %swap3A_2291], %mul3A_2289 {strides = array<i32>} : memref<256x32xf32, #tpu.memory_space<vmem>>, vector<16xf32>,
        %mul3A_2293 = arith.constant 16 : i32
        %mul3A_2294 = arith.muli %scan3A_2047, %mul3A_2293 : i32
        %add3A_2295 = arith.constant 11 : i32
        %add3A_2296 = arith.addi %mul3A_2294, %add3A_2295 : i32
        %slice3A_2297 = vector.extract_strided_slice %get3A_2052 {offsets = [11], sizes = [1], strides = [1]} : vector<16xf32> to vector<1xf32>
        %squeeze3A_2298 = vector.extract %slice3A_2297[0] : f32 from vector<1xf32>
        %get3A_2299 = arith.index_cast %add3A_2296 : i32 to index
        %get3A_2300 = arith.constant 0 : index
        %get3A_2301 = tpu.vector_load %arg19[%get3A_2299, %get3A_2300] {strides = array<i32>} : memref<256x32xf32, #tpu.memory_space<vmem>>, vector<16xf32>,
        %mul3A_2302 = vector.broadcast %squeeze3A_2298 : f32 to vector<16xf32>
        %mul3A_2303 = arith.mulf %get3A_2301, %mul3A_2302 : vector<16xf32>
        %swap3A_2304 = arith.index_cast %add3A_2296 : i32 to index
        %swap3A_2305 = arith.constant 0 : index
        %swap3A_2306 = tpu.vector_load %arg19[%swap3A_2304, %swap3A_2305] {strides = array<i32>} : memref<256x32xf32, #tpu.memory_space<vmem>>, vector<16xf32>,
        tpu.vector_store %arg19[%swap3A_2304, %swap3A_2305], %mul3A_2303 {strides = array<i32>} : memref<256x32xf32, #tpu.memory_space<vmem>>, vector<16xf32>,
        %get3A_2307 = arith.index_cast %add3A_2296 : i32 to index
        %get3A_2308 = arith.constant 16 : index
        %get3A_2309 = tpu.vector_load %arg19[%get3A_2307, %get3A_2308] {strides = array<i32>} : memref<256x32xf32, #tpu.memory_space<vmem>>, vector<16xf32>,
        %mul3A_2310 = vector.broadcast %squeeze3A_2298 : f32 to vector<16xf32>
        %mul3A_2311 = arith.mulf %get3A_2309, %mul3A_2310 : vector<16xf32>
        %swap3A_2312 = arith.index_cast %add3A_2296 : i32 to index
        %swap3A_2313 = arith.constant 16 : index
        %swap3A_2314 = tpu.vector_load %arg19[%swap3A_2312, %swap3A_2313] {strides = array<i32>} : memref<256x32xf32, #tpu.memory_space<vmem>>, vector<16xf32>,
        tpu.vector_store %arg19[%swap3A_2312, %swap3A_2313], %mul3A_2311 {strides = array<i32>} : memref<256x32xf32, #tpu.memory_space<vmem>>, vector<16xf32>,
        %mul3A_2315 = arith.constant 16 : i32
        %mul3A_2316 = arith.muli %scan3A_2047, %mul3A_2315 : i32
        %add3A_2317 = arith.constant 12 : i32
        %add3A_2318 = arith.addi %mul3A_2316, %add3A_2317 : i32
        %slice3A_2319 = vector.extract_strided_slice %get3A_2052 {offsets = [12], sizes = [1], strides = [1]} : vector<16xf32> to vector<1xf32>
        %squeeze3A_2320 = vector.extract %slice3A_2319[0] : f32 from vector<1xf32>
        %get3A_2321 = arith.index_cast %add3A_2318 : i32 to index
        %get3A_2322 = arith.constant 0 : index
        %get3A_2323 = tpu.vector_load %arg19[%get3A_2321, %get3A_2322] {strides = array<i32>} : memref<256x32xf32, #tpu.memory_space<vmem>>, vector<16xf32>,
        %mul3A_2324 = vector.broadcast %squeeze3A_2320 : f32 to vector<16xf32>
        %mul3A_2325 = arith.mulf %get3A_2323, %mul3A_2324 : vector<16xf32>
        %swap3A_2326 = arith.index_cast %add3A_2318 : i32 to index
        %swap3A_2327 = arith.constant 0 : index
        %swap3A_2328 = tpu.vector_load %arg19[%swap3A_2326, %swap3A_2327] {strides = array<i32>} : memref<256x32xf32, #tpu.memory_space<vmem>>, vector<16xf32>,
        tpu.vector_store %arg19[%swap3A_2326, %swap3A_2327], %mul3A_2325 {strides = array<i32>} : memref<256x32xf32, #tpu.memory_space<vmem>>, vector<16xf32>,
        %get3A_2329 = arith.index_cast %add3A_2318 : i32 to index
        %get3A_2330 = arith.constant 16 : index
        %get3A_2331 = tpu.vector_load %arg19[%get3A_2329, %get3A_2330] {strides = array<i32>} : memref<256x32xf32, #tpu.memory_space<vmem>>, vector<16xf32>,
        %mul3A_2332 = vector.broadcast %squeeze3A_2320 : f32 to vector<16xf32>
        %mul3A_2333 = arith.mulf %get3A_2331, %mul3A_2332 : vector<16xf32>
        %swap3A_2334 = arith.index_cast %add3A_2318 : i32 to index
        %swap3A_2335 = arith.constant 16 : index
        %swap3A_2336 = tpu.vector_load %arg19[%swap3A_2334, %swap3A_2335] {strides = array<i32>} : memref<256x32xf32, #tpu.memory_space<vmem>>, vector<16xf32>,
        tpu.vector_store %arg19[%swap3A_2334, %swap3A_2335], %mul3A_2333 {strides = array<i32>} : memref<256x32xf32, #tpu.memory_space<vmem>>, vector<16xf32>,
        %mul3A_2337 = arith.constant 16 : i32
        %mul3A_2338 = arith.muli %scan3A_2047, %mul3A_2337 : i32
        %add3A_2339 = arith.constant 13 : i32
        %add3A_2340 = arith.addi %mul3A_2338, %add3A_2339 : i32
        %slice3A_2341 = vector.extract_strided_slice %get3A_2052 {offsets = [13], sizes = [1], strides = [1]} : vector<16xf32> to vector<1xf32>
        %squeeze3A_2342 = vector.extract %slice3A_2341[0] : f32 from vector<1xf32>
        %get3A_2343 = arith.index_cast %add3A_2340 : i32 to index
        %get3A_2344 = arith.constant 0 : index
        %get3A_2345 = tpu.vector_load %arg19[%get3A_2343, %get3A_2344] {strides = array<i32>} : memref<256x32xf32, #tpu.memory_space<vmem>>, vector<16xf32>,
        %mul3A_2346 = vector.broadcast %squeeze3A_2342 : f32 to vector<16xf32>
        %mul3A_2347 = arith.mulf %get3A_2345, %mul3A_2346 : vector<16xf32>
        %swap3A_2348 = arith.index_cast %add3A_2340 : i32 to index
        %swap3A_2349 = arith.constant 0 : index
        %swap3A_2350 = tpu.vector_load %arg19[%swap3A_2348, %swap3A_2349] {strides = array<i32>} : memref<256x32xf32, #tpu.memory_space<vmem>>, vector<16xf32>,
        tpu.vector_store %arg19[%swap3A_2348, %swap3A_2349], %mul3A_2347 {strides = array<i32>} : memref<256x32xf32, #tpu.memory_space<vmem>>, vector<16xf32>,
        %get3A_2351 = arith.index_cast %add3A_2340 : i32 to index
        %get3A_2352 = arith.constant 16 : index
        %get3A_2353 = tpu.vector_load %arg19[%get3A_2351, %get3A_2352] {strides = array<i32>} : memref<256x32xf32, #tpu.memory_space<vmem>>, vector<16xf32>,
        %mul3A_2354 = vector.broadcast %squeeze3A_2342 : f32 to vector<16xf32>
        %mul3A_2355 = arith.mulf %get3A_2353, %mul3A_2354 : vector<16xf32>
        %swap3A_2356 = arith.index_cast %add3A_2340 : i32 to index
        %swap3A_2357 = arith.constant 16 : index
        %swap3A_2358 = tpu.vector_load %arg19[%swap3A_2356, %swap3A_2357] {strides = array<i32>} : memref<256x32xf32, #tpu.memory_space<vmem>>, vector<16xf32>,
        tpu.vector_store %arg19[%swap3A_2356, %swap3A_2357], %mul3A_2355 {strides = array<i32>} : memref<256x32xf32, #tpu.memory_space<vmem>>, vector<16xf32>,
        %mul3A_2359 = arith.constant 16 : i32
        %mul3A_2360 = arith.muli %scan3A_2047, %mul3A_2359 : i32
        %add3A_2361 = arith.constant 14 : i32
        %add3A_2362 = arith.addi %mul3A_2360, %add3A_2361 : i32
        %slice3A_2363 = vector.extract_strided_slice %get3A_2052 {offsets = [14], sizes = [1], strides = [1]} : vector<16xf32> to vector<1xf32>
        %squeeze3A_2364 = vector.extract %slice3A_2363[0] : f32 from vector<1xf32>
        %get3A_2365 = arith.index_cast %add3A_2362 : i32 to index
        %get3A_2366 = arith.constant 0 : index
        %get3A_2367 = tpu.vector_load %arg19[%get3A_2365, %get3A_2366] {strides = array<i32>} : memref<256x32xf32, #tpu.memory_space<vmem>>, vector<16xf32>,
        %mul3A_2368 = vector.broadcast %squeeze3A_2364 : f32 to vector<16xf32>
        %mul3A_2369 = arith.mulf %get3A_2367, %mul3A_2368 : vector<16xf32>
        %swap3A_2370 = arith.index_cast %add3A_2362 : i32 to index
        %swap3A_2371 = arith.constant 0 : index
        %swap3A_2372 = tpu.vector_load %arg19[%swap3A_2370, %swap3A_2371] {strides = array<i32>} : memref<256x32xf32, #tpu.memory_space<vmem>>, vector<16xf32>,
        tpu.vector_store %arg19[%swap3A_2370, %swap3A_2371], %mul3A_2369 {strides = array<i32>} : memref<256x32xf32, #tpu.memory_space<vmem>>, vector<16xf32>,
        %get3A_2373 = arith.index_cast %add3A_2362 : i32 to index
        %get3A_2374 = arith.constant 16 : index
        %get3A_2375 = tpu.vector_load %arg19[%get3A_2373, %get3A_2374] {strides = array<i32>} : memref<256x32xf32, #tpu.memory_space<vmem>>, vector<16xf32>,
        %mul3A_2376 = vector.broadcast %squeeze3A_2364 : f32 to vector<16xf32>
        %mul3A_2377 = arith.mulf %get3A_2375, %mul3A_2376 : vector<16xf32>
        %swap3A_2378 = arith.index_cast %add3A_2362 : i32 to index
        %swap3A_2379 = arith.constant 16 : index
        %swap3A_2380 = tpu.vector_load %arg19[%swap3A_2378, %swap3A_2379] {strides = array<i32>} : memref<256x32xf32, #tpu.memory_space<vmem>>, vector<16xf32>,
        tpu.vector_store %arg19[%swap3A_2378, %swap3A_2379], %mul3A_2377 {strides = array<i32>} : memref<256x32xf32, #tpu.memory_space<vmem>>, vector<16xf32>,
        %mul3A_2381 = arith.constant 16 : i32
        %mul3A_2382 = arith.muli %scan3A_2047, %mul3A_2381 : i32
        %add3A_2383 = arith.constant 15 : i32
        %add3A_2384 = arith.addi %mul3A_2382, %add3A_2383 : i32
        %slice3A_2385 = vector.extract_strided_slice %get3A_2052 {offsets = [15], sizes = [1], strides = [1]} : vector<16xf32> to vector<1xf32>
        %squeeze3A_2386 = vector.extract %slice3A_2385[0] : f32 from vector<1xf32>
        %get3A_2387 = arith.index_cast %add3A_2384 : i32 to index
        %get3A_2388 = arith.constant 0 : index
        %get3A_2389 = tpu.vector_load %arg19[%get3A_2387, %get3A_2388] {strides = array<i32>} : memref<256x32xf32, #tpu.memory_space<vmem>>, vector<16xf32>,
        %mul3A_2390 = vector.broadcast %squeeze3A_2386 : f32 to vector<16xf32>
        %mul3A_2391 = arith.mulf %get3A_2389, %mul3A_2390 : vector<16xf32>
        %swap3A_2392 = arith.index_cast %add3A_2384 : i32 to index
        %swap3A_2393 = arith.constant 0 : index
        %swap3A_2394 = tpu.vector_load %arg19[%swap3A_2392, %swap3A_2393] {strides = array<i32>} : memref<256x32xf32, #tpu.memory_space<vmem>>, vector<16xf32>,
        tpu.vector_store %arg19[%swap3A_2392, %swap3A_2393], %mul3A_2391 {strides = array<i32>} : memref<256x32xf32, #tpu.memory_space<vmem>>, vector<16xf32>,
        %get3A_2395 = arith.index_cast %add3A_2384 : i32 to index
        %get3A_2396 = arith.constant 16 : index
        %get3A_2397 = tpu.vector_load %arg19[%get3A_2395, %get3A_2396] {strides = array<i32>} : memref<256x32xf32, #tpu.memory_space<vmem>>, vector<16xf32>,
        %mul3A_2398 = vector.broadcast %squeeze3A_2386 : f32 to vector<16xf32>
        %mul3A_2399 = arith.mulf %get3A_2397, %mul3A_2398 : vector<16xf32>
        %swap3A_2400 = arith.index_cast %add3A_2384 : i32 to index
        %swap3A_2401 = arith.constant 16 : index
        %swap3A_2402 = tpu.vector_load %arg19[%swap3A_2400, %swap3A_2401] {strides = array<i32>} : memref<256x32xf32, #tpu.memory_space<vmem>>, vector<16xf32>,
        tpu.vector_store %arg19[%swap3A_2400, %swap3A_2401], %mul3A_2399 {strides = array<i32>} : memref<256x32xf32, #tpu.memory_space<vmem>>, vector<16xf32>,
        %scan3A_2403 = arith.constant 0 : i32
        scf.yield %scan3A_2403 : i32
      }
      %scan3A_2040 = arith.constant 16 : i32
      %run_scoped3A = arith.constant 0 : i32
      "tpu.region"() ({
        %run_scoped3A_2047 = tpu.sem_alloc : memref<!tpu.dma_semaphore, #tpu.memory_space<semaphore_mem>>
        %dma_start3A_2048 = arith.constant 0 : i32
        %dma_start3A_2049 = arith.constant 0 : i32
        %dma_start3A_2050 = tpu.memref_slice %arg19[%dma_start3A_2048, %dma_start3A_2049] : memref<256x32xf32, #tpu.memory_space<vmem>> -> memref<128x32xf32, #tpu.memory_space<vmem>>
        %dma_start3A_2051 = arith.constant 0 : i32
        %dma_start3A_2052 = tpu.memref_slice %arg16[%run_scoped3A, %dma_start3A_2051] : memref<2x128xi32, #tpu.memory_space<vmem>> -> memref<1x128xi32, #tpu.memory_space<vmem>>
        %dma_start3A_2053 = tpu.memref_squeeze %dma_start3A_2052 : memref<1x128xi32, #tpu.memory_space<vmem>> -> memref<128xi32, #tpu.memory_space<vmem>>
        %dma_start3A_2054 = arith.constant 0 : i32
        %dma_start3A_2055 = arith.constant 0 : i32
        %dma_start3A_2056 = tpu.memref_slice %arg24[%dma_start3A_2054, %dma_start3A_2055] : memref<6272x32xf32, #tpu.memory_space<vmem_shared>> -> memref<6272x32xf32, #tpu.memory_space<vmem_shared>>
        tpu.enqueue_indirect_dma source(%dma_start3A_2050 : memref<128x32xf32, #tpu.memory_space<vmem>>) target(%dma_start3A_2056 : memref<6272x32xf32, #tpu.memory_space<vmem_shared>>) offsets(%dma_start3A_2053 : memref<128xi32, #tpu.memory_space<vmem>>) semaphore(%run_scoped3A_2047 : memref<!tpu.dma_semaphore, #tpu.memory_space<semaphore_mem>>) {add = true}
        %dma_wait3A_2057 = arith.constant 0 : i32
        %dma_wait3A_2058 = arith.constant 0 : i32
        %dma_wait3A_2059 = tpu.memref_slice %arg19[%dma_wait3A_2057, %dma_wait3A_2058] : memref<256x32xf32, #tpu.memory_space<vmem>> -> memref<128x32xf32, #tpu.memory_space<vmem>>
        %dma_wait3A_2060 = arith.constant 0 : i32
        %dma_wait3A_2061 = tpu.memref_slice %arg16[%run_scoped3A, %dma_wait3A_2060] : memref<2x128xi32, #tpu.memory_space<vmem>> -> memref<1x128xi32, #tpu.memory_space<vmem>>
        %dma_wait3A_2062 = tpu.memref_squeeze %dma_wait3A_2061 : memref<1x128xi32, #tpu.memory_space<vmem>> -> memref<128xi32, #tpu.memory_space<vmem>>
        %dma_wait3A_2063 = arith.constant 0 : i32
        %dma_wait3A_2064 = arith.constant 0 : i32
        %dma_wait3A_2065 = tpu.memref_slice %arg24[%dma_wait3A_2063, %dma_wait3A_2064] : memref<6272x32xf32, #tpu.memory_space<vmem_shared>> -> memref<6272x32xf32, #tpu.memory_space<vmem_shared>>
        tpu.wait_indirect_dma semaphore(%run_scoped3A_2047 : memref<!tpu.dma_semaphore, #tpu.memory_space<semaphore_mem>>) src(%dma_wait3A_2059 : memref<128x32xf32, #tpu.memory_space<vmem>>) dst(%dma_wait3A_2065 : memref<6272x32xf32, #tpu.memory_space<vmem_shared>>)
        tpu.yield
      }) : () -> ()
      %run_scoped3A_2041 = arith.constant 1 : i32
      "tpu.region"() ({
        %run_scoped3A_2047 = tpu.sem_alloc : memref<!tpu.dma_semaphore, #tpu.memory_space<semaphore_mem>>
        %dma_start3A_2048 = arith.constant 128 : i32
        %dma_start3A_2049 = arith.constant 0 : i32
        %dma_start3A_2050 = tpu.memref_slice %arg19[%dma_start3A_2048, %dma_start3A_2049] : memref<256x32xf32, #tpu.memory_space<vmem>> -> memref<128x32xf32, #tpu.memory_space<vmem>>
        %dma_start3A_2051 = arith.constant 0 : i32
        %dma_start3A_2052 = tpu.memref_slice %arg16[%run_scoped3A_2041, %dma_start3A_2051] : memref<2x128xi32, #tpu.memory_space<vmem>> -> memref<1x128xi32, #tpu.memory_space<vmem>>
        %dma_start3A_2053 = tpu.memref_squeeze %dma_start3A_2052 : memref<1x128xi32, #tpu.memory_space<vmem>> -> memref<128xi32, #tpu.memory_space<vmem>>
        %dma_start3A_2054 = arith.constant 0 : i32
        %dma_start3A_2055 = arith.constant 0 : i32
        %dma_start3A_2056 = tpu.memref_slice %arg24[%dma_start3A_2054, %dma_start3A_2055] : memref<6272x32xf32, #tpu.memory_space<vmem_shared>> -> memref<6272x32xf32, #tpu.memory_space<vmem_shared>>
        tpu.enqueue_indirect_dma source(%dma_start3A_2050 : memref<128x32xf32, #tpu.memory_space<vmem>>) target(%dma_start3A_2056 : memref<6272x32xf32, #tpu.memory_space<vmem_shared>>) offsets(%dma_start3A_2053 : memref<128xi32, #tpu.memory_space<vmem>>) semaphore(%run_scoped3A_2047 : memref<!tpu.dma_semaphore, #tpu.memory_space<semaphore_mem>>) {add = true}
        %dma_wait3A_2057 = arith.constant 128 : i32
        %dma_wait3A_2058 = arith.constant 0 : i32
        %dma_wait3A_2059 = tpu.memref_slice %arg19[%dma_wait3A_2057, %dma_wait3A_2058] : memref<256x32xf32, #tpu.memory_space<vmem>> -> memref<128x32xf32, #tpu.memory_space<vmem>>
        %dma_wait3A_2060 = arith.constant 0 : i32
        %dma_wait3A_2061 = tpu.memref_slice %arg16[%run_scoped3A_2041, %dma_wait3A_2060] : memref<2x128xi32, #tpu.memory_space<vmem>> -> memref<1x128xi32, #tpu.memory_space<vmem>>
        %dma_wait3A_2062 = tpu.memref_squeeze %dma_wait3A_2061 : memref<1x128xi32, #tpu.memory_space<vmem>> -> memref<128xi32, #tpu.memory_space<vmem>>
        %dma_wait3A_2063 = arith.constant 0 : i32
        %dma_wait3A_2064 = arith.constant 0 : i32
        %dma_wait3A_2065 = tpu.memref_slice %arg24[%dma_wait3A_2063, %dma_wait3A_2064] : memref<6272x32xf32, #tpu.memory_space<vmem_shared>> -> memref<6272x32xf32, #tpu.memory_space<vmem_shared>>
        tpu.wait_indirect_dma semaphore(%run_scoped3A_2047 : memref<!tpu.dma_semaphore, #tpu.memory_space<semaphore_mem>>) src(%dma_wait3A_2059 : memref<128x32xf32, #tpu.memory_space<vmem>>) dst(%dma_wait3A_2065 : memref<6272x32xf32, #tpu.memory_space<vmem_shared>>)
        tpu.yield
      }) : () -> ()
      %run_scoped3A_2042 = arith.constant 0 : i32
      %run_scoped3A_2043 = arith.constant 0 : i32
      "tpu.region"() ({
        %run_scoped3A_2047 = tpu.sem_alloc : memref<!tpu.dma_semaphore, #tpu.memory_space<semaphore_mem>>
        %dma_start3A_2048 = arith.constant 0 : i32
        %dma_start3A_2049 = tpu.memref_slice %arg20[%run_scoped3A_2042, %dma_start3A_2048] : memref<2x128xf32, #tpu.memory_space<vmem>> -> memref<1x128xf32, #tpu.memory_space<vmem>>
        %dma_start3A_2050 = tpu.memref_squeeze %dma_start3A_2049 : memref<1x128xf32, #tpu.memory_space<vmem>> -> memref<128xf32, #tpu.memory_space<vmem>>
        %dma_start3A_2051 = arith.constant 0 : i32
        %dma_start3A_2052 = tpu.memref_slice %arg16[%run_scoped3A_2043, %dma_start3A_2051] : memref<2x128xi32, #tpu.memory_space<vmem>> -> memref<1x128xi32, #tpu.memory_space<vmem>>
        %dma_start3A_2053 = tpu.memref_squeeze %dma_start3A_2052 : memref<1x128xi32, #tpu.memory_space<vmem>> -> memref<128xi32, #tpu.memory_space<vmem>>
        %dma_start3A_2054 = arith.constant 0 : i32
        %dma_start3A_2055 = tpu.memref_slice %arg25[%dma_start3A_2054] : memref<6272xf32, #tpu.memory_space<vmem_shared>> -> memref<6272xf32, #tpu.memory_space<vmem_shared>>
        tpu.enqueue_indirect_dma source(%dma_start3A_2050 : memref<128xf32, #tpu.memory_space<vmem>>) target(%dma_start3A_2055 : memref<6272xf32, #tpu.memory_space<vmem_shared>>) offsets(%dma_start3A_2053 : memref<128xi32, #tpu.memory_space<vmem>>) semaphore(%run_scoped3A_2047 : memref<!tpu.dma_semaphore, #tpu.memory_space<semaphore_mem>>) {add = true}
        %dma_wait3A_2056 = arith.constant 0 : i32
        %dma_wait3A_2057 = tpu.memref_slice %arg20[%run_scoped3A_2042, %dma_wait3A_2056] : memref<2x128xf32, #tpu.memory_space<vmem>> -> memref<1x128xf32, #tpu.memory_space<vmem>>
        %dma_wait3A_2058 = tpu.memref_squeeze %dma_wait3A_2057 : memref<1x128xf32, #tpu.memory_space<vmem>> -> memref<128xf32, #tpu.memory_space<vmem>>
        %dma_wait3A_2059 = arith.constant 0 : i32
        %dma_wait3A_2060 = tpu.memref_slice %arg16[%run_scoped3A_2043, %dma_wait3A_2059] : memref<2x128xi32, #tpu.memory_space<vmem>> -> memref<1x128xi32, #tpu.memory_space<vmem>>
        %dma_wait3A_2061 = tpu.memref_squeeze %dma_wait3A_2060 : memref<1x128xi32, #tpu.memory_space<vmem>> -> memref<128xi32, #tpu.memory_space<vmem>>
        %dma_wait3A_2062 = arith.constant 0 : i32
        %dma_wait3A_2063 = tpu.memref_slice %arg25[%dma_wait3A_2062] : memref<6272xf32, #tpu.memory_space<vmem_shared>> -> memref<6272xf32, #tpu.memory_space<vmem_shared>>
        tpu.wait_indirect_dma semaphore(%run_scoped3A_2047 : memref<!tpu.dma_semaphore, #tpu.memory_space<semaphore_mem>>) src(%dma_wait3A_2058 : memref<128xf32, #tpu.memory_space<vmem>>) dst(%dma_wait3A_2063 : memref<6272xf32, #tpu.memory_space<vmem_shared>>)
        tpu.yield
      }) : () -> ()
      %run_scoped3A_2044 = arith.constant 1 : i32
      %run_scoped3A_2045 = arith.constant 1 : i32
      "tpu.region"() ({
        %run_scoped3A_2047 = tpu.sem_alloc : memref<!tpu.dma_semaphore, #tpu.memory_space<semaphore_mem>>
        %dma_start3A_2048 = arith.constant 0 : i32
        %dma_start3A_2049 = tpu.memref_slice %arg20[%run_scoped3A_2044, %dma_start3A_2048] : memref<2x128xf32, #tpu.memory_space<vmem>> -> memref<1x128xf32, #tpu.memory_space<vmem>>
        %dma_start3A_2050 = tpu.memref_squeeze %dma_start3A_2049 : memref<1x128xf32, #tpu.memory_space<vmem>> -> memref<128xf32, #tpu.memory_space<vmem>>
        %dma_start3A_2051 = arith.constant 0 : i32
        %dma_start3A_2052 = tpu.memref_slice %arg16[%run_scoped3A_2045, %dma_start3A_2051] : memref<2x128xi32, #tpu.memory_space<vmem>> -> memref<1x128xi32, #tpu.memory_space<vmem>>
        %dma_start3A_2053 = tpu.memref_squeeze %dma_start3A_2052 : memref<1x128xi32, #tpu.memory_space<vmem>> -> memref<128xi32, #tpu.memory_space<vmem>>
        %dma_start3A_2054 = arith.constant 0 : i32
        %dma_start3A_2055 = tpu.memref_slice %arg25[%dma_start3A_2054] : memref<6272xf32, #tpu.memory_space<vmem_shared>> -> memref<6272xf32, #tpu.memory_space<vmem_shared>>
        tpu.enqueue_indirect_dma source(%dma_start3A_2050 : memref<128xf32, #tpu.memory_space<vmem>>) target(%dma_start3A_2055 : memref<6272xf32, #tpu.memory_space<vmem_shared>>) offsets(%dma_start3A_2053 : memref<128xi32, #tpu.memory_space<vmem>>) semaphore(%run_scoped3A_2047 : memref<!tpu.dma_semaphore, #tpu.memory_space<semaphore_mem>>) {add = true}
        %dma_wait3A_2056 = arith.constant 0 : i32
        %dma_wait3A_2057 = tpu.memref_slice %arg20[%run_scoped3A_2044, %dma_wait3A_2056] : memref<2x128xf32, #tpu.memory_space<vmem>> -> memref<1x128xf32, #tpu.memory_space<vmem>>
        %dma_wait3A_2058 = tpu.memref_squeeze %dma_wait3A_2057 : memref<1x128xf32, #tpu.memory_space<vmem>> -> memref<128xf32, #tpu.memory_space<vmem>>
        %dma_wait3A_2059 = arith.constant 0 : i32
        %dma_wait3A_2060 = tpu.memref_slice %arg16[%run_scoped3A_2045, %dma_wait3A_2059] : memref<2x128xi32, #tpu.memory_space<vmem>> -> memref<1x128xi32, #tpu.memory_space<vmem>>
        %dma_wait3A_2061 = tpu.memref_squeeze %dma_wait3A_2060 : memref<1x128xi32, #tpu.memory_space<vmem>> -> memref<128xi32, #tpu.memory_space<vmem>>
        %dma_wait3A_2062 = arith.constant 0 : i32
        %dma_wait3A_2063 = tpu.memref_slice %arg25[%dma_wait3A_2062] : memref<6272xf32, #tpu.memory_space<vmem_shared>> -> memref<6272xf32, #tpu.memory_space<vmem_shared>>
        tpu.wait_indirect_dma semaphore(%run_scoped3A_2047 : memref<!tpu.dma_semaphore, #tpu.memory_space<semaphore_mem>>) src(%dma_wait3A_2058 : memref<128xf32, #tpu.memory_space<vmem>>) dst(%dma_wait3A_2063 : memref<6272xf32, #tpu.memory_space<vmem_shared>>)
        tpu.yield
      }) : () -> ()
      %scan3A_2046 = arith.constant 0 : i32
      scf.yield %scan3A_2046 : i32
    }
    %scan3A_1078 = arith.constant 392 : i32
    %barrier3A_1079 = arith.constant 0 : index
    tpu.barrier barrier_id(%barrier3A_1079)
    %mul3A_1080 = arith.constant 392 : i32
    %mul3A_1081 = arith.muli %arg1, %mul3A_1080 : i32
    %mul3A_1082 = arith.constant 6272 : i32
    %mul3A_1083 = arith.muli %arg0, %mul3A_1082 : i32
    %add3A_1084 = arith.addi %mul3A_1083, %mul3A_1081 : i32
    "tpu.region"() ({
      %run_scoped3A = tpu.sem_alloc : memref<!tpu.dma_semaphore, #tpu.memory_space<semaphore_mem>>
      %dma_start3A = arith.constant 0 : i32
      %dma_start3A_1097 = tpu.memref_slice %arg9[%add3A_1084, %dma_start3A] : memref<12544x32xf32, #tpu.memory_space<hbm>> -> memref<392x32xf32, #tpu.memory_space<hbm>>
      %dma_start3A_1098 = arith.constant 0 : i32
      %dma_start3A_1099 = tpu.memref_slice %arg24[%mul3A_1081, %dma_start3A_1098] : memref<6272x32xf32, #tpu.memory_space<vmem_shared>> -> memref<392x32xf32, #tpu.memory_space<vmem_shared>>
      tpu.enqueue_dma source(%dma_start3A_1099 : memref<392x32xf32, #tpu.memory_space<vmem_shared>>) target(%dma_start3A_1097 : memref<392x32xf32, #tpu.memory_space<hbm>>) target_semaphore(%run_scoped3A : memref<!tpu.dma_semaphore, #tpu.memory_space<semaphore_mem>>)
      %dma_wait3A = arith.constant 0 : i32
      %dma_wait3A_1100 = tpu.memref_slice %arg9[%add3A_1084, %dma_wait3A] : memref<12544x32xf32, #tpu.memory_space<hbm>> -> memref<392x32xf32, #tpu.memory_space<hbm>>
      %dma_wait3A_1101 = arith.constant 0 : i32
      %dma_wait3A_1102 = tpu.memref_slice %arg24[%mul3A_1081, %dma_wait3A_1101] : memref<6272x32xf32, #tpu.memory_space<vmem_shared>> -> memref<392x32xf32, #tpu.memory_space<vmem_shared>>
      tpu.wait_dma2 semaphore(%run_scoped3A : memref<!tpu.dma_semaphore, #tpu.memory_space<semaphore_mem>>) src(%dma_wait3A_1102 : memref<392x32xf32, #tpu.memory_space<vmem_shared>>) dst(%dma_wait3A_1100 : memref<392x32xf32, #tpu.memory_space<hbm>>)
      tpu.yield
    }) : () -> ()
    %while3A_1085 = arith.constant 0 : i32
    %while3A_1086 = arith.constant 0 : i32
    %while3A_1087 = arith.subi %select_n3A, %while3A_1085 : i32
    %while3A_1088 = arith.addi %while3A_1085, %while3A_1087 : i32
    %while3A_1089 = arith.constant 1 : i32
    %while3A_1090 = arith.divsi %while3A_1087, %while3A_1089 : i32
    %while3A_1091 = arith.muli %while3A_1090, %while3A_1089 : i32
    %while3A_1092 = arith.addi %while3A_1085, %while3A_1091 : i32
    %while3A_1093 = arith.constant 1 : i32
    %while3A_1094 = scf.for %while3A_1097 = %while3A_1085 to %while3A_1092 step %while3A_1093 iter_args(%while3A_1098 = %while3A_1086) -> (i32)  : i32 {
      %mul3A_1099 = arith.constant 16 : i32
      %mul3A_1100 = arith.muli %while3A_1097, %mul3A_1099 : i32
      %add3A_1101 = arith.addi %arg1, %mul3A_1100 : i32
      %mul3A_1102 = arith.constant 6272 : i32
      %mul3A_1103 = arith.muli %arg0, %mul3A_1102 : i32
      %mul3A_1104 = arith.constant 128 : i32
      %mul3A_1105 = arith.muli %add3A_1101, %mul3A_1104 : i32
      %add3A_1106 = arith.addi %mul3A_1103, %mul3A_1105 : i32
      %add3A_1107 = arith.constant 0 : i32
      %add3A_1108 = arith.addi %add3A_1106, %add3A_1107 : i32
      %add3A_1109 = vector.broadcast %add3A_1108 : i32 to vector<16xi32>
      %add3A_1110 = arith.addi %add3A_1109, %iota3A : vector<16xi32>
      %swap3A_1111 = arith.constant 0 : i32
      %swap3A_1112 = arith.index_cast %swap3A_1111 : i32 to index
      %swap3A_1113 = arith.constant 0 : index
      %swap3A_1114 = tpu.vector_load %arg23[%swap3A_1112, %swap3A_1113] {strides = array<i32>} : memref<1x128xi32, #tpu.memory_space<vmem>>, vector<16xi32>,
      tpu.vector_store %arg23[%swap3A_1112, %swap3A_1113], %add3A_1110 {strides = array<i32>} : memref<1x128xi32, #tpu.memory_space<vmem>>, vector<16xi32>,
      %add3A_1115 = arith.constant 16 : i32
      %add3A_1116 = arith.addi %add3A_1106, %add3A_1115 : i32
      %add3A_1117 = vector.broadcast %add3A_1116 : i32 to vector<16xi32>
      %add3A_1118 = arith.addi %add3A_1117, %iota3A : vector<16xi32>
      %swap3A_1119 = arith.constant 0 : i32
      %swap3A_1120 = arith.index_cast %swap3A_1119 : i32 to index
      %swap3A_1121 = arith.constant 16 : index
      %swap3A_1122 = tpu.vector_load %arg23[%swap3A_1120, %swap3A_1121] {strides = array<i32>} : memref<1x128xi32, #tpu.memory_space<vmem>>, vector<16xi32>,
      tpu.vector_store %arg23[%swap3A_1120, %swap3A_1121], %add3A_1118 {strides = array<i32>} : memref<1x128xi32, #tpu.memory_space<vmem>>, vector<16xi32>,
      %add3A_1123 = arith.constant 32 : i32
      %add3A_1124 = arith.addi %add3A_1106, %add3A_1123 : i32
      %add3A_1125 = vector.broadcast %add3A_1124 : i32 to vector<16xi32>
      %add3A_1126 = arith.addi %add3A_1125, %iota3A : vector<16xi32>
      %swap3A_1127 = arith.constant 0 : i32
      %swap3A_1128 = arith.index_cast %swap3A_1127 : i32 to index
      %swap3A_1129 = arith.constant 32 : index
      %swap3A_1130 = tpu.vector_load %arg23[%swap3A_1128, %swap3A_1129] {strides = array<i32>} : memref<1x128xi32, #tpu.memory_space<vmem>>, vector<16xi32>,
      tpu.vector_store %arg23[%swap3A_1128, %swap3A_1129], %add3A_1126 {strides = array<i32>} : memref<1x128xi32, #tpu.memory_space<vmem>>, vector<16xi32>,
      %add3A_1131 = arith.constant 48 : i32
      %add3A_1132 = arith.addi %add3A_1106, %add3A_1131 : i32
      %add3A_1133 = vector.broadcast %add3A_1132 : i32 to vector<16xi32>
      %add3A_1134 = arith.addi %add3A_1133, %iota3A : vector<16xi32>
      %swap3A_1135 = arith.constant 0 : i32
      %swap3A_1136 = arith.index_cast %swap3A_1135 : i32 to index
      %swap3A_1137 = arith.constant 48 : index
      %swap3A_1138 = tpu.vector_load %arg23[%swap3A_1136, %swap3A_1137] {strides = array<i32>} : memref<1x128xi32, #tpu.memory_space<vmem>>, vector<16xi32>,
      tpu.vector_store %arg23[%swap3A_1136, %swap3A_1137], %add3A_1134 {strides = array<i32>} : memref<1x128xi32, #tpu.memory_space<vmem>>, vector<16xi32>,
      %add3A_1139 = arith.constant 64 : i32
      %add3A_1140 = arith.addi %add3A_1106, %add3A_1139 : i32
      %add3A_1141 = vector.broadcast %add3A_1140 : i32 to vector<16xi32>
      %add3A_1142 = arith.addi %add3A_1141, %iota3A : vector<16xi32>
      %swap3A_1143 = arith.constant 0 : i32
      %swap3A_1144 = arith.index_cast %swap3A_1143 : i32 to index
      %swap3A_1145 = arith.constant 64 : index
      %swap3A_1146 = tpu.vector_load %arg23[%swap3A_1144, %swap3A_1145] {strides = array<i32>} : memref<1x128xi32, #tpu.memory_space<vmem>>, vector<16xi32>,
      tpu.vector_store %arg23[%swap3A_1144, %swap3A_1145], %add3A_1142 {strides = array<i32>} : memref<1x128xi32, #tpu.memory_space<vmem>>, vector<16xi32>,
      %add3A_1147 = arith.constant 80 : i32
      %add3A_1148 = arith.addi %add3A_1106, %add3A_1147 : i32
      %add3A_1149 = vector.broadcast %add3A_1148 : i32 to vector<16xi32>
      %add3A_1150 = arith.addi %add3A_1149, %iota3A : vector<16xi32>
      %swap3A_1151 = arith.constant 0 : i32
      %swap3A_1152 = arith.index_cast %swap3A_1151 : i32 to index
      %swap3A_1153 = arith.constant 80 : index
      %swap3A_1154 = tpu.vector_load %arg23[%swap3A_1152, %swap3A_1153] {strides = array<i32>} : memref<1x128xi32, #tpu.memory_space<vmem>>, vector<16xi32>,
      tpu.vector_store %arg23[%swap3A_1152, %swap3A_1153], %add3A_1150 {strides = array<i32>} : memref<1x128xi32, #tpu.memory_space<vmem>>, vector<16xi32>,
      %add3A_1155 = arith.constant 96 : i32
      %add3A_1156 = arith.addi %add3A_1106, %add3A_1155 : i32
      %add3A_1157 = vector.broadcast %add3A_1156 : i32 to vector<16xi32>
      %add3A_1158 = arith.addi %add3A_1157, %iota3A : vector<16xi32>
      %swap3A_1159 = arith.constant 0 : i32
      %swap3A_1160 = arith.index_cast %swap3A_1159 : i32 to index
      %swap3A_1161 = arith.constant 96 : index
      %swap3A_1162 = tpu.vector_load %arg23[%swap3A_1160, %swap3A_1161] {strides = array<i32>} : memref<1x128xi32, #tpu.memory_space<vmem>>, vector<16xi32>,
      tpu.vector_store %arg23[%swap3A_1160, %swap3A_1161], %add3A_1158 {strides = array<i32>} : memref<1x128xi32, #tpu.memory_space<vmem>>, vector<16xi32>,
      %add3A_1163 = arith.constant 112 : i32
      %add3A_1164 = arith.addi %add3A_1106, %add3A_1163 : i32
      %add3A_1165 = vector.broadcast %add3A_1164 : i32 to vector<16xi32>
      %add3A_1166 = arith.addi %add3A_1165, %iota3A : vector<16xi32>
      %swap3A_1167 = arith.constant 0 : i32
      %swap3A_1168 = arith.index_cast %swap3A_1167 : i32 to index
      %swap3A_1169 = arith.constant 112 : index
      %swap3A_1170 = tpu.vector_load %arg23[%swap3A_1168, %swap3A_1169] {strides = array<i32>} : memref<1x128xi32, #tpu.memory_space<vmem>>, vector<16xi32>,
      tpu.vector_store %arg23[%swap3A_1168, %swap3A_1169], %add3A_1166 {strides = array<i32>} : memref<1x128xi32, #tpu.memory_space<vmem>>, vector<16xi32>,
      %mul3A_1171 = arith.constant 128 : i32
      %mul3A_1172 = arith.muli %add3A_1101, %mul3A_1171 : i32
      "tpu.region"() ({
        %run_scoped3A_1174 = tpu.sem_alloc : memref<!tpu.dma_semaphore, #tpu.memory_space<semaphore_mem>>
        %dma_start3A = tpu.memref_slice %arg25[%mul3A_1172] : memref<6272xf32, #tpu.memory_space<vmem_shared>> -> memref<128xf32, #tpu.memory_space<vmem_shared>>
        %dma_start3A_1175 = tpu.memref_slice %arg25[%mul3A_1172] : memref<6272xf32, #tpu.memory_space<vmem_shared>> -> memref<128xf32, #tpu.memory_space<vmem_shared>>
        tpu.enqueue_dma source(%dma_start3A_1175 : memref<128xf32, #tpu.memory_space<vmem_shared>>) target(%arg22 : memref<128xf32, #tpu.memory_space<vmem>>) target_semaphore(%run_scoped3A_1174 : memref<!tpu.dma_semaphore, #tpu.memory_space<semaphore_mem>>)
        %dma_wait3A = tpu.memref_slice %arg25[%mul3A_1172] : memref<6272xf32, #tpu.memory_space<vmem_shared>> -> memref<128xf32, #tpu.memory_space<vmem_shared>>
        %dma_wait3A_1176 = tpu.memref_slice %arg25[%mul3A_1172] : memref<6272xf32, #tpu.memory_space<vmem_shared>> -> memref<128xf32, #tpu.memory_space<vmem_shared>>
        tpu.wait_dma2 semaphore(%run_scoped3A_1174 : memref<!tpu.dma_semaphore, #tpu.memory_space<semaphore_mem>>) src(%dma_wait3A_1176 : memref<128xf32, #tpu.memory_space<vmem_shared>>) dst(%arg22 : memref<128xf32, #tpu.memory_space<vmem>>)
        tpu.yield
      }) : () -> ()
      %run_scoped3A = arith.constant 0 : i32
      "tpu.region"() ({
        %run_scoped3A_1174 = tpu.sem_alloc : memref<!tpu.dma_semaphore, #tpu.memory_space<semaphore_mem>>
        %dma_start3A = arith.constant 0 : i32
        %dma_start3A_1175 = tpu.memref_slice %arg23[%run_scoped3A, %dma_start3A] : memref<1x128xi32, #tpu.memory_space<vmem>> -> memref<1x128xi32, #tpu.memory_space<vmem>>
        %dma_start3A_1176 = tpu.memref_squeeze %dma_start3A_1175 : memref<1x128xi32, #tpu.memory_space<vmem>> -> memref<128xi32, #tpu.memory_space<vmem>>
        %dma_start3A_1177 = arith.constant 0 : i32
        %dma_start3A_1178 = tpu.memref_slice %arg10[%dma_start3A_1177] : memref<12544xf32, #tpu.memory_space<hbm>> -> memref<12544xf32, #tpu.memory_space<hbm>>
        tpu.enqueue_indirect_dma source(%arg22 : memref<128xf32, #tpu.memory_space<vmem>>) target(%dma_start3A_1178 : memref<12544xf32, #tpu.memory_space<hbm>>) offsets(%dma_start3A_1176 : memref<128xi32, #tpu.memory_space<vmem>>) semaphore(%run_scoped3A_1174 : memref<!tpu.dma_semaphore, #tpu.memory_space<semaphore_mem>>)
        %dma_wait3A = arith.constant 0 : i32
        %dma_wait3A_1179 = tpu.memref_slice %arg23[%run_scoped3A, %dma_wait3A] : memref<1x128xi32, #tpu.memory_space<vmem>> -> memref<1x128xi32, #tpu.memory_space<vmem>>
        %dma_wait3A_1180 = tpu.memref_squeeze %dma_wait3A_1179 : memref<1x128xi32, #tpu.memory_space<vmem>> -> memref<128xi32, #tpu.memory_space<vmem>>
        %dma_wait3A_1181 = arith.constant 0 : i32
        %dma_wait3A_1182 = tpu.memref_slice %arg10[%dma_wait3A_1181] : memref<12544xf32, #tpu.memory_space<hbm>> -> memref<12544xf32, #tpu.memory_space<hbm>>
        tpu.wait_indirect_dma semaphore(%run_scoped3A_1174 : memref<!tpu.dma_semaphore, #tpu.memory_space<semaphore_mem>>) src(%arg22 : memref<128xf32, #tpu.memory_space<vmem>>) dst(%dma_wait3A_1182 : memref<12544xf32, #tpu.memory_space<hbm>>)
        tpu.yield
      }) : () -> ()
      %while3A_1173 = arith.constant 0 : i32
      scf.yield %while3A_1173 : i32
    }
    %while3A_1095 = arith.constant 1 : i32
    %while3A_1096 = scf.for %while3A_1097 = %while3A_1092 to %while3A_1088 step %while3A_1095 iter_args(%while3A_1098 = %while3A_1094) -> (i32)  : i32 {
      %mul3A_1099 = arith.constant 16 : i32
      %mul3A_1100 = arith.muli %while3A_1097, %mul3A_1099 : i32
      %add3A_1101 = arith.addi %arg1, %mul3A_1100 : i32
      %mul3A_1102 = arith.constant 6272 : i32
      %mul3A_1103 = arith.muli %arg0, %mul3A_1102 : i32
      %mul3A_1104 = arith.constant 128 : i32
      %mul3A_1105 = arith.muli %add3A_1101, %mul3A_1104 : i32
      %add3A_1106 = arith.addi %mul3A_1103, %mul3A_1105 : i32
      %add3A_1107 = arith.constant 0 : i32
      %add3A_1108 = arith.addi %add3A_1106, %add3A_1107 : i32
      %add3A_1109 = vector.broadcast %add3A_1108 : i32 to vector<16xi32>
      %add3A_1110 = arith.addi %add3A_1109, %iota3A : vector<16xi32>
      %swap3A_1111 = arith.constant 0 : i32
      %swap3A_1112 = arith.index_cast %swap3A_1111 : i32 to index
      %swap3A_1113 = arith.constant 0 : index
      %swap3A_1114 = tpu.vector_load %arg23[%swap3A_1112, %swap3A_1113] {strides = array<i32>} : memref<1x128xi32, #tpu.memory_space<vmem>>, vector<16xi32>,
      tpu.vector_store %arg23[%swap3A_1112, %swap3A_1113], %add3A_1110 {strides = array<i32>} : memref<1x128xi32, #tpu.memory_space<vmem>>, vector<16xi32>,
      %add3A_1115 = arith.constant 16 : i32
      %add3A_1116 = arith.addi %add3A_1106, %add3A_1115 : i32
      %add3A_1117 = vector.broadcast %add3A_1116 : i32 to vector<16xi32>
      %add3A_1118 = arith.addi %add3A_1117, %iota3A : vector<16xi32>
      %swap3A_1119 = arith.constant 0 : i32
      %swap3A_1120 = arith.index_cast %swap3A_1119 : i32 to index
      %swap3A_1121 = arith.constant 16 : index
      %swap3A_1122 = tpu.vector_load %arg23[%swap3A_1120, %swap3A_1121] {strides = array<i32>} : memref<1x128xi32, #tpu.memory_space<vmem>>, vector<16xi32>,
      tpu.vector_store %arg23[%swap3A_1120, %swap3A_1121], %add3A_1118 {strides = array<i32>} : memref<1x128xi32, #tpu.memory_space<vmem>>, vector<16xi32>,
      %add3A_1123 = arith.constant 32 : i32
      %add3A_1124 = arith.addi %add3A_1106, %add3A_1123 : i32
      %add3A_1125 = vector.broadcast %add3A_1124 : i32 to vector<16xi32>
      %add3A_1126 = arith.addi %add3A_1125, %iota3A : vector<16xi32>
      %swap3A_1127 = arith.constant 0 : i32
      %swap3A_1128 = arith.index_cast %swap3A_1127 : i32 to index
      %swap3A_1129 = arith.constant 32 : index
      %swap3A_1130 = tpu.vector_load %arg23[%swap3A_1128, %swap3A_1129] {strides = array<i32>} : memref<1x128xi32, #tpu.memory_space<vmem>>, vector<16xi32>,
      tpu.vector_store %arg23[%swap3A_1128, %swap3A_1129], %add3A_1126 {strides = array<i32>} : memref<1x128xi32, #tpu.memory_space<vmem>>, vector<16xi32>,
      %add3A_1131 = arith.constant 48 : i32
      %add3A_1132 = arith.addi %add3A_1106, %add3A_1131 : i32
      %add3A_1133 = vector.broadcast %add3A_1132 : i32 to vector<16xi32>
      %add3A_1134 = arith.addi %add3A_1133, %iota3A : vector<16xi32>
      %swap3A_1135 = arith.constant 0 : i32
      %swap3A_1136 = arith.index_cast %swap3A_1135 : i32 to index
      %swap3A_1137 = arith.constant 48 : index
      %swap3A_1138 = tpu.vector_load %arg23[%swap3A_1136, %swap3A_1137] {strides = array<i32>} : memref<1x128xi32, #tpu.memory_space<vmem>>, vector<16xi32>,
      tpu.vector_store %arg23[%swap3A_1136, %swap3A_1137], %add3A_1134 {strides = array<i32>} : memref<1x128xi32, #tpu.memory_space<vmem>>, vector<16xi32>,
      %add3A_1139 = arith.constant 64 : i32
      %add3A_1140 = arith.addi %add3A_1106, %add3A_1139 : i32
      %add3A_1141 = vector.broadcast %add3A_1140 : i32 to vector<16xi32>
      %add3A_1142 = arith.addi %add3A_1141, %iota3A : vector<16xi32>
      %swap3A_1143 = arith.constant 0 : i32
      %swap3A_1144 = arith.index_cast %swap3A_1143 : i32 to index
      %swap3A_1145 = arith.constant 64 : index
      %swap3A_1146 = tpu.vector_load %arg23[%swap3A_1144, %swap3A_1145] {strides = array<i32>} : memref<1x128xi32, #tpu.memory_space<vmem>>, vector<16xi32>,
      tpu.vector_store %arg23[%swap3A_1144, %swap3A_1145], %add3A_1142 {strides = array<i32>} : memref<1x128xi32, #tpu.memory_space<vmem>>, vector<16xi32>,
      %add3A_1147 = arith.constant 80 : i32
      %add3A_1148 = arith.addi %add3A_1106, %add3A_1147 : i32
      %add3A_1149 = vector.broadcast %add3A_1148 : i32 to vector<16xi32>
      %add3A_1150 = arith.addi %add3A_1149, %iota3A : vector<16xi32>
      %swap3A_1151 = arith.constant 0 : i32
      %swap3A_1152 = arith.index_cast %swap3A_1151 : i32 to index
      %swap3A_1153 = arith.constant 80 : index
      %swap3A_1154 = tpu.vector_load %arg23[%swap3A_1152, %swap3A_1153] {strides = array<i32>} : memref<1x128xi32, #tpu.memory_space<vmem>>, vector<16xi32>,
      tpu.vector_store %arg23[%swap3A_1152, %swap3A_1153], %add3A_1150 {strides = array<i32>} : memref<1x128xi32, #tpu.memory_space<vmem>>, vector<16xi32>,
      %add3A_1155 = arith.constant 96 : i32
      %add3A_1156 = arith.addi %add3A_1106, %add3A_1155 : i32
      %add3A_1157 = vector.broadcast %add3A_1156 : i32 to vector<16xi32>
      %add3A_1158 = arith.addi %add3A_1157, %iota3A : vector<16xi32>
      %swap3A_1159 = arith.constant 0 : i32
      %swap3A_1160 = arith.index_cast %swap3A_1159 : i32 to index
      %swap3A_1161 = arith.constant 96 : index
      %swap3A_1162 = tpu.vector_load %arg23[%swap3A_1160, %swap3A_1161] {strides = array<i32>} : memref<1x128xi32, #tpu.memory_space<vmem>>, vector<16xi32>,
      tpu.vector_store %arg23[%swap3A_1160, %swap3A_1161], %add3A_1158 {strides = array<i32>} : memref<1x128xi32, #tpu.memory_space<vmem>>, vector<16xi32>,
      %add3A_1163 = arith.constant 112 : i32
      %add3A_1164 = arith.addi %add3A_1106, %add3A_1163 : i32
      %add3A_1165 = vector.broadcast %add3A_1164 : i32 to vector<16xi32>
      %add3A_1166 = arith.addi %add3A_1165, %iota3A : vector<16xi32>
      %swap3A_1167 = arith.constant 0 : i32
      %swap3A_1168 = arith.index_cast %swap3A_1167 : i32 to index
      %swap3A_1169 = arith.constant 112 : index
      %swap3A_1170 = tpu.vector_load %arg23[%swap3A_1168, %swap3A_1169] {strides = array<i32>} : memref<1x128xi32, #tpu.memory_space<vmem>>, vector<16xi32>,
      tpu.vector_store %arg23[%swap3A_1168, %swap3A_1169], %add3A_1166 {strides = array<i32>} : memref<1x128xi32, #tpu.memory_space<vmem>>, vector<16xi32>,
      %mul3A_1171 = arith.constant 128 : i32
      %mul3A_1172 = arith.muli %add3A_1101, %mul3A_1171 : i32
      "tpu.region"() ({
        %run_scoped3A_1174 = tpu.sem_alloc : memref<!tpu.dma_semaphore, #tpu.memory_space<semaphore_mem>>
        %dma_start3A = tpu.memref_slice %arg25[%mul3A_1172] : memref<6272xf32, #tpu.memory_space<vmem_shared>> -> memref<128xf32, #tpu.memory_space<vmem_shared>>
        %dma_start3A_1175 = tpu.memref_slice %arg25[%mul3A_1172] : memref<6272xf32, #tpu.memory_space<vmem_shared>> -> memref<128xf32, #tpu.memory_space<vmem_shared>>
        tpu.enqueue_dma source(%dma_start3A_1175 : memref<128xf32, #tpu.memory_space<vmem_shared>>) target(%arg22 : memref<128xf32, #tpu.memory_space<vmem>>) target_semaphore(%run_scoped3A_1174 : memref<!tpu.dma_semaphore, #tpu.memory_space<semaphore_mem>>)
        %dma_wait3A = tpu.memref_slice %arg25[%mul3A_1172] : memref<6272xf32, #tpu.memory_space<vmem_shared>> -> memref<128xf32, #tpu.memory_space<vmem_shared>>
        %dma_wait3A_1176 = tpu.memref_slice %arg25[%mul3A_1172] : memref<6272xf32, #tpu.memory_space<vmem_shared>> -> memref<128xf32, #tpu.memory_space<vmem_shared>>
        tpu.wait_dma2 semaphore(%run_scoped3A_1174 : memref<!tpu.dma_semaphore, #tpu.memory_space<semaphore_mem>>) src(%dma_wait3A_1176 : memref<128xf32, #tpu.memory_space<vmem_shared>>) dst(%arg22 : memref<128xf32, #tpu.memory_space<vmem>>)
        tpu.yield
      }) : () -> ()
      %run_scoped3A = arith.constant 0 : i32
      "tpu.region"() ({
        %run_scoped3A_1174 = tpu.sem_alloc : memref<!tpu.dma_semaphore, #tpu.memory_space<semaphore_mem>>
        %dma_start3A = arith.constant 0 : i32
        %dma_start3A_1175 = tpu.memref_slice %arg23[%run_scoped3A, %dma_start3A] : memref<1x128xi32, #tpu.memory_space<vmem>> -> memref<1x128xi32, #tpu.memory_space<vmem>>
        %dma_start3A_1176 = tpu.memref_squeeze %dma_start3A_1175 : memref<1x128xi32, #tpu.memory_space<vmem>> -> memref<128xi32, #tpu.memory_space<vmem>>
        %dma_start3A_1177 = arith.constant 0 : i32
        %dma_start3A_1178 = tpu.memref_slice %arg10[%dma_start3A_1177] : memref<12544xf32, #tpu.memory_space<hbm>> -> memref<12544xf32, #tpu.memory_space<hbm>>
        tpu.enqueue_indirect_dma source(%arg22 : memref<128xf32, #tpu.memory_space<vmem>>) target(%dma_start3A_1178 : memref<12544xf32, #tpu.memory_space<hbm>>) offsets(%dma_start3A_1176 : memref<128xi32, #tpu.memory_space<vmem>>) semaphore(%run_scoped3A_1174 : memref<!tpu.dma_semaphore, #tpu.memory_space<semaphore_mem>>)
        %dma_wait3A = arith.constant 0 : i32
        %dma_wait3A_1179 = tpu.memref_slice %arg23[%run_scoped3A, %dma_wait3A] : memref<1x128xi32, #tpu.memory_space<vmem>> -> memref<1x128xi32, #tpu.memory_space<vmem>>
        %dma_wait3A_1180 = tpu.memref_squeeze %dma_wait3A_1179 : memref<1x128xi32, #tpu.memory_space<vmem>> -> memref<128xi32, #tpu.memory_space<vmem>>
        %dma_wait3A_1181 = arith.constant 0 : i32
        %dma_wait3A_1182 = tpu.memref_slice %arg10[%dma_wait3A_1181] : memref<12544xf32, #tpu.memory_space<hbm>> -> memref<12544xf32, #tpu.memory_space<hbm>>
        tpu.wait_indirect_dma semaphore(%run_scoped3A_1174 : memref<!tpu.dma_semaphore, #tpu.memory_space<semaphore_mem>>) src(%arg22 : memref<128xf32, #tpu.memory_space<vmem>>) dst(%dma_wait3A_1182 : memref<12544xf32, #tpu.memory_space<hbm>>)
        tpu.yield
      }) : () -> ()
      %while3A_1173 = arith.constant 0 : i32
      scf.yield %while3A_1173 : i32
    }
    return
  }
}

module attributes {stable_mosaic.version = 14 : i64} {
  func.func @body(%arg0: i32, %arg1: memref<400x128xf32, #tpu.memory_space<vmem>>, %arg2: memref<128x128xf32, #tpu.memory_space<vmem>>, %arg3: memref<400x128xf32, #tpu.memory_space<vmem>>) attributes {dimension_semantics = [#tpu.dimension_semantics<arbitrary>], iteration_bounds = array<i64: 75>, scalar_prefetch = 0 : i64, scratch_operands = 0 : i64, tpu.core_type = #tpu.core_type<tc>, window_params = [{transform_indices = @transform_0, window_bounds = array<i64: 400, 128>}, {pipeline_mode = #tpu.pipeline_mode<synchronous>, transform_indices = @transform_1, window_bounds = array<i64: 128, 128>}, {transform_indices = @transform_2, window_bounds = array<i64: 400, 128>}]} {
    %get3A = arith.constant 0 : index
    %get3A_0 = arith.constant 0 : index
    %get3A_1 = vector.load %arg1[%get3A, %get3A_0] : memref<400x128xf32, #tpu.memory_space<vmem>>, vector<400x128xf32>
    %get3A_2 = arith.constant 0 : index
    %get3A_3 = arith.constant 0 : index
    %get3A_4 = vector.load %arg2[%get3A_2, %get3A_3] : memref<128x128xf32, #tpu.memory_space<vmem>>, vector<128x128xf32>
    %dot_general3A = arith.constant dense<0.000000e+00> : vector<400x128xf32>
    %dot_general3A_5 = tpu.matmul %get3A_1, %get3A_4, %dot_general3A {dimension_numbers = #tpu.dot_dimension_numbers<[1], [0], [0], [1], [0, 0, 1, 1], [], []>, transpose_lhs_hint = false} : vector<400x128xf32>, vector<128x128xf32>, vector<400x128xf32> -> vector<400x128xf32>
    %swap3A = arith.constant 0 : index
    %swap3A_6 = arith.constant 0 : index
    %swap3A_7 = vector.load %arg3[%swap3A, %swap3A_6] : memref<400x128xf32, #tpu.memory_space<vmem>>, vector<400x128xf32>
    tpu.vector_store %arg3[%swap3A, %swap3A_6], %dot_general3A_5 {strides = array<i32>} : memref<400x128xf32, #tpu.memory_space<vmem>>, vector<400x128xf32>,
    return
  }
  func.func @transform_0(%arg0: i32) -> (i32, i32) {
    %c0_i32 = arith.constant 0 : i32
    %c0_i32_0 = arith.constant 0 : i32
    return %arg0, %c0_i32 : i32, i32
  }
  func.func @transform_1(%arg0: i32) -> (i32, i32) {
    %c0_i32 = arith.constant 0 : i32
    %c0_i32_0 = arith.constant 0 : i32
    %c0_i32_1 = arith.constant 0 : i32
    return %c0_i32, %c0_i32_0 : i32, i32
  }
  func.func @transform_2(%arg0: i32) -> (i32, i32) {
    %c0_i32 = arith.constant 0 : i32
    %c0_i32_0 = arith.constant 0 : i32
    return %arg0, %c0_i32 : i32, i32
  }
}

module attributes {stable_mosaic.version = 14 : i64} {
  func.func @body(%arg0: i32, %arg1: memref<400x64xf32, #tpu.memory_space<vmem>>, %arg2: memref<8x64xf32, #tpu.memory_space<vmem>>, %arg3: memref<400x64xf32, #tpu.memory_space<vmem>>) attributes {dimension_semantics = [#tpu.dimension_semantics<arbitrary>], iteration_bounds = array<i64: 75>, scalar_prefetch = 0 : i64, scratch_operands = 0 : i64, tpu.core_type = #tpu.core_type<tc>, window_params = [{transform_indices = @transform_0, window_bounds = array<i64: 400, 64>}, {pipeline_mode = #tpu.pipeline_mode<synchronous>, transform_indices = @transform_1, window_bounds = array<i64: 8, 64>}, {transform_indices = @transform_2, window_bounds = array<i64: 400, 64>}]} {
    %get3A = arith.constant 0 : index
    %get3A_0 = arith.constant 0 : index
    %get3A_1 = vector.load %arg1[%get3A, %get3A_0] : memref<400x64xf32, #tpu.memory_space<vmem>>, vector<400x64xf32>
    %get3A_2 = arith.constant 0 : index
    %get3A_3 = arith.constant 0 : index
    %get3A_4 = vector.load %arg2[%get3A_2, %get3A_3] : memref<8x64xf32, #tpu.memory_space<vmem>>, vector<1x64xf32>
    %add3A = vector.broadcast %get3A_4 : vector<1x64xf32> to vector<400x64xf32>
    %add3A_5 = arith.addf %get3A_1, %add3A : vector<400x64xf32>
    %mul3A = arith.constant 0.00999999977 : f32
    %mul3A_6 = vector.broadcast %mul3A : f32 to vector<400x64xf32>
    %mul3A_7 = arith.mulf %mul3A_6, %add3A_5 : vector<400x64xf32>
    %max3A = arith.maximumf %add3A_5, %mul3A_7 : vector<400x64xf32>
    %mul3A_8 = arith.mulf %max3A, %max3A : vector<400x64xf32>
    %reduce_sum3A = arith.constant dense<0.000000e+00> : vector<400xf32>
    %reduce_sum3A_9 = vector.multi_reduction <add>, %mul3A_8, %reduce_sum3A [1] : vector<400x64xf32> to vector<400xf32>
    %broadcast_in_dim3A = vector.shape_cast %reduce_sum3A_9 : vector<400xf32> to vector<400x1xf32>
    %sqrt3A = math.sqrt %broadcast_in_dim3A : vector<400x1xf32>
    %max3A_10 = arith.constant 9.99999996E-13 : f32
    %max3A_11 = vector.broadcast %max3A_10 : f32 to vector<400x1xf32>
    %max3A_12 = arith.maximumf %sqrt3A, %max3A_11 : vector<400x1xf32>
    %div3A = vector.broadcast %max3A_12 : vector<400x1xf32> to vector<400x64xf32>
    %div3A_13 = arith.divf %max3A, %div3A : vector<400x64xf32>
    %swap3A = arith.constant 0 : index
    %swap3A_14 = arith.constant 0 : index
    %swap3A_15 = vector.load %arg3[%swap3A, %swap3A_14] : memref<400x64xf32, #tpu.memory_space<vmem>>, vector<400x64xf32>
    tpu.vector_store %arg3[%swap3A, %swap3A_14], %div3A_13 {strides = array<i32>} : memref<400x64xf32, #tpu.memory_space<vmem>>, vector<400x64xf32>,
    return
  }
  func.func @transform_0(%arg0: i32) -> (i32, i32) {
    %c0_i32 = arith.constant 0 : i32
    %c0_i32_0 = arith.constant 0 : i32
    return %arg0, %c0_i32 : i32, i32
  }
  func.func @transform_1(%arg0: i32) -> (i32, i32) {
    %c0_i32 = arith.constant 0 : i32
    %c0_i32_0 = arith.constant 0 : i32
    %c0_i32_1 = arith.constant 0 : i32
    return %c0_i32, %c0_i32_0 : i32, i32
  }
  func.func @transform_2(%arg0: i32) -> (i32, i32) {
    %c0_i32 = arith.constant 0 : i32
    %c0_i32_0 = arith.constant 0 : i32
    return %arg0, %c0_i32 : i32, i32
  }
}

module attributes {stable_mosaic.version = 14 : i64} {
  func.func @body(%arg0: i32, %arg1: memref<400x64xf32, #tpu.memory_space<vmem>>, %arg2: memref<400x64xf32, #tpu.memory_space<vmem>>) attributes {dimension_semantics = [#tpu.dimension_semantics<arbitrary>], iteration_bounds = array<i64: 50>, scalar_prefetch = 0 : i64, scratch_operands = 0 : i64, tpu.core_type = #tpu.core_type<tc>, window_params = [{transform_indices = @transform_0, window_bounds = array<i64: 400, 64>}, {transform_indices = @transform_1, window_bounds = array<i64: 400, 64>}]} {
    %get3A = arith.constant 0 : index
    %get3A_0 = arith.constant 0 : index
    %get3A_1 = vector.load %arg1[%get3A, %get3A_0] : memref<400x64xf32, #tpu.memory_space<vmem>>, vector<400x64xf32>
    %mul3A = arith.mulf %get3A_1, %get3A_1 : vector<400x64xf32>
    %reduce_sum3A = arith.constant dense<0.000000e+00> : vector<400xf32>
    %reduce_sum3A_2 = vector.multi_reduction <add>, %mul3A, %reduce_sum3A [1] : vector<400x64xf32> to vector<400xf32>
    %broadcast_in_dim3A = vector.shape_cast %reduce_sum3A_2 : vector<400xf32> to vector<400x1xf32>
    %sqrt3A = math.sqrt %broadcast_in_dim3A : vector<400x1xf32>
    %max3A = arith.constant 9.99999996E-13 : f32
    %max3A_3 = vector.broadcast %max3A : f32 to vector<400x1xf32>
    %max3A_4 = arith.maximumf %sqrt3A, %max3A_3 : vector<400x1xf32>
    %div3A = vector.broadcast %max3A_4 : vector<400x1xf32> to vector<400x64xf32>
    %div3A_5 = arith.divf %get3A_1, %div3A : vector<400x64xf32>
    %swap3A = arith.constant 0 : index
    %swap3A_6 = arith.constant 0 : index
    %swap3A_7 = vector.load %arg2[%swap3A, %swap3A_6] : memref<400x64xf32, #tpu.memory_space<vmem>>, vector<400x64xf32>
    tpu.vector_store %arg2[%swap3A, %swap3A_6], %div3A_5 {strides = array<i32>} : memref<400x64xf32, #tpu.memory_space<vmem>>, vector<400x64xf32>,
    return
  }
  func.func @transform_0(%arg0: i32) -> (i32, i32) {
    %c0_i32 = arith.constant 0 : i32
    %c0_i32_0 = arith.constant 0 : i32
    return %arg0, %c0_i32 : i32, i32
  }
  func.func @transform_1(%arg0: i32) -> (i32, i32) {
    %c0_i32 = arith.constant 0 : i32
    %c0_i32_0 = arith.constant 0 : i32
    return %arg0, %c0_i32 : i32, i32
  }
}

module attributes {stable_mosaic.version = 14 : i64} {
  func.func @body(%arg0: i32, %arg1: memref<400x64xf32, #tpu.memory_space<vmem>>, %arg2: memref<64x128xf32, #tpu.memory_space<vmem>>, %arg3: memref<400x128xf32, #tpu.memory_space<vmem>>) attributes {dimension_semantics = [#tpu.dimension_semantics<arbitrary>], iteration_bounds = array<i64: 125>, scalar_prefetch = 0 : i64, scratch_operands = 0 : i64, tpu.core_type = #tpu.core_type<tc>, window_params = [{transform_indices = @transform_0, window_bounds = array<i64: 400, 64>}, {pipeline_mode = #tpu.pipeline_mode<synchronous>, transform_indices = @transform_1, window_bounds = array<i64: 64, 128>}, {transform_indices = @transform_2, window_bounds = array<i64: 400, 128>}]} {
    %get3A = arith.constant 0 : index
    %get3A_0 = arith.constant 0 : index
    %get3A_1 = vector.load %arg1[%get3A, %get3A_0] : memref<400x64xf32, #tpu.memory_space<vmem>>, vector<400x64xf32>
    %get3A_2 = arith.constant 0 : index
    %get3A_3 = arith.constant 0 : index
    %get3A_4 = vector.load %arg2[%get3A_2, %get3A_3] : memref<64x128xf32, #tpu.memory_space<vmem>>, vector<64x128xf32>
    %dot_general3A = arith.constant dense<0.000000e+00> : vector<400x128xf32>
    %dot_general3A_5 = tpu.matmul %get3A_1, %get3A_4, %dot_general3A {dimension_numbers = #tpu.dot_dimension_numbers<[1], [0], [0], [1], [0, 0, 1, 1], [], []>, transpose_lhs_hint = false} : vector<400x64xf32>, vector<64x128xf32>, vector<400x128xf32> -> vector<400x128xf32>
    %swap3A = arith.constant 0 : index
    %swap3A_6 = arith.constant 0 : index
    %swap3A_7 = vector.load %arg3[%swap3A, %swap3A_6] : memref<400x128xf32, #tpu.memory_space<vmem>>, vector<400x128xf32>
    tpu.vector_store %arg3[%swap3A, %swap3A_6], %dot_general3A_5 {strides = array<i32>} : memref<400x128xf32, #tpu.memory_space<vmem>>, vector<400x128xf32>,
    return
  }
  func.func @transform_0(%arg0: i32) -> (i32, i32) {
    %c0_i32 = arith.constant 0 : i32
    %c0_i32_0 = arith.constant 0 : i32
    return %arg0, %c0_i32 : i32, i32
  }
  func.func @transform_1(%arg0: i32) -> (i32, i32) {
    %c0_i32 = arith.constant 0 : i32
    %c0_i32_0 = arith.constant 0 : i32
    %c0_i32_1 = arith.constant 0 : i32
    return %c0_i32, %c0_i32_0 : i32, i32
  }
  func.func @transform_2(%arg0: i32) -> (i32, i32) {
    %c0_i32 = arith.constant 0 : i32
    %c0_i32_0 = arith.constant 0 : i32
    return %arg0, %c0_i32 : i32, i32
  }
}

module attributes {stable_mosaic.version = 14 : i64} {
  func.func @body(%arg0: i32, %arg1: memref<400x64xf32, #tpu.memory_space<vmem>>, %arg2: memref<400x64xf32, #tpu.memory_space<vmem>>) attributes {dimension_semantics = [#tpu.dimension_semantics<arbitrary>], iteration_bounds = array<i64: 125>, scalar_prefetch = 0 : i64, scratch_operands = 0 : i64, tpu.core_type = #tpu.core_type<tc>, window_params = [{transform_indices = @transform_0, window_bounds = array<i64: 400, 64>}, {transform_indices = @transform_1, window_bounds = array<i64: 400, 64>}]} {
    %get3A = arith.constant 0 : index
    %get3A_0 = arith.constant 0 : index
    %get3A_1 = vector.load %arg1[%get3A, %get3A_0] : memref<400x64xf32, #tpu.memory_space<vmem>>, vector<400x64xf32>
    %mul3A = arith.mulf %get3A_1, %get3A_1 : vector<400x64xf32>
    %reduce_sum3A = arith.constant dense<0.000000e+00> : vector<400xf32>
    %reduce_sum3A_2 = vector.multi_reduction <add>, %mul3A, %reduce_sum3A [1] : vector<400x64xf32> to vector<400xf32>
    %broadcast_in_dim3A = vector.shape_cast %reduce_sum3A_2 : vector<400xf32> to vector<400x1xf32>
    %sqrt3A = math.sqrt %broadcast_in_dim3A : vector<400x1xf32>
    %max3A = arith.constant 9.99999996E-13 : f32
    %max3A_3 = vector.broadcast %max3A : f32 to vector<400x1xf32>
    %max3A_4 = arith.maximumf %sqrt3A, %max3A_3 : vector<400x1xf32>
    %div3A = vector.broadcast %max3A_4 : vector<400x1xf32> to vector<400x64xf32>
    %div3A_5 = arith.divf %get3A_1, %div3A : vector<400x64xf32>
    %swap3A = arith.constant 0 : index
    %swap3A_6 = arith.constant 0 : index
    %swap3A_7 = vector.load %arg2[%swap3A, %swap3A_6] : memref<400x64xf32, #tpu.memory_space<vmem>>, vector<400x64xf32>
    tpu.vector_store %arg2[%swap3A, %swap3A_6], %div3A_5 {strides = array<i32>} : memref<400x64xf32, #tpu.memory_space<vmem>>, vector<400x64xf32>,
    return
  }
  func.func @transform_0(%arg0: i32) -> (i32, i32) {
    %c0_i32 = arith.constant 0 : i32
    %c0_i32_0 = arith.constant 0 : i32
    return %arg0, %c0_i32 : i32, i32
  }
  func.func @transform_1(%arg0: i32) -> (i32, i32) {
    %c0_i32 = arith.constant 0 : i32
    %c0_i32_0 = arith.constant 0 : i32
    return %arg0, %c0_i32 : i32, i32
  }
}

module attributes {stable_mosaic.version = 14 : i64} {
  func.func @body(%arg0: i32, %arg1: memref<400x64xf32, #tpu.memory_space<vmem>>, %arg2: memref<64x128xf32, #tpu.memory_space<vmem>>, %arg3: memref<400x128xf32, #tpu.memory_space<vmem>>) attributes {dimension_semantics = [#tpu.dimension_semantics<arbitrary>], iteration_bounds = array<i64: 125>, scalar_prefetch = 0 : i64, scratch_operands = 0 : i64, tpu.core_type = #tpu.core_type<tc>, window_params = [{transform_indices = @transform_0, window_bounds = array<i64: 400, 64>}, {pipeline_mode = #tpu.pipeline_mode<synchronous>, transform_indices = @transform_1, window_bounds = array<i64: 64, 128>}, {transform_indices = @transform_2, window_bounds = array<i64: 400, 128>}]} {
    %get3A = arith.constant 0 : index
    %get3A_0 = arith.constant 0 : index
    %get3A_1 = vector.load %arg1[%get3A, %get3A_0] : memref<400x64xf32, #tpu.memory_space<vmem>>, vector<400x64xf32>
    %get3A_2 = arith.constant 0 : index
    %get3A_3 = arith.constant 0 : index
    %get3A_4 = vector.load %arg2[%get3A_2, %get3A_3] : memref<64x128xf32, #tpu.memory_space<vmem>>, vector<64x128xf32>
    %dot_general3A = arith.constant dense<0.000000e+00> : vector<400x128xf32>
    %dot_general3A_5 = tpu.matmul %get3A_1, %get3A_4, %dot_general3A {dimension_numbers = #tpu.dot_dimension_numbers<[1], [0], [0], [1], [0, 0, 1, 1], [], []>, transpose_lhs_hint = false} : vector<400x64xf32>, vector<64x128xf32>, vector<400x128xf32> -> vector<400x128xf32>
    %swap3A = arith.constant 0 : index
    %swap3A_6 = arith.constant 0 : index
    %swap3A_7 = vector.load %arg3[%swap3A, %swap3A_6] : memref<400x128xf32, #tpu.memory_space<vmem>>, vector<400x128xf32>
    tpu.vector_store %arg3[%swap3A, %swap3A_6], %dot_general3A_5 {strides = array<i32>} : memref<400x128xf32, #tpu.memory_space<vmem>>, vector<400x128xf32>,
    return
  }
  func.func @transform_0(%arg0: i32) -> (i32, i32) {
    %c0_i32 = arith.constant 0 : i32
    %c0_i32_0 = arith.constant 0 : i32
    return %arg0, %c0_i32 : i32, i32
  }
  func.func @transform_1(%arg0: i32) -> (i32, i32) {
    %c0_i32 = arith.constant 0 : i32
    %c0_i32_0 = arith.constant 0 : i32
    %c0_i32_1 = arith.constant 0 : i32
    return %c0_i32, %c0_i32_0 : i32, i32
  }
  func.func @transform_2(%arg0: i32) -> (i32, i32) {
    %c0_i32 = arith.constant 0 : i32
    %c0_i32_0 = arith.constant 0 : i32
    return %arg0, %c0_i32 : i32, i32
  }
}

module attributes {stable_mosaic.version = 14 : i64} {
  func.func @body(%arg0: i32, %arg1: memref<400x64xf32, #tpu.memory_space<vmem>>, %arg2: memref<400x1xf32, #tpu.memory_space<vmem>>, %arg3: memref<400x64xf32, #tpu.memory_space<vmem>>) attributes {dimension_semantics = [#tpu.dimension_semantics<arbitrary>], iteration_bounds = array<i64: 125>, scalar_prefetch = 0 : i64, scratch_operands = 0 : i64, tpu.core_type = #tpu.core_type<tc>, window_params = [{transform_indices = @transform_0, window_bounds = array<i64: 400, 64>}, {transform_indices = @transform_1, window_bounds = array<i64: 400, 1>}, {transform_indices = @transform_2, window_bounds = array<i64: 400, 64>}]} {
    %get3A = arith.constant 0 : index
    %get3A_0 = arith.constant 0 : index
    %get3A_1 = vector.load %arg1[%get3A, %get3A_0] : memref<400x64xf32, #tpu.memory_space<vmem>>, vector<400x64xf32>
    %get3A_2 = arith.constant 0 : index
    %get3A_3 = arith.constant 0 : index
    %get3A_4 = vector.load %arg2[%get3A_2, %get3A_3] : memref<400x1xf32, #tpu.memory_space<vmem>>, vector<400x1xf32>
    %add3A = arith.constant 1.000000e-16 : f32
    %add3A_5 = vector.broadcast %add3A : f32 to vector<400x1xf32>
    %add3A_6 = arith.addf %get3A_4, %add3A_5 : vector<400x1xf32>
    %div3A = vector.broadcast %add3A_6 : vector<400x1xf32> to vector<400x64xf32>
    %div3A_7 = arith.divf %get3A_1, %div3A : vector<400x64xf32>
    %mul3A = arith.mulf %div3A_7, %div3A_7 : vector<400x64xf32>
    %reduce_sum3A = arith.constant dense<0.000000e+00> : vector<400xf32>
    %reduce_sum3A_8 = vector.multi_reduction <add>, %mul3A, %reduce_sum3A [1] : vector<400x64xf32> to vector<400xf32>
    %broadcast_in_dim3A = vector.shape_cast %reduce_sum3A_8 : vector<400xf32> to vector<400x1xf32>
    %sqrt3A = math.sqrt %broadcast_in_dim3A : vector<400x1xf32>
    %max3A = arith.constant 9.99999996E-13 : f32
    %max3A_9 = vector.broadcast %max3A : f32 to vector<400x1xf32>
    %max3A_10 = arith.maximumf %sqrt3A, %max3A_9 : vector<400x1xf32>
    %div3A_11 = vector.broadcast %max3A_10 : vector<400x1xf32> to vector<400x64xf32>
    %div3A_12 = arith.divf %div3A_7, %div3A_11 : vector<400x64xf32>
    %swap3A = arith.constant 0 : index
    %swap3A_13 = arith.constant 0 : index
    %swap3A_14 = vector.load %arg3[%swap3A, %swap3A_13] : memref<400x64xf32, #tpu.memory_space<vmem>>, vector<400x64xf32>
    tpu.vector_store %arg3[%swap3A, %swap3A_13], %div3A_12 {strides = array<i32>} : memref<400x64xf32, #tpu.memory_space<vmem>>, vector<400x64xf32>,
    return
  }
  func.func @transform_0(%arg0: i32) -> (i32, i32) {
    %c0_i32 = arith.constant 0 : i32
    %c0_i32_0 = arith.constant 0 : i32
    return %arg0, %c0_i32 : i32, i32
  }
  func.func @transform_1(%arg0: i32) -> (i32, i32) {
    %c0_i32 = arith.constant 0 : i32
    %c0_i32_0 = arith.constant 0 : i32
    return %arg0, %c0_i32 : i32, i32
  }
  func.func @transform_2(%arg0: i32) -> (i32, i32) {
    %c0_i32 = arith.constant 0 : i32
    %c0_i32_0 = arith.constant 0 : i32
    return %arg0, %c0_i32 : i32, i32
  }
}

module attributes {stable_mosaic.version = 14 : i64} {
  func.func @body(%arg0: i32, %arg1: memref<400x64xf32, #tpu.memory_space<vmem>>, %arg2: memref<400x64xf32, #tpu.memory_space<vmem>>, %arg3: memref<400x1xf32, #tpu.memory_space<vmem>>, %arg4: memref<400x64xf32, #tpu.memory_space<vmem>>) attributes {dimension_semantics = [#tpu.dimension_semantics<arbitrary>], iteration_bounds = array<i64: 125>, scalar_prefetch = 0 : i64, scratch_operands = 0 : i64, tpu.core_type = #tpu.core_type<tc>, window_params = [{transform_indices = @transform_0, window_bounds = array<i64: 400, 64>}, {transform_indices = @transform_1, window_bounds = array<i64: 400, 64>}, {transform_indices = @transform_2, window_bounds = array<i64: 400, 1>}, {transform_indices = @transform_3, window_bounds = array<i64: 400, 64>}]} {
    %get3A = arith.constant 0 : index
    %get3A_0 = arith.constant 0 : index
    %get3A_1 = vector.load %arg1[%get3A, %get3A_0] : memref<400x64xf32, #tpu.memory_space<vmem>>, vector<400x64xf32>
    %get3A_2 = arith.constant 0 : index
    %get3A_3 = arith.constant 0 : index
    %get3A_4 = vector.load %arg2[%get3A_2, %get3A_3] : memref<400x64xf32, #tpu.memory_space<vmem>>, vector<400x64xf32>
    %get3A_5 = arith.constant 0 : index
    %get3A_6 = arith.constant 0 : index
    %get3A_7 = vector.load %arg3[%get3A_5, %get3A_6] : memref<400x1xf32, #tpu.memory_space<vmem>>, vector<400x1xf32>
    %add3A = arith.constant 1.000000e-16 : f32
    %add3A_8 = vector.broadcast %add3A : f32 to vector<400x1xf32>
    %add3A_9 = arith.addf %get3A_7, %add3A_8 : vector<400x1xf32>
    %div3A = vector.broadcast %add3A_9 : vector<400x1xf32> to vector<400x64xf32>
    %div3A_10 = arith.divf %get3A_4, %div3A : vector<400x64xf32>
    %add3A_11 = arith.addf %get3A_1, %div3A_10 : vector<400x64xf32>
    %mul3A = arith.mulf %add3A_11, %add3A_11 : vector<400x64xf32>
    %reduce_sum3A = arith.constant dense<0.000000e+00> : vector<400xf32>
    %reduce_sum3A_12 = vector.multi_reduction <add>, %mul3A, %reduce_sum3A [1] : vector<400x64xf32> to vector<400xf32>
    %broadcast_in_dim3A = vector.shape_cast %reduce_sum3A_12 : vector<400xf32> to vector<400x1xf32>
    %sqrt3A = math.sqrt %broadcast_in_dim3A : vector<400x1xf32>
    %max3A = arith.constant 9.99999996E-13 : f32
    %max3A_13 = vector.broadcast %max3A : f32 to vector<400x1xf32>
    %max3A_14 = arith.maximumf %sqrt3A, %max3A_13 : vector<400x1xf32>
    %div3A_15 = vector.broadcast %max3A_14 : vector<400x1xf32> to vector<400x64xf32>
    %div3A_16 = arith.divf %add3A_11, %div3A_15 : vector<400x64xf32>
    %swap3A = arith.constant 0 : index
    %swap3A_17 = arith.constant 0 : index
    %swap3A_18 = vector.load %arg4[%swap3A, %swap3A_17] : memref<400x64xf32, #tpu.memory_space<vmem>>, vector<400x64xf32>
    tpu.vector_store %arg4[%swap3A, %swap3A_17], %div3A_16 {strides = array<i32>} : memref<400x64xf32, #tpu.memory_space<vmem>>, vector<400x64xf32>,
    return
  }
  func.func @transform_0(%arg0: i32) -> (i32, i32) {
    %c0_i32 = arith.constant 0 : i32
    %c0_i32_0 = arith.constant 0 : i32
    return %arg0, %c0_i32 : i32, i32
  }
  func.func @transform_1(%arg0: i32) -> (i32, i32) {
    %c0_i32 = arith.constant 0 : i32
    %c0_i32_0 = arith.constant 0 : i32
    return %arg0, %c0_i32 : i32, i32
  }
  func.func @transform_2(%arg0: i32) -> (i32, i32) {
    %c0_i32 = arith.constant 0 : i32
    %c0_i32_0 = arith.constant 0 : i32
    return %arg0, %c0_i32 : i32, i32
  }
  func.func @transform_3(%arg0: i32) -> (i32, i32) {
    %c0_i32 = arith.constant 0 : i32
    %c0_i32_0 = arith.constant 0 : i32
    return %arg0, %c0_i32 : i32, i32
  }
}

module attributes {stable_mosaic.version = 14 : i64} {
  func.func @body(%arg0: i32, %arg1: memref<400x64xf32, #tpu.memory_space<vmem>>, %arg2: memref<400x64xf32, #tpu.memory_space<vmem>>, %arg3: memref<400x1xf32, #tpu.memory_space<vmem>>, %arg4: memref<400x64xf32, #tpu.memory_space<vmem>>) attributes {dimension_semantics = [#tpu.dimension_semantics<arbitrary>], iteration_bounds = array<i64: 125>, scalar_prefetch = 0 : i64, scratch_operands = 0 : i64, tpu.core_type = #tpu.core_type<tc>, window_params = [{transform_indices = @transform_0, window_bounds = array<i64: 400, 64>}, {transform_indices = @transform_1, window_bounds = array<i64: 400, 64>}, {transform_indices = @transform_2, window_bounds = array<i64: 400, 1>}, {transform_indices = @transform_3, window_bounds = array<i64: 400, 64>}]} {
    %get3A = arith.constant 0 : index
    %get3A_0 = arith.constant 0 : index
    %get3A_1 = vector.load %arg1[%get3A, %get3A_0] : memref<400x64xf32, #tpu.memory_space<vmem>>, vector<400x64xf32>
    %get3A_2 = arith.constant 0 : index
    %get3A_3 = arith.constant 0 : index
    %get3A_4 = vector.load %arg2[%get3A_2, %get3A_3] : memref<400x64xf32, #tpu.memory_space<vmem>>, vector<400x64xf32>
    %get3A_5 = arith.constant 0 : index
    %get3A_6 = arith.constant 0 : index
    %get3A_7 = vector.load %arg3[%get3A_5, %get3A_6] : memref<400x1xf32, #tpu.memory_space<vmem>>, vector<400x1xf32>
    %add3A = arith.constant 1.000000e-16 : f32
    %add3A_8 = vector.broadcast %add3A : f32 to vector<400x1xf32>
    %add3A_9 = arith.addf %get3A_7, %add3A_8 : vector<400x1xf32>
    %div3A = vector.broadcast %add3A_9 : vector<400x1xf32> to vector<400x64xf32>
    %div3A_10 = arith.divf %get3A_4, %div3A : vector<400x64xf32>
    %add3A_11 = arith.addf %get3A_1, %div3A_10 : vector<400x64xf32>
    %mul3A = arith.mulf %add3A_11, %add3A_11 : vector<400x64xf32>
    %reduce_sum3A = arith.constant dense<0.000000e+00> : vector<400xf32>
    %reduce_sum3A_12 = vector.multi_reduction <add>, %mul3A, %reduce_sum3A [1] : vector<400x64xf32> to vector<400xf32>
    %broadcast_in_dim3A = vector.shape_cast %reduce_sum3A_12 : vector<400xf32> to vector<400x1xf32>
    %sqrt3A = math.sqrt %broadcast_in_dim3A : vector<400x1xf32>
    %max3A = arith.constant 9.99999996E-13 : f32
    %max3A_13 = vector.broadcast %max3A : f32 to vector<400x1xf32>
    %max3A_14 = arith.maximumf %sqrt3A, %max3A_13 : vector<400x1xf32>
    %div3A_15 = vector.broadcast %max3A_14 : vector<400x1xf32> to vector<400x64xf32>
    %div3A_16 = arith.divf %add3A_11, %div3A_15 : vector<400x64xf32>
    %swap3A = arith.constant 0 : index
    %swap3A_17 = arith.constant 0 : index
    %swap3A_18 = vector.load %arg4[%swap3A, %swap3A_17] : memref<400x64xf32, #tpu.memory_space<vmem>>, vector<400x64xf32>
    tpu.vector_store %arg4[%swap3A, %swap3A_17], %div3A_16 {strides = array<i32>} : memref<400x64xf32, #tpu.memory_space<vmem>>, vector<400x64xf32>,
    return
  }
  func.func @transform_0(%arg0: i32) -> (i32, i32) {
    %c0_i32 = arith.constant 0 : i32
    %c0_i32_0 = arith.constant 0 : i32
    return %arg0, %c0_i32 : i32, i32
  }
  func.func @transform_1(%arg0: i32) -> (i32, i32) {
    %c0_i32 = arith.constant 0 : i32
    %c0_i32_0 = arith.constant 0 : i32
    return %arg0, %c0_i32 : i32, i32
  }
  func.func @transform_2(%arg0: i32) -> (i32, i32) {
    %c0_i32 = arith.constant 0 : i32
    %c0_i32_0 = arith.constant 0 : i32
    return %arg0, %c0_i32 : i32, i32
  }
  func.func @transform_3(%arg0: i32) -> (i32, i32) {
    %c0_i32 = arith.constant 0 : i32
    %c0_i32_0 = arith.constant 0 : i32
    return %arg0, %c0_i32 : i32, i32
  }
}

module attributes {stable_mosaic.version = 14 : i64} {
  func.func @body(%arg0: i32, %arg1: memref<400x64xf32, #tpu.memory_space<vmem>>, %arg2: memref<64x128xf32, #tpu.memory_space<vmem>>, %arg3: memref<400x128xf32, #tpu.memory_space<vmem>>) attributes {dimension_semantics = [#tpu.dimension_semantics<arbitrary>], iteration_bounds = array<i64: 125>, scalar_prefetch = 0 : i64, scratch_operands = 0 : i64, tpu.core_type = #tpu.core_type<tc>, window_params = [{transform_indices = @transform_0, window_bounds = array<i64: 400, 64>}, {pipeline_mode = #tpu.pipeline_mode<synchronous>, transform_indices = @transform_1, window_bounds = array<i64: 64, 128>}, {transform_indices = @transform_2, window_bounds = array<i64: 400, 128>}]} {
    %get3A = arith.constant 0 : index
    %get3A_0 = arith.constant 0 : index
    %get3A_1 = vector.load %arg1[%get3A, %get3A_0] : memref<400x64xf32, #tpu.memory_space<vmem>>, vector<400x64xf32>
    %get3A_2 = arith.constant 0 : index
    %get3A_3 = arith.constant 0 : index
    %get3A_4 = vector.load %arg2[%get3A_2, %get3A_3] : memref<64x128xf32, #tpu.memory_space<vmem>>, vector<64x128xf32>
    %dot_general3A = arith.constant dense<0.000000e+00> : vector<400x128xf32>
    %dot_general3A_5 = tpu.matmul %get3A_1, %get3A_4, %dot_general3A {dimension_numbers = #tpu.dot_dimension_numbers<[1], [0], [0], [1], [0, 0, 1, 1], [], []>, transpose_lhs_hint = false} : vector<400x64xf32>, vector<64x128xf32>, vector<400x128xf32> -> vector<400x128xf32>
    %swap3A = arith.constant 0 : index
    %swap3A_6 = arith.constant 0 : index
    %swap3A_7 = vector.load %arg3[%swap3A, %swap3A_6] : memref<400x128xf32, #tpu.memory_space<vmem>>, vector<400x128xf32>
    tpu.vector_store %arg3[%swap3A, %swap3A_6], %dot_general3A_5 {strides = array<i32>} : memref<400x128xf32, #tpu.memory_space<vmem>>, vector<400x128xf32>,
    return
  }
  func.func @transform_0(%arg0: i32) -> (i32, i32) {
    %c0_i32 = arith.constant 0 : i32
    %c0_i32_0 = arith.constant 0 : i32
    return %arg0, %c0_i32 : i32, i32
  }
  func.func @transform_1(%arg0: i32) -> (i32, i32) {
    %c0_i32 = arith.constant 0 : i32
    %c0_i32_0 = arith.constant 0 : i32
    %c0_i32_1 = arith.constant 0 : i32
    return %c0_i32, %c0_i32_0 : i32, i32
  }
  func.func @transform_2(%arg0: i32) -> (i32, i32) {
    %c0_i32 = arith.constant 0 : i32
    %c0_i32_0 = arith.constant 0 : i32
    return %arg0, %c0_i32 : i32, i32
  }
}

module attributes {stable_mosaic.version = 14 : i64} {
  func.func @body(%arg0: i32, %arg1: memref<400x64xf32, #tpu.memory_space<vmem>>, %arg2: memref<400x64xf32, #tpu.memory_space<vmem>>) attributes {dimension_semantics = [#tpu.dimension_semantics<arbitrary>], iteration_bounds = array<i64: 125>, scalar_prefetch = 0 : i64, scratch_operands = 0 : i64, tpu.core_type = #tpu.core_type<tc>, window_params = [{transform_indices = @transform_0, window_bounds = array<i64: 400, 64>}, {transform_indices = @transform_1, window_bounds = array<i64: 400, 64>}]} {
    %get3A = arith.constant 0 : index
    %get3A_0 = arith.constant 0 : index
    %get3A_1 = vector.load %arg1[%get3A, %get3A_0] : memref<400x64xf32, #tpu.memory_space<vmem>>, vector<400x64xf32>
    %mul3A = arith.constant 0.00999999977 : f32
    %mul3A_2 = vector.broadcast %mul3A : f32 to vector<400x64xf32>
    %mul3A_3 = arith.mulf %mul3A_2, %get3A_1 : vector<400x64xf32>
    %max3A = arith.maximumf %get3A_1, %mul3A_3 : vector<400x64xf32>
    %swap3A = arith.constant 0 : index
    %swap3A_4 = arith.constant 0 : index
    %swap3A_5 = vector.load %arg2[%swap3A, %swap3A_4] : memref<400x64xf32, #tpu.memory_space<vmem>>, vector<400x64xf32>
    tpu.vector_store %arg2[%swap3A, %swap3A_4], %max3A {strides = array<i32>} : memref<400x64xf32, #tpu.memory_space<vmem>>, vector<400x64xf32>,
    return
  }
  func.func @transform_0(%arg0: i32) -> (i32, i32) {
    %c0_i32 = arith.constant 0 : i32
    %c0_i32_0 = arith.constant 0 : i32
    return %arg0, %c0_i32 : i32, i32
  }
  func.func @transform_1(%arg0: i32) -> (i32, i32) {
    %c0_i32 = arith.constant 0 : i32
    %c0_i32_0 = arith.constant 0 : i32
    return %arg0, %c0_i32 : i32, i32
  }
}

module attributes {stable_mosaic.version = 14 : i64} {
  func.func @body(%arg0: i32, %arg1: memref<400x64xf32, #tpu.memory_space<vmem>>, %arg2: memref<400x64xf32, #tpu.memory_space<vmem>>, %arg3: memref<400x64xf32, #tpu.memory_space<vmem>>, %arg4: memref<400x64xf32, #tpu.memory_space<vmem>>, %arg5: memref<400x64xf32, #tpu.memory_space<vmem>>, %arg6: memref<400x64xf32, #tpu.memory_space<vmem>>, %arg7: memref<400x64xf32, #tpu.memory_space<vmem>>, %arg8: memref<400x64xf32, #tpu.memory_space<vmem>>) attributes {dimension_semantics = [#tpu.dimension_semantics<arbitrary>], iteration_bounds = array<i64: 125>, scalar_prefetch = 0 : i64, scratch_operands = 0 : i64, tpu.core_type = #tpu.core_type<tc>, window_params = [{transform_indices = @transform_0, window_bounds = array<i64: 400, 64>}, {transform_indices = @transform_1, window_bounds = array<i64: 400, 64>}, {transform_indices = @transform_2, window_bounds = array<i64: 400, 64>}, {transform_indices = @transform_3, window_bounds = array<i64: 400, 64>}, {transform_indices = @transform_4, window_bounds = array<i64: 400, 64>}, {transform_indices = @transform_5, window_bounds = array<i64: 400, 64>}, {transform_indices = @transform_6, window_bounds = array<i64: 400, 64>}, {transform_indices = @transform_7, window_bounds = array<i64: 400, 64>}]} {
    %get3A = arith.constant 0 : index
    %get3A_0 = arith.constant 0 : index
    %get3A_1 = vector.load %arg1[%get3A, %get3A_0] : memref<400x64xf32, #tpu.memory_space<vmem>>, vector<400x64xf32>
    %get3A_2 = arith.constant 0 : index
    %get3A_3 = arith.constant 0 : index
    %get3A_4 = vector.load %arg2[%get3A_2, %get3A_3] : memref<400x64xf32, #tpu.memory_space<vmem>>, vector<400x64xf32>
    %add3A = arith.addf %get3A_1, %get3A_4 : vector<400x64xf32>
    %get3A_5 = arith.constant 0 : index
    %get3A_6 = arith.constant 0 : index
    %get3A_7 = vector.load %arg3[%get3A_5, %get3A_6] : memref<400x64xf32, #tpu.memory_space<vmem>>, vector<400x64xf32>
    %add3A_8 = arith.addf %add3A, %get3A_7 : vector<400x64xf32>
    %get3A_9 = arith.constant 0 : index
    %get3A_10 = arith.constant 0 : index
    %get3A_11 = vector.load %arg4[%get3A_9, %get3A_10] : memref<400x64xf32, #tpu.memory_space<vmem>>, vector<400x64xf32>
    %add3A_12 = arith.addf %add3A_8, %get3A_11 : vector<400x64xf32>
    %get3A_13 = arith.constant 0 : index
    %get3A_14 = arith.constant 0 : index
    %get3A_15 = vector.load %arg5[%get3A_13, %get3A_14] : memref<400x64xf32, #tpu.memory_space<vmem>>, vector<400x64xf32>
    %add3A_16 = arith.addf %add3A_12, %get3A_15 : vector<400x64xf32>
    %get3A_17 = arith.constant 0 : index
    %get3A_18 = arith.constant 0 : index
    %get3A_19 = vector.load %arg6[%get3A_17, %get3A_18] : memref<400x64xf32, #tpu.memory_space<vmem>>, vector<400x64xf32>
    %add3A_20 = arith.addf %add3A_16, %get3A_19 : vector<400x64xf32>
    %get3A_21 = arith.constant 0 : index
    %get3A_22 = arith.constant 0 : index
    %get3A_23 = vector.load %arg7[%get3A_21, %get3A_22] : memref<400x64xf32, #tpu.memory_space<vmem>>, vector<400x64xf32>
    %add3A_24 = arith.addf %add3A_20, %get3A_23 : vector<400x64xf32>
    %mul3A = arith.constant 2.500000e-01 : f32
    %mul3A_25 = vector.broadcast %mul3A : f32 to vector<400x64xf32>
    %mul3A_26 = arith.mulf %add3A_24, %mul3A_25 : vector<400x64xf32>
    %swap3A = arith.constant 0 : index
    %swap3A_27 = arith.constant 0 : index
    %swap3A_28 = vector.load %arg8[%swap3A, %swap3A_27] : memref<400x64xf32, #tpu.memory_space<vmem>>, vector<400x64xf32>
    tpu.vector_store %arg8[%swap3A, %swap3A_27], %mul3A_26 {strides = array<i32>} : memref<400x64xf32, #tpu.memory_space<vmem>>, vector<400x64xf32>,
    return
  }
  func.func @transform_0(%arg0: i32) -> (i32, i32) {
    %c0_i32 = arith.constant 0 : i32
    %c0_i32_0 = arith.constant 0 : i32
    return %arg0, %c0_i32 : i32, i32
  }
  func.func @transform_1(%arg0: i32) -> (i32, i32) {
    %c0_i32 = arith.constant 0 : i32
    %c0_i32_0 = arith.constant 0 : i32
    return %arg0, %c0_i32 : i32, i32
  }
  func.func @transform_2(%arg0: i32) -> (i32, i32) {
    %c0_i32 = arith.constant 0 : i32
    %c0_i32_0 = arith.constant 0 : i32
    return %arg0, %c0_i32 : i32, i32
  }
  func.func @transform_3(%arg0: i32) -> (i32, i32) {
    %c0_i32 = arith.constant 0 : i32
    %c0_i32_0 = arith.constant 0 : i32
    return %arg0, %c0_i32 : i32, i32
  }
  func.func @transform_4(%arg0: i32) -> (i32, i32) {
    %c0_i32 = arith.constant 0 : i32
    %c0_i32_0 = arith.constant 0 : i32
    return %arg0, %c0_i32 : i32, i32
  }
  func.func @transform_5(%arg0: i32) -> (i32, i32) {
    %c0_i32 = arith.constant 0 : i32
    %c0_i32_0 = arith.constant 0 : i32
    return %arg0, %c0_i32 : i32, i32
  }
  func.func @transform_6(%arg0: i32) -> (i32, i32) {
    %c0_i32 = arith.constant 0 : i32
    %c0_i32_0 = arith.constant 0 : i32
    return %arg0, %c0_i32 : i32, i32
  }
  func.func @transform_7(%arg0: i32) -> (i32, i32) {
    %c0_i32 = arith.constant 0 : i32
    %c0_i32_0 = arith.constant 0 : i32
    return %arg0, %c0_i32 : i32, i32
  }
}

</mosaic_0001>

<sc_bundles>
// kernel: edge_pass.12.cloned.1.call-start
scs
__scs_entry_jumppad:
0x0: {  	(pc) =	sbr.rel $0x88, $3  }
0x1: {  	(tag) =	ssettag $0x0;
	lr =	simm.s32 $0x1  }
0x2: {  	[smem:$0x3F7E] =	sst lr;
	_ =	strace $0xD0000000  }
0x3: {  	_ = 	snop  }
0x4: {  	_ = 	snop  }
0x5: {  	_ = 	snop  }
0x6: {  	_ = 	snop  }
0x7: {  	_ = 	snop  }
__scs_overlays_trampoline_lowered:
0x8: {  	[smem:$0x3F8D] =	sst s0  }
0x9: {  	[smem:$0x3F8E] =	sst s1  }
0xa: {  	[smem:$0x3F8F] =	sst s2  }
0xb: {  	[smem:$0x3F90] =	sst s3  }
0xc: {  	[smem:$0x3F91] =	sst s4  }
0xd: {  	[smem:$0x3F92] =	sst s5  }
0xe: {  	[smem:$0x3F93] =	sst s6  }
0xf: {  	[smem:$0x3F94] =	sst s7  }
0x10: {  	[smem:$0x3F95] =	sst s8  }
0x11: {  	[smem:$0x3F96] =	sst s9;
	s0 =	simm.s32 @!p0 $0x0  }
0x12: {  	s1 =	sld [smem:$0x3F7C];
	s0 =	simm.s32 @p0 $0x1  }
0x13: {  	[smem:$0x3F97] =	sst s0;
	s0 =	simm.s32 @!p1 $0x0  }
0x14: {  	s2 =	sld [smem:$0x3F7B];
	s0 =	simm.s32 @p1 $0x1  }
0x15: {  	[smem:$0x3F98] =	sst s0;
	s0 =	simm.s32 @!p2 $0x0  }
0x16: {  	s3 =	sld [smem:$0x3FDB];
	s0 =	simm.s32 @p2 $0x1  }
0x17: {  	s4 =	simm.s32 $0x1BF5;
	[smem:$0x3F9A] =	sst s0  }
0x18: {  	s0 =	sld [smem:$0x3F7D];
	_ =	swait.ge [sflag:s4], $0x0  }
0x19: {  	s7 =	sld [smem:$0x3F7E]  }
0x1a: {  	s8 =	sadd.s32 $0xFFFFE003, lr  }
0x1b: {  	s9 =	sadd.s32 $0xFFFFFEF7, lr;
	s5 =	simm.s32 $0xFFFFFFFF;
	p2 =	slt.u32 s8, $0xFFFFF086  }
0x1c: {  	p1 =	slt.u32 s9, $0xF7A;
	s5 =	simm.s32 @!p2 $0x0  }
0x1d: {  	s5 =	simm.s32 @p1 $0x1;
	p0 =	seq.s32 s7, s2  }
0x1e: {  	s7 =	smul.u32 @!p0 $0xF7A, s2;
	p2 =	seq.s32 @!p0 s5, $0x0  }
0x1f: {  	s9 =	smul.u32 $0xF7A, s1;
	s8 =	simm.s32 @!p0 $0x1BF5;
	p2 =	por !p2, p0  }
0x20: {  	[sflag:s8] =	ssyncset.s32 @!p0 $0xFFFFF086;
	s6 =	sadd.s32 @!p0 s3, s7;
	s7 =	simm.s32 @!p0 $0x108  }
0x21: {  	s3 =	sadd.s32 s3, s9;
	s6 =	sadd.s32 @!p0 $0x88, s6;
	s7 =	simm.s32 @p2 $0x1082  }
0x22: {  	[simem:s7], [sflag:s8] =	dma.local @!p0 [hbm:s6], $0xF7A  }
0x23: {  	s9 =	sor.u32 $0xD0000000, s2;
	s6 =	simm.s32 $0x108;
	_ =	swait.ge @!p0 [sflag:s8], $0x0  }
0x24: {  	s3 =	sadd.s32 $0x88, s3;
	s6 =	simm.s32 @!p1 $0x1082;
	[sflag:s4] =	ssyncset.s32 $0xFFFFF086  }
0x25: {  	[simem:s6], [sflag:s4] =	dma.local [hbm:s3], $0xF7A  }
0x26: {  	[smem:$0x3F7E] =	sst s1;
	(tag) =	ssettag s2;
	_ =	strace s9  }
0x27: {  	s1 =	sld [smem:$0x3F8E]  }
0x28: {  	s2 =	sld [smem:$0x3F8F]  }
0x29: {  	s4 =	sld [smem:$0x3F91]  }
0x2a: {  	p0 =	seq.s32 s5, $0x0;
	s5 =	sld [smem:$0x3F92]  }
0x2b: {  	s6 =	sld [smem:$0x3F93]  }
0x2c: {  	s7 =	sld [smem:$0x3F94]  }
0x2d: {  	s3 =	simm.s32 $0x108;
	s8 =	sld [smem:$0x3F95]  }
0x2e: {  	s3 =	simm.s32 @!p0 $0x1082;
	s9 =	sld [smem:$0x3F96]  }
0x2f: {  	lr =	sadd.s32 s0, s3;
	s0 =	sld [smem:$0x3F8D]  }
0x30: {  	s3 =	sld [smem:$0x3F90]  }
0x31: {  	[smem:$0x3F99] =	sst s10  }
0x32: {  	s10 =	sld [smem:$0x3F97];
	_ =	sdelay $0x3  }
0x33: {  	p0 =	seq.s32 s10, $0x1;
	s10 =	sld [smem:$0x3F99];
	_ =	sdelay $0x3  }
0x34: {  	[smem:$0x3F99] =	sst s10  }
0x35: {  	s10 =	sld [smem:$0x3F98];
	_ =	sdelay $0x3  }
0x36: {  	p1 =	seq.s32 s10, $0x1;
	s10 =	sld [smem:$0x3F99];
	_ =	sdelay $0x3  }
0x37: {  	[smem:$0x3F99] =	sst s10  }
0x38: {  	s10 =	sld [smem:$0x3F9A]  }
0x39: {  	_ = 	snop;
	(pc) =	sbr.ind lr, $3  }
0x3a: {  	_ = 	snop  }
0x3b: {  	_ = 	snop  }
0x3c: {  	p2 =	seq.s32 s10, $0x1;
	s10 =	sld [smem:$0x3F99]  }
0x3d: {  	_ =	shalt  }
0x3e: {  	_ =	shalt  }
0x3f: {  	_ =	shalt  }
0x40: {  	_ =	shalt  }
0x41: {  	_ =	shalt  }
0x42: {  	_ =	shalt  }
0x43: {  	_ =	shalt  }
0x44: {  	_ =	shalt  }
0x45: {  	_ =	shalt  }
0x46: {  	_ =	shalt  }
0x47: {  	_ =	shalt  }
0x48: {  	_ =	shalt  }
0x49: {  	_ =	shalt  }
0x4a: {  	_ =	shalt  }
0x4b: {  	_ =	shalt  }
0x4c: {  	_ =	shalt  }
0x4d: {  	_ =	shalt  }
0x4e: {  	_ =	shalt  }
0x4f: {  	_ =	shalt  }
0x50: {  	_ =	shalt  }
0x51: {  	_ =	shalt  }
0x52: {  	_ =	shalt  }
0x53: {  	_ =	shalt  }
0x54: {  	_ =	shalt  }
0x55: {  	_ =	shalt  }
0x56: {  	_ =	shalt  }
0x57: {  	_ =	shalt  }
0x58: {  	_ =	shalt  }
0x59: {  	_ =	shalt  }
0x5a: {  	_ =	shalt  }
0x5b: {  	_ =	shalt  }
0x5c: {  	_ =	shalt  }
0x5d: {  	_ =	shalt  }
0x5e: {  	_ =	shalt  }
0x5f: {  	_ =	shalt  }
0x60: {  	_ =	shalt  }
0x61: {  	_ =	shalt  }
0x62: {  	_ =	shalt  }
0x63: {  	_ =	shalt  }
0x64: {  	_ =	shalt  }
0x65: {  	_ =	shalt  }
0x66: {  	_ =	shalt  }
0x67: {  	_ =	shalt  }
0x68: {  	_ =	shalt  }
0x69: {  	_ =	shalt  }
0x6a: {  	_ =	shalt  }
0x6b: {  	_ =	shalt  }
0x6c: {  	_ =	shalt  }
0x6d: {  	_ =	shalt  }
0x6e: {  	_ =	shalt  }
0x6f: {  	_ =	shalt  }
0x70: {  	_ =	shalt  }
0x71: {  	_ =	shalt  }
0x72: {  	_ =	shalt  }
0x73: {  	_ =	shalt  }
0x74: {  	_ =	shalt  }
0x75: {  	_ =	shalt  }
0x76: {  	_ =	shalt  }
0x77: {  	_ =	shalt  }
0x78: {  	_ =	shalt  }
0x79: {  	_ =	shalt  }
0x7a: {  	_ =	shalt  }
0x7b: {  	_ =	shalt  }
0x7c: {  	_ =	shalt  }
0x7d: {  	_ =	shalt  }
0x7e: {  	_ =	shalt  }
0x7f: {  	_ =	shalt  }
0x80: {  	_ =	shalt  }
0x81: {  	_ =	shalt  }
0x82: {  	_ =	shalt  }
0x83: {  	_ =	shalt  }
0x84: {  	_ =	shalt  }
0x85: {  	_ =	shalt  }
0x86: {  	_ =	shalt  }
0x87: {  	_ =	shalt  }
.Lfunc_end0:
.L_simem_size_0:
called_computation_lowered:
.L_overlay_start_0:
0x88: {  	s2 =	sld [smem:$0x3FD9]  }
0x89: {  	s3 =	sld [smem:$0x3FFE];
	_ =	sdelay $0x1  }
0x8a: {  	s1 =	srdreg.scid  }
0x8b: {  	s0 =	sand.u32 $0x1, s1  }
0x8c: {  	s17 =	sshll.u32 s0, $0xA;
	s2 =	sadd.s32 s3, s2  }
0x8d: {  	s2 =	sadd.s32 s2, s17  }
0x8e: {  	[smem:$0x3FA5] =	sst s2  }
0x8f: {  	_ = 	snop  }
0x90: {  	s2 =	sld [smem:$0x3FD0];
	(tm) =	ssettm $0x1  }
0x91: {  	s18 =	sld [smem:$0x3FFB];
	_ =	sdelay $0x3  }
0x92: {  	_ =	strace s18  }
0x93: {  	s3 =	sld [smem:$0x3FFC];
	_ =	sdelay $0x3  }
0x94: {  	_ =	strace s3  }
0x95: {  	s3 =	sld [smem:$0x3FFD];
	_ =	sdelay $0x3  }
0x96: {  	_ =	strace s3  }
0x97: {  	_ =	strace $0x8FFFFFFF  }
0x98: {  	s19 =	sld [smem:$0x3FDB];
	_ =	sdelay $0x1  }
0x99: {  	s4 =	simm.s32 $_scs_section_size  }
0x9a: {  	s5 =	simm.s32 $_size__tile_overlayer_lowered;
	s6 =	simm.s32 $_tile_overlayer_lowered  }
0x9b: {  	s22 =	simm.s32 $0x1BFF;
	s21 =	sshll.u32 s6, $0x1;
	s3 =	sadd.s32 s4, s19  }
0x9c: {  	s7 =	simm.s32 $0x0;
	s20 =	sshll.u32 s5, $0x1;
	s5 =	sadd.s32 s21, s3  }
0x9d: {  	[timem:s7], [sflag:s22] =	dma.local [hbm:s5], s20  }
0x9e: {  	_ =	swait.ge [sflag:s22], s20  }
0x9f: {  	s4 =	ssub.s32 $0x0, s20;
	[sflag:s22] =	ssyncset.done $0x0  }
0xa0: {  	[sflag:s22] =	ssyncadd.s32 s4;
	_ =	sdelay $0x1  }
0xa1: {  	s23 =	simm.s32 $0x1B8B  }
0xa2: {  	_ =	swait.ge [sflag:s23], $0x1  }
0xa3: {  	[sflag:s23] =	ssyncset.done $0x0  }
0xa4: {  	s25 =	simm.s32 $0x1B8E;
	s24 =	sld [smem:$0x3FFE];
	[sflag:s23] =	ssyncadd.s32 $0xFFFFFFFF  }
0xa5: {  	s26 =	simm.s32 $execute0_lowered;
	[smem:$0x3FD2] =	sst s25  }
0xa6: {  	s5 =	sshll.u32 s26, $0x1;
	_ =	strace $0x80000046;
	[dreg:$0x1] =	wrdreg $0xFFFFFFFF  }
0xa7: {  	s28 =	simm.s32 $_size_execute0_lowered;
	s3 =	sadd.s32 s3, s5;
	[dreg:$0x0] =	wrdreg $0x0  }
0xa8: {  	s5 =	sshll.u32 s28, $0x1;
	[dreg:$0x2] =	wrdreg s3  }
0xa9: {  	[dreg:$0x3] =	wrdreg s5  }
0xaa: {  	[dreg:$0x4] =	wrdreg $0xC0  }
0xab: {  	_ =	task [dreg:s7], $0x5FFFF  }
0xac: {  	[dreg:$0x1] =	wrdreg $0xFFFFFFFF  }
0xad: {  	[dreg:$0x0] =	wrdreg $0x60  }
0xae: {  	[dreg:$0x2] =	wrdreg s24  }
0xaf: {  	[dreg:$0x3] =	wrdreg s2  }
0xb0: {  	[dreg:$0x4] =	wrdreg $0x1AEA00  }
0xb1: {  	[dreg:$0x5] =	wrdreg $0x1DFA00  }
0xb2: {  	[dreg:$0x6] =	wrdreg $0x9  }
0xb3: {  	_ =	task.clear_ibuf [dreg:s7], $0x7FFFF;
	_ =	strace $0x90000046  }
0xb4: {  	s29 =	simm.s32 $0x9;
	_ =	strace $0x80000048  }
0xb5: {  	_ =	swait.ge [sflag:s29], $0x1  }
0xb6: {  	[sflag:s29] =	ssyncadd.s32 $0xFFFFFFFF  }
0xb7: {  	_ =	strace $0x90000048  }
0xb8: {  	_ =	sfence  }
0xb9: {  	s30 =	sld [smem:$0x0];
	_ =	sdelay $0x2  }
0xba: {  	s31 =	sshll.u32 s1, $0xD;
	s1 =	sshrl.u32 s1, $0x2  }
0xbb: {  	s3 =	sand.u32 $0x4000, s31;
	s1 =	sadd.s32 s1, s30  }
0xbc: {  	s0 =	sor.u32 s3, s0;
	s1 =	sshll.u32 s1, $0x11  }
0xbd: {  	s0 =	sor.u32 s1, s0  }
0xbe: {  	s0 =	sadd.s32 $0x8F2B, s0  }
0xbf: {  	[sflag:s0] =	ssyncadd.remote.s32 $0x1  }
0xc0: {  	_ =	sfence.sel $0xFFFF  }
0xc1: {  	[dreg:$0x0] =	wrdreg $0xFFFFFFFF;
	(pc) =	sbr.abs _section_cstart, $3  }
0xc2: {  	[dreg:$0x1] =	wrdreg $0xFFFFFFFF  }
0xc3: {  	_ =	task.clear_ibuf [dreg:s7], $0x2FFFF;
	_ =	strace $0x9FFFFFFF  }
0xc4: {  	(tm) =	ssettm $0x7FFFFFFF  }
0xc5: {  	_ =	shalt  }
tec
execute0_lowered:
.L_overlay_start_1:
0x0: {  	(tag) =	ssettag $0x1  }
0x1: {  	s0 =	rddreg [dreg:$0x0]  }
0x2: {  	s30 =	rddreg [dreg:$0x1]  }
0x3: {  	s2 =	rddreg [dreg:$0x2]  }
0x4: {  	s3 =	rddreg [dreg:$0x3]  }
0x5: {  	s15 =	simm.s32 $0x0;
	s1 =	srdreg.scid;
	s9 =	stileid.u32  }
0x6: {  	s31 =	simm.s32 $0x18920;
	s28 =	simm.s32 $0x1;
	s29 =	simm.s32 $0x18AA0  }
0x7: {  	s10 =	simm.s32 $0x1ADA0;
	[smem:$0x7FF] =	sst s15;
	s6 =	sadd.s32 $0x19C00, s0  }
0x8: {  	s1 =	sand.u32 $0x1, s1;
	s7 =	sadd.s32 $0x17B600, s0;
	s16 =	sadd.s32 $0x17BC00, s0  }
0x9: {  	s5 =	smul.u32 $0x188, s9;
	s17 =	sadd.s32 $0xB0000, s0;
	s11 =	sadd.s32 $0x55AE00, s0  }
0xa: {  	s18 =	sadd.s32 $0xACC00, s0;
	s12 =	smul.u32 $0x18800, s9;
	s13 =	sadd.s32 $0x17BE00, s0  }
0xb: {  	s21 =	smul.u32 $0xC400, s9;
	_ =	strace $0x80000047;
	[dreg:$0x6] =	wrdreg s7  }
0xc: {  	s22 =	ssub.s32 $0x40, s9;
	s14 =	sshll.u32 s9, $0x7;
	[dreg:$0x7] =	wrdreg s16  }
0xd: {  	s9 =	simm.s32 $0x1ACA0;
	s4 =	smul.u32 $0x1880, s1;
	[dreg:$0x8] =	wrdreg s17  }
0xe: {  	[dreg:$0x9] =	wrdreg s18;
	s19 =	ssub.s32 $0x2, s1;
	s1 =	smul.u32 $0xC400, s1  }
0xf: {  	s24 =	sshll.u32 s22, $0x7;
	s25 =	sadd.s32 s14, s3;
	s22 =	simm.s32 $0x18C20  }
0x10: {  	s7 =	simm.s32 $0x189A0;
	s8 =	sshrl.u32 s19, $0x1;
	s23 =	sshrl.u32 s21, $0x2  }
0x11: {  	s17 =	sand.u32 $0x3800, s24;
	[dreg:$0xc] =	wrdreg s25;
	s5 =	sadd.s32 s5, s4  }
0x12: {  	s21 =	simm.s32 $0x1AE20;
	s25 =	simm.s32 $0x1AD20;
	s5 =	sshll.u32 s5, $0x2  }
0x13: {  	s20 =	ssub.s32 s19, s8;
	s18 =	sadd.s32 s14, s4;
	s5 =	sadd.s32 s5, s0  }
0x14: {  	s4 =	simm.s32 $0x19C20;
	s8 =	simm.s32 $0x1AC20;
	s5 =	sadd.s32 $0x5BCE00, s5  }
0x15: {  	s0 =	smax.u32 s20, $0x1;
	[dreg:$0xa] =	wrdreg s5;
	s5 =	sadd.s32 s23, s2  }
0x16: {  	s20 =	simm.s32 $0x80;
	[dreg:$0xb] =	wrdreg s0;
	s26 =	sshrl.u32 s5, $0x3  }
0x17: {  	v1 =	vimm.f32 $0.0e+00;
	v2 =	vlaneseq.u32;
	v0 =	vmov s1;
	s23 =	simm.s32 $0x2;
	[dreg:$0xd] =	wrdreg s26;
	s26 =	simm.s32 $0xC400  }
.LBB2_1:
0x18: {  	[tilespmem:$0x1AD20] =	vst v1  }
0x19: {  	[tilespmem:$0x1AD30] =	vst v1  }
0x1a: {  	[tilespmem:$0x1AD40] =	vst v1  }
0x1b: {  	[tilespmem:$0x1AD50] =	vst v1  }
0x1c: {  	[tilespmem:$0x1AD60] =	vst v1  }
0x1d: {  	[tilespmem:$0x1AD70] =	vst v1  }
0x1e: {  	[tilespmem:$0x1AD80] =	vst v1  }
0x1f: {  	[tilespmem:$0x1AD90] =	vst v1  }
0x20: {  	[tilespmem:$0x18C20] =	vst v1  }
0x21: {  	[tilespmem:$0x18C30] =	vst v1  }
0x22: {  	[tilespmem:$0x18C40] =	vst v1  }
0x23: {  	[tilespmem:$0x18C50] =	vst v1  }
0x24: {  	[tilespmem:$0x18C60] =	vst v1  }
0x25: {  	[tilespmem:$0x18C70] =	vst v1  }
0x26: {  	[tilespmem:$0x18C80] =	vst v1  }
0x27: {  	[tilespmem:$0x18C90] =	vst v1  }
0x28: {  	[tilespmem:$0x18CA0] =	vst v1  }
0x29: {  	[tilespmem:$0x18CB0] =	vst v1  }
0x2a: {  	[tilespmem:$0x18CC0] =	vst v1  }
0x2b: {  	[tilespmem:$0x18CD0] =	vst v1  }
0x2c: {  	[tilespmem:$0x18CE0] =	vst v1  }
0x2d: {  	[tilespmem:$0x18CF0] =	vst v1  }
0x2e: {  	[tilespmem:$0x18D00] =	vst v1  }
0x2f: {  	[tilespmem:$0x18D10] =	vst v1  }
0x30: {  	[tilespmem:$0x18D20] =	vst v1  }
0x31: {  	[tilespmem:$0x18D30] =	vst v1  }
0x32: {  	[tilespmem:$0x18D40] =	vst v1  }
0x33: {  	[tilespmem:$0x18D50] =	vst v1  }
0x34: {  	[tilespmem:$0x18D60] =	vst v1  }
0x35: {  	[tilespmem:$0x18D70] =	vst v1  }
0x36: {  	[tilespmem:$0x18D80] =	vst v1  }
0x37: {  	[tilespmem:$0x18D90] =	vst v1  }
0x38: {  	[tilespmem:$0x18DA0] =	vst v1  }
0x39: {  	[tilespmem:$0x18DB0] =	vst v1  }
0x3a: {  	[tilespmem:$0x18DC0] =	vst v1  }
0x3b: {  	[tilespmem:$0x18DD0] =	vst v1  }
0x3c: {  	[tilespmem:$0x18DE0] =	vst v1  }
0x3d: {  	[tilespmem:$0x18DF0] =	vst v1  }
0x3e: {  	[tilespmem:$0x18E00] =	vst v1  }
0x3f: {  	[tilespmem:$0x18E10] =	vst v1  }
0x40: {  	[tilespmem:$0x18E20] =	vst v1  }
0x41: {  	[tilespmem:$0x18E30] =	vst v1  }
0x42: {  	[tilespmem:$0x18E40] =	vst v1  }
0x43: {  	[tilespmem:$0x18E50] =	vst v1  }
0x44: {  	[tilespmem:$0x18E60] =	vst v1  }
0x45: {  	[tilespmem:$0x18E70] =	vst v1  }
0x46: {  	[tilespmem:$0x18E80] =	vst v1  }
0x47: {  	[tilespmem:$0x18E90] =	vst v1  }
0x48: {  	[tilespmem:$0x18EA0] =	vst v1  }
0x49: {  	[tilespmem:$0x18EB0] =	vst v1  }
0x4a: {  	[tilespmem:$0x18EC0] =	vst v1  }
0x4b: {  	[tilespmem:$0x18ED0] =	vst v1  }
0x4c: {  	[tilespmem:$0x18EE0] =	vst v1  }
0x4d: {  	[tilespmem:$0x18EF0] =	vst v1  }
0x4e: {  	[tilespmem:$0x18F00] =	vst v1  }
0x4f: {  	[tilespmem:$0x18F10] =	vst v1  }
0x50: {  	[tilespmem:$0x18F20] =	vst v1  }
0x51: {  	[tilespmem:$0x18F30] =	vst v1  }
0x52: {  	[tilespmem:$0x18F40] =	vst v1  }
0x53: {  	[tilespmem:$0x18F50] =	vst v1  }
0x54: {  	[tilespmem:$0x18F60] =	vst v1  }
0x55: {  	[tilespmem:$0x18F70] =	vst v1  }
0x56: {  	[tilespmem:$0x18F80] =	vst v1  }
0x57: {  	[tilespmem:$0x18F90] =	vst v1  }
0x58: {  	[tilespmem:$0x18FA0] =	vst v1  }
0x59: {  	[tilespmem:$0x18FB0] =	vst v1  }
0x5a: {  	[tilespmem:$0x18FC0] =	vst v1  }
0x5b: {  	[tilespmem:$0x18FD0] =	vst v1  }
0x5c: {  	[tilespmem:$0x18FE0] =	vst v1  }
0x5d: {  	[tilespmem:$0x18FF0] =	vst v1  }
0x5e: {  	[tilespmem:$0x19000] =	vst v1  }
0x5f: {  	[tilespmem:$0x19010] =	vst v1  }
0x60: {  	[tilespmem:$0x19020] =	vst v1  }
0x61: {  	[tilespmem:$0x19030] =	vst v1  }
0x62: {  	[tilespmem:$0x19040] =	vst v1  }
0x63: {  	[tilespmem:$0x19050] =	vst v1  }
0x64: {  	[tilespmem:$0x19060] =	vst v1  }
0x65: {  	[tilespmem:$0x19070] =	vst v1  }
0x66: {  	[tilespmem:$0x19080] =	vst v1  }
0x67: {  	[tilespmem:$0x19090] =	vst v1  }
0x68: {  	[tilespmem:$0x190A0] =	vst v1  }
0x69: {  	[tilespmem:$0x190B0] =	vst v1  }
0x6a: {  	[tilespmem:$0x190C0] =	vst v1  }
0x6b: {  	[tilespmem:$0x190D0] =	vst v1  }
0x6c: {  	[tilespmem:$0x190E0] =	vst v1  }
0x6d: {  	[tilespmem:$0x190F0] =	vst v1  }
0x6e: {  	[tilespmem:$0x19100] =	vst v1  }
0x6f: {  	[tilespmem:$0x19110] =	vst v1  }
0x70: {  	[tilespmem:$0x19120] =	vst v1  }
0x71: {  	[tilespmem:$0x19130] =	vst v1  }
0x72: {  	[tilespmem:$0x19140] =	vst v1  }
0x73: {  	[tilespmem:$0x19150] =	vst v1  }
0x74: {  	[tilespmem:$0x19160] =	vst v1  }
0x75: {  	[tilespmem:$0x19170] =	vst v1  }
0x76: {  	[tilespmem:$0x19180] =	vst v1  }
0x77: {  	[tilespmem:$0x19190] =	vst v1  }
0x78: {  	[tilespmem:$0x191A0] =	vst v1  }
0x79: {  	[tilespmem:$0x191B0] =	vst v1  }
0x7a: {  	[tilespmem:$0x191C0] =	vst v1  }
0x7b: {  	[tilespmem:$0x191D0] =	vst v1  }
0x7c: {  	[tilespmem:$0x191E0] =	vst v1  }
0x7d: {  	[tilespmem:$0x191F0] =	vst v1  }
0x7e: {  	[tilespmem:$0x19200] =	vst v1  }
0x7f: {  	[tilespmem:$0x19210] =	vst v1  }
0x80: {  	[tilespmem:$0x19220] =	vst v1  }
0x81: {  	[tilespmem:$0x19230] =	vst v1  }
0x82: {  	[tilespmem:$0x19240] =	vst v1  }
0x83: {  	[tilespmem:$0x19250] =	vst v1  }
0x84: {  	[tilespmem:$0x19260] =	vst v1  }
0x85: {  	[tilespmem:$0x19270] =	vst v1  }
0x86: {  	[tilespmem:$0x19280] =	vst v1  }
0x87: {  	[tilespmem:$0x19290] =	vst v1  }
0x88: {  	[tilespmem:$0x192A0] =	vst v1  }
0x89: {  	[tilespmem:$0x192B0] =	vst v1  }
0x8a: {  	[tilespmem:$0x192C0] =	vst v1  }
0x8b: {  	[tilespmem:$0x192D0] =	vst v1  }
0x8c: {  	[tilespmem:$0x192E0] =	vst v1  }
0x8d: {  	[tilespmem:$0x192F0] =	vst v1  }
0x8e: {  	[tilespmem:$0x19300] =	vst v1  }
0x8f: {  	[tilespmem:$0x19310] =	vst v1  }
0x90: {  	[tilespmem:$0x19320] =	vst v1  }
0x91: {  	[tilespmem:$0x19330] =	vst v1  }
0x92: {  	[tilespmem:$0x19340] =	vst v1  }
0x93: {  	[tilespmem:$0x19350] =	vst v1  }
0x94: {  	[tilespmem:$0x19360] =	vst v1  }
0x95: {  	[tilespmem:$0x19370] =	vst v1  }
0x96: {  	[tilespmem:$0x19380] =	vst v1  }
0x97: {  	[tilespmem:$0x19390] =	vst v1  }
0x98: {  	[tilespmem:$0x193A0] =	vst v1  }
0x99: {  	[tilespmem:$0x193B0] =	vst v1  }
0x9a: {  	[tilespmem:$0x193C0] =	vst v1  }
0x9b: {  	[tilespmem:$0x193D0] =	vst v1  }
0x9c: {  	[tilespmem:$0x193E0] =	vst v1  }
0x9d: {  	[tilespmem:$0x193F0] =	vst v1  }
0x9e: {  	[tilespmem:$0x19400] =	vst v1  }
0x9f: {  	[tilespmem:$0x19410] =	vst v1  }
0xa0: {  	[tilespmem:$0x19420] =	vst v1  }
0xa1: {  	[tilespmem:$0x19430] =	vst v1  }
0xa2: {  	[tilespmem:$0x19440] =	vst v1  }
0xa3: {  	[tilespmem:$0x19450] =	vst v1  }
0xa4: {  	[tilespmem:$0x19460] =	vst v1  }
0xa5: {  	[tilespmem:$0x19470] =	vst v1  }
0xa6: {  	[tilespmem:$0x19480] =	vst v1  }
0xa7: {  	[tilespmem:$0x19490] =	vst v1  }
0xa8: {  	[tilespmem:$0x194A0] =	vst v1  }
0xa9: {  	[tilespmem:$0x194B0] =	vst v1  }
0xaa: {  	[tilespmem:$0x194C0] =	vst v1  }
0xab: {  	[tilespmem:$0x194D0] =	vst v1  }
0xac: {  	[tilespmem:$0x194E0] =	vst v1  }
0xad: {  	[tilespmem:$0x194F0] =	vst v1  }
0xae: {  	[tilespmem:$0x19500] =	vst v1  }
0xaf: {  	[tilespmem:$0x19510] =	vst v1  }
0xb0: {  	[tilespmem:$0x19520] =	vst v1  }
0xb1: {  	[tilespmem:$0x19530] =	vst v1  }
0xb2: {  	[tilespmem:$0x19540] =	vst v1  }
0xb3: {  	[tilespmem:$0x19550] =	vst v1  }
0xb4: {  	[tilespmem:$0x19560] =	vst v1  }
0xb5: {  	[tilespmem:$0x19570] =	vst v1  }
0xb6: {  	[tilespmem:$0x19580] =	vst v1  }
0xb7: {  	[tilespmem:$0x19590] =	vst v1  }
0xb8: {  	[tilespmem:$0x195A0] =	vst v1  }
0xb9: {  	[tilespmem:$0x195B0] =	vst v1  }
0xba: {  	[tilespmem:$0x195C0] =	vst v1  }
0xbb: {  	[tilespmem:$0x195D0] =	vst v1  }
0xbc: {  	[tilespmem:$0x195E0] =	vst v1  }
0xbd: {  	[tilespmem:$0x195F0] =	vst v1  }
0xbe: {  	[tilespmem:$0x19600] =	vst v1  }
0xbf: {  	[tilespmem:$0x19610] =	vst v1  }
0xc0: {  	[tilespmem:$0x19620] =	vst v1  }
0xc1: {  	[tilespmem:$0x19630] =	vst v1  }
0xc2: {  	[tilespmem:$0x19640] =	vst v1  }
0xc3: {  	[tilespmem:$0x19650] =	vst v1  }
0xc4: {  	[tilespmem:$0x19660] =	vst v1  }
0xc5: {  	[tilespmem:$0x19670] =	vst v1  }
0xc6: {  	[tilespmem:$0x19680] =	vst v1  }
0xc7: {  	[tilespmem:$0x19690] =	vst v1  }
0xc8: {  	[tilespmem:$0x196A0] =	vst v1  }
0xc9: {  	[tilespmem:$0x196B0] =	vst v1  }
0xca: {  	[tilespmem:$0x196C0] =	vst v1  }
0xcb: {  	[tilespmem:$0x196D0] =	vst v1  }
0xcc: {  	[tilespmem:$0x196E0] =	vst v1  }
0xcd: {  	[tilespmem:$0x196F0] =	vst v1  }
0xce: {  	[tilespmem:$0x19700] =	vst v1  }
0xcf: {  	[tilespmem:$0x19710] =	vst v1  }
0xd0: {  	[tilespmem:$0x19720] =	vst v1  }
0xd1: {  	[tilespmem:$0x19730] =	vst v1  }
0xd2: {  	[tilespmem:$0x19740] =	vst v1  }
0xd3: {  	[tilespmem:$0x19750] =	vst v1  }
0xd4: {  	[tilespmem:$0x19760] =	vst v1  }
0xd5: {  	[tilespmem:$0x19770] =	vst v1  }
0xd6: {  	[tilespmem:$0x19780] =	vst v1  }
0xd7: {  	[tilespmem:$0x19790] =	vst v1  }
0xd8: {  	[tilespmem:$0x197A0] =	vst v1  }
0xd9: {  	[tilespmem:$0x197B0] =	vst v1  }
0xda: {  	[tilespmem:$0x197C0] =	vst v1  }
0xdb: {  	[tilespmem:$0x197D0] =	vst v1  }
0xdc: {  	[tilespmem:$0x197E0] =	vst v1  }
0xdd: {  	[tilespmem:$0x197F0] =	vst v1  }
0xde: {  	[tilespmem:$0x19800] =	vst v1  }
0xdf: {  	[tilespmem:$0x19810] =	vst v1  }
0xe0: {  	[tilespmem:$0x19820] =	vst v1  }
0xe1: {  	[tilespmem:$0x19830] =	vst v1  }
0xe2: {  	[tilespmem:$0x19840] =	vst v1  }
0xe3: {  	[tilespmem:$0x19850] =	vst v1  }
0xe4: {  	[tilespmem:$0x19860] =	vst v1  }
0xe5: {  	[tilespmem:$0x19870] =	vst v1  }
0xe6: {  	[tilespmem:$0x19880] =	vst v1  }
0xe7: {  	[tilespmem:$0x19890] =	vst v1  }
0xe8: {  	[tilespmem:$0x198A0] =	vst v1  }
0xe9: {  	[tilespmem:$0x198B0] =	vst v1  }
0xea: {  	[tilespmem:$0x198C0] =	vst v1  }
0xeb: {  	[tilespmem:$0x198D0] =	vst v1  }
0xec: {  	[tilespmem:$0x198E0] =	vst v1  }
0xed: {  	[tilespmem:$0x198F0] =	vst v1  }
0xee: {  	[tilespmem:$0x19900] =	vst v1  }
0xef: {  	[tilespmem:$0x19910] =	vst v1  }
0xf0: {  	[tilespmem:$0x19920] =	vst v1  }
0xf1: {  	[tilespmem:$0x19930] =	vst v1  }
0xf2: {  	[tilespmem:$0x19940] =	vst v1  }
0xf3: {  	[tilespmem:$0x19950] =	vst v1  }
0xf4: {  	[tilespmem:$0x19960] =	vst v1  }
0xf5: {  	[tilespmem:$0x19970] =	vst v1  }
0xf6: {  	[tilespmem:$0x19980] =	vst v1  }
0xf7: {  	[tilespmem:$0x19990] =	vst v1  }
0xf8: {  	[tilespmem:$0x199A0] =	vst v1  }
0xf9: {  	[tilespmem:$0x199B0] =	vst v1  }
0xfa: {  	[tilespmem:$0x199C0] =	vst v1  }
0xfb: {  	[tilespmem:$0x199D0] =	vst v1  }
0xfc: {  	[tilespmem:$0x199E0] =	vst v1  }
0xfd: {  	[tilespmem:$0x199F0] =	vst v1  }
0xfe: {  	[tilespmem:$0x19A00] =	vst v1  }
0xff: {  	[tilespmem:$0x19A10] =	vst v1  }
0x100: {  	[tilespmem:$0x19A20] =	vst v1  }
0x101: {  	[tilespmem:$0x19A30] =	vst v1  }
0x102: {  	[tilespmem:$0x19A40] =	vst v1  }
0x103: {  	[tilespmem:$0x19A50] =	vst v1  }
0x104: {  	[tilespmem:$0x19A60] =	vst v1  }
0x105: {  	[tilespmem:$0x19A70] =	vst v1  }
0x106: {  	[tilespmem:$0x19A80] =	vst v1  }
0x107: {  	[tilespmem:$0x19A90] =	vst v1  }
0x108: {  	[tilespmem:$0x19AA0] =	vst v1  }
0x109: {  	[tilespmem:$0x19AB0] =	vst v1  }
0x10a: {  	[tilespmem:$0x19AC0] =	vst v1  }
0x10b: {  	[tilespmem:$0x19AD0] =	vst v1  }
0x10c: {  	[tilespmem:$0x19AE0] =	vst v1  }
0x10d: {  	[tilespmem:$0x19AF0] =	vst v1  }
0x10e: {  	[tilespmem:$0x19B00] =	vst v1  }
0x10f: {  	[tilespmem:$0x19B10] =	vst v1  }
0x110: {  	[tilespmem:$0x19B20] =	vst v1  }
0x111: {  	[tilespmem:$0x19B30] =	vst v1  }
0x112: {  	[tilespmem:$0x19B40] =	vst v1  }
0x113: {  	[tilespmem:$0x19B50] =	vst v1  }
0x114: {  	[tilespmem:$0x19B60] =	vst v1  }
0x115: {  	[tilespmem:$0x19B70] =	vst v1  }
0x116: {  	[tilespmem:$0x19C00] =	vst v1  }
0x117: {  	[tilespmem:$0x19BE0] =	vst v1  }
0x118: {  	[tilespmem:$0x19B90] =	vst v1  }
0x119: {  	[tilespmem:$0x19BA0] =	vst v1  }
0x11a: {  	[tilespmem:$0x19BB0] =	vst v1  }
0x11b: {  	[tilespmem:$0x19BC0] =	vst v1  }
0x11c: {  	[tilespmem:$0x19BD0] =	vst v1  }
0x11d: {  	s1 =	sadd.s32 $0x0, s14;
	[tilespmem:$0x19B80] =	vst v1  }
0x11e: {  	[tilespmem:$0x19BF0] =	vst v1;
	s5 =	sadd.s32 $0x30, s1  }
0x11f: {  	[tilespmem:$0x19C10] =	vst v1;
	s0 =	sadd.s32 $0x40, s1;
	v3 =	vor.u32 s5, v2  }
0x120: {  	[dreg:$0x5] =	wrdreg s15;
	s15 =	sadd.s32 $0x50, s1;
	[tilespmem:$0x1AE50] =	vst v3;
	v3 =	vor.u32 s0, v2  }
0x121: {  	s16 =	sadd.s32 $0x20, s1;
	[tilespmem:$0x1AE60] =	vst v3;
	v3 =	vor.u32 s15, v2  }
0x122: {  	s19 =	sadd.s32 $0x70, s1;
	[tilespmem:$0x1AE70] =	vst v3;
	v3 =	vor.u32 s16, v2  }
0x123: {  	p0 =	sne.s32 s17, $0x800;
	[tilespmem:$0x1AE40] =	vst v3;
	v3 =	vor.u32 s19, v2  }
.Ltmp0:
0x124: {  	s24 =	sadd.s32 $0x10, s1;
	v4 =	vor.u32 s1, v2;
	[tilespmem:$0x1AE90] =	vst v3;
	(pc) =	sbr.rel @!p0 .LBB2_3-.Ltmp0, $4  }
0x125: {  	s1 =	sadd.s32 $0x60, s1;
	v3 =	vor.u32 s24, v2;
	[tilespmem:$0x1AE20] =	vst v4  }
0x126: {  	[tilespmem:$0x1AE30] =	vst v3;
	v3 =	vor.u32 s1, v2  }
0x127: {  	s1 =	simm.s32 $0x800;
	[tilespmem:$0x1AE80] =	vst v3  }
0x128: {  	[spmem:s2] =	stream.indirect.scatter [tilespmem:s22], [sflag:$0x2], $0x20, s21, s20, $0xb8;
	[tilespmem:$0x1E128] =	vst v63  }
.LBB2_2:
0x129: {  	_ =	swait.ge [sflag:s23], $0x1000;
	s5 =	smov.u32 s1;
	s1 =	sadd.s32 $0x800, s1  }
0x12a: {  	p0 =	sne.s32 s17, s1;
	[sflag:s23] =	ssyncset.done $0x0  }
0x12b: {  	[sflag:s23] =	ssyncadd.s32 $0xFFFFF000  }
0x12c: {  	[spmem:s3] =	stream.indirect.scatter [tilespmem:s25], [sflag:$0x2], $0x1, s21, s20, $0xb8;
	[tilespmem:$0x1E128] =	vst v63  }
0x12d: {  	_ =	swait.ge [sflag:s23], $0x80  }
0x12e: {  	s5 =	sadd.s32 s5, s14;
	[sflag:s23] =	ssyncset.done $0x0  }
0x12f: {  	v3 =	vor.u32 s5, v2;
	s15 =	sadd.s32 $0x10, s5;
	s16 =	sadd.s32 $0x20, s5;
	[sflag:s23] =	ssyncadd.s32 $0xFFFFFF80  }
0x130: {  	s19 =	sadd.s32 $0x70, s5;
	v4 =	vor.u32 s16, v2;
	s16 =	sadd.s32 $0x50, s5;
	[tilespmem:$0x1AE20] =	vst v3;
	v3 =	vor.u32 s15, v2;
	s15 =	sadd.s32 $0x40, s5  }
0x131: {  	s24 =	sadd.s32 $0x30, s5;
	v6 =	vor.u32 s19, v2;
	v5 =	vor.u32 s16, v2;
	s5 =	sadd.s32 $0x60, s5;
	[tilespmem:$0x1AE30] =	vst v3;
	v3 =	vor.u32 s15, v2  }
0x132: {  	v7 =	vor.u32 s24, v2;
	v8 =	vor.u32 s5, v2;
	[tilespmem:$0x1AE90] =	vst v6  }
0x133: {  	[tilespmem:$0x1AE40] =	vst v4  }
.Ltmp1:
0x134: {  	[tilespmem:$0x1AE70] =	vst v5;
	(pc) =	sbr.rel @p0 .LBB2_2-.Ltmp1, $4  }
0x135: {  	[tilespmem:$0x1AE60] =	vst v3  }
0x136: {  	[tilespmem:$0x1AE50] =	vst v7  }
0x137: {  	[tilespmem:$0x1AE80] =	vst v8  }
0x138: {  	[spmem:s2] =	stream.indirect.scatter [tilespmem:s22], [sflag:$0x2], $0x20, s21, s20, $0xb8;
	[tilespmem:$0x1E128] =	vst v63  }
.LBB2_3:
0x139: {  	_ =	swait.ge [sflag:s23], $0x1000  }
0x13a: {  	[sflag:s23] =	ssyncset.done $0x0  }
0x13b: {  	[sflag:s23] =	ssyncadd.s32 $0xFFFFF000  }
0x13c: {  	[spmem:s3] =	stream.indirect.scatter [tilespmem:s25], [sflag:$0x2], $0x1, s21, s20, $0xb8;
	[tilespmem:$0x1E128] =	vst v63  }
0x13d: {  	_ =	swait.ge [sflag:s23], $0x80  }
0x13e: {  	[sflag:s23] =	ssyncset.done $0x0  }
0x13f: {  	s15 =	simm.s32 $0x0;
	s0 =	rddreg [dreg:$0x8];
	[sflag:s23] =	ssyncadd.s32 $0xFFFFFF80  }
0x140: {  	[tilespmem:s15], [sflag:$0x2] =	stream.linear.gather [hbm4b:s0+s15], $0xC400, $0x38;
	[tilespmem:$0x1E128] =	vst v63  }
0x141: {  	_ =	swait.ge [sflag:s23], $0xC400  }
0x142: {  	[sflag:s23] =	ssyncset.done $0x0  }
0x143: {  	s5 =	rddreg [dreg:$0x9];
	[sflag:s23] =	ssyncadd.s32 $0xFFFF3C00  }
0x144: {  	[tilespmem:s26], [sflag:$0x2] =	stream.linear.gather [hbm4b:s5+s15], $0xC400, $0x38;
	[tilespmem:$0x1E128] =	vst v63  }
0x145: {  	_ =	swait.ge [sflag:s23], $0xC400  }
0x146: {  	[sflag:s23] =	ssyncset.done $0x0  }
0x147: {  	s1 =	simm.s32 $0x18800;
	s16 =	rddreg [dreg:$0x6];
	[sflag:s23] =	ssyncadd.s32 $0xFFFF3C00  }
0x148: {  	[tilespmem:s1], [sflag:$0x2] =	stream.linear.gather [hbm4b:s16+s15], $0x10, $0x38;
	[tilespmem:$0x1E128] =	vst v63  }
0x149: {  	_ =	swait.ge [sflag:s23], $0x10  }
0x14a: {  	[sflag:s23] =	ssyncset.done $0x0  }
0x14b: {  	s24 =	simm.s32 $0x18810;
	s19 =	rddreg [dreg:$0x7];
	[sflag:s23] =	ssyncadd.s32 $0xFFFFFFF0  }
0x14c: {  	[tilespmem:s24], [sflag:$0x2] =	stream.linear.gather [hbm4b:s19+s15], $0x10, $0x38;
	[tilespmem:$0x1E128] =	vst v63  }
0x14d: {  	_ =	swait.ge [sflag:s23], $0x10  }
0x14e: {  	[sflag:s23] =	ssyncset.done $0x0  }
0x14f: {  	[sflag:s23] =	ssyncadd.s32 $0xFFFFFFF0  }
0x150: {  	s0 =	simm.s32 $0x18820;
	s16 =	simm.s32 $0x0;
	[bflag:$0x0] =	sbarrier.arrive $0xFFFF  }
.LBB2_4:
0x151: {  	s1 =	sshll.u32 s16, $0x8  }
0x152: {  	s1 =	sadd.s32 s12, s1  }
0x153: {  	s1 =	sshrl.u32 s1, $0x3  }
0x154: {  	s5 =	sadd.s32 s6, s1  }
0x155: {  	[tilespmem:s0], [sflag:$0x2] =	stream.linear.gather [hbm4b:s5+s15], $0x100, $0x38;
	[tilespmem:$0x1E128] =	vst v63  }
0x156: {  	_ =	swait.ge [sflag:s23], $0x100  }
0x157: {  	[sflag:s23] =	ssyncset.done $0x0  }
0x158: {  	s1 =	sadd.s32 s30, s1;
	[sflag:s23] =	ssyncadd.s32 $0xFFFFFF00  }
0x159: {  	[tilespmem:s31], [sflag:$0x2] =	stream.linear.gather [hbm4b:s1+s15], $0x100, $0x38;
	[tilespmem:$0x1E128] =	vst v63  }
0x15a: {  	_ =	swait.ge [sflag:s23], $0x100  }
0x15b: {  	[sflag:s23] =	ssyncset.done $0x0  }
0x15c: {  	[sflag:s23] =	ssyncadd.s32 $0xFFFFFF00  }
0x15d: {  	v5 =	vld [tilespmem:$0x18820]  }
0x15e: {  	v6 =	vld [tilespmem:$0x18920];
	_ =	sdelay $0x6  }
0x15f: {  	v4 =	vld.idx.msk [tilespmem:v5+s15+$0x0], $0xffff  }
0x160: {  	v7 =	vld.idx.msk [tilespmem:v6+s26+$0x0], $0xffff;
	_ =	sdelay $0x4  }
0x161: {  	v3 =	vadd.f32 v7, v4;
	_ =	sdelay $0x1  }
0x162: {  	v8 =	vmul.f32 $2.000000030e-01, v3;
	_ =	sdelay $0x1  }
0x163: {  	v3 =	vmax.f32 v3, v8  }
0x164: {  	v3 =	vmul.f32 $1.442695020e+00, v3;
	_ =	sdelay $0x1  }
0x165: {  	(erf) = vpow2.f32 v3;
	_ =	sdelay $0x7  }
0x166: {  	v3 =	vld [tilespmem:$0x18800]  }
0x167: {  	vm0 =	veq.s32 v5, v6;
	v7 =	vmul.f32 v7, v4;
	v8 =	vpop (erf)  }
0x168: {  	v8 =	vsel vm0, $0x0, v8  }
0x169: {  	v4 =	vld [tilespmem:$0x18810];
	v8 =	vsub.f32 v8, v7;
	_ =	sdelay $0x1  }
0x16a: {  	v8 =	vmul.f32 v8, v3  }
0x16b: {  	v9 =	vld [tilespmem:$0x18830]  }
0x16c: {  	v7 =	vadd.f32 v8, v7;
	v8 =	vld [tilespmem:$0x18930]  }
0x16d: {  	v6 =	vsub.s32 v6, v4  }
0x16e: {  	v5 =	vadd.s32 v0, v5;
	vm9 =	vlt.u32 v6, $0x1880  }
0x16f: {  	[tilespmem:$0x18A20] =	vst v5;
	v5 =	vnsel vm9, $0x0, v6  }
0x170: {  	[tilespmem:$0x18920] =	vst v5;
	v7 =	vnsel vm9, $0x0, v7  }
0x171: {  	[tilespmem:$0x18B20] =	vst v7  }
0x172: {  	[tilespmem:$0x1AC20] =	vst v7  }
0x173: {  	v5 =	vld.idx.msk [tilespmem:v9+s15+$0x0], $0xffff  }
0x174: {  	v6 =	vld.idx.msk [tilespmem:v8+s26+$0x0], $0xffff;
	_ =	sdelay $0x4  }
0x175: {  	v7 =	vadd.f32 v6, v5;
	_ =	sdelay $0x1  }
0x176: {  	v10 =	vmul.f32 $2.000000030e-01, v7;
	_ =	sdelay $0x1  }
0x177: {  	v7 =	vmax.f32 v7, v10  }
0x178: {  	v7 =	vmul.f32 $1.442695020e+00, v7;
	_ =	sdelay $0x1  }
0x179: {  	(erf) = vpow2.f32 v7;
	_ =	sdelay $0x8  }
0x17a: {  	vm10 =	veq.s32 v9, v8;
	v5 =	vmul.f32 v6, v5;
	v7 =	vpop (erf)  }
0x17b: {  	v6 =	vsel vm10, $0x0, v7  }
0x17c: {  	v6 =	vsub.f32 v6, v5;
	_ =	sdelay $0x1  }
0x17d: {  	v6 =	vmul.f32 v6, v3  }
0x17e: {  	v7 =	vld [tilespmem:$0x18840]  }
0x17f: {  	v5 =	vadd.f32 v6, v5;
	v6 =	vsub.s32 v8, v4;
	v8 =	vld [tilespmem:$0x18940];
	_ =	sdelay $0x1  }
0x180: {  	v9 =	vadd.s32 v0, v9;
	vm11 =	vlt.u32 v6, $0x1880  }
0x181: {  	[tilespmem:$0x18A30] =	vst v9;
	v5 =	vnsel vm11, $0x0, v5  }
0x182: {  	[tilespmem:$0x18B30] =	vst v5  }
0x183: {  	v6 =	vnsel vm11, $0x0, v6;
	[tilespmem:$0x1AC30] =	vst v5  }
0x184: {  	[tilespmem:$0x18930] =	vst v6  }
0x185: {  	v5 =	vld.idx.msk [tilespmem:v7+s15+$0x0], $0xffff  }
0x186: {  	v6 =	vld.idx.msk [tilespmem:v8+s26+$0x0], $0xffff;
	_ =	sdelay $0x4  }
0x187: {  	v9 =	vadd.f32 v6, v5;
	_ =	sdelay $0x1  }
0x188: {  	v10 =	vmul.f32 $2.000000030e-01, v9;
	_ =	sdelay $0x1  }
0x189: {  	v9 =	vmax.f32 v9, v10  }
0x18a: {  	v9 =	vmul.f32 $1.442695020e+00, v9;
	_ =	sdelay $0x1  }
0x18b: {  	(erf) = vpow2.f32 v9;
	_ =	sdelay $0x8  }
0x18c: {  	vm12 =	veq.s32 v7, v8;
	v5 =	vmul.f32 v6, v5;
	v9 =	vpop (erf)  }
0x18d: {  	v6 =	vsel vm12, $0x0, v9  }
0x18e: {  	v6 =	vsub.f32 v6, v5;
	_ =	sdelay $0x1  }
0x18f: {  	v6 =	vmul.f32 v6, v3  }
0x190: {  	v9 =	vld [tilespmem:$0x18850]  }
0x191: {  	v5 =	vadd.f32 v6, v5;
	v6 =	vsub.s32 v8, v4;
	v8 =	vld [tilespmem:$0x18950];
	_ =	sdelay $0x1  }
0x192: {  	v7 =	vadd.s32 v0, v7;
	vm13 =	vlt.u32 v6, $0x1880  }
0x193: {  	[tilespmem:$0x18A40] =	vst v7;
	v5 =	vnsel vm13, $0x0, v5  }
0x194: {  	[tilespmem:$0x18B40] =	vst v5  }
0x195: {  	v6 =	vnsel vm13, $0x0, v6;
	[tilespmem:$0x1AC40] =	vst v5  }
0x196: {  	[tilespmem:$0x18940] =	vst v6  }
0x197: {  	v5 =	vld.idx.msk [tilespmem:v9+s15+$0x0], $0xffff  }
0x198: {  	v6 =	vld.idx.msk [tilespmem:v8+s26+$0x0], $0xffff;
	_ =	sdelay $0x4  }
0x199: {  	v7 =	vadd.f32 v6, v5;
	_ =	sdelay $0x1  }
0x19a: {  	v10 =	vmul.f32 $2.000000030e-01, v7;
	_ =	sdelay $0x1  }
0x19b: {  	v7 =	vmax.f32 v7, v10  }
0x19c: {  	v7 =	vmul.f32 $1.442695020e+00, v7;
	_ =	sdelay $0x1  }
0x19d: {  	(erf) = vpow2.f32 v7;
	_ =	sdelay $0x8  }
0x19e: {  	vm14 =	veq.s32 v9, v8;
	v5 =	vmul.f32 v6, v5;
	v7 =	vpop (erf)  }
0x19f: {  	v6 =	vsel vm14, $0x0, v7  }
0x1a0: {  	v6 =	vsub.f32 v6, v5;
	_ =	sdelay $0x1  }
0x1a1: {  	v6 =	vmul.f32 v6, v3  }
0x1a2: {  	v7 =	vld [tilespmem:$0x18860]  }
0x1a3: {  	v5 =	vadd.f32 v6, v5;
	v6 =	vsub.s32 v8, v4;
	v8 =	vld [tilespmem:$0x18960];
	_ =	sdelay $0x1  }
0x1a4: {  	v9 =	vadd.s32 v0, v9;
	vm15 =	vlt.u32 v6, $0x1880  }
0x1a5: {  	[tilespmem:$0x18A50] =	vst v9;
	v5 =	vnsel vm15, $0x0, v5  }
0x1a6: {  	[tilespmem:$0x18B50] =	vst v5  }
0x1a7: {  	v6 =	vnsel vm15, $0x0, v6;
	[tilespmem:$0x1AC50] =	vst v5  }
0x1a8: {  	[tilespmem:$0x18950] =	vst v6  }
0x1a9: {  	v5 =	vld.idx.msk [tilespmem:v7+s15+$0x0], $0xffff  }
0x1aa: {  	v6 =	vld.idx.msk [tilespmem:v8+s26+$0x0], $0xffff;
	_ =	sdelay $0x4  }
0x1ab: {  	v9 =	vadd.f32 v6, v5;
	_ =	sdelay $0x1  }
0x1ac: {  	v10 =	vmul.f32 $2.000000030e-01, v9;
	_ =	sdelay $0x1  }
0x1ad: {  	v9 =	vmax.f32 v9, v10  }
0x1ae: {  	v9 =	vmul.f32 $1.442695020e+00, v9;
	_ =	sdelay $0x1  }
0x1af: {  	(erf) = vpow2.f32 v9;
	_ =	sdelay $0x8  }
0x1b0: {  	vm4 =	veq.s32 v7, v8;
	v5 =	vmul.f32 v6, v5;
	v9 =	vpop (erf)  }
0x1b1: {  	v6 =	vsel vm4, $0x0, v9  }
0x1b2: {  	v6 =	vsub.f32 v6, v5;
	_ =	sdelay $0x1  }
0x1b3: {  	v6 =	vmul.f32 v6, v3  }
0x1b4: {  	v9 =	vld [tilespmem:$0x18870]  }
0x1b5: {  	v5 =	vadd.f32 v6, v5;
	v6 =	vsub.s32 v8, v4;
	v8 =	vld [tilespmem:$0x18970];
	_ =	sdelay $0x1  }
0x1b6: {  	v7 =	vadd.s32 v0, v7;
	vm5 =	vlt.u32 v6, $0x1880  }
0x1b7: {  	[tilespmem:$0x18A60] =	vst v7;
	v5 =	vnsel vm5, $0x0, v5  }
0x1b8: {  	[tilespmem:$0x18B60] =	vst v5  }
0x1b9: {  	v6 =	vnsel vm5, $0x0, v6;
	[tilespmem:$0x1AC60] =	vst v5  }
0x1ba: {  	[tilespmem:$0x18960] =	vst v6  }
0x1bb: {  	v5 =	vld.idx.msk [tilespmem:v9+s15+$0x0], $0xffff  }
0x1bc: {  	v6 =	vld.idx.msk [tilespmem:v8+s26+$0x0], $0xffff;
	_ =	sdelay $0x4  }
0x1bd: {  	v7 =	vadd.f32 v6, v5;
	_ =	sdelay $0x1  }
0x1be: {  	v10 =	vmul.f32 $2.000000030e-01, v7;
	_ =	sdelay $0x1  }
0x1bf: {  	v7 =	vmax.f32 v7, v10  }
0x1c0: {  	v7 =	vmul.f32 $1.442695020e+00, v7;
	_ =	sdelay $0x1  }
0x1c1: {  	(erf) = vpow2.f32 v7;
	_ =	sdelay $0x8  }
0x1c2: {  	vm6 =	veq.s32 v9, v8;
	v5 =	vmul.f32 v6, v5;
	v7 =	vpop (erf)  }
0x1c3: {  	v6 =	vsel vm6, $0x0, v7  }
0x1c4: {  	v6 =	vsub.f32 v6, v5;
	_ =	sdelay $0x1  }
0x1c5: {  	v6 =	vmul.f32 v6, v3  }
0x1c6: {  	v7 =	vld [tilespmem:$0x18880]  }
0x1c7: {  	v5 =	vadd.f32 v6, v5;
	v6 =	vsub.s32 v8, v4;
	v8 =	vld [tilespmem:$0x18980];
	_ =	sdelay $0x1  }
0x1c8: {  	v9 =	vadd.s32 v0, v9;
	vm7 =	vlt.u32 v6, $0x1880  }
0x1c9: {  	[tilespmem:$0x18A70] =	vst v9;
	v5 =	vnsel vm7, $0x0, v5  }
0x1ca: {  	[tilespmem:$0x18B70] =	vst v5  }
0x1cb: {  	v6 =	vnsel vm7, $0x0, v6;
	[tilespmem:$0x1AC70] =	vst v5  }
0x1cc: {  	[tilespmem:$0x18970] =	vst v6  }
0x1cd: {  	v5 =	vld.idx.msk [tilespmem:v7+s15+$0x0], $0xffff  }
0x1ce: {  	v6 =	vld.idx.msk [tilespmem:v8+s26+$0x0], $0xffff;
	_ =	sdelay $0x4  }
0x1cf: {  	v9 =	vadd.f32 v6, v5;
	_ =	sdelay $0x1  }
0x1d0: {  	v10 =	vmul.f32 $2.000000030e-01, v9;
	_ =	sdelay $0x1  }
0x1d1: {  	v9 =	vmax.f32 v9, v10  }
0x1d2: {  	v9 =	vmul.f32 $1.442695020e+00, v9;
	_ =	sdelay $0x1  }
0x1d3: {  	(erf) = vpow2.f32 v9;
	_ =	sdelay $0x8  }
0x1d4: {  	vm8 =	veq.s32 v7, v8;
	v5 =	vmul.f32 v6, v5;
	v9 =	vpop (erf)  }
0x1d5: {  	v6 =	vsel vm8, $0x0, v9  }
0x1d6: {  	v6 =	vsub.f32 v6, v5;
	_ =	sdelay $0x1  }
0x1d7: {  	v6 =	vmul.f32 v6, v3  }
0x1d8: {  	v9 =	vld [tilespmem:$0x18890]  }
0x1d9: {  	v5 =	vadd.f32 v6, v5;
	v6 =	vsub.s32 v8, v4;
	v8 =	vld [tilespmem:$0x18990];
	_ =	sdelay $0x1  }
0x1da: {  	v7 =	vadd.s32 v0, v7;
	vm9 =	vlt.u32 v6, $0x1880  }
0x1db: {  	[tilespmem:$0x18A80] =	vst v7;
	v5 =	vnsel vm9, $0x0, v5  }
0x1dc: {  	[tilespmem:$0x18B80] =	vst v5  }
0x1dd: {  	v6 =	vnsel vm9, $0x0, v6;
	[tilespmem:$0x1AC80] =	vst v5  }
0x1de: {  	[tilespmem:$0x18980] =	vst v6  }
0x1df: {  	v5 =	vld.idx.msk [tilespmem:v9+s15+$0x0], $0xffff  }
0x1e0: {  	v6 =	vld.idx.msk [tilespmem:v8+s26+$0x0], $0xffff;
	_ =	sdelay $0x4  }
0x1e1: {  	v7 =	vadd.f32 v6, v5;
	_ =	sdelay $0x1  }
0x1e2: {  	v10 =	vmul.f32 $2.000000030e-01, v7;
	_ =	sdelay $0x1  }
0x1e3: {  	v7 =	vmax.f32 v7, v10  }
0x1e4: {  	v7 =	vmul.f32 $1.442695020e+00, v7;
	_ =	sdelay $0x1  }
0x1e5: {  	(erf) = vpow2.f32 v7;
	_ =	sdelay $0x8  }
0x1e6: {  	vm10 =	veq.s32 v9, v8;
	v5 =	vmul.f32 v6, v5;
	v7 =	vpop (erf)  }
0x1e7: {  	v6 =	vsel vm10, $0x0, v7  }
0x1e8: {  	v6 =	vsub.f32 v6, v5;
	_ =	sdelay $0x1  }
0x1e9: {  	v6 =	vmul.f32 v6, v3  }
0x1ea: {  	v7 =	vld [tilespmem:$0x188A0]  }
0x1eb: {  	v5 =	vadd.f32 v6, v5;
	v6 =	vsub.s32 v8, v4;
	v8 =	vld [tilespmem:$0x189A0];
	_ =	sdelay $0x1  }
0x1ec: {  	v9 =	vadd.s32 v0, v9;
	vm11 =	vlt.u32 v6, $0x1880  }
0x1ed: {  	[tilespmem:$0x18A90] =	vst v9;
	v5 =	vnsel vm11, $0x0, v5  }
0x1ee: {  	[tilespmem:$0x18B90] =	vst v5  }
0x1ef: {  	v6 =	vnsel vm11, $0x0, v6;
	[tilespmem:$0x1AC90] =	vst v5  }
0x1f0: {  	[tilespmem:$0x18990] =	vst v6  }
0x1f1: {  	v5 =	vld.idx.msk [tilespmem:v7+s15+$0x0], $0xffff  }
0x1f2: {  	v6 =	vld.idx.msk [tilespmem:v8+s26+$0x0], $0xffff;
	_ =	sdelay $0x4  }
0x1f3: {  	v9 =	vadd.f32 v6, v5;
	_ =	sdelay $0x1  }
0x1f4: {  	v10 =	vmul.f32 $2.000000030e-01, v9;
	_ =	sdelay $0x1  }
0x1f5: {  	v9 =	vmax.f32 v9, v10  }
0x1f6: {  	v9 =	vmul.f32 $1.442695020e+00, v9;
	_ =	sdelay $0x1  }
0x1f7: {  	(erf) = vpow2.f32 v9;
	_ =	sdelay $0x8  }
0x1f8: {  	vm12 =	veq.s32 v7, v8;
	v5 =	vmul.f32 v6, v5;
	v9 =	vpop (erf)  }
0x1f9: {  	v6 =	vsel vm12, $0x0, v9  }
0x1fa: {  	v6 =	vsub.f32 v6, v5;
	_ =	sdelay $0x1  }
0x1fb: {  	v6 =	vmul.f32 v6, v3  }
0x1fc: {  	v9 =	vld [tilespmem:$0x188B0]  }
0x1fd: {  	v5 =	vadd.f32 v6, v5;
	v6 =	vsub.s32 v8, v4;
	v8 =	vld [tilespmem:$0x189B0];
	_ =	sdelay $0x1  }
0x1fe: {  	v7 =	vadd.s32 v0, v7;
	vm13 =	vlt.u32 v6, $0x1880  }
0x1ff: {  	[tilespmem:$0x18AA0] =	vst v7;
	v5 =	vnsel vm13, $0x0, v5  }
0x200: {  	[tilespmem:$0x18BA0] =	vst v5  }
0x201: {  	v6 =	vnsel vm13, $0x0, v6;
	[tilespmem:$0x1ACA0] =	vst v5  }
0x202: {  	[tilespmem:$0x189A0] =	vst v6  }
0x203: {  	v5 =	vld.idx.msk [tilespmem:v9+s15+$0x0], $0xffff  }
0x204: {  	v6 =	vld.idx.msk [tilespmem:v8+s26+$0x0], $0xffff;
	_ =	sdelay $0x4  }
0x205: {  	v7 =	vadd.f32 v6, v5;
	_ =	sdelay $0x1  }
0x206: {  	v10 =	vmul.f32 $2.000000030e-01, v7;
	_ =	sdelay $0x1  }
0x207: {  	v7 =	vmax.f32 v7, v10  }
0x208: {  	v7 =	vmul.f32 $1.442695020e+00, v7;
	_ =	sdelay $0x1  }
0x209: {  	(erf) = vpow2.f32 v7;
	_ =	sdelay $0x8  }
0x20a: {  	vm14 =	veq.s32 v9, v8;
	v5 =	vmul.f32 v6, v5;
	v7 =	vpop (erf)  }
0x20b: {  	v6 =	vsel vm14, $0x0, v7  }
0x20c: {  	v6 =	vsub.f32 v6, v5;
	_ =	sdelay $0x1  }
0x20d: {  	v6 =	vmul.f32 v6, v3  }
0x20e: {  	v7 =	vld [tilespmem:$0x188C0]  }
0x20f: {  	v5 =	vadd.f32 v6, v5;
	v6 =	vsub.s32 v8, v4;
	v8 =	vld [tilespmem:$0x189C0];
	_ =	sdelay $0x1  }
0x210: {  	v9 =	vadd.s32 v0, v9;
	vm15 =	vlt.u32 v6, $0x1880  }
0x211: {  	[tilespmem:$0x18AB0] =	vst v9;
	v5 =	vnsel vm15, $0x0, v5  }
0x212: {  	[tilespmem:$0x18BB0] =	vst v5  }
0x213: {  	v6 =	vnsel vm15, $0x0, v6;
	[tilespmem:$0x1ACB0] =	vst v5  }
0x214: {  	[tilespmem:$0x189B0] =	vst v6  }
0x215: {  	v5 =	vld.idx.msk [tilespmem:v7+s15+$0x0], $0xffff  }
0x216: {  	v6 =	vld.idx.msk [tilespmem:v8+s26+$0x0], $0xffff;
	_ =	sdelay $0x4  }
0x217: {  	v9 =	vadd.f32 v6, v5;
	_ =	sdelay $0x1  }
0x218: {  	v10 =	vmul.f32 $2.000000030e-01, v9;
	_ =	sdelay $0x1  }
0x219: {  	v9 =	vmax.f32 v9, v10  }
0x21a: {  	v9 =	vmul.f32 $1.442695020e+00, v9;
	_ =	sdelay $0x1  }
0x21b: {  	(erf) = vpow2.f32 v9;
	_ =	sdelay $0x8  }
0x21c: {  	vm4 =	veq.s32 v7, v8;
	v5 =	vmul.f32 v6, v5;
	v9 =	vpop (erf)  }
0x21d: {  	v6 =	vsel vm4, $0x0, v9  }
0x21e: {  	v6 =	vsub.f32 v6, v5;
	_ =	sdelay $0x1  }
0x21f: {  	v6 =	vmul.f32 v6, v3  }
0x220: {  	v9 =	vld [tilespmem:$0x188D0]  }
0x221: {  	v5 =	vadd.f32 v6, v5;
	v6 =	vsub.s32 v8, v4;
	v8 =	vld [tilespmem:$0x189D0];
	_ =	sdelay $0x1  }
0x222: {  	v7 =	vadd.s32 v0, v7;
	vm5 =	vlt.u32 v6, $0x1880  }
0x223: {  	[tilespmem:$0x18AC0] =	vst v7;
	v5 =	vnsel vm5, $0x0, v5  }
0x224: {  	[tilespmem:$0x18BC0] =	vst v5  }
0x225: {  	v6 =	vnsel vm5, $0x0, v6;
	[tilespmem:$0x1ACC0] =	vst v5  }
0x226: {  	[tilespmem:$0x189C0] =	vst v6  }
0x227: {  	v5 =	vld.idx.msk [tilespmem:v9+s15+$0x0], $0xffff  }
0x228: {  	v6 =	vld.idx.msk [tilespmem:v8+s26+$0x0], $0xffff;
	_ =	sdelay $0x4  }
0x229: {  	v7 =	vadd.f32 v6, v5;
	_ =	sdelay $0x1  }
0x22a: {  	v10 =	vmul.f32 $2.000000030e-01, v7;
	_ =	sdelay $0x1  }
0x22b: {  	v7 =	vmax.f32 v7, v10  }
0x22c: {  	v7 =	vmul.f32 $1.442695020e+00, v7;
	_ =	sdelay $0x1  }
0x22d: {  	(erf) = vpow2.f32 v7;
	_ =	sdelay $0x8  }
0x22e: {  	vm6 =	veq.s32 v9, v8;
	v5 =	vmul.f32 v6, v5;
	v7 =	vpop (erf)  }
0x22f: {  	v6 =	vsel vm6, $0x0, v7  }
0x230: {  	v6 =	vsub.f32 v6, v5;
	_ =	sdelay $0x1  }
0x231: {  	v6 =	vmul.f32 v6, v3  }
0x232: {  	v7 =	vld [tilespmem:$0x188E0]  }
0x233: {  	v5 =	vadd.f32 v6, v5;
	v6 =	vsub.s32 v8, v4;
	v8 =	vld [tilespmem:$0x189E0];
	_ =	sdelay $0x1  }
0x234: {  	v9 =	vadd.s32 v0, v9;
	vm7 =	vlt.u32 v6, $0x1880  }
0x235: {  	[tilespmem:$0x18AD0] =	vst v9;
	v5 =	vnsel vm7, $0x0, v5  }
0x236: {  	[tilespmem:$0x18BD0] =	vst v5  }
0x237: {  	v6 =	vnsel vm7, $0x0, v6;
	[tilespmem:$0x1ACD0] =	vst v5  }
0x238: {  	[tilespmem:$0x189D0] =	vst v6  }
0x239: {  	v5 =	vld.idx.msk [tilespmem:v7+s15+$0x0], $0xffff  }
0x23a: {  	v6 =	vld.idx.msk [tilespmem:v8+s26+$0x0], $0xffff;
	_ =	sdelay $0x4  }
0x23b: {  	v9 =	vadd.f32 v6, v5;
	_ =	sdelay $0x1  }
0x23c: {  	v10 =	vmul.f32 $2.000000030e-01, v9;
	_ =	sdelay $0x1  }
0x23d: {  	v9 =	vmax.f32 v9, v10  }
0x23e: {  	v9 =	vmul.f32 $1.442695020e+00, v9;
	_ =	sdelay $0x1  }
0x23f: {  	(erf) = vpow2.f32 v9;
	_ =	sdelay $0x8  }
0x240: {  	vm8 =	veq.s32 v7, v8;
	v5 =	vmul.f32 v6, v5;
	v9 =	vpop (erf)  }
0x241: {  	v6 =	vsel vm8, $0x0, v9  }
0x242: {  	v6 =	vsub.f32 v6, v5;
	_ =	sdelay $0x1  }
0x243: {  	v6 =	vmul.f32 v6, v3  }
0x244: {  	v9 =	vld [tilespmem:$0x188F0]  }
0x245: {  	v5 =	vadd.f32 v6, v5;
	v6 =	vsub.s32 v8, v4;
	v8 =	vld [tilespmem:$0x189F0];
	_ =	sdelay $0x1  }
0x246: {  	v7 =	vadd.s32 v0, v7;
	vm9 =	vlt.u32 v6, $0x1880  }
0x247: {  	[tilespmem:$0x18AE0] =	vst v7;
	v5 =	vnsel vm9, $0x0, v5  }
0x248: {  	[tilespmem:$0x18BE0] =	vst v5  }
0x249: {  	v6 =	vnsel vm9, $0x0, v6;
	[tilespmem:$0x1ACE0] =	vst v5  }
0x24a: {  	[tilespmem:$0x189E0] =	vst v6  }
0x24b: {  	v5 =	vld.idx.msk [tilespmem:v9+s15+$0x0], $0xffff  }
0x24c: {  	v6 =	vld.idx.msk [tilespmem:v8+s26+$0x0], $0xffff;
	_ =	sdelay $0x4  }
0x24d: {  	v7 =	vadd.f32 v6, v5;
	_ =	sdelay $0x1  }
0x24e: {  	v10 =	vmul.f32 $2.000000030e-01, v7;
	_ =	sdelay $0x1  }
0x24f: {  	v7 =	vmax.f32 v7, v10  }
0x250: {  	v7 =	vmul.f32 $1.442695020e+00, v7;
	_ =	sdelay $0x1  }
0x251: {  	(erf) = vpow2.f32 v7;
	_ =	sdelay $0x8  }
0x252: {  	vm10 =	veq.s32 v9, v8;
	v5 =	vmul.f32 v6, v5;
	v7 =	vpop (erf)  }
0x253: {  	v6 =	vsel vm10, $0x0, v7  }
0x254: {  	v6 =	vsub.f32 v6, v5;
	_ =	sdelay $0x1  }
0x255: {  	v6 =	vmul.f32 v6, v3  }
0x256: {  	v7 =	vld [tilespmem:$0x18900]  }
0x257: {  	v5 =	vadd.f32 v6, v5;
	v6 =	vsub.s32 v8, v4;
	v8 =	vld [tilespmem:$0x18A00];
	_ =	sdelay $0x1  }
0x258: {  	v9 =	vadd.s32 v0, v9;
	vm11 =	vlt.u32 v6, $0x1880  }
0x259: {  	[tilespmem:$0x18AF0] =	vst v9;
	v5 =	vnsel vm11, $0x0, v5  }
0x25a: {  	[tilespmem:$0x18BF0] =	vst v5  }
0x25b: {  	v6 =	vnsel vm11, $0x0, v6;
	[tilespmem:$0x1ACF0] =	vst v5  }
0x25c: {  	[tilespmem:$0x189F0] =	vst v6  }
0x25d: {  	v5 =	vld.idx.msk [tilespmem:v7+s15+$0x0], $0xffff  }
0x25e: {  	v6 =	vld.idx.msk [tilespmem:v8+s26+$0x0], $0xffff;
	_ =	sdelay $0x4  }
0x25f: {  	v9 =	vadd.f32 v6, v5;
	_ =	sdelay $0x1  }
0x260: {  	v10 =	vmul.f32 $2.000000030e-01, v9;
	_ =	sdelay $0x1  }
0x261: {  	v9 =	vmax.f32 v9, v10  }
0x262: {  	v9 =	vmul.f32 $1.442695020e+00, v9;
	_ =	sdelay $0x1  }
0x263: {  	(erf) = vpow2.f32 v9;
	_ =	sdelay $0x8  }
0x264: {  	vm12 =	veq.s32 v7, v8;
	v5 =	vmul.f32 v6, v5;
	v9 =	vpop (erf)  }
0x265: {  	v6 =	vsel vm12, $0x0, v9  }
0x266: {  	v6 =	vsub.f32 v6, v5;
	_ =	sdelay $0x1  }
0x267: {  	v6 =	vmul.f32 v6, v3  }
0x268: {  	v9 =	vld [tilespmem:$0x18910]  }
0x269: {  	v5 =	vadd.f32 v6, v5;
	v6 =	vsub.s32 v8, v4;
	v8 =	vld [tilespmem:$0x18A10];
	_ =	sdelay $0x1  }
0x26a: {  	v7 =	vadd.s32 v0, v7;
	vm13 =	vlt.u32 v6, $0x1880  }
0x26b: {  	[tilespmem:$0x18B00] =	vst v7;
	v5 =	vnsel vm13, $0x0, v5  }
0x26c: {  	[tilespmem:$0x18C00] =	vst v5  }
0x26d: {  	v6 =	vnsel vm13, $0x0, v6;
	[tilespmem:$0x1AD00] =	vst v5  }
0x26e: {  	[tilespmem:$0x18A00] =	vst v6  }
0x26f: {  	v5 =	vld.idx.msk [tilespmem:v9+s15+$0x0], $0xffff  }
0x270: {  	v6 =	vld.idx.msk [tilespmem:v8+s26+$0x0], $0xffff;
	_ =	sdelay $0x4  }
0x271: {  	v7 =	vadd.f32 v6, v5;
	_ =	sdelay $0x1  }
0x272: {  	v10 =	vmul.f32 $2.000000030e-01, v7;
	_ =	sdelay $0x1  }
0x273: {  	v7 =	vmax.f32 v7, v10  }
0x274: {  	v7 =	vmul.f32 $1.442695020e+00, v7;
	_ =	sdelay $0x1  }
0x275: {  	(erf) = vpow2.f32 v7;
	_ =	sdelay $0x8  }
0x276: {  	vm14 =	veq.s32 v9, v8;
	v5 =	vmul.f32 v6, v5;
	v7 =	vpop (erf)  }
0x277: {  	v6 =	vsel vm14, $0x0, v7  }
0x278: {  	v6 =	vsub.f32 v6, v5;
	_ =	sdelay $0x1  }
0x279: {  	v4 =	vsub.s32 v8, v4;
	v3 =	vmul.f32 v6, v3  }
0x27a: {  	vm15 =	vlt.u32 v4, $0x1880  }
0x27b: {  	v4 =	vnsel vm15, $0x0, v4;
	v3 =	vadd.f32 v3, v5  }
0x27c: {  	[tilespmem:$0x18A10] =	vst v4;
	v5 =	vadd.s32 v0, v9  }
0x27d: {  	[tilespmem:$0x18B10] =	vst v5;
	v3 =	vnsel vm15, $0x0, v3  }
0x27e: {  	[tilespmem:$0x18C10] =	vst v3  }
0x27f: {  	s5 =	simm.s32 $0x18A20;
	[tilespmem:$0x1AD10] =	vst v3  }
0x280: {  	[tilespmem:s22], [sflag:$0x1] =	stream.indirect.gather [hbm4b:s11+s20], $0x20, s5, s20, $0xb8;
	[tilespmem:$0x1E128] =	vst v63  }
0x281: {  	_ =	swait.ge [sflag:s28], $0x1000  }
0x282: {  	[sflag:s28] =	ssyncset.done $0x0  }
0x283: {  	[sflag:s28] =	ssyncadd.s32 $0xFFFFF000  }
0x284: {  	[tilespmem:s4], [sflag:$0x1] =	stream.indirect.gather [hbm4b:s11+s20], $0x20, s29, s20, $0xb8;
	[tilespmem:$0x1E128] =	vst v63  }
0x285: {  	_ =	swait.ge [sflag:s28], $0x1000  }
0x286: {  	[sflag:s28] =	ssyncset.done $0x0  }
0x287: {  	s24 =	simm.s32 $0x18D20;
	[sflag:s28] =	ssyncadd.s32 $0xFFFFF000  }
0x288: {  	v8 =	vld [tilespmem:s24+$0xFFFFFFA0]  }
0x289: {  	v6 =	vld [tilespmem:s24+$0xFFFFFFF0]  }
0x28a: {  	v3 =	vld [tilespmem:s24+$0xFFFFFF60]  }
0x28b: {  	v9 =	vld [tilespmem:s24+$0xFFFFFFD0]  }
0x28c: {  	v10 =	vld [tilespmem:s24+$0x80]  }
0x28d: {  	v13 =	vld [tilespmem:s24+$0xFFFFFF10]  }
0x28e: {  	v17 =	vld [tilespmem:s24+$0xE0]  }
0x28f: {  	v12 =	vld [tilespmem:s24+$0xFFFFFF40]  }
0x290: {  	s19 =	simm.s32 $0x0;
	v4 =	vld [tilespmem:s24+$0xFFFFFF90]  }
0x291: {  	v5 =	vld [tilespmem:s19+$0x18B20]  }
0x292: {  	v11 =	vld [tilespmem:s24+$0xFFFFFFC0]  }
0x293: {  	v14 =	vld [tilespmem:s24+$0xFFFFFF00]  }
0x294: {  	v15 =	vld [tilespmem:s24+$0xD0]  }
0x295: {  	v24 =	vld [tilespmem:s24+$0xC0]  }
0x296: {  	v22 =	vld [tilespmem:s24+$0x90];
	v20 =	vbroadcast v5, $0x0;
	v7 =	vbroadcast v5, $0xF  }
0x297: {  	v23 =	vld [tilespmem:s24+$0xFFFFFF50];
	v21 =	vbroadcast v5, $0x2;
	v19 =	vbroadcast v5, $0xE  }
0x298: {  	v18 =	vld [tilespmem:s24+$0xB0];
	v16 =	vbroadcast v5, $0xC;
	v26 =	vmul.f32 v20, v14  }
0x299: {  	s5 =	simm.s32 $0x18D20;
	s19 =	simm.s32 $0x40;
	v14 =	vbroadcast v5, $0xD;
	v25 =	vmul.f32 v12, v21;
	v12 =	vld [tilespmem:s24+$0x60]  }
.LBB2_5:
0x29a: {  	p0 =	sne.s32 s19, $0x3C0  }
0x29b: {  	[tilespmem:s24+$0xFFFFFF00] =	vst v26;
	v26 =	vld [tilespmem:s24+$0xFFFFFFB0];
	v24 =	vmul.f32 v24, v19;
	v17 =	vmul.f32 v17, v7;
	s5 =	sadd.s32 $0x200, s5;
	s1 =	smov.u32 s19;
	s19 =	sadd.s32 $0x40, s19  }
0x29c: {  	[tilespmem:s24+$0xFFFFFF40] =	vst v25;
	v25 =	vbroadcast v5, $0xA;
	v22 =	vmul.f32 v22, v16;
	v27 =	vld [tilespmem:s24+$0xA0]  }
0x29d: {  	v13 =	vmul.f32 v13, v20;
	v20 =	vmul.f32 v23, v21;
	v21 =	vld [tilespmem:s24+$0x70];
	[tilespmem:s24+$0xE0] =	vst v17  }
0x29e: {  	v17 =	vbroadcast v5, $0x5;
	v23 =	vld [tilespmem:s24+$0xFFFFFFE0];
	v18 =	vmul.f32 v18, v14;
	[tilespmem:s24+$0xC0] =	vst v24  }
0x29f: {  	v15 =	vmul.f32 v15, v19;
	[tilespmem:s24+$0xFFFFFF10] =	vst v13;
	v13 =	vbroadcast v5, $0x6;
	v24 =	vld [tilespmem:s24+$0x40]  }
0x2a0: {  	v28 =	vbroadcast v5, $0xB;
	v8 =	vmul.f32 v8, v17;
	v19 =	vld [tilespmem:s24+$0xFFFFFF20];
	[tilespmem:s24+$0x90] =	vst v22  }
0x2a1: {  	v22 =	vbroadcast v5, $0x9;
	[tilespmem:s24+$0xFFFFFF50] =	vst v20;
	v20 =	vld [tilespmem:s24+$0x20];
	v14 =	vmul.f32 v27, v14  }
0x2a2: {  	v17 =	vmul.f32 v26, v17;
	v26 =	vld [tilespmem:s24+$0x50];
	v21 =	vmul.f32 v21, v28;
	[tilespmem:s24+$0xD0] =	vst v15  }
0x2a3: {  	v10 =	vmul.f32 v10, v16;
	v15 =	vbroadcast v5, $0x7;
	v27 =	vld [tilespmem:s24+$0x30];
	[tilespmem:s24+$0xA0] =	vst v14  }
0x2a4: {  	v11 =	vmul.f32 v11, v13;
	v14 =	vbroadcast v5, $0x3;
	v16 =	vld [tilespmem:s24+$0x0];
	[tilespmem:s24+$0x70] =	vst v21  }
0x2a5: {  	v12 =	vmul.f32 v12, v28;
	v9 =	vmul.f32 v9, v13;
	v13 =	vld [tilespmem:s24+$0x10];
	[tilespmem:s24+$0x80] =	vst v10  }
0x2a6: {  	v21 =	vbroadcast v5, $0x8;
	v24 =	vmul.f32 v24, v25;
	v10 =	vld [tilespmem:s24+$0xFFFFFF30];
	[tilespmem:s24+$0xB0] =	vst v18  }
0x2a7: {  	v18 =	vbroadcast v5, $0x1;
	v28 =	vld [tilespmem:s24+$0xFFFFFF70];
	[tilespmem:s24+$0xFFFFFFD0] =	vst v9;
	v25 =	vmul.f32 v26, v25  }
0x2a8: {  	v6 =	vmul.f32 v6, v15;
	v9 =	vmul.f32 v23, v15;
	[tilespmem:s24+$0xFFFFFFC0] =	vst v11;
	v11 =	vld [tilespmem:s24+$0xF0]  }
0x2a9: {  	v23 =	vmul.f32 v27, v22;
	v15 =	vld [tilespmem:s24+$0xFFFFFF80];
	[tilespmem:s24+$0xFFFFFFA0] =	vst v8;
	v16 =	vmul.f32 v16, v21  }
0x2aa: {  	v8 =	vld [tilespmem:s5+$0xFFFFFFA0];
	[tilespmem:s24+$0xFFFFFFF0] =	vst v6;
	v21 =	vmul.f32 v13, v21;
	v13 =	vmul.f32 v20, v22  }
0x2ab: {  	v6 =	vmul.f32 v19, v18;
	v18 =	vmul.f32 v10, v18;
	[tilespmem:s24+$0x60] =	vst v12  }
0x2ac: {  	v3 =	vmul.f32 v3, v14;
	v10 =	vmul.f32 v28, v14;
	[tilespmem:s24+$0xFFFFFFB0] =	vst v17  }
0x2ad: {  	v5 =	vbroadcast v5, $0x4;
	[tilespmem:s24+$0xFFFFFF20] =	vst v6;
	v6 =	vmul.f32 v11, v7  }
0x2ae: {  	[tilespmem:s24+$0xFFFFFF60] =	vst v3  }
0x2af: {  	v7 =	vmul.f32 v15, v5;
	v3 =	vmul.f32 v4, v5;
	[tilespmem:s24+$0x40] =	vst v24  }
0x2b0: {  	[tilespmem:s24+$0xFFFFFFE0] =	vst v9  }
0x2b1: {  	[tilespmem:s24+$0xF0] =	vst v6  }
0x2b2: {  	[tilespmem:s24+$0xFFFFFF90] =	vst v3  }
0x2b3: {  	v6 =	vld [tilespmem:s5+$0xFFFFFFF0];
	[tilespmem:s24+$0xFFFFFF70] =	vst v10  }
0x2b4: {  	v3 =	vld [tilespmem:s5+$0xFFFFFF60];
	[tilespmem:s24+$0x20] =	vst v13  }
0x2b5: {  	v9 =	vld [tilespmem:s5+$0xFFFFFFD0];
	[tilespmem:s24+$0x30] =	vst v23  }
0x2b6: {  	v10 =	vld [tilespmem:s5+$0x80];
	[tilespmem:s24+$0xFFFFFF80] =	vst v7  }
0x2b7: {  	v13 =	vld [tilespmem:s5+$0xFFFFFF10];
	[tilespmem:s24+$0x50] =	vst v25  }
0x2b8: {  	v17 =	vld [tilespmem:s5+$0xE0];
	[tilespmem:s24+$0x0] =	vst v16  }
0x2b9: {  	v12 =	vld [tilespmem:s5+$0xFFFFFF40];
	[tilespmem:s24+$0xFFFFFF30] =	vst v18  }
0x2ba: {  	s1 =	sshra.s32 s1, $0x2;
	v4 =	vld [tilespmem:s5+$0xFFFFFF90];
	[tilespmem:s24+$0x10] =	vst v21;
	s24 =	smov.u32 s5  }
0x2bb: {  	v5 =	vld [tilespmem:s1+$0x18B20]  }
0x2bc: {  	v11 =	vld [tilespmem:s5+$0xFFFFFFC0]  }
0x2bd: {  	v14 =	vld [tilespmem:s5+$0xFFFFFF00]  }
0x2be: {  	v15 =	vld [tilespmem:s5+$0xD0]  }
.Ltmp2:
0x2bf: {  	v24 =	vld [tilespmem:s5+$0xC0];
	(pc) =	sbr.rel @p0 .LBB2_5-.Ltmp2, $4  }
0x2c0: {  	v20 =	vbroadcast v5, $0x0;
	v22 =	vld [tilespmem:s5+$0x90];
	v7 =	vbroadcast v5, $0xF  }
0x2c1: {  	v21 =	vbroadcast v5, $0x2;
	v19 =	vbroadcast v5, $0xE;
	v23 =	vld [tilespmem:s5+$0xFFFFFF50]  }
0x2c2: {  	v26 =	vmul.f32 v20, v14;
	v14 =	vbroadcast v5, $0xD;
	v18 =	vld [tilespmem:s5+$0xB0]  }
0x2c3: {  	v16 =	vbroadcast v5, $0xC;
	v25 =	vmul.f32 v12, v21;
	v12 =	vld [tilespmem:s5+$0x60]  }
0x2c4: {  	[tilespmem:s24+$0xFFFFFF00] =	vst v26;
	v17 =	vmul.f32 v17, v7  }
0x2c5: {  	v24 =	vmul.f32 v24, v19;
	[tilespmem:s24+$0xFFFFFF40] =	vst v25  }
0x2c6: {  	v13 =	vmul.f32 v13, v20;
	[tilespmem:s24+$0xE0] =	vst v17  }
0x2c7: {  	v32 =	vmul.f32 v15, v19;
	[tilespmem:s24+$0xC0] =	vst v24  }
0x2c8: {  	v30 =	vmul.f32 v22, v16;
	[tilespmem:s24+$0xFFFFFF10] =	vst v13  }
0x2c9: {  	v38 =	vbroadcast v5, $0x6;
	v10 =	vmul.f32 v10, v16;
	[tilespmem:s24+$0xD0] =	vst v32  }
0x2ca: {  	v21 =	vmul.f32 v23, v21;
	[tilespmem:s24+$0x90] =	vst v30  }
0x2cb: {  	v42 =	vbroadcast v5, $0x5;
	v9 =	vmul.f32 v9, v38;
	[tilespmem:s24+$0x80] =	vst v10  }
0x2cc: {  	v44 =	vbroadcast v5, $0x7;
	v11 =	vmul.f32 v11, v38;
	[tilespmem:s24+$0xFFFFFF50] =	vst v21  }
0x2cd: {  	v51 =	vbroadcast v5, $0x3;
	v8 =	vmul.f32 v8, v42;
	[tilespmem:s24+$0xFFFFFFD0] =	vst v9  }
0x2ce: {  	v28 =	vld [tilespmem:s24+$0xA0];
	v56 =	vbroadcast v5, $0x4;
	v6 =	vmul.f32 v6, v44;
	[tilespmem:s24+$0xFFFFFFC0] =	vst v11  }
0x2cf: {  	v29 =	vld [tilespmem:s24+$0x70];
	v3 =	vmul.f32 v3, v51;
	[tilespmem:s24+$0xFFFFFFA0] =	vst v8  }
0x2d0: {  	v31 =	vld [tilespmem:s24+$0xFFFFFFB0];
	v34 =	vbroadcast v5, $0xB;
	v4 =	vmul.f32 v4, v56;
	[tilespmem:s24+$0xFFFFFFF0] =	vst v6  }
0x2d1: {  	v33 =	vld [tilespmem:s24+$0xFFFFFF20];
	v40 =	vmul.f32 v18, v14;
	[tilespmem:s24+$0xFFFFFF60] =	vst v3  }
0x2d2: {  	v37 =	vld [tilespmem:s24+$0x40];
	v12 =	vmul.f32 v12, v34;
	[tilespmem:s24+$0xFFFFFF90] =	vst v4  }
0x2d3: {  	v35 =	vld [tilespmem:s24+$0xFFFFFFE0];
	v36 =	vmul.f32 v28, v14;
	[tilespmem:s24+$0xB0] =	vst v40  }
0x2d4: {  	v49 =	vbroadcast v5, $0x1;
	v52 =	vld [tilespmem:s24+$0xF0];
	v20 =	vmul.f32 v29, v34;
	[tilespmem:s24+$0x60] =	vst v12  }
0x2d5: {  	v46 =	vld [tilespmem:s24+$0xFFFFFF70];
	v53 =	vbroadcast v5, $0xA;
	v50 =	vmul.f32 v31, v42;
	[tilespmem:s24+$0xA0] =	vst v36  }
0x2d6: {  	v43 =	vld [tilespmem:s24+$0x30];
	v15 =	vmul.f32 v33, v49;
	[tilespmem:s24+$0x70] =	vst v20  }
0x2d7: {  	v47 =	vld [tilespmem:s24+$0xFFFFFF80];
	v55 =	vmul.f32 v37, v53;
	[tilespmem:s24+$0xFFFFFFB0] =	vst v50  }
0x2d8: {  	v41 =	vld [tilespmem:s24+$0x20];
	v10 =	vmul.f32 v35, v44;
	[tilespmem:s24+$0xFFFFFF20] =	vst v15  }
0x2d9: {  	v45 =	vld [tilespmem:s24+$0x0];
	v57 =	vbroadcast v5, $0x9;
	v3 =	vmul.f32 v52, v7;
	[tilespmem:s24+$0x40] =	vst v55  }
0x2da: {  	v39 =	vld [tilespmem:s24+$0x50];
	v58 =	vmul.f32 v46, v51;
	[tilespmem:s24+$0xFFFFFFE0] =	vst v10  }
0x2db: {  	v54 =	vld [tilespmem:s24+$0xFFFFFF30];
	v59 =	vmul.f32 v43, v57;
	[tilespmem:s24+$0xF0] =	vst v3  }
0x2dc: {  	v48 =	vld [tilespmem:s24+$0x10];
	v60 =	vbroadcast v5, $0x8;
	v61 =	vmul.f32 v47, v56;
	[tilespmem:s24+$0xFFFFFF70] =	vst v58  }
0x2dd: {  	v3 =	vmul.f32 v41, v57;
	[tilespmem:s24+$0x30] =	vst v59  }
0x2de: {  	v62 =	vmul.f32 v45, v60;
	[tilespmem:s24+$0xFFFFFF80] =	vst v61  }
0x2df: {  	[tilespmem:s24+$0x20] =	vst v3;
	v3 =	vmul.f32 v39, v53  }
0x2e0: {  	v63 =	vmul.f32 v54, v49;
	[tilespmem:s24+$0x0] =	vst v62  }
0x2e1: {  	[tilespmem:s24+$0x50] =	vst v3;
	v3 =	vmul.f32 v48, v60  }
0x2e2: {  	[tilespmem:s24+$0xFFFFFF30] =	vst v63  }
0x2e3: {  	[tilespmem:s24+$0x10] =	vst v3  }
0x2e4: {  	[spmem:s2] =	stream.indirect.scatter.add.f32 [tilespmem:s22], [sflag:$0x2], $0x20, s31, s20, $0xb8;
	[tilespmem:$0x1E128] =	vst v63  }
0x2e5: {  	_ =	swait.ge [sflag:s23], $0x1000  }
0x2e6: {  	[sflag:s23] =	ssyncset.done $0x0  }
0x2e7: {  	[sflag:s23] =	ssyncadd.s32 $0xFFFFF000  }
0x2e8: {  	[spmem:s2] =	stream.indirect.scatter.add.f32 [tilespmem:s4], [sflag:$0x2], $0x20, s7, s20, $0xb8;
	[tilespmem:$0x1E128] =	vst v63  }
0x2e9: {  	_ =	swait.ge [sflag:s23], $0x1000  }
0x2ea: {  	[sflag:s23] =	ssyncset.done $0x0  }
0x2eb: {  	[sflag:s23] =	ssyncadd.s32 $0xFFFFF000  }
0x2ec: {  	[spmem:s3] =	stream.indirect.scatter.add.f32 [tilespmem:s8], [sflag:$0x2], $0x1, s31, s20, $0xb8;
	[tilespmem:$0x1E128] =	vst v63  }
0x2ed: {  	s16 =	sadd.s32 $0x1, s16;
	_ =	swait.ge [sflag:s23], $0x80  }
0x2ee: {  	p0 =	sne.s32 s16, $0x188;
	[sflag:s23] =	ssyncset.done $0x0  }
.Ltmp3:
0x2ef: {  	[sflag:s23] =	ssyncadd.s32 $0xFFFFFF80;
	(pc) =	sbr.rel @p0 .LBB2_4-.Ltmp3, $4  }
0x2f0: {  	[spmem:s3] =	stream.indirect.scatter.add.f32 [tilespmem:s9], [sflag:$0x2], $0x1, s7, s20, $0xb8;
	[tilespmem:$0x1E128] =	vst v63  }
0x2f1: {  	_ =	swait.ge [sflag:s23], $0x80  }
0x2f2: {  	[sflag:s23] =	ssyncset.done $0x0  }
0x2f3: {  	[sflag:s23] =	ssyncadd.s32 $0xFFFFFF80  }
0x2f4: {  	s1 =	stileid.u32;
	[bflag:$0x0] =	sbarrier.arrive $0xFFFF  }
0x2f5: {  	s1 =	sshll.u32 s1, $0x6;
	s5 =	rddreg [dreg:$0xa]  }
0x2f6: {  	s15 =	rddreg [dreg:$0xd];
	s1 =	sor.u32 $0x1C02, s1  }
0x2f7: {  	[hbm:s5], [sflag:s1] =	dma.local [spmem:s15], $0x620  }
0x2f8: {  	_ =	swait.ge [sflag:s23], $0x620  }
0x2f9: {  	s1 =	sadd.s32 $0x0, s18;
	[sflag:s23] =	ssyncset.done $0x0  }
0x2fa: {  	v3 =	vor.u32 s1, v2;
	s16 =	sadd.s32 $0x20, s1;
	[sflag:s23] =	ssyncadd.s32 $0xFFFFF9E0  }
0x2fb: {  	s24 =	sadd.s32 $0x40, s1;
	v4 =	vor.u32 s16, v2;
	[tilespmem:$0x1AE20] =	vst v3  }
0x2fc: {  	s0 =	smov.u32 s30;
	s30 =	sadd.s32 $0x10, s1;
	v62 =	vor.u32 s24, v2;
	[tilespmem:$0x1AE40] =	vst v4  }
0x2fd: {  	p0 =	sne.s32 s17, $0x800;
	s15 =	sadd.s32 $0x70, s1;
	v3 =	vor.u32 s30, v2;
	[tilespmem:$0x1AE60] =	vst v62  }
0x2fe: {  	s19 =	sadd.s32 $0x50, s1;
	s30 =	sadd.s32 $0x60, s1;
	s1 =	sadd.s32 $0x30, s1;
	[tilespmem:$0x1AE30] =	vst v3;
	v3 =	vor.u32 s15, v2  }
.Ltmp4:
0x2ff: {  	v63 =	vor.u32 s1, v2;
	[tilespmem:$0x1AE90] =	vst v3;
	(pc) =	sbr.rel @!p0 .LBB2_9-.Ltmp4, $4  }
0x300: {  	v3 =	vor.u32 s19, v2;
	[tilespmem:$0x1AE50] =	vst v63  }
0x301: {  	[tilespmem:$0x1AE70] =	vst v3;
	v3 =	vor.u32 s30, v2  }
0x302: {  	s5 =	rddreg [dreg:$0xc];
	s1 =	simm.s32 $0x800;
	[tilespmem:$0x1AE80] =	vst v3  }
0x303: {  	[tilespmem:s10], [sflag:$0x2] =	stream.linear.gather [spmem:s5], $0x80, $0x38;
	[tilespmem:$0x1E128] =	vst v63  }
.LBB2_8:
0x304: {  	_ =	swait.ge [sflag:s23], $0x80  }
0x305: {  	s5 =	sadd.s32 $0x800, s5;
	s15 =	smov.u32 s1;
	s1 =	sadd.s32 $0x800, s1  }
0x306: {  	p0 =	sne.s32 s17, s1;
	[sflag:s23] =	ssyncset.done $0x0  }
0x307: {  	[sflag:s23] =	ssyncadd.s32 $0xFFFFFF80  }
0x308: {  	[hbm4b:s13+s20] =	stream.indirect.scatter [tilespmem:s10], [sflag:$0x2], $0x1, s21, s20, $0xb8;
	[tilespmem:$0x1E128] =	vst v63  }
0x309: {  	_ =	swait.ge [sflag:s23], $0x80  }
0x30a: {  	s15 =	sadd.s32 s15, s18;
	[sflag:s23] =	ssyncset.done $0x0  }
0x30b: {  	v3 =	vor.u32 s15, v2;
	s16 =	sadd.s32 $0x10, s15;
	s19 =	sadd.s32 $0x20, s15;
	[sflag:s23] =	ssyncadd.s32 $0xFFFFFF80  }
0x30c: {  	s24 =	sadd.s32 $0x70, s15;
	v4 =	vor.u32 s19, v2;
	s19 =	sadd.s32 $0x50, s15;
	[tilespmem:$0x1AE20] =	vst v3;
	v3 =	vor.u32 s16, v2;
	s16 =	sadd.s32 $0x40, s15  }
0x30d: {  	s30 =	sadd.s32 $0x30, s15;
	v6 =	vor.u32 s24, v2;
	v5 =	vor.u32 s19, v2;
	s15 =	sadd.s32 $0x60, s15;
	[tilespmem:$0x1AE30] =	vst v3;
	v3 =	vor.u32 s16, v2  }
0x30e: {  	v7 =	vor.u32 s30, v2;
	v8 =	vor.u32 s15, v2;
	[tilespmem:$0x1AE90] =	vst v6  }
0x30f: {  	[tilespmem:$0x1AE40] =	vst v4  }
.Ltmp5:
0x310: {  	[tilespmem:$0x1AE70] =	vst v5;
	(pc) =	sbr.rel @p0 .LBB2_8-.Ltmp5, $4  }
0x311: {  	[tilespmem:$0x1AE60] =	vst v3  }
0x312: {  	[tilespmem:$0x1AE80] =	vst v8  }
0x313: {  	[tilespmem:$0x1AE50] =	vst v7  }
0x314: {  	[tilespmem:s10], [sflag:$0x2] =	stream.linear.gather [spmem:s5], $0x80, $0x38;
	[tilespmem:$0x1E128] =	vst v63  }
.LBB2_9:
0x315: {  	_ =	swait.ge [sflag:s23], $0x80  }
0x316: {  	[sflag:s23] =	ssyncset.done $0x0  }
0x317: {  	[sflag:s23] =	ssyncadd.s32 $0xFFFFFF80  }
0x318: {  	[hbm4b:s13+s20] =	stream.indirect.scatter [tilespmem:s10], [sflag:$0x2], $0x1, s21, s20, $0xb8;
	[tilespmem:$0x1E128] =	vst v63  }
0x319: {  	_ =	swait.ge [sflag:s23], $0x80  }
0x31a: {  	s15 =	rddreg [dreg:$0x5]  }
0x31b: {  	s1 =	rddreg [dreg:$0xb];
	s15 =	sadd.s32 $0x1, s15  }
0x31c: {  	p0 =	sne.s32 s15, s1  }
.Ltmp6:
0x31d: {  	_ = 	snop;
	(pc) =	sbr.rel @p0 .LBB2_1-.Ltmp6, $3  }
0x31e: {  	_ =	sdelay $0x1  }
0x31f: {  	[sflag:s23] =	ssyncset.done $0x0  }
0x320: {  	s30 =	smov.u32 s0;
	[sflag:s23] =	ssyncadd.s32 $0xFFFFFF80  }
0x321: {  	_ =	sfence.sel $0x180000  }
0x322: {  	[bflag:$0x0] =	sbarrier.arrive $0xFFFF  }
0x323: {  	_ =	strace $0x90000047  }
0x324: {  	s0 =	stileid.u32;
	[bflag:$0x2] =	sbarrier.arrive $0xFFFF  }
0x325: {  	p0 =	sne.s32 s0, $0x0;
	s0 =	rddreg [dreg:$0x4]  }
0x326: {  	s0 =	sadd.s32 @!p0 $0x100000, s0  }
0x327: {  	[sflag:s0] =	ssyncadd.tile.s32 @!p0 $0x1;
	_ =	shalt  }
.Lfunc_end2:
_tile_overlayer_lowered:
.L_overlay_start_2:
0x328: {  	(tag) =	ssettag $0x2  }
0x329: {  	s0 =	rddreg [dreg:$0x0];
	s2 =	stileid.u32  }
0x32a: {  	s1 =	rddreg [dreg:$0x1];
	p0 =	sne.s32 s2, $0x0  }
0x32b: {  	s3 =	rddreg [dreg:$0x2];
	[bflag:$0x3] =	sbarrier.arrive $0xFFFF;
	s2 =	simm.s32 @!p0 $0x1C02  }
0x32c: {  	[timem:s3], [sflag:s2] =	dma.local @!p0 [hbm:s0], s1  }
0x32d: {  	s0 =	simm.s32 @!p0 $0x2  }
0x32e: {  	_ =	swait.ge @!p0 [sflag:s0], s1  }
0x32f: {  	s1 =	ssub.s32 @!p0 $0x0, s1;
	[sflag:s0] =	ssyncset.done @!p0 $0x0  }
0x330: {  	[sflag:s0] =	ssyncadd.s32 @!p0 s1  }
0x331: {  	[bflag:$0x3] =	sbarrier.arrive $0xFFFF  }
0x332: {  	_ =	shalt  }

</sc_bundles>
